<compile_context>
chip_gen: v7x
topology: tpu7x:2x2x1
jax: 0.10.2.dev20260603
libtpu: 0.0.44.dev20260713+nightly
codegen_flags: <defaults>
</compile_context>

<pallas_src>
import jax
import jax.numpy as jnp
from jax.experimental import pallas as pl
from jax.experimental.pallas import tpu as pltpu
from jax.experimental.pallas import tpu_sc as plsc

B = 4
C = 128
S = 80
L4 = 50
N = S * L4
K = 10
GROUPS = 32
WIDTH = 4 * GROUPS
TR = 400
NT = N // TR
NSLOT = 2 + K
GW = 128
NP = 4096
NB = NP // 128
TT = 4

def _dot(a, b):
    return jax.lax.dot(a.astype(jnp.bfloat16), b.astype(jnp.bfloat16),
                       preferred_element_type=jnp.float32)


def _prep_body(xt_ref, x_ref, at_ref, b2t_ref, b1s_ref,
               u_ref, c_ref, idx_ref):
    xt = xt_ref[0]
    u_ref[0] = _dot(xt, at_ref[...])
    c_ref[0] = _dot(xt, b2t_ref[...]) + b1s_ref[...]

    xf = x_ref[0]
    inner = -2.0 * _dot(xt, xf)
    xx_col = jnp.sum(xf * xf, axis=0, keepdims=True)
    xx_row = jnp.sum(xt * xt, axis=1, keepdims=True)
    colpad = jnp.where(
        jax.lax.broadcasted_iota(jnp.int32, (1, NP), 1) >= N,
        jnp.float32(jnp.inf), jnp.float32(0.0))
    vals = -(xx_col + colpad) - inner - xx_row

    neg = jnp.float32(-jnp.inf)
    l_iota = jax.lax.broadcasted_iota(jnp.int32, (TR, 128), 1).astype(
        jnp.float32)
    v = [jnp.full((TR, 128), neg, jnp.float32) for _ in range(TT)]
    e = [jnp.full((TR, 128), neg, jnp.float32) for _ in range(TT)]
    dropped = jnp.full((TR, 128), neg, jnp.float32)
    for j in range(NB):
        nv = vals[:, j * 128:(j + 1) * 128]
        ne = -(l_iota + jnp.float32(128.0 * j))
        b = [nv > v[i] for i in range(TT)]
        dropped = jnp.maximum(dropped, jnp.where(b[3], v[3], nv))
        v, e = (
            [jnp.where(b[0], nv, v[0]),
             jnp.where(b[0], v[0], jnp.where(b[1], nv, v[1])),
             jnp.where(b[1], v[1], jnp.where(b[2], nv, v[2])),
             jnp.where(b[2], v[2], jnp.where(b[3], nv, v[3]))],
            [jnp.where(b[0], ne, e[0]),
             jnp.where(b[0], e[0], jnp.where(b[1], ne, e[1])),
             jnp.where(b[1], e[1], jnp.where(b[2], ne, e[2])),
             jnp.where(b[2], e[2], jnp.where(b[3], ne, e[3]))],
        )
    base = pl.program_id(0) * N
    cols = []
    for kk in range(K):
        m = jnp.max(v[0], axis=1, keepdims=True)
        w = jnp.where(v[0] == m, e[0], neg)
        amc = jnp.max(w, axis=1, keepdims=True)
        cols.append(amc)
        mk = e[0] == amc
        v = [jnp.where(mk, v[1], v[0]), jnp.where(mk, v[2], v[1]),
             jnp.where(mk, v[3], v[2]), jnp.where(mk, neg, v[3])]
        e = [jnp.where(mk, e[1], e[0]), jnp.where(mk, e[2], e[1]),
             jnp.where(mk, e[3], e[2]), jnp.where(mk, neg, e[3])]
        if kk == K - 1:
            m_last = m
    idx_ref[0] = (-jnp.concatenate(cols, axis=1)).astype(jnp.int32) + base

    overflow = jnp.any(jnp.max(dropped, axis=1, keepdims=True) >= m_last)

    @pl.when(overflow)
    def _exact_fallback():
        neg_cols = -jax.lax.broadcasted_iota(jnp.int32, (TR, NP), 1).astype(
            jnp.float32)
        vals2 = vals
        cols2 = []
        for _ in range(K):
            fm = jnp.max(vals2, axis=1, keepdims=True)
            cand = jnp.where(vals2 == fm, neg_cols, neg)
            amf = jnp.max(cand, axis=1, keepdims=True)
            cols2.append(amf)
            vals2 = jnp.where(cand == amf, neg, vals2)
        idx_ref[0] = (-jnp.concatenate(cols2, axis=1)).astype(jnp.int32) + base


def _prep(x_t, x, at, b2t, b1s):
    bh = x_t.shape[0]
    return pl.pallas_call(
        _prep_body,
        grid=(bh, NT),
        in_specs=[
            pl.BlockSpec((1, TR, C), lambda b, t: (b, t, 0)),
            pl.BlockSpec((1, C, NP), lambda b, t: (b, 0, 0)),
            pl.BlockSpec((C, WIDTH), lambda b, t: (0, 0)),
            pl.BlockSpec((C, WIDTH), lambda b, t: (0, 0)),
            pl.BlockSpec((1, WIDTH), lambda b, t: (0, 0)),
        ],
        out_specs=[
            pl.BlockSpec((1, TR, WIDTH), lambda b, t: (b, t, 0)),
            pl.BlockSpec((1, TR, WIDTH), lambda b, t: (b, t, 0)),
            pl.BlockSpec((1, TR, K), lambda b, t: (b, t, 0)),
        ],
        out_shape=[
            jax.ShapeDtypeStruct((bh, N, WIDTH), jnp.float32),
            jax.ShapeDtypeStruct((bh, N, WIDTH), jnp.float32),
            jax.ShapeDtypeStruct((bh, N, K), jnp.int32),
        ],
        compiler_params=pltpu.CompilerParams(
            dimension_semantics=("parallel", "arbitrary")),
    )(x_t, x, at, b2t, b1s)


def _sc_gather(table, indices):
    num_idx = indices.shape[0]
    indices = indices.reshape(1, num_idx)
    mesh = plsc.VectorSubcoreMesh(core_axis_name="core",
                                  subcore_axis_name="subcore")

    @pl.kernel(out_type=jax.ShapeDtypeStruct((num_idx, table.shape[1]),
                                             table.dtype),
               mesh=mesh)
    def gather_kernel(x_hbm, i_hbm, o_hbm):
        def body(i_vmem, o_vmem):
            pltpu.sync_copy(x_hbm.at[i_vmem.at[0]], o_vmem)

        pltpu.emit_pipeline(
            body,
            grid=(num_idx // GW,),
            in_specs=[pl.BlockSpec((1, GW), lambda i: (0, i))],
            out_specs=[pl.BlockSpec((GW, table.shape[1]),
                                    lambda i: (i, 0))],
            core_axis_name=("core", "subcore"),
            dimension_semantics=(pltpu.PARALLEL,),
        )(i_hbm, o_hbm)

    return gather_kernel(table, indices)


def _main_body(graw_ref, gu_ref, c_ref, xt_ref, w1t_ref, b1_ref,
               t0_ref, t1_ref, t2_ref, tb2_ref,
               tw3_ref, tb3_ref, sd_ref, sb2_ref, sw3_ref, sb3_ref, out_ref):
    xt = xt_ref[0]
    w1t = w1t_ref[...]
    b1 = b1_ref[...]
    t1_0 = jax.nn.relu(_dot(graw_ref[0, 0], w1t) + b1)
    t1_1 = jax.nn.relu(_dot(xt, w1t) + b1)
    t1_2 = jax.nn.relu(_dot(graw_ref[1, 0], w1t) + b1)
    t2 = jax.nn.relu(_dot(t1_0, t0_ref[...])
                     + _dot(t1_1, t1_ref[...])
                     + _dot(t1_2, t2_ref[...])
                     + tb2_ref[...])
    t3 = _dot(t2, tw3_ref[...]) + tb3_ref[...]
    acc = t3 + xt

    c = c_ref[0]
    smax = jnp.full((TR, C), -jnp.inf, jnp.float32)
    for k in range(K):
        s1 = jax.nn.relu(gu_ref[0, k] + c)
        s2 = jax.nn.relu(_dot(s1, sd_ref[...])
                         + sb2_ref[...])
        s3 = _dot(s2, sw3_ref[...]) + sb3_ref[...]
        smax = jnp.maximum(smax, s3)
    out_ref[0] = jax.nn.relu(acc + smax)


def _main(graw, gu, c_all, x_t, w1t, b1, t0, t1, t2, tb2, tw3, tb3,
          sd, sb2, sw3, sb3):
    bh = x_t.shape[0]
    wspec = pl.BlockSpec((WIDTH, WIDTH), lambda b, t: (0, 0))
    bspec = pl.BlockSpec((1, WIDTH), lambda b, t: (0, 0))
    return pl.pallas_call(
        _main_body,
        grid=(bh, NT),
        in_specs=[
            pl.BlockSpec((2, 1, TR, WIDTH), lambda b, t: (0, b, t, 0)),
            pl.BlockSpec((1, K, TR, WIDTH), lambda b, t: (b, 0, t, 0)),
            pl.BlockSpec((1, TR, WIDTH), lambda b, t: (b, t, 0)),
            pl.BlockSpec((1, TR, C), lambda b, t: (b, t, 0)),
            pl.BlockSpec((C, WIDTH), lambda b, t: (0, 0)), bspec,
            wspec, wspec, wspec, bspec,
            wspec, bspec,
            wspec, bspec,
            wspec, bspec,
        ],
        out_specs=pl.BlockSpec((1, TR, C), lambda b, t: (b, t, 0)),
        out_shape=jax.ShapeDtypeStruct((bh, N, C), jnp.float32),
        compiler_params=pltpu.CompilerParams(
            dimension_semantics=("parallel", "arbitrary")),
    )(graw, gu, c_all, x_t, w1t, b1, t0, t1, t2, tb2, tw3, tb3,
      sd, sb2, sw3, sb3)


def _temporal_src(seg_lens):
    nb = seg_lens.shape[0]
    ce = (seg_lens.astype(jnp.int32) + 3) // 4
    js = jnp.arange(S, dtype=jnp.int32)
    tails = js[None, :] * L4 + ce - 1
    tl = jnp.where(ce > 0, tails, -1)
    m = jax.lax.cummax(tl, axis=1)
    prev = jnp.concatenate(
        [jnp.full((nb, 1), -1, jnp.int32), m[:, :-1]], axis=1)
    lv = jnp.maximum(prev, 0)
    ks = jnp.arange(L4, dtype=jnp.int32)
    pos = js[None, :, None] * L4 + ks[None, None, :]
    kk = ks[None, None, :]
    validk = kk < ce[:, :, None]
    src0 = jnp.where(validk,
                     jnp.where(kk == 0, lv[:, :, None], pos - 1),
                     jnp.broadcast_to(pos, validk.shape))
    src2 = jnp.where(validk & (kk != ce[:, :, None] - 1), pos + 1,
                     jnp.broadcast_to(pos, validk.shape))
    src0 = src0.reshape(nb, N)
    src2 = src2.reshape(nb, N)
    ev = (ce > 0) & (js[None, :] > 0)
    tgt = jnp.where(ev, lv, N - 1)
    val = jnp.where(ev, js[None, :] * L4, N - 1)
    src2 = src2.at[jnp.arange(nb)[:, None], tgt].set(val)
    return src0, src2


def kernel(x, seg_lens, t_w1, t_b1, t_w2, t_b2, t_w3, t_b3,
           s_w1, s_b1, s_w2, s_b2, s_w3, s_b3):
    w1t = t_w1[:, :, 0, 0].T
    at = s_w1[:, :C, 0, 0].T
    b2t = s_w1[:, C:, 0, 0].T
    gmask = (jnp.arange(WIDTH)[:, None] // (WIDTH // GROUPS)
             == jnp.arange(WIDTH)[None, :] // (WIDTH // GROUPS))
    gmask = gmask.astype(jnp.float32)
    tmats = [(jnp.tile(t_w2[:, :, 0, d], (1, GROUPS)) * gmask).T
             for d in range(3)]
    sd = (jnp.tile(s_w2[:, :, 0, 0], (1, GROUPS)) * gmask).T
    tw3 = t_w3[:, :, 0, 0].T
    sw3 = s_w3[:, :, 0, 0].T
    x_t = jnp.transpose(x, (0, 2, 1))
    x_pad = jnp.pad(x, ((0, 0), (0, 0), (0, NP - N)))

    src0, src2 = _temporal_src(seg_lens)

    BH = B // 2
    boff = (jnp.arange(BH, dtype=jnp.int32) * N)[:, None]
    outs = []
    for h in range(2):
        sl = slice(h * BH, (h + 1) * BH)
        xt_h = x_t[sl]
        tidx = jnp.stack([src0[sl] + boff, src2[sl] + boff], axis=0)

        graw = _sc_gather(xt_h.reshape(BH * N, C), tidx.reshape(-1))
        graw = graw.reshape(2, BH, N, C)

        u_h, c_h, idx_h = _prep(xt_h, x_pad[sl], at, b2t, s_b1[None])

        gu = _sc_gather(u_h.reshape(BH * N, WIDTH),
                        jnp.transpose(idx_h, (0, 2, 1)).reshape(-1))
        gu = gu.reshape(BH, K, N, WIDTH)

        outs.append(_main(graw, gu, c_h, xt_h, w1t, t_b1[None], *tmats,
                          t_b2[None], tw3, t_b3[None], sd, s_b2[None],
                          sw3, s_b3[None]))
    out_t = jnp.concatenate(outs, axis=0)
    return jnp.transpose(out_t, (0, 2, 1))

# --- scband reference (transcript-rebuilt; emitter-appended) ---
"""Pipeline reference for scband-gcne-xt-31430570672684 (READ-ONLY COPY).

The authoritative reference and input builder live on the scoring server;
editing this copy changes nothing except your own understanding.
"""

import jax, jax.numpy as jnp
import numpy as np
import math

B = 4
C = 128
S = 80
MAX_SEG_LEN = 200
L4 = MAX_SEG_LEN // 4
N = S * L4
K = 10
GROUPS = 32
WIDTH = 4 * GROUPS


def _conv2d(x, w, b, groups=1):
    out = jax.lax.conv_general_dilated(x, w, window_strides=(1, 1), padding='VALID', dimension_numbers=('NCHW', 'OIHW', 'NCHW'), feature_group_count=groups)
    return out + b[None, :, None, None]


def _build_neighbor_idx(seg_lens):
    ce = (seg_lens.astype(jnp.int32) + 3) // 4
    ks = jnp.arange(L4, dtype=jnp.int32)

    def per_batch(ce_row):
        def step(carry, xs):
            last_valid, skip_seg = carry
            j, c = xs
            start = j * L4
            idxs = start + ks
            valid = ks < c
            col0 = jnp.where(valid, jnp.where(ks == 0, last_valid, idxs - 1), idxs)
            col1 = idxs
            col2 = jnp.where(valid, jnp.where(ks == c - 1, idxs, idxs + 1), idxs)
            has = c > 0
            tail = start + c - 1
            new_last = jnp.where(has, tail, last_valid)
            new_skip = jnp.where(has, tail, skip_seg)
            ev_mask = has & (j != 0)
            rows = jnp.stack([col0, col1, col2], axis=-1)
            return (new_last, new_skip), (rows, skip_seg, start, ev_mask)

        init = (jnp.int32(0), jnp.int32(0))
        xs = (jnp.arange(S, dtype=jnp.int32), ce_row)
        _, (rows, ev_t, ev_v, ev_m) = jax.lax.scan(step, init, xs)
        nb = rows.reshape(S * L4, 3)
        last = jnp.int32(S * L4 - 1)
        t = jnp.where(ev_m, ev_t, last)
        v = jnp.where(ev_m, ev_v, last)
        col2f = nb[:, 2].at[t].set(v)
        return nb.at[:, 2].set(col2f)

    nb = jax.vmap(per_batch)(ce)
    base = (jnp.arange(B, dtype=jnp.int32) * (S * L4))[:, None, None]
    return (nb + base).astype(jnp.int32)


def setup_inputs(seed: int = 0):
    key = jax.random.key(seed)
    ks = jax.random.split(key, 16)

    def he(k, shape, fan_in):
        return jax.random.normal(k, shape, dtype=jnp.float32) * np.sqrt(2.0 / fan_in).astype(np.float32)

    inp = {}
    inp['x'] = jax.random.normal(ks[0], (B, C, N), dtype=jnp.float32)
    inp['seg_lens'] = jax.random.randint(ks[1], (B, S), 0, 201, dtype=jnp.int32)
    inp['t_w1'] = he(ks[2], (WIDTH, C, 1, 1), C)
    inp['t_b1'] = jnp.zeros((WIDTH,), jnp.float32)
    inp['t_w2'] = he(ks[3], (WIDTH, WIDTH // GROUPS, 1, 3), (WIDTH // GROUPS) * 3)
    inp['t_b2'] = jnp.zeros((WIDTH,), jnp.float32)
    inp['t_w3'] = he(ks[4], (C, WIDTH, 1, 1), WIDTH)
    inp['t_b3'] = jnp.zeros((C,), jnp.float32)
    inp['s_w1'] = he(ks[5], (WIDTH, 2 * C, 1, 1), 2 * C)
    inp['s_b1'] = jnp.zeros((WIDTH,), jnp.float32)
    inp['s_w2'] = he(ks[6], (WIDTH, WIDTH // GROUPS, 1, 1), WIDTH // GROUPS)
    inp['s_b2'] = jnp.zeros((WIDTH,), jnp.float32)
    inp['s_w3'] = he(ks[7], (C, WIDTH, 1, 1), WIDTH)
    inp['s_b3'] = jnp.zeros((C,), jnp.float32)
    return inp


def _forward(x, nb, t_w1, t_b1, t_w2, t_b2, t_w3, t_b3, s_w1, s_b1, s_w2, s_b2, s_w3, s_b3):
    x_t = jnp.transpose(x, (0, 2, 1))
    x_flat = x_t.reshape(B * N, C)
    tg = jnp.take(x_flat, nb.reshape(-1), axis=0).reshape(B, N, 3, C)
    tg = jnp.transpose(tg, (0, 3, 1, 2))
    t = jax.nn.relu(_conv2d(tg, t_w1, t_b1))
    t = jax.nn.relu(_conv2d(t, t_w2, t_b2, groups=GROUPS))
    t = _conv2d(t, t_w3, t_b3)
    tout = jnp.max(t, axis=-1)
    inner = -2.0 * jnp.matmul(x_t, x)
    xx = jnp.sum(x * x, axis=1, keepdims=True)
    pd = -xx - inner - jnp.transpose(xx, (0, 2, 1))
    _, idx_knn = jax.lax.top_k(pd, K)
    idx = idx_knn + (jnp.arange(B, dtype=idx_knn.dtype) * N)[:, None, None]
    feat = jnp.take(x_flat, idx.reshape(-1), axis=0).reshape(B, N, K, C)
    xrep = jnp.broadcast_to(x_t[:, :, None, :], (B, N, K, C))
    f = jnp.concatenate([feat, xrep], axis=3)
    x_f = jnp.transpose(f, (0, 3, 1, 2))
    s = jax.nn.relu(_conv2d(x_f, s_w1, s_b1))
    s = jax.nn.relu(_conv2d(s, s_w2, s_b2, groups=GROUPS))
    s = _conv2d(s, s_w3, s_b3)
    sout = jnp.max(s, axis=-1)
    return jax.nn.relu(tout + x + sout)


def reference(x, seg_lens, t_w1, t_b1, t_w2, t_b2, t_w3, t_b3, s_w1, s_b1, s_w2, s_b2, s_w3, s_b3):
    nb = _build_neighbor_idx(seg_lens)
    return _forward(x, nb, t_w1, t_b1, t_w2, t_b2, t_w3, t_b3, s_w1, s_b1, s_w2, s_b2, s_w3, s_b3)

if __name__ == "__main__":
    import jax
    _d = setup_inputs()
    print(jax.jit(kernel)(*tuple(_d.values())))

</pallas_src>

<mosaic_0001>
#map = affine_map<(d0, d1) -> (0, 0)>
module attributes {stable_mosaic.version = 14 : i64} {
  func.func @gather_kernel(%arg0: i32, %arg1: i32, %arg2: memref<8000x128xf32, #tpu.memory_space<hbm>>, %arg3: memref<1x80000xi32, #tpu.memory_space<hbm>>, %arg4: memref<80000x128xf32, #tpu.memory_space<hbm>>) attributes {dimension_semantics = [#tpu.dimension_semantics<core_parallel>, #tpu.dimension_semantics<subcore_parallel>], iteration_bounds = array<i64: 2, 16>, scalar_prefetch = 0 : i64, scratch_operands = 0 : i64, tpu.core_type = #tpu.core_type<sc_vector_subcore>, window_params = [{transform_indices = #map}, {transform_indices = #map}, {transform_indices = #map}]} {
    %mul3A = arith.constant 1 : i32
    %mul3A_0 = arith.muli %arg1, %mul3A : i32
    %add3A = arith.constant 0 : i32
    %add3A_1 = arith.addi %add3A, %mul3A_0 : i32
    %mul3A_2 = arith.constant 16 : i32
    %mul3A_3 = arith.muli %arg0, %mul3A_2 : i32
    %add3A_4 = arith.addi %add3A_1, %mul3A_3 : i32
    %lt3A = arith.constant 17 : i32
    %lt3A_5 = arith.cmpi slt, %add3A_4, %lt3A : i32
    %jit3A = arith.constant 20 : i32
    %jit3A_6 = arith.constant 19 : i32
    %select_n3A = arith.select %lt3A_5, %jit3A, %jit3A_6 : i32
    %lt3A_7 = arith.constant 17 : i32
    %lt3A_8 = arith.cmpi slt, %add3A_4, %lt3A_7 : i32
    %mul3A_9 = arith.muli %add3A_4, %select_n3A : i32
    %mul3A_10 = arith.constant 19 : i32
    %mul3A_11 = arith.muli %add3A_4, %mul3A_10 : i32
    %add3A_12 = arith.constant 17 : i32
    %add3A_13 = arith.addi %mul3A_11, %add3A_12 : i32
    %select_n3A_14 = arith.select %lt3A_8, %mul3A_9, %add3A_13 : i32
    %mul3A_15 = arith.constant 1 : i32
    %mul3A_16 = arith.muli %mul3A_15, %select_n3A : i32
    "tpu.region"() ({
      %run_scoped3A = memref.alloca() : memref<2x1x128xi32, #tpu.memory_space<vmem>>
      %run_scoped3A_17 = tpu.sem_alloc : memref<2x!tpu.dma_semaphore, #tpu.memory_space<semaphore_mem>>
      %run_scoped3A_18 = memref.alloca() : memref<2x128x128xf32, #tpu.memory_space<vmem>>
      %run_scoped3A_19 = tpu.sem_alloc : memref<2x!tpu.dma_semaphore, #tpu.memory_space<semaphore_mem>>
      %gt3A = arith.constant 0 : i32
      %gt3A_20 = arith.cmpi sgt, %mul3A_16, %gt3A : i32
      %convert_element_type3A = arith.extui %gt3A_20 : i1 to i32
      %cond3A = arith.constant 0 : i32
      %cond3A_21 = arith.cmpi ne, %convert_element_type3A, %cond3A : i32
      scf.if %cond3A_21 {
        %mul3A_22 = arith.constant 1 : i32
        %mul3A_23 = arith.muli %mul3A_22, %select_n3A : i32
        %sub3A = arith.constant 1 : i32
        %sub3A_24 = arith.subi %mul3A_23, %sub3A : i32
        %eq3A = arith.constant 0 : i32
        %eq3A_25 = arith.cmpi eq, %sub3A_24, %eq3A : i32
        %add3A_26 = arith.constant 0 : i32
        %add3A_27 = arith.addi %add3A_26, %select_n3A_14 : i32
        %select_n3A_28 = arith.constant true
        %select_n3A_29 = arith.constant 0 : i32
        %select_n3A_30 = arith.constant -1 : i32
        %select_n3A_31 = arith.select %select_n3A_28, %select_n3A_30, %select_n3A_29 : i32
        %eq3A_32 = arith.constant -1 : i32
        %eq3A_33 = arith.cmpi eq, %select_n3A_31, %eq3A_32 : i32
        %sub3A_34 = arith.constant 1 : i32
        %sub3A_35 = arith.subi %select_n3A, %sub3A_34 : i32
        %select_n3A_36 = arith.select %eq3A_33, %sub3A_35, %select_n3A_31 : i32
        %add3A_37 = arith.addi %select_n3A_36, %select_n3A_14 : i32
        %select_n3A_38 = arith.constant true
        %select_n3A_39 = arith.constant 0 : i32
        %select_n3A_40 = arith.constant 1 : i32
        %select_n3A_41 = arith.select %select_n3A_38, %select_n3A_40, %select_n3A_39 : i32
        %eq3A_42 = arith.cmpi eq, %select_n3A_41, %select_n3A : i32
        %select_n3A_43 = arith.constant 0 : i32
        %select_n3A_44 = arith.select %eq3A_42, %select_n3A_43, %select_n3A_41 : i32
        %add3A_45 = arith.addi %select_n3A_44, %select_n3A_14 : i32
        %add3A_46 = arith.constant 1 : i32
        %add3A_47 = arith.addi %select_n3A_44, %add3A_46 : i32
        %select_n3A_48 = arith.constant true
        %select_n3A_49 = arith.select %select_n3A_48, %add3A_47, %select_n3A_44 : i32
        %eq3A_50 = arith.cmpi eq, %select_n3A_49, %select_n3A : i32
        %select_n3A_51 = arith.constant 0 : i32
        %select_n3A_52 = arith.select %eq3A_50, %select_n3A_51, %select_n3A_49 : i32
        %add3A_53 = arith.addi %select_n3A_52, %select_n3A_14 : i32
        "tpu.trace_start"() <{level = 10 : i32, message = "ep_initialize_0"}> : () -> ()
        %rem3A = arith.constant 0 : i32
        %rem3A_54 = arith.constant 2 : i32
        %rem3A_55 = arith.remui %rem3A, %rem3A_54 : i32
        %mul3A_56 = arith.constant 128 : i32
        %mul3A_57 = arith.muli %mul3A_56, %add3A_27 : i32
        %dma_start3A = arith.constant 0 : i32
        %dma_start3A_58 = arith.constant 0 : i32
        %dma_start3A_59 = tpu.memref_slice %run_scoped3A[%rem3A_55, %dma_start3A, %dma_start3A_58] : memref<2x1x128xi32, #tpu.memory_space<vmem>> -> memref<1x1x128xi32, #tpu.memory_space<vmem>>
        %dma_start3A_60 = tpu.memref_squeeze %dma_start3A_59 : memref<1x1x128xi32, #tpu.memory_space<vmem>> -> memref<1x128xi32, #tpu.memory_space<vmem>>
        %dma_start3A_61 = arith.constant 0 : i32
        %dma_start3A_62 = tpu.memref_slice %arg3[%dma_start3A_61, %mul3A_57] : memref<1x80000xi32, #tpu.memory_space<hbm>> -> memref<1x128xi32, #tpu.memory_space<hbm>>
        %dma_start3A_63 = tpu.memref_slice %run_scoped3A_17[%rem3A_55] : memref<2x!tpu.dma_semaphore, #tpu.memory_space<semaphore_mem>> -> memref<1x!tpu.dma_semaphore, #tpu.memory_space<semaphore_mem>>
        %dma_start3A_64 = tpu.memref_squeeze %dma_start3A_63 : memref<1x!tpu.dma_semaphore, #tpu.memory_space<semaphore_mem>> -> memref<!tpu.dma_semaphore, #tpu.memory_space<semaphore_mem>>
        %dma_start3A_65 = arith.constant 0 : i32
        %dma_start3A_66 = arith.constant 0 : i32
        %dma_start3A_67 = tpu.memref_slice %run_scoped3A[%rem3A_55, %dma_start3A_65, %dma_start3A_66] : memref<2x1x128xi32, #tpu.memory_space<vmem>> -> memref<1x1x128xi32, #tpu.memory_space<vmem>>
        %dma_start3A_68 = tpu.memref_squeeze %dma_start3A_67 : memref<1x1x128xi32, #tpu.memory_space<vmem>> -> memref<1x128xi32, #tpu.memory_space<vmem>>
        %dma_start3A_69 = arith.constant 0 : i32
        %dma_start3A_70 = tpu.memref_slice %arg3[%dma_start3A_69, %mul3A_57] : memref<1x80000xi32, #tpu.memory_space<hbm>> -> memref<1x128xi32, #tpu.memory_space<hbm>>
        tpu.enqueue_dma source(%dma_start3A_70 : memref<1x128xi32, #tpu.memory_space<hbm>>) target(%dma_start3A_68 : memref<1x128xi32, #tpu.memory_space<vmem>>) target_semaphore(%dma_start3A_64 : memref<!tpu.dma_semaphore, #tpu.memory_space<semaphore_mem>>)
        %add3A_71 = arith.constant 0 : i32
        %add3A_72 = arith.constant 1 : i32
        %add3A_73 = arith.addi %add3A_71, %add3A_72 : i32
        %select_n3A_74 = arith.constant true
        %select_n3A_75 = arith.constant 0 : i32
        %select_n3A_76 = arith.select %select_n3A_74, %add3A_73, %select_n3A_75 : i32
        %while3A = arith.constant 0 : i32
        %while3A_77 = arith.constant 0 : i32
        %while3A_78 = arith.constant 0 : i32
        %while3A_79 = arith.constant 0 : i32
        %while3A_80 = arith.constant 0 : i32
        "tpu.trace_stop"() : () -> ()
        %while3A_81 = arith.subi %mul3A_16, %while3A : i32
        %while3A_82 = arith.addi %while3A, %while3A_81 : i32
        %while3A_83 = arith.constant 1 : i32
        %while3A_84 = arith.divsi %while3A_81, %while3A_83 : i32
        %while3A_85 = arith.muli %while3A_84, %while3A_83 : i32
        %while3A_86 = arith.addi %while3A, %while3A_85 : i32
        %while3A_87 = arith.constant 1 : i32
        %while3A_88:5 = scf.for %while3A_142 = %while3A to %while3A_86 step %while3A_87 iter_args(%while3A_143 = %select_n3A_76, %while3A_144 = %while3A_77, %while3A_145 = %while3A_78, %while3A_146 = %while3A_79, %while3A_147 = %while3A_80) -> (i32, i32, i32, i32, i32)  : i32 {
          %mul3A_148 = arith.constant 1 : i32
          %mul3A_149 = arith.muli %mul3A_148, %select_n3A : i32
          %eq3A_150 = arith.constant 0 : i32
          %eq3A_151 = arith.cmpi eq, %while3A_142, %eq3A_150 : i32
          %sub3A_152 = arith.constant 1 : i32
          %sub3A_153 = arith.subi %mul3A_149, %sub3A_152 : i32
          %eq3A_154 = arith.cmpi eq, %while3A_142, %sub3A_153 : i32
          %add3A_155 = arith.addi %while3A_147, %select_n3A_14 : i32
          %sub3A_156 = arith.constant 1 : i32
          %sub3A_157 = arith.subi %while3A_147, %sub3A_156 : i32
          %select_n3A_158 = arith.constant true
          %select_n3A_159 = arith.select %select_n3A_158, %sub3A_157, %while3A_147 : i32
          %eq3A_160 = arith.constant -1 : i32
          %eq3A_161 = arith.cmpi eq, %select_n3A_159, %eq3A_160 : i32
          %sub3A_162 = arith.constant 1 : i32
          %sub3A_163 = arith.subi %select_n3A, %sub3A_162 : i32
          %select_n3A_164 = arith.select %eq3A_161, %sub3A_163, %select_n3A_159 : i32
          %add3A_165 = arith.addi %select_n3A_164, %select_n3A_14 : i32
          %add3A_166 = arith.constant 1 : i32
          %add3A_167 = arith.addi %while3A_147, %add3A_166 : i32
          %select_n3A_168 = arith.constant true
          %select_n3A_169 = arith.select %select_n3A_168, %add3A_167, %while3A_147 : i32
          %eq3A_170 = arith.cmpi eq, %select_n3A_169, %select_n3A : i32
          %select_n3A_171 = arith.constant 0 : i32
          %select_n3A_172 = arith.select %eq3A_170, %select_n3A_171, %select_n3A_169 : i32
          %add3A_173 = arith.addi %select_n3A_172, %select_n3A_14 : i32
          %add3A_174 = arith.constant 1 : i32
          %add3A_175 = arith.addi %select_n3A_172, %add3A_174 : i32
          %select_n3A_176 = arith.constant true
          %select_n3A_177 = arith.select %select_n3A_176, %add3A_175, %select_n3A_172 : i32
          %eq3A_178 = arith.cmpi eq, %select_n3A_177, %select_n3A : i32
          %select_n3A_179 = arith.constant 0 : i32
          %select_n3A_180 = arith.select %eq3A_178, %select_n3A_179, %select_n3A_177 : i32
          %add3A_181 = arith.addi %select_n3A_180, %select_n3A_14 : i32
          %ne3A = arith.cmpi ne, %add3A_155, %add3A_173 : i32
          %or3A = arith.constant false
          %or3A_182 = arith.ori %or3A, %ne3A : i1
          %sub3A_183 = arith.constant 2 : i32
          %sub3A_184 = arith.subi %mul3A_149, %sub3A_183 : i32
          %add3A_185 = arith.constant 1 : i32
          %add3A_186 = arith.addi %sub3A_184, %add3A_185 : i32
          %ge3A = arith.cmpi sge, %while3A_142, %add3A_186 : i32
          %not3A = arith.constant true
          %not3A_187 = arith.xori %ge3A, %not3A : i1
          %and3A = arith.andi %or3A_182, %not3A_187 : i1
          %convert_element_type3A_188 = arith.extui %and3A : i1 to i32
          %cond3A_189 = arith.constant 0 : i32
          %cond3A_190 = arith.cmpi ne, %convert_element_type3A_188, %cond3A_189 : i32
          scf.if %cond3A_190 {
            "tpu.trace_start"() <{level = 10 : i32, message = "ep_copy_in"}> : () -> ()
            %rem3A_294 = arith.constant 2 : i32
            %rem3A_295 = arith.remui %while3A_143, %rem3A_294 : i32
            %mul3A_296 = arith.constant 128 : i32
            %mul3A_297 = arith.muli %mul3A_296, %add3A_173 : i32
            %dma_start3A_298 = arith.constant 0 : i32
            %dma_start3A_299 = arith.constant 0 : i32
            %dma_start3A_300 = tpu.memref_slice %run_scoped3A[%rem3A_295, %dma_start3A_298, %dma_start3A_299] : memref<2x1x128xi32, #tpu.memory_space<vmem>> -> memref<1x1x128xi32, #tpu.memory_space<vmem>>
            %dma_start3A_301 = tpu.memref_squeeze %dma_start3A_300 : memref<1x1x128xi32, #tpu.memory_space<vmem>> -> memref<1x128xi32, #tpu.memory_space<vmem>>
            %dma_start3A_302 = arith.constant 0 : i32
            %dma_start3A_303 = tpu.memref_slice %arg3[%dma_start3A_302, %mul3A_297] : memref<1x80000xi32, #tpu.memory_space<hbm>> -> memref<1x128xi32, #tpu.memory_space<hbm>>
            %dma_start3A_304 = tpu.memref_slice %run_scoped3A_17[%rem3A_295] : memref<2x!tpu.dma_semaphore, #tpu.memory_space<semaphore_mem>> -> memref<1x!tpu.dma_semaphore, #tpu.memory_space<semaphore_mem>>
            %dma_start3A_305 = tpu.memref_squeeze %dma_start3A_304 : memref<1x!tpu.dma_semaphore, #tpu.memory_space<semaphore_mem>> -> memref<!tpu.dma_semaphore, #tpu.memory_space<semaphore_mem>>
            %dma_start3A_306 = arith.constant 0 : i32
            %dma_start3A_307 = arith.constant 0 : i32
            %dma_start3A_308 = tpu.memref_slice %run_scoped3A[%rem3A_295, %dma_start3A_306, %dma_start3A_307] : memref<2x1x128xi32, #tpu.memory_space<vmem>> -> memref<1x1x128xi32, #tpu.memory_space<vmem>>
            %dma_start3A_309 = tpu.memref_squeeze %dma_start3A_308 : memref<1x1x128xi32, #tpu.memory_space<vmem>> -> memref<1x128xi32, #tpu.memory_space<vmem>>
            %dma_start3A_310 = arith.constant 0 : i32
            %dma_start3A_311 = tpu.memref_slice %arg3[%dma_start3A_310, %mul3A_297] : memref<1x80000xi32, #tpu.memory_space<hbm>> -> memref<1x128xi32, #tpu.memory_space<hbm>>
            tpu.enqueue_dma source(%dma_start3A_311 : memref<1x128xi32, #tpu.memory_space<hbm>>) target(%dma_start3A_309 : memref<1x128xi32, #tpu.memory_space<vmem>>) target_semaphore(%dma_start3A_305 : memref<!tpu.dma_semaphore, #tpu.memory_space<semaphore_mem>>)
            "tpu.trace_stop"() : () -> ()
          } else {
          }
          %and3A_191 = arith.constant true
          %and3A_192 = arith.andi %and3A, %and3A_191 : i1
          %add3A_193 = arith.constant 1 : i32
          %add3A_194 = arith.addi %while3A_143, %add3A_193 : i32
          %select_n3A_195 = arith.select %and3A_192, %add3A_194, %while3A_143 : i32
          %ne3A_196 = arith.cmpi ne, %add3A_155, %add3A_173 : i32
          %or3A_197 = arith.constant false
          %or3A_198 = arith.ori %or3A_197, %ne3A_196 : i1
          %or3A_199 = arith.constant false
          %or3A_200 = arith.ori %or3A_198, %or3A_199 : i1
          %sub3A_201 = arith.constant 2 : i32
          %sub3A_202 = arith.subi %mul3A_149, %sub3A_201 : i32
          %add3A_203 = arith.constant 1 : i32
          %add3A_204 = arith.addi %sub3A_202, %add3A_203 : i32
          %ge3A_205 = arith.cmpi sge, %while3A_142, %add3A_204 : i32
          %not3A_206 = arith.constant true
          %not3A_207 = arith.xori %ge3A_205, %not3A_206 : i1
          %and3A_208 = arith.andi %or3A_200, %not3A_207 : i1
          %ne3A_209 = arith.cmpi ne, %add3A_155, %add3A_165 : i32
          %or3A_210 = arith.constant false
          %or3A_211 = arith.ori %or3A_210, %ne3A_209 : i1
          %or3A_212 = arith.ori %or3A_211, %eq3A_151 : i1
          %convert_element_type3A_213 = arith.extui %or3A_212 : i1 to i32
          %cond3A_214 = arith.constant 0 : i32
          %cond3A_215 = arith.cmpi ne, %convert_element_type3A_213, %cond3A_214 : i32
          scf.if %cond3A_215 {
            "tpu.trace_start"() <{level = 10 : i32, message = "ep_wait_in"}> : () -> ()
            %mul3A_294 = arith.constant 128 : i32
            %mul3A_295 = arith.muli %mul3A_294, %add3A_155 : i32
            %rem3A_296 = arith.constant 2 : i32
            %rem3A_297 = arith.remui %while3A_144, %rem3A_296 : i32
            %dma_wait3A = arith.constant 0 : i32
            %dma_wait3A_298 = arith.constant 0 : i32
            %dma_wait3A_299 = tpu.memref_slice %run_scoped3A[%rem3A_297, %dma_wait3A, %dma_wait3A_298] : memref<2x1x128xi32, #tpu.memory_space<vmem>> -> memref<1x1x128xi32, #tpu.memory_space<vmem>>
            %dma_wait3A_300 = tpu.memref_squeeze %dma_wait3A_299 : memref<1x1x128xi32, #tpu.memory_space<vmem>> -> memref<1x128xi32, #tpu.memory_space<vmem>>
            %dma_wait3A_301 = arith.constant 0 : i32
            %dma_wait3A_302 = tpu.memref_slice %arg3[%dma_wait3A_301, %mul3A_295] : memref<1x80000xi32, #tpu.memory_space<hbm>> -> memref<1x128xi32, #tpu.memory_space<hbm>>
            %dma_wait3A_303 = tpu.memref_slice %run_scoped3A_17[%rem3A_297] : memref<2x!tpu.dma_semaphore, #tpu.memory_space<semaphore_mem>> -> memref<1x!tpu.dma_semaphore, #tpu.memory_space<semaphore_mem>>
            %dma_wait3A_304 = tpu.memref_squeeze %dma_wait3A_303 : memref<1x!tpu.dma_semaphore, #tpu.memory_space<semaphore_mem>> -> memref<!tpu.dma_semaphore, #tpu.memory_space<semaphore_mem>>
            %dma_wait3A_305 = arith.constant 0 : i32
            %dma_wait3A_306 = arith.constant 0 : i32
            %dma_wait3A_307 = tpu.memref_slice %run_scoped3A[%rem3A_297, %dma_wait3A_305, %dma_wait3A_306] : memref<2x1x128xi32, #tpu.memory_space<vmem>> -> memref<1x1x128xi32, #tpu.memory_space<vmem>>
            %dma_wait3A_308 = tpu.memref_squeeze %dma_wait3A_307 : memref<1x1x128xi32, #tpu.memory_space<vmem>> -> memref<1x128xi32, #tpu.memory_space<vmem>>
            %dma_wait3A_309 = arith.constant 0 : i32
            %dma_wait3A_310 = tpu.memref_slice %arg3[%dma_wait3A_309, %mul3A_295] : memref<1x80000xi32, #tpu.memory_space<hbm>> -> memref<1x128xi32, #tpu.memory_space<hbm>>
            tpu.wait_dma2 semaphore(%dma_wait3A_304 : memref<!tpu.dma_semaphore, #tpu.memory_space<semaphore_mem>>) src(%dma_wait3A_310 : memref<1x128xi32, #tpu.memory_space<hbm>>) dst(%dma_wait3A_308 : memref<1x128xi32, #tpu.memory_space<vmem>>)
            "tpu.trace_stop"() : () -> ()
          } else {
          }
          %ne3A_216 = arith.cmpi ne, %add3A_155, %add3A_165 : i32
          %or3A_217 = arith.constant false
          %or3A_218 = arith.ori %or3A_217, %ne3A_216 : i1
          %or3A_219 = arith.constant false
          %or3A_220 = arith.ori %or3A_218, %or3A_219 : i1
          %or3A_221 = arith.ori %or3A_220, %eq3A_151 : i1
          %convert_element_type3A_222 = arith.extui %or3A_221 : i1 to i32
          %cond3A_223 = arith.constant 0 : i32
          %cond3A_224 = arith.cmpi ne, %convert_element_type3A_222, %cond3A_223 : i32
          scf.if %cond3A_224 {
          } else {
          }
          %rem3A_225 = arith.constant 2 : i32
          %rem3A_226 = arith.remui %while3A_144, %rem3A_225 : i32
          %rem3A_227 = arith.constant 2 : i32
          %rem3A_228 = arith.remui %while3A_145, %rem3A_227 : i32
          %run_scoped3A_229 = arith.constant 0 : i32
          "tpu.trace_start"() <{level = 10 : i32, message = "ep_run_kernel"}> : () -> ()
          "tpu.region"() ({
            %run_scoped3A_294 = tpu.sem_alloc : memref<!tpu.dma_semaphore, #tpu.memory_space<semaphore_mem>>
            %dma_start3A_295 = arith.constant 0 : i32
            %dma_start3A_296 = arith.constant 0 : i32
            %dma_start3A_297 = tpu.memref_slice %run_scoped3A_18[%rem3A_228, %dma_start3A_295, %dma_start3A_296] : memref<2x128x128xf32, #tpu.memory_space<vmem>> -> memref<1x128x128xf32, #tpu.memory_space<vmem>>
            %dma_start3A_298 = tpu.memref_squeeze %dma_start3A_297 : memref<1x128x128xf32, #tpu.memory_space<vmem>> -> memref<128x128xf32, #tpu.memory_space<vmem>>
            %dma_start3A_299 = arith.constant 0 : i32
            %dma_start3A_300 = arith.constant 0 : i32
            %dma_start3A_301 = tpu.memref_slice %run_scoped3A[%rem3A_226, %dma_start3A_299, %dma_start3A_300] : memref<2x1x128xi32, #tpu.memory_space<vmem>> -> memref<1x1x128xi32, #tpu.memory_space<vmem>>
            %dma_start3A_302 = tpu.memref_squeeze %dma_start3A_301 : memref<1x1x128xi32, #tpu.memory_space<vmem>> -> memref<1x128xi32, #tpu.memory_space<vmem>>
            %dma_start3A_303 = arith.constant 0 : i32
            %dma_start3A_304 = tpu.memref_slice %dma_start3A_302[%run_scoped3A_229, %dma_start3A_303] : memref<1x128xi32, #tpu.memory_space<vmem>> -> memref<1x128xi32, #tpu.memory_space<vmem>>
            %dma_start3A_305 = tpu.memref_squeeze %dma_start3A_304 : memref<1x128xi32, #tpu.memory_space<vmem>> -> memref<128xi32, #tpu.memory_space<vmem>>
            %dma_start3A_306 = arith.constant 0 : i32
            %dma_start3A_307 = arith.constant 0 : i32
            %dma_start3A_308 = tpu.memref_slice %arg2[%dma_start3A_306, %dma_start3A_307] : memref<8000x128xf32, #tpu.memory_space<hbm>> -> memref<8000x128xf32, #tpu.memory_space<hbm>>
            tpu.enqueue_indirect_dma source(%dma_start3A_308 : memref<8000x128xf32, #tpu.memory_space<hbm>>) target(%dma_start3A_298 : memref<128x128xf32, #tpu.memory_space<vmem>>) offsets(%dma_start3A_305 : memref<128xi32, #tpu.memory_space<vmem>>) semaphore(%run_scoped3A_294 : memref<!tpu.dma_semaphore, #tpu.memory_space<semaphore_mem>>)
            %dma_wait3A = arith.constant 0 : i32
            %dma_wait3A_309 = arith.constant 0 : i32
            %dma_wait3A_310 = tpu.memref_slice %run_scoped3A_18[%rem3A_228, %dma_wait3A, %dma_wait3A_309] : memref<2x128x128xf32, #tpu.memory_space<vmem>> -> memref<1x128x128xf32, #tpu.memory_space<vmem>>
            %dma_wait3A_311 = tpu.memref_squeeze %dma_wait3A_310 : memref<1x128x128xf32, #tpu.memory_space<vmem>> -> memref<128x128xf32, #tpu.memory_space<vmem>>
            %dma_wait3A_312 = arith.constant 0 : i32
            %dma_wait3A_313 = arith.constant 0 : i32
            %dma_wait3A_314 = tpu.memref_slice %run_scoped3A[%rem3A_226, %dma_wait3A_312, %dma_wait3A_313] : memref<2x1x128xi32, #tpu.memory_space<vmem>> -> memref<1x1x128xi32, #tpu.memory_space<vmem>>
            %dma_wait3A_315 = tpu.memref_squeeze %dma_wait3A_314 : memref<1x1x128xi32, #tpu.memory_space<vmem>> -> memref<1x128xi32, #tpu.memory_space<vmem>>
            %dma_wait3A_316 = arith.constant 0 : i32
            %dma_wait3A_317 = tpu.memref_slice %dma_wait3A_315[%run_scoped3A_229, %dma_wait3A_316] : memref<1x128xi32, #tpu.memory_space<vmem>> -> memref<1x128xi32, #tpu.memory_space<vmem>>
            %dma_wait3A_318 = tpu.memref_squeeze %dma_wait3A_317 : memref<1x128xi32, #tpu.memory_space<vmem>> -> memref<128xi32, #tpu.memory_space<vmem>>
            %dma_wait3A_319 = arith.constant 0 : i32
            %dma_wait3A_320 = arith.constant 0 : i32
            %dma_wait3A_321 = tpu.memref_slice %arg2[%dma_wait3A_319, %dma_wait3A_320] : memref<8000x128xf32, #tpu.memory_space<hbm>> -> memref<8000x128xf32, #tpu.memory_space<hbm>>
            tpu.wait_indirect_dma semaphore(%run_scoped3A_294 : memref<!tpu.dma_semaphore, #tpu.memory_space<semaphore_mem>>) src(%dma_wait3A_321 : memref<8000x128xf32, #tpu.memory_space<hbm>>) dst(%dma_wait3A_311 : memref<128x128xf32, #tpu.memory_space<vmem>>)
            tpu.yield
          }) : () -> ()
          "tpu.trace_stop"() : () -> ()
          %ne3A_230 = arith.cmpi ne, %add3A_155, %add3A_173 : i32
          %or3A_231 = arith.constant false
          %or3A_232 = arith.ori %or3A_231, %ne3A_230 : i1
          %or3A_233 = arith.ori %or3A_232, %eq3A_154 : i1
          %convert_element_type3A_234 = arith.extui %or3A_233 : i1 to i32
          %cond3A_235 = arith.constant 0 : i32
          %cond3A_236 = arith.cmpi ne, %convert_element_type3A_234, %cond3A_235 : i32
          scf.if %cond3A_236 {
          } else {
          }
          %and3A_237 = arith.constant false
          %and3A_238 = arith.andi %or3A_233, %and3A_237 : i1
          %ne3A_239 = arith.cmpi ne, %add3A_155, %add3A_173 : i32
          %or3A_240 = arith.constant false
          %or3A_241 = arith.ori %or3A_240, %ne3A_239 : i1
          %or3A_242 = arith.constant false
          %or3A_243 = arith.ori %or3A_241, %or3A_242 : i1
          %or3A_244 = arith.ori %or3A_243, %eq3A_154 : i1
          %convert_element_type3A_245 = arith.extui %or3A_244 : i1 to i32
          %cond3A_246 = arith.constant 0 : i32
          %cond3A_247 = arith.cmpi ne, %convert_element_type3A_245, %cond3A_246 : i32
          scf.if %cond3A_247 {
            "tpu.trace_start"() <{level = 10 : i32, message = "ep_copy_out"}> : () -> ()
            %rem3A_294 = arith.constant 2 : i32
            %rem3A_295 = arith.remui %while3A_145, %rem3A_294 : i32
            %mul3A_296 = arith.constant 128 : i32
            %mul3A_297 = arith.muli %mul3A_296, %add3A_155 : i32
            %dma_start3A_298 = arith.constant 0 : i32
            %dma_start3A_299 = arith.constant 0 : i32
            %dma_start3A_300 = tpu.memref_slice %run_scoped3A_18[%rem3A_295, %dma_start3A_298, %dma_start3A_299] : memref<2x128x128xf32, #tpu.memory_space<vmem>> -> memref<1x128x128xf32, #tpu.memory_space<vmem>>
            %dma_start3A_301 = tpu.memref_squeeze %dma_start3A_300 : memref<1x128x128xf32, #tpu.memory_space<vmem>> -> memref<128x128xf32, #tpu.memory_space<vmem>>
            %dma_start3A_302 = arith.constant 0 : i32
            %dma_start3A_303 = tpu.memref_slice %arg4[%mul3A_297, %dma_start3A_302] : memref<80000x128xf32, #tpu.memory_space<hbm>> -> memref<128x128xf32, #tpu.memory_space<hbm>>
            %dma_start3A_304 = tpu.memref_slice %run_scoped3A_19[%rem3A_295] : memref<2x!tpu.dma_semaphore, #tpu.memory_space<semaphore_mem>> -> memref<1x!tpu.dma_semaphore, #tpu.memory_space<semaphore_mem>>
            %dma_start3A_305 = tpu.memref_squeeze %dma_start3A_304 : memref<1x!tpu.dma_semaphore, #tpu.memory_space<semaphore_mem>> -> memref<!tpu.dma_semaphore, #tpu.memory_space<semaphore_mem>>
            %dma_start3A_306 = arith.constant 0 : i32
            %dma_start3A_307 = tpu.memref_slice %arg4[%mul3A_297, %dma_start3A_306] : memref<80000x128xf32, #tpu.memory_space<hbm>> -> memref<128x128xf32, #tpu.memory_space<hbm>>
            %dma_start3A_308 = arith.constant 0 : i32
            %dma_start3A_309 = arith.constant 0 : i32
            %dma_start3A_310 = tpu.memref_slice %run_scoped3A_18[%rem3A_295, %dma_start3A_308, %dma_start3A_309] : memref<2x128x128xf32, #tpu.memory_space<vmem>> -> memref<1x128x128xf32, #tpu.memory_space<vmem>>
            %dma_start3A_311 = tpu.memref_squeeze %dma_start3A_310 : memref<1x128x128xf32, #tpu.memory_space<vmem>> -> memref<128x128xf32, #tpu.memory_space<vmem>>
            tpu.enqueue_dma source(%dma_start3A_311 : memref<128x128xf32, #tpu.memory_space<vmem>>) target(%dma_start3A_307 : memref<128x128xf32, #tpu.memory_space<hbm>>) target_semaphore(%dma_start3A_305 : memref<!tpu.dma_semaphore, #tpu.memory_space<semaphore_mem>>)
            "tpu.trace_stop"() : () -> ()
          } else {
          }
          %and3A_248 = arith.constant true
          %and3A_249 = arith.andi %or3A_244, %and3A_248 : i1
          %add3A_250 = arith.constant 1 : i32
          %add3A_251 = arith.addi %while3A_145, %add3A_250 : i32
          %select_n3A_252 = arith.select %and3A_249, %add3A_251, %while3A_145 : i32
          %ne3A_253 = arith.cmpi ne, %add3A_155, %add3A_165 : i32
          %or3A_254 = arith.constant false
          %or3A_255 = arith.ori %or3A_254, %ne3A_253 : i1
          %not3A_256 = arith.constant true
          %not3A_257 = arith.xori %eq3A_151, %not3A_256 : i1
          %and3A_258 = arith.andi %or3A_255, %not3A_257 : i1
          %convert_element_type3A_259 = arith.extui %and3A_258 : i1 to i32
          %cond3A_260 = arith.constant 0 : i32
          %cond3A_261 = arith.cmpi ne, %convert_element_type3A_259, %cond3A_260 : i32
          scf.if %cond3A_261 {
          } else {
          }
          %and3A_262 = arith.constant false
          %and3A_263 = arith.andi %and3A_258, %and3A_262 : i1
          %ne3A_264 = arith.cmpi ne, %add3A_155, %add3A_165 : i32
          %or3A_265 = arith.constant false
          %or3A_266 = arith.ori %or3A_265, %ne3A_264 : i1
          %or3A_267 = arith.constant false
          %or3A_268 = arith.ori %or3A_266, %or3A_267 : i1
          %not3A_269 = arith.constant true
          %not3A_270 = arith.xori %eq3A_151, %not3A_269 : i1
          %and3A_271 = arith.andi %or3A_268, %not3A_270 : i1
          %convert_element_type3A_272 = arith.extui %and3A_271 : i1 to i32
          %cond3A_273 = arith.constant 0 : i32
          %cond3A_274 = arith.cmpi ne, %convert_element_type3A_272, %cond3A_273 : i32
          scf.if %cond3A_274 {
            "tpu.trace_start"() <{level = 10 : i32, message = "ep_wait_out"}> : () -> ()
            %rem3A_294 = arith.constant 2 : i32
            %rem3A_295 = arith.remui %while3A_146, %rem3A_294 : i32
            %mul3A_296 = arith.constant 128 : i32
            %mul3A_297 = arith.muli %mul3A_296, %add3A_165 : i32
            %dma_wait3A = arith.constant 0 : i32
            %dma_wait3A_298 = arith.constant 0 : i32
            %dma_wait3A_299 = tpu.memref_slice %run_scoped3A_18[%rem3A_295, %dma_wait3A, %dma_wait3A_298] : memref<2x128x128xf32, #tpu.memory_space<vmem>> -> memref<1x128x128xf32, #tpu.memory_space<vmem>>
            %dma_wait3A_300 = tpu.memref_squeeze %dma_wait3A_299 : memref<1x128x128xf32, #tpu.memory_space<vmem>> -> memref<128x128xf32, #tpu.memory_space<vmem>>
            %dma_wait3A_301 = arith.constant 0 : i32
            %dma_wait3A_302 = tpu.memref_slice %arg4[%mul3A_297, %dma_wait3A_301] : memref<80000x128xf32, #tpu.memory_space<hbm>> -> memref<128x128xf32, #tpu.memory_space<hbm>>
            %dma_wait3A_303 = tpu.memref_slice %run_scoped3A_19[%rem3A_295] : memref<2x!tpu.dma_semaphore, #tpu.memory_space<semaphore_mem>> -> memref<1x!tpu.dma_semaphore, #tpu.memory_space<semaphore_mem>>
            %dma_wait3A_304 = tpu.memref_squeeze %dma_wait3A_303 : memref<1x!tpu.dma_semaphore, #tpu.memory_space<semaphore_mem>> -> memref<!tpu.dma_semaphore, #tpu.memory_space<semaphore_mem>>
            %dma_wait3A_305 = arith.constant 0 : i32
            %dma_wait3A_306 = tpu.memref_slice %arg4[%mul3A_297, %dma_wait3A_305] : memref<80000x128xf32, #tpu.memory_space<hbm>> -> memref<128x128xf32, #tpu.memory_space<hbm>>
            %dma_wait3A_307 = arith.constant 0 : i32
            %dma_wait3A_308 = arith.constant 0 : i32
            %dma_wait3A_309 = tpu.memref_slice %run_scoped3A_18[%rem3A_295, %dma_wait3A_307, %dma_wait3A_308] : memref<2x128x128xf32, #tpu.memory_space<vmem>> -> memref<1x128x128xf32, #tpu.memory_space<vmem>>
            %dma_wait3A_310 = tpu.memref_squeeze %dma_wait3A_309 : memref<1x128x128xf32, #tpu.memory_space<vmem>> -> memref<128x128xf32, #tpu.memory_space<vmem>>
            tpu.wait_dma2 semaphore(%dma_wait3A_304 : memref<!tpu.dma_semaphore, #tpu.memory_space<semaphore_mem>>) src(%dma_wait3A_310 : memref<128x128xf32, #tpu.memory_space<vmem>>) dst(%dma_wait3A_306 : memref<128x128xf32, #tpu.memory_space<hbm>>)
            "tpu.trace_stop"() : () -> ()
          } else {
          }
          %and3A_275 = arith.constant true
          %and3A_276 = arith.andi %and3A_271, %and3A_275 : i1
          %add3A_277 = arith.constant 1 : i32
          %add3A_278 = arith.addi %while3A_146, %add3A_277 : i32
          %select_n3A_279 = arith.select %and3A_276, %add3A_278, %while3A_146 : i32
          %ne3A_280 = arith.cmpi ne, %add3A_155, %add3A_173 : i32
          %or3A_281 = arith.constant false
          %or3A_282 = arith.ori %or3A_281, %ne3A_280 : i1
          %or3A_283 = arith.ori %or3A_282, %eq3A_154 : i1
          %add3A_284 = arith.constant 1 : i32
          %add3A_285 = arith.addi %while3A_144, %add3A_284 : i32
          %select_n3A_286 = arith.select %or3A_283, %add3A_285, %while3A_144 : i32
          %add3A_287 = arith.constant 1 : i32
          %add3A_288 = arith.addi %while3A_147, %add3A_287 : i32
          %select_n3A_289 = arith.constant true
          %select_n3A_290 = arith.select %select_n3A_289, %add3A_288, %while3A_147 : i32
          %eq3A_291 = arith.cmpi eq, %select_n3A_290, %select_n3A : i32
          %select_n3A_292 = arith.constant 0 : i32
          %select_n3A_293 = arith.select %eq3A_291, %select_n3A_292, %select_n3A_290 : i32
          scf.yield %select_n3A_195, %select_n3A_286, %select_n3A_252, %select_n3A_279, %select_n3A_293 : i32, i32, i32, i32, i32
        }
        %while3A_89 = arith.constant 1 : i32
        %while3A_90:5 = scf.for %while3A_142 = %while3A_86 to %while3A_82 step %while3A_89 iter_args(%while3A_143 = %while3A_88#0, %while3A_144 = %while3A_88#1, %while3A_145 = %while3A_88#2, %while3A_146 = %while3A_88#3, %while3A_147 = %while3A_88#4) -> (i32, i32, i32, i32, i32)  : i32 {
          %mul3A_148 = arith.constant 1 : i32
          %mul3A_149 = arith.muli %mul3A_148, %select_n3A : i32
          %eq3A_150 = arith.constant 0 : i32
          %eq3A_151 = arith.cmpi eq, %while3A_142, %eq3A_150 : i32
          %sub3A_152 = arith.constant 1 : i32
          %sub3A_153 = arith.subi %mul3A_149, %sub3A_152 : i32
          %eq3A_154 = arith.cmpi eq, %while3A_142, %sub3A_153 : i32
          %add3A_155 = arith.addi %while3A_147, %select_n3A_14 : i32
          %sub3A_156 = arith.constant 1 : i32
          %sub3A_157 = arith.subi %while3A_147, %sub3A_156 : i32
          %select_n3A_158 = arith.constant true
          %select_n3A_159 = arith.select %select_n3A_158, %sub3A_157, %while3A_147 : i32
          %eq3A_160 = arith.constant -1 : i32
          %eq3A_161 = arith.cmpi eq, %select_n3A_159, %eq3A_160 : i32
          %sub3A_162 = arith.constant 1 : i32
          %sub3A_163 = arith.subi %select_n3A, %sub3A_162 : i32
          %select_n3A_164 = arith.select %eq3A_161, %sub3A_163, %select_n3A_159 : i32
          %add3A_165 = arith.addi %select_n3A_164, %select_n3A_14 : i32
          %add3A_166 = arith.constant 1 : i32
          %add3A_167 = arith.addi %while3A_147, %add3A_166 : i32
          %select_n3A_168 = arith.constant true
          %select_n3A_169 = arith.select %select_n3A_168, %add3A_167, %while3A_147 : i32
          %eq3A_170 = arith.cmpi eq, %select_n3A_169, %select_n3A : i32
          %select_n3A_171 = arith.constant 0 : i32
          %select_n3A_172 = arith.select %eq3A_170, %select_n3A_171, %select_n3A_169 : i32
          %add3A_173 = arith.addi %select_n3A_172, %select_n3A_14 : i32
          %add3A_174 = arith.constant 1 : i32
          %add3A_175 = arith.addi %select_n3A_172, %add3A_174 : i32
          %select_n3A_176 = arith.constant true
          %select_n3A_177 = arith.select %select_n3A_176, %add3A_175, %select_n3A_172 : i32
          %eq3A_178 = arith.cmpi eq, %select_n3A_177, %select_n3A : i32
          %select_n3A_179 = arith.constant 0 : i32
          %select_n3A_180 = arith.select %eq3A_178, %select_n3A_179, %select_n3A_177 : i32
          %add3A_181 = arith.addi %select_n3A_180, %select_n3A_14 : i32
          %ne3A = arith.cmpi ne, %add3A_155, %add3A_173 : i32
          %or3A = arith.constant false
          %or3A_182 = arith.ori %or3A, %ne3A : i1
          %sub3A_183 = arith.constant 2 : i32
          %sub3A_184 = arith.subi %mul3A_149, %sub3A_183 : i32
          %add3A_185 = arith.constant 1 : i32
          %add3A_186 = arith.addi %sub3A_184, %add3A_185 : i32
          %ge3A = arith.cmpi sge, %while3A_142, %add3A_186 : i32
          %not3A = arith.constant true
          %not3A_187 = arith.xori %ge3A, %not3A : i1
          %and3A = arith.andi %or3A_182, %not3A_187 : i1
          %convert_element_type3A_188 = arith.extui %and3A : i1 to i32
          %cond3A_189 = arith.constant 0 : i32
          %cond3A_190 = arith.cmpi ne, %convert_element_type3A_188, %cond3A_189 : i32
          scf.if %cond3A_190 {
            "tpu.trace_start"() <{level = 10 : i32, message = "ep_copy_in"}> : () -> ()
            %rem3A_294 = arith.constant 2 : i32
            %rem3A_295 = arith.remui %while3A_143, %rem3A_294 : i32
            %mul3A_296 = arith.constant 128 : i32
            %mul3A_297 = arith.muli %mul3A_296, %add3A_173 : i32
            %dma_start3A_298 = arith.constant 0 : i32
            %dma_start3A_299 = arith.constant 0 : i32
            %dma_start3A_300 = tpu.memref_slice %run_scoped3A[%rem3A_295, %dma_start3A_298, %dma_start3A_299] : memref<2x1x128xi32, #tpu.memory_space<vmem>> -> memref<1x1x128xi32, #tpu.memory_space<vmem>>
            %dma_start3A_301 = tpu.memref_squeeze %dma_start3A_300 : memref<1x1x128xi32, #tpu.memory_space<vmem>> -> memref<1x128xi32, #tpu.memory_space<vmem>>
            %dma_start3A_302 = arith.constant 0 : i32
            %dma_start3A_303 = tpu.memref_slice %arg3[%dma_start3A_302, %mul3A_297] : memref<1x80000xi32, #tpu.memory_space<hbm>> -> memref<1x128xi32, #tpu.memory_space<hbm>>
            %dma_start3A_304 = tpu.memref_slice %run_scoped3A_17[%rem3A_295] : memref<2x!tpu.dma_semaphore, #tpu.memory_space<semaphore_mem>> -> memref<1x!tpu.dma_semaphore, #tpu.memory_space<semaphore_mem>>
            %dma_start3A_305 = tpu.memref_squeeze %dma_start3A_304 : memref<1x!tpu.dma_semaphore, #tpu.memory_space<semaphore_mem>> -> memref<!tpu.dma_semaphore, #tpu.memory_space<semaphore_mem>>
            %dma_start3A_306 = arith.constant 0 : i32
            %dma_start3A_307 = arith.constant 0 : i32
            %dma_start3A_308 = tpu.memref_slice %run_scoped3A[%rem3A_295, %dma_start3A_306, %dma_start3A_307] : memref<2x1x128xi32, #tpu.memory_space<vmem>> -> memref<1x1x128xi32, #tpu.memory_space<vmem>>
            %dma_start3A_309 = tpu.memref_squeeze %dma_start3A_308 : memref<1x1x128xi32, #tpu.memory_space<vmem>> -> memref<1x128xi32, #tpu.memory_space<vmem>>
            %dma_start3A_310 = arith.constant 0 : i32
            %dma_start3A_311 = tpu.memref_slice %arg3[%dma_start3A_310, %mul3A_297] : memref<1x80000xi32, #tpu.memory_space<hbm>> -> memref<1x128xi32, #tpu.memory_space<hbm>>
            tpu.enqueue_dma source(%dma_start3A_311 : memref<1x128xi32, #tpu.memory_space<hbm>>) target(%dma_start3A_309 : memref<1x128xi32, #tpu.memory_space<vmem>>) target_semaphore(%dma_start3A_305 : memref<!tpu.dma_semaphore, #tpu.memory_space<semaphore_mem>>)
            "tpu.trace_stop"() : () -> ()
          } else {
          }
          %and3A_191 = arith.constant true
          %and3A_192 = arith.andi %and3A, %and3A_191 : i1
          %add3A_193 = arith.constant 1 : i32
          %add3A_194 = arith.addi %while3A_143, %add3A_193 : i32
          %select_n3A_195 = arith.select %and3A_192, %add3A_194, %while3A_143 : i32
          %ne3A_196 = arith.cmpi ne, %add3A_155, %add3A_173 : i32
          %or3A_197 = arith.constant false
          %or3A_198 = arith.ori %or3A_197, %ne3A_196 : i1
          %or3A_199 = arith.constant false
          %or3A_200 = arith.ori %or3A_198, %or3A_199 : i1
          %sub3A_201 = arith.constant 2 : i32
          %sub3A_202 = arith.subi %mul3A_149, %sub3A_201 : i32
          %add3A_203 = arith.constant 1 : i32
          %add3A_204 = arith.addi %sub3A_202, %add3A_203 : i32
          %ge3A_205 = arith.cmpi sge, %while3A_142, %add3A_204 : i32
          %not3A_206 = arith.constant true
          %not3A_207 = arith.xori %ge3A_205, %not3A_206 : i1
          %and3A_208 = arith.andi %or3A_200, %not3A_207 : i1
          %ne3A_209 = arith.cmpi ne, %add3A_155, %add3A_165 : i32
          %or3A_210 = arith.constant false
          %or3A_211 = arith.ori %or3A_210, %ne3A_209 : i1
          %or3A_212 = arith.ori %or3A_211, %eq3A_151 : i1
          %convert_element_type3A_213 = arith.extui %or3A_212 : i1 to i32
          %cond3A_214 = arith.constant 0 : i32
          %cond3A_215 = arith.cmpi ne, %convert_element_type3A_213, %cond3A_214 : i32
          scf.if %cond3A_215 {
            "tpu.trace_start"() <{level = 10 : i32, message = "ep_wait_in"}> : () -> ()
            %mul3A_294 = arith.constant 128 : i32
            %mul3A_295 = arith.muli %mul3A_294, %add3A_155 : i32
            %rem3A_296 = arith.constant 2 : i32
            %rem3A_297 = arith.remui %while3A_144, %rem3A_296 : i32
            %dma_wait3A = arith.constant 0 : i32
            %dma_wait3A_298 = arith.constant 0 : i32
            %dma_wait3A_299 = tpu.memref_slice %run_scoped3A[%rem3A_297, %dma_wait3A, %dma_wait3A_298] : memref<2x1x128xi32, #tpu.memory_space<vmem>> -> memref<1x1x128xi32, #tpu.memory_space<vmem>>
            %dma_wait3A_300 = tpu.memref_squeeze %dma_wait3A_299 : memref<1x1x128xi32, #tpu.memory_space<vmem>> -> memref<1x128xi32, #tpu.memory_space<vmem>>
            %dma_wait3A_301 = arith.constant 0 : i32
            %dma_wait3A_302 = tpu.memref_slice %arg3[%dma_wait3A_301, %mul3A_295] : memref<1x80000xi32, #tpu.memory_space<hbm>> -> memref<1x128xi32, #tpu.memory_space<hbm>>
            %dma_wait3A_303 = tpu.memref_slice %run_scoped3A_17[%rem3A_297] : memref<2x!tpu.dma_semaphore, #tpu.memory_space<semaphore_mem>> -> memref<1x!tpu.dma_semaphore, #tpu.memory_space<semaphore_mem>>
            %dma_wait3A_304 = tpu.memref_squeeze %dma_wait3A_303 : memref<1x!tpu.dma_semaphore, #tpu.memory_space<semaphore_mem>> -> memref<!tpu.dma_semaphore, #tpu.memory_space<semaphore_mem>>
            %dma_wait3A_305 = arith.constant 0 : i32
            %dma_wait3A_306 = arith.constant 0 : i32
            %dma_wait3A_307 = tpu.memref_slice %run_scoped3A[%rem3A_297, %dma_wait3A_305, %dma_wait3A_306] : memref<2x1x128xi32, #tpu.memory_space<vmem>> -> memref<1x1x128xi32, #tpu.memory_space<vmem>>
            %dma_wait3A_308 = tpu.memref_squeeze %dma_wait3A_307 : memref<1x1x128xi32, #tpu.memory_space<vmem>> -> memref<1x128xi32, #tpu.memory_space<vmem>>
            %dma_wait3A_309 = arith.constant 0 : i32
            %dma_wait3A_310 = tpu.memref_slice %arg3[%dma_wait3A_309, %mul3A_295] : memref<1x80000xi32, #tpu.memory_space<hbm>> -> memref<1x128xi32, #tpu.memory_space<hbm>>
            tpu.wait_dma2 semaphore(%dma_wait3A_304 : memref<!tpu.dma_semaphore, #tpu.memory_space<semaphore_mem>>) src(%dma_wait3A_310 : memref<1x128xi32, #tpu.memory_space<hbm>>) dst(%dma_wait3A_308 : memref<1x128xi32, #tpu.memory_space<vmem>>)
            "tpu.trace_stop"() : () -> ()
          } else {
          }
          %ne3A_216 = arith.cmpi ne, %add3A_155, %add3A_165 : i32
          %or3A_217 = arith.constant false
          %or3A_218 = arith.ori %or3A_217, %ne3A_216 : i1
          %or3A_219 = arith.constant false
          %or3A_220 = arith.ori %or3A_218, %or3A_219 : i1
          %or3A_221 = arith.ori %or3A_220, %eq3A_151 : i1
          %convert_element_type3A_222 = arith.extui %or3A_221 : i1 to i32
          %cond3A_223 = arith.constant 0 : i32
          %cond3A_224 = arith.cmpi ne, %convert_element_type3A_222, %cond3A_223 : i32
          scf.if %cond3A_224 {
          } else {
          }
          %rem3A_225 = arith.constant 2 : i32
          %rem3A_226 = arith.remui %while3A_144, %rem3A_225 : i32
          %rem3A_227 = arith.constant 2 : i32
          %rem3A_228 = arith.remui %while3A_145, %rem3A_227 : i32
          %run_scoped3A_229 = arith.constant 0 : i32
          "tpu.trace_start"() <{level = 10 : i32, message = "ep_run_kernel"}> : () -> ()
          "tpu.region"() ({
            %run_scoped3A_294 = tpu.sem_alloc : memref<!tpu.dma_semaphore, #tpu.memory_space<semaphore_mem>>
            %dma_start3A_295 = arith.constant 0 : i32
            %dma_start3A_296 = arith.constant 0 : i32
            %dma_start3A_297 = tpu.memref_slice %run_scoped3A_18[%rem3A_228, %dma_start3A_295, %dma_start3A_296] : memref<2x128x128xf32, #tpu.memory_space<vmem>> -> memref<1x128x128xf32, #tpu.memory_space<vmem>>
            %dma_start3A_298 = tpu.memref_squeeze %dma_start3A_297 : memref<1x128x128xf32, #tpu.memory_space<vmem>> -> memref<128x128xf32, #tpu.memory_space<vmem>>
            %dma_start3A_299 = arith.constant 0 : i32
            %dma_start3A_300 = arith.constant 0 : i32
            %dma_start3A_301 = tpu.memref_slice %run_scoped3A[%rem3A_226, %dma_start3A_299, %dma_start3A_300] : memref<2x1x128xi32, #tpu.memory_space<vmem>> -> memref<1x1x128xi32, #tpu.memory_space<vmem>>
            %dma_start3A_302 = tpu.memref_squeeze %dma_start3A_301 : memref<1x1x128xi32, #tpu.memory_space<vmem>> -> memref<1x128xi32, #tpu.memory_space<vmem>>
            %dma_start3A_303 = arith.constant 0 : i32
            %dma_start3A_304 = tpu.memref_slice %dma_start3A_302[%run_scoped3A_229, %dma_start3A_303] : memref<1x128xi32, #tpu.memory_space<vmem>> -> memref<1x128xi32, #tpu.memory_space<vmem>>
            %dma_start3A_305 = tpu.memref_squeeze %dma_start3A_304 : memref<1x128xi32, #tpu.memory_space<vmem>> -> memref<128xi32, #tpu.memory_space<vmem>>
            %dma_start3A_306 = arith.constant 0 : i32
            %dma_start3A_307 = arith.constant 0 : i32
            %dma_start3A_308 = tpu.memref_slice %arg2[%dma_start3A_306, %dma_start3A_307] : memref<8000x128xf32, #tpu.memory_space<hbm>> -> memref<8000x128xf32, #tpu.memory_space<hbm>>
            tpu.enqueue_indirect_dma source(%dma_start3A_308 : memref<8000x128xf32, #tpu.memory_space<hbm>>) target(%dma_start3A_298 : memref<128x128xf32, #tpu.memory_space<vmem>>) offsets(%dma_start3A_305 : memref<128xi32, #tpu.memory_space<vmem>>) semaphore(%run_scoped3A_294 : memref<!tpu.dma_semaphore, #tpu.memory_space<semaphore_mem>>)
            %dma_wait3A = arith.constant 0 : i32
            %dma_wait3A_309 = arith.constant 0 : i32
            %dma_wait3A_310 = tpu.memref_slice %run_scoped3A_18[%rem3A_228, %dma_wait3A, %dma_wait3A_309] : memref<2x128x128xf32, #tpu.memory_space<vmem>> -> memref<1x128x128xf32, #tpu.memory_space<vmem>>
            %dma_wait3A_311 = tpu.memref_squeeze %dma_wait3A_310 : memref<1x128x128xf32, #tpu.memory_space<vmem>> -> memref<128x128xf32, #tpu.memory_space<vmem>>
            %dma_wait3A_312 = arith.constant 0 : i32
            %dma_wait3A_313 = arith.constant 0 : i32
            %dma_wait3A_314 = tpu.memref_slice %run_scoped3A[%rem3A_226, %dma_wait3A_312, %dma_wait3A_313] : memref<2x1x128xi32, #tpu.memory_space<vmem>> -> memref<1x1x128xi32, #tpu.memory_space<vmem>>
            %dma_wait3A_315 = tpu.memref_squeeze %dma_wait3A_314 : memref<1x1x128xi32, #tpu.memory_space<vmem>> -> memref<1x128xi32, #tpu.memory_space<vmem>>
            %dma_wait3A_316 = arith.constant 0 : i32
            %dma_wait3A_317 = tpu.memref_slice %dma_wait3A_315[%run_scoped3A_229, %dma_wait3A_316] : memref<1x128xi32, #tpu.memory_space<vmem>> -> memref<1x128xi32, #tpu.memory_space<vmem>>
            %dma_wait3A_318 = tpu.memref_squeeze %dma_wait3A_317 : memref<1x128xi32, #tpu.memory_space<vmem>> -> memref<128xi32, #tpu.memory_space<vmem>>
            %dma_wait3A_319 = arith.constant 0 : i32
            %dma_wait3A_320 = arith.constant 0 : i32
            %dma_wait3A_321 = tpu.memref_slice %arg2[%dma_wait3A_319, %dma_wait3A_320] : memref<8000x128xf32, #tpu.memory_space<hbm>> -> memref<8000x128xf32, #tpu.memory_space<hbm>>
            tpu.wait_indirect_dma semaphore(%run_scoped3A_294 : memref<!tpu.dma_semaphore, #tpu.memory_space<semaphore_mem>>) src(%dma_wait3A_321 : memref<8000x128xf32, #tpu.memory_space<hbm>>) dst(%dma_wait3A_311 : memref<128x128xf32, #tpu.memory_space<vmem>>)
            tpu.yield
          }) : () -> ()
          "tpu.trace_stop"() : () -> ()
          %ne3A_230 = arith.cmpi ne, %add3A_155, %add3A_173 : i32
          %or3A_231 = arith.constant false
          %or3A_232 = arith.ori %or3A_231, %ne3A_230 : i1
          %or3A_233 = arith.ori %or3A_232, %eq3A_154 : i1
          %convert_element_type3A_234 = arith.extui %or3A_233 : i1 to i32
          %cond3A_235 = arith.constant 0 : i32
          %cond3A_236 = arith.cmpi ne, %convert_element_type3A_234, %cond3A_235 : i32
          scf.if %cond3A_236 {
          } else {
          }
          %and3A_237 = arith.constant false
          %and3A_238 = arith.andi %or3A_233, %and3A_237 : i1
          %ne3A_239 = arith.cmpi ne, %add3A_155, %add3A_173 : i32
          %or3A_240 = arith.constant false
          %or3A_241 = arith.ori %or3A_240, %ne3A_239 : i1
          %or3A_242 = arith.constant false
          %or3A_243 = arith.ori %or3A_241, %or3A_242 : i1
          %or3A_244 = arith.ori %or3A_243, %eq3A_154 : i1
          %convert_element_type3A_245 = arith.extui %or3A_244 : i1 to i32
          %cond3A_246 = arith.constant 0 : i32
          %cond3A_247 = arith.cmpi ne, %convert_element_type3A_245, %cond3A_246 : i32
          scf.if %cond3A_247 {
            "tpu.trace_start"() <{level = 10 : i32, message = "ep_copy_out"}> : () -> ()
            %rem3A_294 = arith.constant 2 : i32
            %rem3A_295 = arith.remui %while3A_145, %rem3A_294 : i32
            %mul3A_296 = arith.constant 128 : i32
            %mul3A_297 = arith.muli %mul3A_296, %add3A_155 : i32
            %dma_start3A_298 = arith.constant 0 : i32
            %dma_start3A_299 = arith.constant 0 : i32
            %dma_start3A_300 = tpu.memref_slice %run_scoped3A_18[%rem3A_295, %dma_start3A_298, %dma_start3A_299] : memref<2x128x128xf32, #tpu.memory_space<vmem>> -> memref<1x128x128xf32, #tpu.memory_space<vmem>>
            %dma_start3A_301 = tpu.memref_squeeze %dma_start3A_300 : memref<1x128x128xf32, #tpu.memory_space<vmem>> -> memref<128x128xf32, #tpu.memory_space<vmem>>
            %dma_start3A_302 = arith.constant 0 : i32
            %dma_start3A_303 = tpu.memref_slice %arg4[%mul3A_297, %dma_start3A_302] : memref<80000x128xf32, #tpu.memory_space<hbm>> -> memref<128x128xf32, #tpu.memory_space<hbm>>
            %dma_start3A_304 = tpu.memref_slice %run_scoped3A_19[%rem3A_295] : memref<2x!tpu.dma_semaphore, #tpu.memory_space<semaphore_mem>> -> memref<1x!tpu.dma_semaphore, #tpu.memory_space<semaphore_mem>>
            %dma_start3A_305 = tpu.memref_squeeze %dma_start3A_304 : memref<1x!tpu.dma_semaphore, #tpu.memory_space<semaphore_mem>> -> memref<!tpu.dma_semaphore, #tpu.memory_space<semaphore_mem>>
            %dma_start3A_306 = arith.constant 0 : i32
            %dma_start3A_307 = tpu.memref_slice %arg4[%mul3A_297, %dma_start3A_306] : memref<80000x128xf32, #tpu.memory_space<hbm>> -> memref<128x128xf32, #tpu.memory_space<hbm>>
            %dma_start3A_308 = arith.constant 0 : i32
            %dma_start3A_309 = arith.constant 0 : i32
            %dma_start3A_310 = tpu.memref_slice %run_scoped3A_18[%rem3A_295, %dma_start3A_308, %dma_start3A_309] : memref<2x128x128xf32, #tpu.memory_space<vmem>> -> memref<1x128x128xf32, #tpu.memory_space<vmem>>
            %dma_start3A_311 = tpu.memref_squeeze %dma_start3A_310 : memref<1x128x128xf32, #tpu.memory_space<vmem>> -> memref<128x128xf32, #tpu.memory_space<vmem>>
            tpu.enqueue_dma source(%dma_start3A_311 : memref<128x128xf32, #tpu.memory_space<vmem>>) target(%dma_start3A_307 : memref<128x128xf32, #tpu.memory_space<hbm>>) target_semaphore(%dma_start3A_305 : memref<!tpu.dma_semaphore, #tpu.memory_space<semaphore_mem>>)
            "tpu.trace_stop"() : () -> ()
          } else {
          }
          %and3A_248 = arith.constant true
          %and3A_249 = arith.andi %or3A_244, %and3A_248 : i1
          %add3A_250 = arith.constant 1 : i32
          %add3A_251 = arith.addi %while3A_145, %add3A_250 : i32
          %select_n3A_252 = arith.select %and3A_249, %add3A_251, %while3A_145 : i32
          %ne3A_253 = arith.cmpi ne, %add3A_155, %add3A_165 : i32
          %or3A_254 = arith.constant false
          %or3A_255 = arith.ori %or3A_254, %ne3A_253 : i1
          %not3A_256 = arith.constant true
          %not3A_257 = arith.xori %eq3A_151, %not3A_256 : i1
          %and3A_258 = arith.andi %or3A_255, %not3A_257 : i1
          %convert_element_type3A_259 = arith.extui %and3A_258 : i1 to i32
          %cond3A_260 = arith.constant 0 : i32
          %cond3A_261 = arith.cmpi ne, %convert_element_type3A_259, %cond3A_260 : i32
          scf.if %cond3A_261 {
          } else {
          }
          %and3A_262 = arith.constant false
          %and3A_263 = arith.andi %and3A_258, %and3A_262 : i1
          %ne3A_264 = arith.cmpi ne, %add3A_155, %add3A_165 : i32
          %or3A_265 = arith.constant false
          %or3A_266 = arith.ori %or3A_265, %ne3A_264 : i1
          %or3A_267 = arith.constant false
          %or3A_268 = arith.ori %or3A_266, %or3A_267 : i1
          %not3A_269 = arith.constant true
          %not3A_270 = arith.xori %eq3A_151, %not3A_269 : i1
          %and3A_271 = arith.andi %or3A_268, %not3A_270 : i1
          %convert_element_type3A_272 = arith.extui %and3A_271 : i1 to i32
          %cond3A_273 = arith.constant 0 : i32
          %cond3A_274 = arith.cmpi ne, %convert_element_type3A_272, %cond3A_273 : i32
          scf.if %cond3A_274 {
            "tpu.trace_start"() <{level = 10 : i32, message = "ep_wait_out"}> : () -> ()
            %rem3A_294 = arith.constant 2 : i32
            %rem3A_295 = arith.remui %while3A_146, %rem3A_294 : i32
            %mul3A_296 = arith.constant 128 : i32
            %mul3A_297 = arith.muli %mul3A_296, %add3A_165 : i32
            %dma_wait3A = arith.constant 0 : i32
            %dma_wait3A_298 = arith.constant 0 : i32
            %dma_wait3A_299 = tpu.memref_slice %run_scoped3A_18[%rem3A_295, %dma_wait3A, %dma_wait3A_298] : memref<2x128x128xf32, #tpu.memory_space<vmem>> -> memref<1x128x128xf32, #tpu.memory_space<vmem>>
            %dma_wait3A_300 = tpu.memref_squeeze %dma_wait3A_299 : memref<1x128x128xf32, #tpu.memory_space<vmem>> -> memref<128x128xf32, #tpu.memory_space<vmem>>
            %dma_wait3A_301 = arith.constant 0 : i32
            %dma_wait3A_302 = tpu.memref_slice %arg4[%mul3A_297, %dma_wait3A_301] : memref<80000x128xf32, #tpu.memory_space<hbm>> -> memref<128x128xf32, #tpu.memory_space<hbm>>
            %dma_wait3A_303 = tpu.memref_slice %run_scoped3A_19[%rem3A_295] : memref<2x!tpu.dma_semaphore, #tpu.memory_space<semaphore_mem>> -> memref<1x!tpu.dma_semaphore, #tpu.memory_space<semaphore_mem>>
            %dma_wait3A_304 = tpu.memref_squeeze %dma_wait3A_303 : memref<1x!tpu.dma_semaphore, #tpu.memory_space<semaphore_mem>> -> memref<!tpu.dma_semaphore, #tpu.memory_space<semaphore_mem>>
            %dma_wait3A_305 = arith.constant 0 : i32
            %dma_wait3A_306 = tpu.memref_slice %arg4[%mul3A_297, %dma_wait3A_305] : memref<80000x128xf32, #tpu.memory_space<hbm>> -> memref<128x128xf32, #tpu.memory_space<hbm>>
            %dma_wait3A_307 = arith.constant 0 : i32
            %dma_wait3A_308 = arith.constant 0 : i32
            %dma_wait3A_309 = tpu.memref_slice %run_scoped3A_18[%rem3A_295, %dma_wait3A_307, %dma_wait3A_308] : memref<2x128x128xf32, #tpu.memory_space<vmem>> -> memref<1x128x128xf32, #tpu.memory_space<vmem>>
            %dma_wait3A_310 = tpu.memref_squeeze %dma_wait3A_309 : memref<1x128x128xf32, #tpu.memory_space<vmem>> -> memref<128x128xf32, #tpu.memory_space<vmem>>
            tpu.wait_dma2 semaphore(%dma_wait3A_304 : memref<!tpu.dma_semaphore, #tpu.memory_space<semaphore_mem>>) src(%dma_wait3A_310 : memref<128x128xf32, #tpu.memory_space<vmem>>) dst(%dma_wait3A_306 : memref<128x128xf32, #tpu.memory_space<hbm>>)
            "tpu.trace_stop"() : () -> ()
          } else {
          }
          %and3A_275 = arith.constant true
          %and3A_276 = arith.andi %and3A_271, %and3A_275 : i1
          %add3A_277 = arith.constant 1 : i32
          %add3A_278 = arith.addi %while3A_146, %add3A_277 : i32
          %select_n3A_279 = arith.select %and3A_276, %add3A_278, %while3A_146 : i32
          %ne3A_280 = arith.cmpi ne, %add3A_155, %add3A_173 : i32
          %or3A_281 = arith.constant false
          %or3A_282 = arith.ori %or3A_281, %ne3A_280 : i1
          %or3A_283 = arith.ori %or3A_282, %eq3A_154 : i1
          %add3A_284 = arith.constant 1 : i32
          %add3A_285 = arith.addi %while3A_144, %add3A_284 : i32
          %select_n3A_286 = arith.select %or3A_283, %add3A_285, %while3A_144 : i32
          %add3A_287 = arith.constant 1 : i32
          %add3A_288 = arith.addi %while3A_147, %add3A_287 : i32
          %select_n3A_289 = arith.constant true
          %select_n3A_290 = arith.select %select_n3A_289, %add3A_288, %while3A_147 : i32
          %eq3A_291 = arith.cmpi eq, %select_n3A_290, %select_n3A : i32
          %select_n3A_292 = arith.constant 0 : i32
          %select_n3A_293 = arith.select %eq3A_291, %select_n3A_292, %select_n3A_290 : i32
          scf.yield %select_n3A_195, %select_n3A_286, %select_n3A_252, %select_n3A_279, %select_n3A_293 : i32, i32, i32, i32, i32
        }
        %sub3A_91 = arith.constant 1 : i32
        %sub3A_92 = arith.subi %while3A_90#4, %sub3A_91 : i32
        %select_n3A_93 = arith.constant true
        %select_n3A_94 = arith.select %select_n3A_93, %sub3A_92, %while3A_90#4 : i32
        %eq3A_95 = arith.constant -1 : i32
        %eq3A_96 = arith.cmpi eq, %select_n3A_94, %eq3A_95 : i32
        %sub3A_97 = arith.constant 1 : i32
        %sub3A_98 = arith.subi %select_n3A, %sub3A_97 : i32
        %select_n3A_99 = arith.select %eq3A_96, %sub3A_98, %select_n3A_94 : i32
        %sub3A_100 = arith.constant 1 : i32
        %sub3A_101 = arith.subi %mul3A_16, %sub3A_100 : i32
        %mul3A_102 = arith.constant 1 : i32
        %mul3A_103 = arith.muli %mul3A_102, %select_n3A : i32
        %eq3A_104 = arith.constant 0 : i32
        %eq3A_105 = arith.cmpi eq, %sub3A_101, %eq3A_104 : i32
        %sub3A_106 = arith.constant 1 : i32
        %sub3A_107 = arith.subi %mul3A_103, %sub3A_106 : i32
        %eq3A_108 = arith.cmpi eq, %sub3A_101, %sub3A_107 : i32
        %add3A_109 = arith.addi %select_n3A_99, %select_n3A_14 : i32
        %sub3A_110 = arith.constant 1 : i32
        %sub3A_111 = arith.subi %select_n3A_99, %sub3A_110 : i32
        %select_n3A_112 = arith.constant true
        %select_n3A_113 = arith.select %select_n3A_112, %sub3A_111, %select_n3A_99 : i32
        %eq3A_114 = arith.constant -1 : i32
        %eq3A_115 = arith.cmpi eq, %select_n3A_113, %eq3A_114 : i32
        %sub3A_116 = arith.constant 1 : i32
        %sub3A_117 = arith.subi %select_n3A, %sub3A_116 : i32
        %select_n3A_118 = arith.select %eq3A_115, %sub3A_117, %select_n3A_113 : i32
        %add3A_119 = arith.addi %select_n3A_118, %select_n3A_14 : i32
        %add3A_120 = arith.constant 1 : i32
        %add3A_121 = arith.addi %select_n3A_99, %add3A_120 : i32
        %select_n3A_122 = arith.constant true
        %select_n3A_123 = arith.select %select_n3A_122, %add3A_121, %select_n3A_99 : i32
        %eq3A_124 = arith.cmpi eq, %select_n3A_123, %select_n3A : i32
        %select_n3A_125 = arith.constant 0 : i32
        %select_n3A_126 = arith.select %eq3A_124, %select_n3A_125, %select_n3A_123 : i32
        %add3A_127 = arith.addi %select_n3A_126, %select_n3A_14 : i32
        %add3A_128 = arith.constant 1 : i32
        %add3A_129 = arith.addi %select_n3A_126, %add3A_128 : i32
        %select_n3A_130 = arith.constant true
        %select_n3A_131 = arith.select %select_n3A_130, %add3A_129, %select_n3A_126 : i32
        %eq3A_132 = arith.cmpi eq, %select_n3A_131, %select_n3A : i32
        %select_n3A_133 = arith.constant 0 : i32
        %select_n3A_134 = arith.select %eq3A_132, %select_n3A_133, %select_n3A_131 : i32
        %add3A_135 = arith.addi %select_n3A_134, %select_n3A_14 : i32
        %convert_element_type3A_136 = arith.extui %eq3A_108 : i1 to i32
        %cond3A_137 = arith.constant 0 : i32
        %cond3A_138 = arith.cmpi ne, %convert_element_type3A_136, %cond3A_137 : i32
        scf.if %cond3A_138 {
        } else {
        }
        %convert_element_type3A_139 = arith.extui %eq3A_108 : i1 to i32
        %cond3A_140 = arith.constant 0 : i32
        %cond3A_141 = arith.cmpi ne, %convert_element_type3A_139, %cond3A_140 : i32
        scf.if %cond3A_141 {
          "tpu.trace_start"() <{level = 10 : i32, message = "ep_finalize"}> : () -> ()
          %rem3A_142 = arith.constant 2 : i32
          %rem3A_143 = arith.remui %while3A_90#3, %rem3A_142 : i32
          %mul3A_144 = arith.constant 128 : i32
          %mul3A_145 = arith.muli %mul3A_144, %add3A_109 : i32
          %dma_wait3A = arith.constant 0 : i32
          %dma_wait3A_146 = arith.constant 0 : i32
          %dma_wait3A_147 = tpu.memref_slice %run_scoped3A_18[%rem3A_143, %dma_wait3A, %dma_wait3A_146] : memref<2x128x128xf32, #tpu.memory_space<vmem>> -> memref<1x128x128xf32, #tpu.memory_space<vmem>>
          %dma_wait3A_148 = tpu.memref_squeeze %dma_wait3A_147 : memref<1x128x128xf32, #tpu.memory_space<vmem>> -> memref<128x128xf32, #tpu.memory_space<vmem>>
          %dma_wait3A_149 = arith.constant 0 : i32
          %dma_wait3A_150 = tpu.memref_slice %arg4[%mul3A_145, %dma_wait3A_149] : memref<80000x128xf32, #tpu.memory_space<hbm>> -> memref<128x128xf32, #tpu.memory_space<hbm>>
          %dma_wait3A_151 = tpu.memref_slice %run_scoped3A_19[%rem3A_143] : memref<2x!tpu.dma_semaphore, #tpu.memory_space<semaphore_mem>> -> memref<1x!tpu.dma_semaphore, #tpu.memory_space<semaphore_mem>>
          %dma_wait3A_152 = tpu.memref_squeeze %dma_wait3A_151 : memref<1x!tpu.dma_semaphore, #tpu.memory_space<semaphore_mem>> -> memref<!tpu.dma_semaphore, #tpu.memory_space<semaphore_mem>>
          %dma_wait3A_153 = arith.constant 0 : i32
          %dma_wait3A_154 = tpu.memref_slice %arg4[%mul3A_145, %dma_wait3A_153] : memref<80000x128xf32, #tpu.memory_space<hbm>> -> memref<128x128xf32, #tpu.memory_space<hbm>>
          %dma_wait3A_155 = arith.constant 0 : i32
          %dma_wait3A_156 = arith.constant 0 : i32
          %dma_wait3A_157 = tpu.memref_slice %run_scoped3A_18[%rem3A_143, %dma_wait3A_155, %dma_wait3A_156] : memref<2x128x128xf32, #tpu.memory_space<vmem>> -> memref<1x128x128xf32, #tpu.memory_space<vmem>>
          %dma_wait3A_158 = tpu.memref_squeeze %dma_wait3A_157 : memref<1x128x128xf32, #tpu.memory_space<vmem>> -> memref<128x128xf32, #tpu.memory_space<vmem>>
          tpu.wait_dma2 semaphore(%dma_wait3A_152 : memref<!tpu.dma_semaphore, #tpu.memory_space<semaphore_mem>>) src(%dma_wait3A_158 : memref<128x128xf32, #tpu.memory_space<vmem>>) dst(%dma_wait3A_154 : memref<128x128xf32, #tpu.memory_space<hbm>>)
          "tpu.trace_stop"() : () -> ()
        } else {
        }
      } else {
      }
      tpu.yield
    }) : () -> ()
    return
  }
}

#map = affine_map<(d0, d1) -> (0, 0)>
module attributes {stable_mosaic.version = 14 : i64} {
  func.func @gather_kernel(%arg0: i32, %arg1: i32, %arg2: memref<8000x128xf32, #tpu.memory_space<hbm>>, %arg3: memref<1x16000xi32, #tpu.memory_space<hbm>>, %arg4: memref<16000x128xf32, #tpu.memory_space<hbm>>) attributes {dimension_semantics = [#tpu.dimension_semantics<core_parallel>, #tpu.dimension_semantics<subcore_parallel>], iteration_bounds = array<i64: 2, 16>, scalar_prefetch = 0 : i64, scratch_operands = 0 : i64, tpu.core_type = #tpu.core_type<sc_vector_subcore>, window_params = [{transform_indices = #map}, {transform_indices = #map}, {transform_indices = #map}]} {
    %mul3A = arith.constant 1 : i32
    %mul3A_0 = arith.muli %arg1, %mul3A : i32
    %add3A = arith.constant 0 : i32
    %add3A_1 = arith.addi %add3A, %mul3A_0 : i32
    %mul3A_2 = arith.constant 16 : i32
    %mul3A_3 = arith.muli %arg0, %mul3A_2 : i32
    %add3A_4 = arith.addi %add3A_1, %mul3A_3 : i32
    %lt3A = arith.constant 29 : i32
    %lt3A_5 = arith.cmpi slt, %add3A_4, %lt3A : i32
    %jit3A = arith.constant 4 : i32
    %jit3A_6 = arith.constant 3 : i32
    %select_n3A = arith.select %lt3A_5, %jit3A, %jit3A_6 : i32
    %lt3A_7 = arith.constant 29 : i32
    %lt3A_8 = arith.cmpi slt, %add3A_4, %lt3A_7 : i32
    %mul3A_9 = arith.muli %add3A_4, %select_n3A : i32
    %mul3A_10 = arith.constant 3 : i32
    %mul3A_11 = arith.muli %add3A_4, %mul3A_10 : i32
    %add3A_12 = arith.constant 29 : i32
    %add3A_13 = arith.addi %mul3A_11, %add3A_12 : i32
    %select_n3A_14 = arith.select %lt3A_8, %mul3A_9, %add3A_13 : i32
    %mul3A_15 = arith.constant 1 : i32
    %mul3A_16 = arith.muli %mul3A_15, %select_n3A : i32
    "tpu.region"() ({
      %run_scoped3A = memref.alloca() : memref<2x1x128xi32, #tpu.memory_space<vmem>>
      %run_scoped3A_17 = tpu.sem_alloc : memref<2x!tpu.dma_semaphore, #tpu.memory_space<semaphore_mem>>
      %run_scoped3A_18 = memref.alloca() : memref<2x128x128xf32, #tpu.memory_space<vmem>>
      %run_scoped3A_19 = tpu.sem_alloc : memref<2x!tpu.dma_semaphore, #tpu.memory_space<semaphore_mem>>
      %gt3A = arith.constant 0 : i32
      %gt3A_20 = arith.cmpi sgt, %mul3A_16, %gt3A : i32
      %convert_element_type3A = arith.extui %gt3A_20 : i1 to i32
      %cond3A = arith.constant 0 : i32
      %cond3A_21 = arith.cmpi ne, %convert_element_type3A, %cond3A : i32
      scf.if %cond3A_21 {
        %mul3A_22 = arith.constant 1 : i32
        %mul3A_23 = arith.muli %mul3A_22, %select_n3A : i32
        %sub3A = arith.constant 1 : i32
        %sub3A_24 = arith.subi %mul3A_23, %sub3A : i32
        %eq3A = arith.constant 0 : i32
        %eq3A_25 = arith.cmpi eq, %sub3A_24, %eq3A : i32
        %add3A_26 = arith.constant 0 : i32
        %add3A_27 = arith.addi %add3A_26, %select_n3A_14 : i32
        %select_n3A_28 = arith.constant true
        %select_n3A_29 = arith.constant 0 : i32
        %select_n3A_30 = arith.constant -1 : i32
        %select_n3A_31 = arith.select %select_n3A_28, %select_n3A_30, %select_n3A_29 : i32
        %eq3A_32 = arith.constant -1 : i32
        %eq3A_33 = arith.cmpi eq, %select_n3A_31, %eq3A_32 : i32
        %sub3A_34 = arith.constant 1 : i32
        %sub3A_35 = arith.subi %select_n3A, %sub3A_34 : i32
        %select_n3A_36 = arith.select %eq3A_33, %sub3A_35, %select_n3A_31 : i32
        %add3A_37 = arith.addi %select_n3A_36, %select_n3A_14 : i32
        %select_n3A_38 = arith.constant true
        %select_n3A_39 = arith.constant 0 : i32
        %select_n3A_40 = arith.constant 1 : i32
        %select_n3A_41 = arith.select %select_n3A_38, %select_n3A_40, %select_n3A_39 : i32
        %eq3A_42 = arith.cmpi eq, %select_n3A_41, %select_n3A : i32
        %select_n3A_43 = arith.constant 0 : i32
        %select_n3A_44 = arith.select %eq3A_42, %select_n3A_43, %select_n3A_41 : i32
        %add3A_45 = arith.addi %select_n3A_44, %select_n3A_14 : i32
        %add3A_46 = arith.constant 1 : i32
        %add3A_47 = arith.addi %select_n3A_44, %add3A_46 : i32
        %select_n3A_48 = arith.constant true
        %select_n3A_49 = arith.select %select_n3A_48, %add3A_47, %select_n3A_44 : i32
        %eq3A_50 = arith.cmpi eq, %select_n3A_49, %select_n3A : i32
        %select_n3A_51 = arith.constant 0 : i32
        %select_n3A_52 = arith.select %eq3A_50, %select_n3A_51, %select_n3A_49 : i32
        %add3A_53 = arith.addi %select_n3A_52, %select_n3A_14 : i32
        "tpu.trace_start"() <{level = 10 : i32, message = "ep_initialize_0"}> : () -> ()
        %rem3A = arith.constant 0 : i32
        %rem3A_54 = arith.constant 2 : i32
        %rem3A_55 = arith.remui %rem3A, %rem3A_54 : i32
        %mul3A_56 = arith.constant 128 : i32
        %mul3A_57 = arith.muli %mul3A_56, %add3A_27 : i32
        %dma_start3A = arith.constant 0 : i32
        %dma_start3A_58 = arith.constant 0 : i32
        %dma_start3A_59 = tpu.memref_slice %run_scoped3A[%rem3A_55, %dma_start3A, %dma_start3A_58] : memref<2x1x128xi32, #tpu.memory_space<vmem>> -> memref<1x1x128xi32, #tpu.memory_space<vmem>>
        %dma_start3A_60 = tpu.memref_squeeze %dma_start3A_59 : memref<1x1x128xi32, #tpu.memory_space<vmem>> -> memref<1x128xi32, #tpu.memory_space<vmem>>
        %dma_start3A_61 = arith.constant 0 : i32
        %dma_start3A_62 = tpu.memref_slice %arg3[%dma_start3A_61, %mul3A_57] : memref<1x16000xi32, #tpu.memory_space<hbm>> -> memref<1x128xi32, #tpu.memory_space<hbm>>
        %dma_start3A_63 = tpu.memref_slice %run_scoped3A_17[%rem3A_55] : memref<2x!tpu.dma_semaphore, #tpu.memory_space<semaphore_mem>> -> memref<1x!tpu.dma_semaphore, #tpu.memory_space<semaphore_mem>>
        %dma_start3A_64 = tpu.memref_squeeze %dma_start3A_63 : memref<1x!tpu.dma_semaphore, #tpu.memory_space<semaphore_mem>> -> memref<!tpu.dma_semaphore, #tpu.memory_space<semaphore_mem>>
        %dma_start3A_65 = arith.constant 0 : i32
        %dma_start3A_66 = arith.constant 0 : i32
        %dma_start3A_67 = tpu.memref_slice %run_scoped3A[%rem3A_55, %dma_start3A_65, %dma_start3A_66] : memref<2x1x128xi32, #tpu.memory_space<vmem>> -> memref<1x1x128xi32, #tpu.memory_space<vmem>>
        %dma_start3A_68 = tpu.memref_squeeze %dma_start3A_67 : memref<1x1x128xi32, #tpu.memory_space<vmem>> -> memref<1x128xi32, #tpu.memory_space<vmem>>
        %dma_start3A_69 = arith.constant 0 : i32
        %dma_start3A_70 = tpu.memref_slice %arg3[%dma_start3A_69, %mul3A_57] : memref<1x16000xi32, #tpu.memory_space<hbm>> -> memref<1x128xi32, #tpu.memory_space<hbm>>
        tpu.enqueue_dma source(%dma_start3A_70 : memref<1x128xi32, #tpu.memory_space<hbm>>) target(%dma_start3A_68 : memref<1x128xi32, #tpu.memory_space<vmem>>) target_semaphore(%dma_start3A_64 : memref<!tpu.dma_semaphore, #tpu.memory_space<semaphore_mem>>)
        %add3A_71 = arith.constant 0 : i32
        %add3A_72 = arith.constant 1 : i32
        %add3A_73 = arith.addi %add3A_71, %add3A_72 : i32
        %select_n3A_74 = arith.constant true
        %select_n3A_75 = arith.constant 0 : i32
        %select_n3A_76 = arith.select %select_n3A_74, %add3A_73, %select_n3A_75 : i32
        %while3A = arith.constant 0 : i32
        %while3A_77 = arith.constant 0 : i32
        %while3A_78 = arith.constant 0 : i32
        %while3A_79 = arith.constant 0 : i32
        %while3A_80 = arith.constant 0 : i32
        "tpu.trace_stop"() : () -> ()
        %while3A_81 = arith.subi %mul3A_16, %while3A : i32
        %while3A_82 = arith.addi %while3A, %while3A_81 : i32
        %while3A_83 = arith.constant 1 : i32
        %while3A_84 = arith.divsi %while3A_81, %while3A_83 : i32
        %while3A_85 = arith.muli %while3A_84, %while3A_83 : i32
        %while3A_86 = arith.addi %while3A, %while3A_85 : i32
        %while3A_87 = arith.constant 1 : i32
        %while3A_88:5 = scf.for %while3A_142 = %while3A to %while3A_86 step %while3A_87 iter_args(%while3A_143 = %select_n3A_76, %while3A_144 = %while3A_77, %while3A_145 = %while3A_78, %while3A_146 = %while3A_79, %while3A_147 = %while3A_80) -> (i32, i32, i32, i32, i32)  : i32 {
          %mul3A_148 = arith.constant 1 : i32
          %mul3A_149 = arith.muli %mul3A_148, %select_n3A : i32
          %eq3A_150 = arith.constant 0 : i32
          %eq3A_151 = arith.cmpi eq, %while3A_142, %eq3A_150 : i32
          %sub3A_152 = arith.constant 1 : i32
          %sub3A_153 = arith.subi %mul3A_149, %sub3A_152 : i32
          %eq3A_154 = arith.cmpi eq, %while3A_142, %sub3A_153 : i32
          %add3A_155 = arith.addi %while3A_147, %select_n3A_14 : i32
          %sub3A_156 = arith.constant 1 : i32
          %sub3A_157 = arith.subi %while3A_147, %sub3A_156 : i32
          %select_n3A_158 = arith.constant true
          %select_n3A_159 = arith.select %select_n3A_158, %sub3A_157, %while3A_147 : i32
          %eq3A_160 = arith.constant -1 : i32
          %eq3A_161 = arith.cmpi eq, %select_n3A_159, %eq3A_160 : i32
          %sub3A_162 = arith.constant 1 : i32
          %sub3A_163 = arith.subi %select_n3A, %sub3A_162 : i32
          %select_n3A_164 = arith.select %eq3A_161, %sub3A_163, %select_n3A_159 : i32
          %add3A_165 = arith.addi %select_n3A_164, %select_n3A_14 : i32
          %add3A_166 = arith.constant 1 : i32
          %add3A_167 = arith.addi %while3A_147, %add3A_166 : i32
          %select_n3A_168 = arith.constant true
          %select_n3A_169 = arith.select %select_n3A_168, %add3A_167, %while3A_147 : i32
          %eq3A_170 = arith.cmpi eq, %select_n3A_169, %select_n3A : i32
          %select_n3A_171 = arith.constant 0 : i32
          %select_n3A_172 = arith.select %eq3A_170, %select_n3A_171, %select_n3A_169 : i32
          %add3A_173 = arith.addi %select_n3A_172, %select_n3A_14 : i32
          %add3A_174 = arith.constant 1 : i32
          %add3A_175 = arith.addi %select_n3A_172, %add3A_174 : i32
          %select_n3A_176 = arith.constant true
          %select_n3A_177 = arith.select %select_n3A_176, %add3A_175, %select_n3A_172 : i32
          %eq3A_178 = arith.cmpi eq, %select_n3A_177, %select_n3A : i32
          %select_n3A_179 = arith.constant 0 : i32
          %select_n3A_180 = arith.select %eq3A_178, %select_n3A_179, %select_n3A_177 : i32
          %add3A_181 = arith.addi %select_n3A_180, %select_n3A_14 : i32
          %ne3A = arith.cmpi ne, %add3A_155, %add3A_173 : i32
          %or3A = arith.constant false
          %or3A_182 = arith.ori %or3A, %ne3A : i1
          %sub3A_183 = arith.constant 2 : i32
          %sub3A_184 = arith.subi %mul3A_149, %sub3A_183 : i32
          %add3A_185 = arith.constant 1 : i32
          %add3A_186 = arith.addi %sub3A_184, %add3A_185 : i32
          %ge3A = arith.cmpi sge, %while3A_142, %add3A_186 : i32
          %not3A = arith.constant true
          %not3A_187 = arith.xori %ge3A, %not3A : i1
          %and3A = arith.andi %or3A_182, %not3A_187 : i1
          %convert_element_type3A_188 = arith.extui %and3A : i1 to i32
          %cond3A_189 = arith.constant 0 : i32
          %cond3A_190 = arith.cmpi ne, %convert_element_type3A_188, %cond3A_189 : i32
          scf.if %cond3A_190 {
            "tpu.trace_start"() <{level = 10 : i32, message = "ep_copy_in"}> : () -> ()
            %rem3A_294 = arith.constant 2 : i32
            %rem3A_295 = arith.remui %while3A_143, %rem3A_294 : i32
            %mul3A_296 = arith.constant 128 : i32
            %mul3A_297 = arith.muli %mul3A_296, %add3A_173 : i32
            %dma_start3A_298 = arith.constant 0 : i32
            %dma_start3A_299 = arith.constant 0 : i32
            %dma_start3A_300 = tpu.memref_slice %run_scoped3A[%rem3A_295, %dma_start3A_298, %dma_start3A_299] : memref<2x1x128xi32, #tpu.memory_space<vmem>> -> memref<1x1x128xi32, #tpu.memory_space<vmem>>
            %dma_start3A_301 = tpu.memref_squeeze %dma_start3A_300 : memref<1x1x128xi32, #tpu.memory_space<vmem>> -> memref<1x128xi32, #tpu.memory_space<vmem>>
            %dma_start3A_302 = arith.constant 0 : i32
            %dma_start3A_303 = tpu.memref_slice %arg3[%dma_start3A_302, %mul3A_297] : memref<1x16000xi32, #tpu.memory_space<hbm>> -> memref<1x128xi32, #tpu.memory_space<hbm>>
            %dma_start3A_304 = tpu.memref_slice %run_scoped3A_17[%rem3A_295] : memref<2x!tpu.dma_semaphore, #tpu.memory_space<semaphore_mem>> -> memref<1x!tpu.dma_semaphore, #tpu.memory_space<semaphore_mem>>
            %dma_start3A_305 = tpu.memref_squeeze %dma_start3A_304 : memref<1x!tpu.dma_semaphore, #tpu.memory_space<semaphore_mem>> -> memref<!tpu.dma_semaphore, #tpu.memory_space<semaphore_mem>>
            %dma_start3A_306 = arith.constant 0 : i32
            %dma_start3A_307 = arith.constant 0 : i32
            %dma_start3A_308 = tpu.memref_slice %run_scoped3A[%rem3A_295, %dma_start3A_306, %dma_start3A_307] : memref<2x1x128xi32, #tpu.memory_space<vmem>> -> memref<1x1x128xi32, #tpu.memory_space<vmem>>
            %dma_start3A_309 = tpu.memref_squeeze %dma_start3A_308 : memref<1x1x128xi32, #tpu.memory_space<vmem>> -> memref<1x128xi32, #tpu.memory_space<vmem>>
            %dma_start3A_310 = arith.constant 0 : i32
            %dma_start3A_311 = tpu.memref_slice %arg3[%dma_start3A_310, %mul3A_297] : memref<1x16000xi32, #tpu.memory_space<hbm>> -> memref<1x128xi32, #tpu.memory_space<hbm>>
            tpu.enqueue_dma source(%dma_start3A_311 : memref<1x128xi32, #tpu.memory_space<hbm>>) target(%dma_start3A_309 : memref<1x128xi32, #tpu.memory_space<vmem>>) target_semaphore(%dma_start3A_305 : memref<!tpu.dma_semaphore, #tpu.memory_space<semaphore_mem>>)
            "tpu.trace_stop"() : () -> ()
          } else {
          }
          %and3A_191 = arith.constant true
          %and3A_192 = arith.andi %and3A, %and3A_191 : i1
          %add3A_193 = arith.constant 1 : i32
          %add3A_194 = arith.addi %while3A_143, %add3A_193 : i32
          %select_n3A_195 = arith.select %and3A_192, %add3A_194, %while3A_143 : i32
          %ne3A_196 = arith.cmpi ne, %add3A_155, %add3A_173 : i32
          %or3A_197 = arith.constant false
          %or3A_198 = arith.ori %or3A_197, %ne3A_196 : i1
          %or3A_199 = arith.constant false
          %or3A_200 = arith.ori %or3A_198, %or3A_199 : i1
          %sub3A_201 = arith.constant 2 : i32
          %sub3A_202 = arith.subi %mul3A_149, %sub3A_201 : i32
          %add3A_203 = arith.constant 1 : i32
          %add3A_204 = arith.addi %sub3A_202, %add3A_203 : i32
          %ge3A_205 = arith.cmpi sge, %while3A_142, %add3A_204 : i32
          %not3A_206 = arith.constant true
          %not3A_207 = arith.xori %ge3A_205, %not3A_206 : i1
          %and3A_208 = arith.andi %or3A_200, %not3A_207 : i1
          %ne3A_209 = arith.cmpi ne, %add3A_155, %add3A_165 : i32
          %or3A_210 = arith.constant false
          %or3A_211 = arith.ori %or3A_210, %ne3A_209 : i1
          %or3A_212 = arith.ori %or3A_211, %eq3A_151 : i1
          %convert_element_type3A_213 = arith.extui %or3A_212 : i1 to i32
          %cond3A_214 = arith.constant 0 : i32
          %cond3A_215 = arith.cmpi ne, %convert_element_type3A_213, %cond3A_214 : i32
          scf.if %cond3A_215 {
            "tpu.trace_start"() <{level = 10 : i32, message = "ep_wait_in"}> : () -> ()
            %mul3A_294 = arith.constant 128 : i32
            %mul3A_295 = arith.muli %mul3A_294, %add3A_155 : i32
            %rem3A_296 = arith.constant 2 : i32
            %rem3A_297 = arith.remui %while3A_144, %rem3A_296 : i32
            %dma_wait3A = arith.constant 0 : i32
            %dma_wait3A_298 = arith.constant 0 : i32
            %dma_wait3A_299 = tpu.memref_slice %run_scoped3A[%rem3A_297, %dma_wait3A, %dma_wait3A_298] : memref<2x1x128xi32, #tpu.memory_space<vmem>> -> memref<1x1x128xi32, #tpu.memory_space<vmem>>
            %dma_wait3A_300 = tpu.memref_squeeze %dma_wait3A_299 : memref<1x1x128xi32, #tpu.memory_space<vmem>> -> memref<1x128xi32, #tpu.memory_space<vmem>>
            %dma_wait3A_301 = arith.constant 0 : i32
            %dma_wait3A_302 = tpu.memref_slice %arg3[%dma_wait3A_301, %mul3A_295] : memref<1x16000xi32, #tpu.memory_space<hbm>> -> memref<1x128xi32, #tpu.memory_space<hbm>>
            %dma_wait3A_303 = tpu.memref_slice %run_scoped3A_17[%rem3A_297] : memref<2x!tpu.dma_semaphore, #tpu.memory_space<semaphore_mem>> -> memref<1x!tpu.dma_semaphore, #tpu.memory_space<semaphore_mem>>
            %dma_wait3A_304 = tpu.memref_squeeze %dma_wait3A_303 : memref<1x!tpu.dma_semaphore, #tpu.memory_space<semaphore_mem>> -> memref<!tpu.dma_semaphore, #tpu.memory_space<semaphore_mem>>
            %dma_wait3A_305 = arith.constant 0 : i32
            %dma_wait3A_306 = arith.constant 0 : i32
            %dma_wait3A_307 = tpu.memref_slice %run_scoped3A[%rem3A_297, %dma_wait3A_305, %dma_wait3A_306] : memref<2x1x128xi32, #tpu.memory_space<vmem>> -> memref<1x1x128xi32, #tpu.memory_space<vmem>>
            %dma_wait3A_308 = tpu.memref_squeeze %dma_wait3A_307 : memref<1x1x128xi32, #tpu.memory_space<vmem>> -> memref<1x128xi32, #tpu.memory_space<vmem>>
            %dma_wait3A_309 = arith.constant 0 : i32
            %dma_wait3A_310 = tpu.memref_slice %arg3[%dma_wait3A_309, %mul3A_295] : memref<1x16000xi32, #tpu.memory_space<hbm>> -> memref<1x128xi32, #tpu.memory_space<hbm>>
            tpu.wait_dma2 semaphore(%dma_wait3A_304 : memref<!tpu.dma_semaphore, #tpu.memory_space<semaphore_mem>>) src(%dma_wait3A_310 : memref<1x128xi32, #tpu.memory_space<hbm>>) dst(%dma_wait3A_308 : memref<1x128xi32, #tpu.memory_space<vmem>>)
            "tpu.trace_stop"() : () -> ()
          } else {
          }
          %ne3A_216 = arith.cmpi ne, %add3A_155, %add3A_165 : i32
          %or3A_217 = arith.constant false
          %or3A_218 = arith.ori %or3A_217, %ne3A_216 : i1
          %or3A_219 = arith.constant false
          %or3A_220 = arith.ori %or3A_218, %or3A_219 : i1
          %or3A_221 = arith.ori %or3A_220, %eq3A_151 : i1
          %convert_element_type3A_222 = arith.extui %or3A_221 : i1 to i32
          %cond3A_223 = arith.constant 0 : i32
          %cond3A_224 = arith.cmpi ne, %convert_element_type3A_222, %cond3A_223 : i32
          scf.if %cond3A_224 {
          } else {
          }
          %rem3A_225 = arith.constant 2 : i32
          %rem3A_226 = arith.remui %while3A_144, %rem3A_225 : i32
          %rem3A_227 = arith.constant 2 : i32
          %rem3A_228 = arith.remui %while3A_145, %rem3A_227 : i32
          %run_scoped3A_229 = arith.constant 0 : i32
          "tpu.trace_start"() <{level = 10 : i32, message = "ep_run_kernel"}> : () -> ()
          "tpu.region"() ({
            %run_scoped3A_294 = tpu.sem_alloc : memref<!tpu.dma_semaphore, #tpu.memory_space<semaphore_mem>>
            %dma_start3A_295 = arith.constant 0 : i32
            %dma_start3A_296 = arith.constant 0 : i32
            %dma_start3A_297 = tpu.memref_slice %run_scoped3A_18[%rem3A_228, %dma_start3A_295, %dma_start3A_296] : memref<2x128x128xf32, #tpu.memory_space<vmem>> -> memref<1x128x128xf32, #tpu.memory_space<vmem>>
            %dma_start3A_298 = tpu.memref_squeeze %dma_start3A_297 : memref<1x128x128xf32, #tpu.memory_space<vmem>> -> memref<128x128xf32, #tpu.memory_space<vmem>>
            %dma_start3A_299 = arith.constant 0 : i32
            %dma_start3A_300 = arith.constant 0 : i32
            %dma_start3A_301 = tpu.memref_slice %run_scoped3A[%rem3A_226, %dma_start3A_299, %dma_start3A_300] : memref<2x1x128xi32, #tpu.memory_space<vmem>> -> memref<1x1x128xi32, #tpu.memory_space<vmem>>
            %dma_start3A_302 = tpu.memref_squeeze %dma_start3A_301 : memref<1x1x128xi32, #tpu.memory_space<vmem>> -> memref<1x128xi32, #tpu.memory_space<vmem>>
            %dma_start3A_303 = arith.constant 0 : i32
            %dma_start3A_304 = tpu.memref_slice %dma_start3A_302[%run_scoped3A_229, %dma_start3A_303] : memref<1x128xi32, #tpu.memory_space<vmem>> -> memref<1x128xi32, #tpu.memory_space<vmem>>
            %dma_start3A_305 = tpu.memref_squeeze %dma_start3A_304 : memref<1x128xi32, #tpu.memory_space<vmem>> -> memref<128xi32, #tpu.memory_space<vmem>>
            %dma_start3A_306 = arith.constant 0 : i32
            %dma_start3A_307 = arith.constant 0 : i32
            %dma_start3A_308 = tpu.memref_slice %arg2[%dma_start3A_306, %dma_start3A_307] : memref<8000x128xf32, #tpu.memory_space<hbm>> -> memref<8000x128xf32, #tpu.memory_space<hbm>>
            tpu.enqueue_indirect_dma source(%dma_start3A_308 : memref<8000x128xf32, #tpu.memory_space<hbm>>) target(%dma_start3A_298 : memref<128x128xf32, #tpu.memory_space<vmem>>) offsets(%dma_start3A_305 : memref<128xi32, #tpu.memory_space<vmem>>) semaphore(%run_scoped3A_294 : memref<!tpu.dma_semaphore, #tpu.memory_space<semaphore_mem>>)
            %dma_wait3A = arith.constant 0 : i32
            %dma_wait3A_309 = arith.constant 0 : i32
            %dma_wait3A_310 = tpu.memref_slice %run_scoped3A_18[%rem3A_228, %dma_wait3A, %dma_wait3A_309] : memref<2x128x128xf32, #tpu.memory_space<vmem>> -> memref<1x128x128xf32, #tpu.memory_space<vmem>>
            %dma_wait3A_311 = tpu.memref_squeeze %dma_wait3A_310 : memref<1x128x128xf32, #tpu.memory_space<vmem>> -> memref<128x128xf32, #tpu.memory_space<vmem>>
            %dma_wait3A_312 = arith.constant 0 : i32
            %dma_wait3A_313 = arith.constant 0 : i32
            %dma_wait3A_314 = tpu.memref_slice %run_scoped3A[%rem3A_226, %dma_wait3A_312, %dma_wait3A_313] : memref<2x1x128xi32, #tpu.memory_space<vmem>> -> memref<1x1x128xi32, #tpu.memory_space<vmem>>
            %dma_wait3A_315 = tpu.memref_squeeze %dma_wait3A_314 : memref<1x1x128xi32, #tpu.memory_space<vmem>> -> memref<1x128xi32, #tpu.memory_space<vmem>>
            %dma_wait3A_316 = arith.constant 0 : i32
            %dma_wait3A_317 = tpu.memref_slice %dma_wait3A_315[%run_scoped3A_229, %dma_wait3A_316] : memref<1x128xi32, #tpu.memory_space<vmem>> -> memref<1x128xi32, #tpu.memory_space<vmem>>
            %dma_wait3A_318 = tpu.memref_squeeze %dma_wait3A_317 : memref<1x128xi32, #tpu.memory_space<vmem>> -> memref<128xi32, #tpu.memory_space<vmem>>
            %dma_wait3A_319 = arith.constant 0 : i32
            %dma_wait3A_320 = arith.constant 0 : i32
            %dma_wait3A_321 = tpu.memref_slice %arg2[%dma_wait3A_319, %dma_wait3A_320] : memref<8000x128xf32, #tpu.memory_space<hbm>> -> memref<8000x128xf32, #tpu.memory_space<hbm>>
            tpu.wait_indirect_dma semaphore(%run_scoped3A_294 : memref<!tpu.dma_semaphore, #tpu.memory_space<semaphore_mem>>) src(%dma_wait3A_321 : memref<8000x128xf32, #tpu.memory_space<hbm>>) dst(%dma_wait3A_311 : memref<128x128xf32, #tpu.memory_space<vmem>>)
            tpu.yield
          }) : () -> ()
          "tpu.trace_stop"() : () -> ()
          %ne3A_230 = arith.cmpi ne, %add3A_155, %add3A_173 : i32
          %or3A_231 = arith.constant false
          %or3A_232 = arith.ori %or3A_231, %ne3A_230 : i1
          %or3A_233 = arith.ori %or3A_232, %eq3A_154 : i1
          %convert_element_type3A_234 = arith.extui %or3A_233 : i1 to i32
          %cond3A_235 = arith.constant 0 : i32
          %cond3A_236 = arith.cmpi ne, %convert_element_type3A_234, %cond3A_235 : i32
          scf.if %cond3A_236 {
          } else {
          }
          %and3A_237 = arith.constant false
          %and3A_238 = arith.andi %or3A_233, %and3A_237 : i1
          %ne3A_239 = arith.cmpi ne, %add3A_155, %add3A_173 : i32
          %or3A_240 = arith.constant false
          %or3A_241 = arith.ori %or3A_240, %ne3A_239 : i1
          %or3A_242 = arith.constant false
          %or3A_243 = arith.ori %or3A_241, %or3A_242 : i1
          %or3A_244 = arith.ori %or3A_243, %eq3A_154 : i1
          %convert_element_type3A_245 = arith.extui %or3A_244 : i1 to i32
          %cond3A_246 = arith.constant 0 : i32
          %cond3A_247 = arith.cmpi ne, %convert_element_type3A_245, %cond3A_246 : i32
          scf.if %cond3A_247 {
            "tpu.trace_start"() <{level = 10 : i32, message = "ep_copy_out"}> : () -> ()
            %rem3A_294 = arith.constant 2 : i32
            %rem3A_295 = arith.remui %while3A_145, %rem3A_294 : i32
            %mul3A_296 = arith.constant 128 : i32
            %mul3A_297 = arith.muli %mul3A_296, %add3A_155 : i32
            %dma_start3A_298 = arith.constant 0 : i32
            %dma_start3A_299 = arith.constant 0 : i32
            %dma_start3A_300 = tpu.memref_slice %run_scoped3A_18[%rem3A_295, %dma_start3A_298, %dma_start3A_299] : memref<2x128x128xf32, #tpu.memory_space<vmem>> -> memref<1x128x128xf32, #tpu.memory_space<vmem>>
            %dma_start3A_301 = tpu.memref_squeeze %dma_start3A_300 : memref<1x128x128xf32, #tpu.memory_space<vmem>> -> memref<128x128xf32, #tpu.memory_space<vmem>>
            %dma_start3A_302 = arith.constant 0 : i32
            %dma_start3A_303 = tpu.memref_slice %arg4[%mul3A_297, %dma_start3A_302] : memref<16000x128xf32, #tpu.memory_space<hbm>> -> memref<128x128xf32, #tpu.memory_space<hbm>>
            %dma_start3A_304 = tpu.memref_slice %run_scoped3A_19[%rem3A_295] : memref<2x!tpu.dma_semaphore, #tpu.memory_space<semaphore_mem>> -> memref<1x!tpu.dma_semaphore, #tpu.memory_space<semaphore_mem>>
            %dma_start3A_305 = tpu.memref_squeeze %dma_start3A_304 : memref<1x!tpu.dma_semaphore, #tpu.memory_space<semaphore_mem>> -> memref<!tpu.dma_semaphore, #tpu.memory_space<semaphore_mem>>
            %dma_start3A_306 = arith.constant 0 : i32
            %dma_start3A_307 = tpu.memref_slice %arg4[%mul3A_297, %dma_start3A_306] : memref<16000x128xf32, #tpu.memory_space<hbm>> -> memref<128x128xf32, #tpu.memory_space<hbm>>
            %dma_start3A_308 = arith.constant 0 : i32
            %dma_start3A_309 = arith.constant 0 : i32
            %dma_start3A_310 = tpu.memref_slice %run_scoped3A_18[%rem3A_295, %dma_start3A_308, %dma_start3A_309] : memref<2x128x128xf32, #tpu.memory_space<vmem>> -> memref<1x128x128xf32, #tpu.memory_space<vmem>>
            %dma_start3A_311 = tpu.memref_squeeze %dma_start3A_310 : memref<1x128x128xf32, #tpu.memory_space<vmem>> -> memref<128x128xf32, #tpu.memory_space<vmem>>
            tpu.enqueue_dma source(%dma_start3A_311 : memref<128x128xf32, #tpu.memory_space<vmem>>) target(%dma_start3A_307 : memref<128x128xf32, #tpu.memory_space<hbm>>) target_semaphore(%dma_start3A_305 : memref<!tpu.dma_semaphore, #tpu.memory_space<semaphore_mem>>)
            "tpu.trace_stop"() : () -> ()
          } else {
          }
          %and3A_248 = arith.constant true
          %and3A_249 = arith.andi %or3A_244, %and3A_248 : i1
          %add3A_250 = arith.constant 1 : i32
          %add3A_251 = arith.addi %while3A_145, %add3A_250 : i32
          %select_n3A_252 = arith.select %and3A_249, %add3A_251, %while3A_145 : i32
          %ne3A_253 = arith.cmpi ne, %add3A_155, %add3A_165 : i32
          %or3A_254 = arith.constant false
          %or3A_255 = arith.ori %or3A_254, %ne3A_253 : i1
          %not3A_256 = arith.constant true
          %not3A_257 = arith.xori %eq3A_151, %not3A_256 : i1
          %and3A_258 = arith.andi %or3A_255, %not3A_257 : i1
          %convert_element_type3A_259 = arith.extui %and3A_258 : i1 to i32
          %cond3A_260 = arith.constant 0 : i32
          %cond3A_261 = arith.cmpi ne, %convert_element_type3A_259, %cond3A_260 : i32
          scf.if %cond3A_261 {
          } else {
          }
          %and3A_262 = arith.constant false
          %and3A_263 = arith.andi %and3A_258, %and3A_262 : i1
          %ne3A_264 = arith.cmpi ne, %add3A_155, %add3A_165 : i32
          %or3A_265 = arith.constant false
          %or3A_266 = arith.ori %or3A_265, %ne3A_264 : i1
          %or3A_267 = arith.constant false
          %or3A_268 = arith.ori %or3A_266, %or3A_267 : i1
          %not3A_269 = arith.constant true
          %not3A_270 = arith.xori %eq3A_151, %not3A_269 : i1
          %and3A_271 = arith.andi %or3A_268, %not3A_270 : i1
          %convert_element_type3A_272 = arith.extui %and3A_271 : i1 to i32
          %cond3A_273 = arith.constant 0 : i32
          %cond3A_274 = arith.cmpi ne, %convert_element_type3A_272, %cond3A_273 : i32
          scf.if %cond3A_274 {
            "tpu.trace_start"() <{level = 10 : i32, message = "ep_wait_out"}> : () -> ()
            %rem3A_294 = arith.constant 2 : i32
            %rem3A_295 = arith.remui %while3A_146, %rem3A_294 : i32
            %mul3A_296 = arith.constant 128 : i32
            %mul3A_297 = arith.muli %mul3A_296, %add3A_165 : i32
            %dma_wait3A = arith.constant 0 : i32
            %dma_wait3A_298 = arith.constant 0 : i32
            %dma_wait3A_299 = tpu.memref_slice %run_scoped3A_18[%rem3A_295, %dma_wait3A, %dma_wait3A_298] : memref<2x128x128xf32, #tpu.memory_space<vmem>> -> memref<1x128x128xf32, #tpu.memory_space<vmem>>
            %dma_wait3A_300 = tpu.memref_squeeze %dma_wait3A_299 : memref<1x128x128xf32, #tpu.memory_space<vmem>> -> memref<128x128xf32, #tpu.memory_space<vmem>>
            %dma_wait3A_301 = arith.constant 0 : i32
            %dma_wait3A_302 = tpu.memref_slice %arg4[%mul3A_297, %dma_wait3A_301] : memref<16000x128xf32, #tpu.memory_space<hbm>> -> memref<128x128xf32, #tpu.memory_space<hbm>>
            %dma_wait3A_303 = tpu.memref_slice %run_scoped3A_19[%rem3A_295] : memref<2x!tpu.dma_semaphore, #tpu.memory_space<semaphore_mem>> -> memref<1x!tpu.dma_semaphore, #tpu.memory_space<semaphore_mem>>
            %dma_wait3A_304 = tpu.memref_squeeze %dma_wait3A_303 : memref<1x!tpu.dma_semaphore, #tpu.memory_space<semaphore_mem>> -> memref<!tpu.dma_semaphore, #tpu.memory_space<semaphore_mem>>
            %dma_wait3A_305 = arith.constant 0 : i32
            %dma_wait3A_306 = tpu.memref_slice %arg4[%mul3A_297, %dma_wait3A_305] : memref<16000x128xf32, #tpu.memory_space<hbm>> -> memref<128x128xf32, #tpu.memory_space<hbm>>
            %dma_wait3A_307 = arith.constant 0 : i32
            %dma_wait3A_308 = arith.constant 0 : i32
            %dma_wait3A_309 = tpu.memref_slice %run_scoped3A_18[%rem3A_295, %dma_wait3A_307, %dma_wait3A_308] : memref<2x128x128xf32, #tpu.memory_space<vmem>> -> memref<1x128x128xf32, #tpu.memory_space<vmem>>
            %dma_wait3A_310 = tpu.memref_squeeze %dma_wait3A_309 : memref<1x128x128xf32, #tpu.memory_space<vmem>> -> memref<128x128xf32, #tpu.memory_space<vmem>>
            tpu.wait_dma2 semaphore(%dma_wait3A_304 : memref<!tpu.dma_semaphore, #tpu.memory_space<semaphore_mem>>) src(%dma_wait3A_310 : memref<128x128xf32, #tpu.memory_space<vmem>>) dst(%dma_wait3A_306 : memref<128x128xf32, #tpu.memory_space<hbm>>)
            "tpu.trace_stop"() : () -> ()
          } else {
          }
          %and3A_275 = arith.constant true
          %and3A_276 = arith.andi %and3A_271, %and3A_275 : i1
          %add3A_277 = arith.constant 1 : i32
          %add3A_278 = arith.addi %while3A_146, %add3A_277 : i32
          %select_n3A_279 = arith.select %and3A_276, %add3A_278, %while3A_146 : i32
          %ne3A_280 = arith.cmpi ne, %add3A_155, %add3A_173 : i32
          %or3A_281 = arith.constant false
          %or3A_282 = arith.ori %or3A_281, %ne3A_280 : i1
          %or3A_283 = arith.ori %or3A_282, %eq3A_154 : i1
          %add3A_284 = arith.constant 1 : i32
          %add3A_285 = arith.addi %while3A_144, %add3A_284 : i32
          %select_n3A_286 = arith.select %or3A_283, %add3A_285, %while3A_144 : i32
          %add3A_287 = arith.constant 1 : i32
          %add3A_288 = arith.addi %while3A_147, %add3A_287 : i32
          %select_n3A_289 = arith.constant true
          %select_n3A_290 = arith.select %select_n3A_289, %add3A_288, %while3A_147 : i32
          %eq3A_291 = arith.cmpi eq, %select_n3A_290, %select_n3A : i32
          %select_n3A_292 = arith.constant 0 : i32
          %select_n3A_293 = arith.select %eq3A_291, %select_n3A_292, %select_n3A_290 : i32
          scf.yield %select_n3A_195, %select_n3A_286, %select_n3A_252, %select_n3A_279, %select_n3A_293 : i32, i32, i32, i32, i32
        }
        %while3A_89 = arith.constant 1 : i32
        %while3A_90:5 = scf.for %while3A_142 = %while3A_86 to %while3A_82 step %while3A_89 iter_args(%while3A_143 = %while3A_88#0, %while3A_144 = %while3A_88#1, %while3A_145 = %while3A_88#2, %while3A_146 = %while3A_88#3, %while3A_147 = %while3A_88#4) -> (i32, i32, i32, i32, i32)  : i32 {
          %mul3A_148 = arith.constant 1 : i32
          %mul3A_149 = arith.muli %mul3A_148, %select_n3A : i32
          %eq3A_150 = arith.constant 0 : i32
          %eq3A_151 = arith.cmpi eq, %while3A_142, %eq3A_150 : i32
          %sub3A_152 = arith.constant 1 : i32
          %sub3A_153 = arith.subi %mul3A_149, %sub3A_152 : i32
          %eq3A_154 = arith.cmpi eq, %while3A_142, %sub3A_153 : i32
          %add3A_155 = arith.addi %while3A_147, %select_n3A_14 : i32
          %sub3A_156 = arith.constant 1 : i32
          %sub3A_157 = arith.subi %while3A_147, %sub3A_156 : i32
          %select_n3A_158 = arith.constant true
          %select_n3A_159 = arith.select %select_n3A_158, %sub3A_157, %while3A_147 : i32
          %eq3A_160 = arith.constant -1 : i32
          %eq3A_161 = arith.cmpi eq, %select_n3A_159, %eq3A_160 : i32
          %sub3A_162 = arith.constant 1 : i32
          %sub3A_163 = arith.subi %select_n3A, %sub3A_162 : i32
          %select_n3A_164 = arith.select %eq3A_161, %sub3A_163, %select_n3A_159 : i32
          %add3A_165 = arith.addi %select_n3A_164, %select_n3A_14 : i32
          %add3A_166 = arith.constant 1 : i32
          %add3A_167 = arith.addi %while3A_147, %add3A_166 : i32
          %select_n3A_168 = arith.constant true
          %select_n3A_169 = arith.select %select_n3A_168, %add3A_167, %while3A_147 : i32
          %eq3A_170 = arith.cmpi eq, %select_n3A_169, %select_n3A : i32
          %select_n3A_171 = arith.constant 0 : i32
          %select_n3A_172 = arith.select %eq3A_170, %select_n3A_171, %select_n3A_169 : i32
          %add3A_173 = arith.addi %select_n3A_172, %select_n3A_14 : i32
          %add3A_174 = arith.constant 1 : i32
          %add3A_175 = arith.addi %select_n3A_172, %add3A_174 : i32
          %select_n3A_176 = arith.constant true
          %select_n3A_177 = arith.select %select_n3A_176, %add3A_175, %select_n3A_172 : i32
          %eq3A_178 = arith.cmpi eq, %select_n3A_177, %select_n3A : i32
          %select_n3A_179 = arith.constant 0 : i32
          %select_n3A_180 = arith.select %eq3A_178, %select_n3A_179, %select_n3A_177 : i32
          %add3A_181 = arith.addi %select_n3A_180, %select_n3A_14 : i32
          %ne3A = arith.cmpi ne, %add3A_155, %add3A_173 : i32
          %or3A = arith.constant false
          %or3A_182 = arith.ori %or3A, %ne3A : i1
          %sub3A_183 = arith.constant 2 : i32
          %sub3A_184 = arith.subi %mul3A_149, %sub3A_183 : i32
          %add3A_185 = arith.constant 1 : i32
          %add3A_186 = arith.addi %sub3A_184, %add3A_185 : i32
          %ge3A = arith.cmpi sge, %while3A_142, %add3A_186 : i32
          %not3A = arith.constant true
          %not3A_187 = arith.xori %ge3A, %not3A : i1
          %and3A = arith.andi %or3A_182, %not3A_187 : i1
          %convert_element_type3A_188 = arith.extui %and3A : i1 to i32
          %cond3A_189 = arith.constant 0 : i32
          %cond3A_190 = arith.cmpi ne, %convert_element_type3A_188, %cond3A_189 : i32
          scf.if %cond3A_190 {
            "tpu.trace_start"() <{level = 10 : i32, message = "ep_copy_in"}> : () -> ()
            %rem3A_294 = arith.constant 2 : i32
            %rem3A_295 = arith.remui %while3A_143, %rem3A_294 : i32
            %mul3A_296 = arith.constant 128 : i32
            %mul3A_297 = arith.muli %mul3A_296, %add3A_173 : i32
            %dma_start3A_298 = arith.constant 0 : i32
            %dma_start3A_299 = arith.constant 0 : i32
            %dma_start3A_300 = tpu.memref_slice %run_scoped3A[%rem3A_295, %dma_start3A_298, %dma_start3A_299] : memref<2x1x128xi32, #tpu.memory_space<vmem>> -> memref<1x1x128xi32, #tpu.memory_space<vmem>>
            %dma_start3A_301 = tpu.memref_squeeze %dma_start3A_300 : memref<1x1x128xi32, #tpu.memory_space<vmem>> -> memref<1x128xi32, #tpu.memory_space<vmem>>
            %dma_start3A_302 = arith.constant 0 : i32
            %dma_start3A_303 = tpu.memref_slice %arg3[%dma_start3A_302, %mul3A_297] : memref<1x16000xi32, #tpu.memory_space<hbm>> -> memref<1x128xi32, #tpu.memory_space<hbm>>
            %dma_start3A_304 = tpu.memref_slice %run_scoped3A_17[%rem3A_295] : memref<2x!tpu.dma_semaphore, #tpu.memory_space<semaphore_mem>> -> memref<1x!tpu.dma_semaphore, #tpu.memory_space<semaphore_mem>>
            %dma_start3A_305 = tpu.memref_squeeze %dma_start3A_304 : memref<1x!tpu.dma_semaphore, #tpu.memory_space<semaphore_mem>> -> memref<!tpu.dma_semaphore, #tpu.memory_space<semaphore_mem>>
            %dma_start3A_306 = arith.constant 0 : i32
            %dma_start3A_307 = arith.constant 0 : i32
            %dma_start3A_308 = tpu.memref_slice %run_scoped3A[%rem3A_295, %dma_start3A_306, %dma_start3A_307] : memref<2x1x128xi32, #tpu.memory_space<vmem>> -> memref<1x1x128xi32, #tpu.memory_space<vmem>>
            %dma_start3A_309 = tpu.memref_squeeze %dma_start3A_308 : memref<1x1x128xi32, #tpu.memory_space<vmem>> -> memref<1x128xi32, #tpu.memory_space<vmem>>
            %dma_start3A_310 = arith.constant 0 : i32
            %dma_start3A_311 = tpu.memref_slice %arg3[%dma_start3A_310, %mul3A_297] : memref<1x16000xi32, #tpu.memory_space<hbm>> -> memref<1x128xi32, #tpu.memory_space<hbm>>
            tpu.enqueue_dma source(%dma_start3A_311 : memref<1x128xi32, #tpu.memory_space<hbm>>) target(%dma_start3A_309 : memref<1x128xi32, #tpu.memory_space<vmem>>) target_semaphore(%dma_start3A_305 : memref<!tpu.dma_semaphore, #tpu.memory_space<semaphore_mem>>)
            "tpu.trace_stop"() : () -> ()
          } else {
          }
          %and3A_191 = arith.constant true
          %and3A_192 = arith.andi %and3A, %and3A_191 : i1
          %add3A_193 = arith.constant 1 : i32
          %add3A_194 = arith.addi %while3A_143, %add3A_193 : i32
          %select_n3A_195 = arith.select %and3A_192, %add3A_194, %while3A_143 : i32
          %ne3A_196 = arith.cmpi ne, %add3A_155, %add3A_173 : i32
          %or3A_197 = arith.constant false
          %or3A_198 = arith.ori %or3A_197, %ne3A_196 : i1
          %or3A_199 = arith.constant false
          %or3A_200 = arith.ori %or3A_198, %or3A_199 : i1
          %sub3A_201 = arith.constant 2 : i32
          %sub3A_202 = arith.subi %mul3A_149, %sub3A_201 : i32
          %add3A_203 = arith.constant 1 : i32
          %add3A_204 = arith.addi %sub3A_202, %add3A_203 : i32
          %ge3A_205 = arith.cmpi sge, %while3A_142, %add3A_204 : i32
          %not3A_206 = arith.constant true
          %not3A_207 = arith.xori %ge3A_205, %not3A_206 : i1
          %and3A_208 = arith.andi %or3A_200, %not3A_207 : i1
          %ne3A_209 = arith.cmpi ne, %add3A_155, %add3A_165 : i32
          %or3A_210 = arith.constant false
          %or3A_211 = arith.ori %or3A_210, %ne3A_209 : i1
          %or3A_212 = arith.ori %or3A_211, %eq3A_151 : i1
          %convert_element_type3A_213 = arith.extui %or3A_212 : i1 to i32
          %cond3A_214 = arith.constant 0 : i32
          %cond3A_215 = arith.cmpi ne, %convert_element_type3A_213, %cond3A_214 : i32
          scf.if %cond3A_215 {
            "tpu.trace_start"() <{level = 10 : i32, message = "ep_wait_in"}> : () -> ()
            %mul3A_294 = arith.constant 128 : i32
            %mul3A_295 = arith.muli %mul3A_294, %add3A_155 : i32
            %rem3A_296 = arith.constant 2 : i32
            %rem3A_297 = arith.remui %while3A_144, %rem3A_296 : i32
            %dma_wait3A = arith.constant 0 : i32
            %dma_wait3A_298 = arith.constant 0 : i32
            %dma_wait3A_299 = tpu.memref_slice %run_scoped3A[%rem3A_297, %dma_wait3A, %dma_wait3A_298] : memref<2x1x128xi32, #tpu.memory_space<vmem>> -> memref<1x1x128xi32, #tpu.memory_space<vmem>>
            %dma_wait3A_300 = tpu.memref_squeeze %dma_wait3A_299 : memref<1x1x128xi32, #tpu.memory_space<vmem>> -> memref<1x128xi32, #tpu.memory_space<vmem>>
            %dma_wait3A_301 = arith.constant 0 : i32
            %dma_wait3A_302 = tpu.memref_slice %arg3[%dma_wait3A_301, %mul3A_295] : memref<1x16000xi32, #tpu.memory_space<hbm>> -> memref<1x128xi32, #tpu.memory_space<hbm>>
            %dma_wait3A_303 = tpu.memref_slice %run_scoped3A_17[%rem3A_297] : memref<2x!tpu.dma_semaphore, #tpu.memory_space<semaphore_mem>> -> memref<1x!tpu.dma_semaphore, #tpu.memory_space<semaphore_mem>>
            %dma_wait3A_304 = tpu.memref_squeeze %dma_wait3A_303 : memref<1x!tpu.dma_semaphore, #tpu.memory_space<semaphore_mem>> -> memref<!tpu.dma_semaphore, #tpu.memory_space<semaphore_mem>>
            %dma_wait3A_305 = arith.constant 0 : i32
            %dma_wait3A_306 = arith.constant 0 : i32
            %dma_wait3A_307 = tpu.memref_slice %run_scoped3A[%rem3A_297, %dma_wait3A_305, %dma_wait3A_306] : memref<2x1x128xi32, #tpu.memory_space<vmem>> -> memref<1x1x128xi32, #tpu.memory_space<vmem>>
            %dma_wait3A_308 = tpu.memref_squeeze %dma_wait3A_307 : memref<1x1x128xi32, #tpu.memory_space<vmem>> -> memref<1x128xi32, #tpu.memory_space<vmem>>
            %dma_wait3A_309 = arith.constant 0 : i32
            %dma_wait3A_310 = tpu.memref_slice %arg3[%dma_wait3A_309, %mul3A_295] : memref<1x16000xi32, #tpu.memory_space<hbm>> -> memref<1x128xi32, #tpu.memory_space<hbm>>
            tpu.wait_dma2 semaphore(%dma_wait3A_304 : memref<!tpu.dma_semaphore, #tpu.memory_space<semaphore_mem>>) src(%dma_wait3A_310 : memref<1x128xi32, #tpu.memory_space<hbm>>) dst(%dma_wait3A_308 : memref<1x128xi32, #tpu.memory_space<vmem>>)
            "tpu.trace_stop"() : () -> ()
          } else {
          }
          %ne3A_216 = arith.cmpi ne, %add3A_155, %add3A_165 : i32
          %or3A_217 = arith.constant false
          %or3A_218 = arith.ori %or3A_217, %ne3A_216 : i1
          %or3A_219 = arith.constant false
          %or3A_220 = arith.ori %or3A_218, %or3A_219 : i1
          %or3A_221 = arith.ori %or3A_220, %eq3A_151 : i1
          %convert_element_type3A_222 = arith.extui %or3A_221 : i1 to i32
          %cond3A_223 = arith.constant 0 : i32
          %cond3A_224 = arith.cmpi ne, %convert_element_type3A_222, %cond3A_223 : i32
          scf.if %cond3A_224 {
          } else {
          }
          %rem3A_225 = arith.constant 2 : i32
          %rem3A_226 = arith.remui %while3A_144, %rem3A_225 : i32
          %rem3A_227 = arith.constant 2 : i32
          %rem3A_228 = arith.remui %while3A_145, %rem3A_227 : i32
          %run_scoped3A_229 = arith.constant 0 : i32
          "tpu.trace_start"() <{level = 10 : i32, message = "ep_run_kernel"}> : () -> ()
          "tpu.region"() ({
            %run_scoped3A_294 = tpu.sem_alloc : memref<!tpu.dma_semaphore, #tpu.memory_space<semaphore_mem>>
            %dma_start3A_295 = arith.constant 0 : i32
            %dma_start3A_296 = arith.constant 0 : i32
            %dma_start3A_297 = tpu.memref_slice %run_scoped3A_18[%rem3A_228, %dma_start3A_295, %dma_start3A_296] : memref<2x128x128xf32, #tpu.memory_space<vmem>> -> memref<1x128x128xf32, #tpu.memory_space<vmem>>
            %dma_start3A_298 = tpu.memref_squeeze %dma_start3A_297 : memref<1x128x128xf32, #tpu.memory_space<vmem>> -> memref<128x128xf32, #tpu.memory_space<vmem>>
            %dma_start3A_299 = arith.constant 0 : i32
            %dma_start3A_300 = arith.constant 0 : i32
            %dma_start3A_301 = tpu.memref_slice %run_scoped3A[%rem3A_226, %dma_start3A_299, %dma_start3A_300] : memref<2x1x128xi32, #tpu.memory_space<vmem>> -> memref<1x1x128xi32, #tpu.memory_space<vmem>>
            %dma_start3A_302 = tpu.memref_squeeze %dma_start3A_301 : memref<1x1x128xi32, #tpu.memory_space<vmem>> -> memref<1x128xi32, #tpu.memory_space<vmem>>
            %dma_start3A_303 = arith.constant 0 : i32
            %dma_start3A_304 = tpu.memref_slice %dma_start3A_302[%run_scoped3A_229, %dma_start3A_303] : memref<1x128xi32, #tpu.memory_space<vmem>> -> memref<1x128xi32, #tpu.memory_space<vmem>>
            %dma_start3A_305 = tpu.memref_squeeze %dma_start3A_304 : memref<1x128xi32, #tpu.memory_space<vmem>> -> memref<128xi32, #tpu.memory_space<vmem>>
            %dma_start3A_306 = arith.constant 0 : i32
            %dma_start3A_307 = arith.constant 0 : i32
            %dma_start3A_308 = tpu.memref_slice %arg2[%dma_start3A_306, %dma_start3A_307] : memref<8000x128xf32, #tpu.memory_space<hbm>> -> memref<8000x128xf32, #tpu.memory_space<hbm>>
            tpu.enqueue_indirect_dma source(%dma_start3A_308 : memref<8000x128xf32, #tpu.memory_space<hbm>>) target(%dma_start3A_298 : memref<128x128xf32, #tpu.memory_space<vmem>>) offsets(%dma_start3A_305 : memref<128xi32, #tpu.memory_space<vmem>>) semaphore(%run_scoped3A_294 : memref<!tpu.dma_semaphore, #tpu.memory_space<semaphore_mem>>)
            %dma_wait3A = arith.constant 0 : i32
            %dma_wait3A_309 = arith.constant 0 : i32
            %dma_wait3A_310 = tpu.memref_slice %run_scoped3A_18[%rem3A_228, %dma_wait3A, %dma_wait3A_309] : memref<2x128x128xf32, #tpu.memory_space<vmem>> -> memref<1x128x128xf32, #tpu.memory_space<vmem>>
            %dma_wait3A_311 = tpu.memref_squeeze %dma_wait3A_310 : memref<1x128x128xf32, #tpu.memory_space<vmem>> -> memref<128x128xf32, #tpu.memory_space<vmem>>
            %dma_wait3A_312 = arith.constant 0 : i32
            %dma_wait3A_313 = arith.constant 0 : i32
            %dma_wait3A_314 = tpu.memref_slice %run_scoped3A[%rem3A_226, %dma_wait3A_312, %dma_wait3A_313] : memref<2x1x128xi32, #tpu.memory_space<vmem>> -> memref<1x1x128xi32, #tpu.memory_space<vmem>>
            %dma_wait3A_315 = tpu.memref_squeeze %dma_wait3A_314 : memref<1x1x128xi32, #tpu.memory_space<vmem>> -> memref<1x128xi32, #tpu.memory_space<vmem>>
            %dma_wait3A_316 = arith.constant 0 : i32
            %dma_wait3A_317 = tpu.memref_slice %dma_wait3A_315[%run_scoped3A_229, %dma_wait3A_316] : memref<1x128xi32, #tpu.memory_space<vmem>> -> memref<1x128xi32, #tpu.memory_space<vmem>>
            %dma_wait3A_318 = tpu.memref_squeeze %dma_wait3A_317 : memref<1x128xi32, #tpu.memory_space<vmem>> -> memref<128xi32, #tpu.memory_space<vmem>>
            %dma_wait3A_319 = arith.constant 0 : i32
            %dma_wait3A_320 = arith.constant 0 : i32
            %dma_wait3A_321 = tpu.memref_slice %arg2[%dma_wait3A_319, %dma_wait3A_320] : memref<8000x128xf32, #tpu.memory_space<hbm>> -> memref<8000x128xf32, #tpu.memory_space<hbm>>
            tpu.wait_indirect_dma semaphore(%run_scoped3A_294 : memref<!tpu.dma_semaphore, #tpu.memory_space<semaphore_mem>>) src(%dma_wait3A_321 : memref<8000x128xf32, #tpu.memory_space<hbm>>) dst(%dma_wait3A_311 : memref<128x128xf32, #tpu.memory_space<vmem>>)
            tpu.yield
          }) : () -> ()
          "tpu.trace_stop"() : () -> ()
          %ne3A_230 = arith.cmpi ne, %add3A_155, %add3A_173 : i32
          %or3A_231 = arith.constant false
          %or3A_232 = arith.ori %or3A_231, %ne3A_230 : i1
          %or3A_233 = arith.ori %or3A_232, %eq3A_154 : i1
          %convert_element_type3A_234 = arith.extui %or3A_233 : i1 to i32
          %cond3A_235 = arith.constant 0 : i32
          %cond3A_236 = arith.cmpi ne, %convert_element_type3A_234, %cond3A_235 : i32
          scf.if %cond3A_236 {
          } else {
          }
          %and3A_237 = arith.constant false
          %and3A_238 = arith.andi %or3A_233, %and3A_237 : i1
          %ne3A_239 = arith.cmpi ne, %add3A_155, %add3A_173 : i32
          %or3A_240 = arith.constant false
          %or3A_241 = arith.ori %or3A_240, %ne3A_239 : i1
          %or3A_242 = arith.constant false
          %or3A_243 = arith.ori %or3A_241, %or3A_242 : i1
          %or3A_244 = arith.ori %or3A_243, %eq3A_154 : i1
          %convert_element_type3A_245 = arith.extui %or3A_244 : i1 to i32
          %cond3A_246 = arith.constant 0 : i32
          %cond3A_247 = arith.cmpi ne, %convert_element_type3A_245, %cond3A_246 : i32
          scf.if %cond3A_247 {
            "tpu.trace_start"() <{level = 10 : i32, message = "ep_copy_out"}> : () -> ()
            %rem3A_294 = arith.constant 2 : i32
            %rem3A_295 = arith.remui %while3A_145, %rem3A_294 : i32
            %mul3A_296 = arith.constant 128 : i32
            %mul3A_297 = arith.muli %mul3A_296, %add3A_155 : i32
            %dma_start3A_298 = arith.constant 0 : i32
            %dma_start3A_299 = arith.constant 0 : i32
            %dma_start3A_300 = tpu.memref_slice %run_scoped3A_18[%rem3A_295, %dma_start3A_298, %dma_start3A_299] : memref<2x128x128xf32, #tpu.memory_space<vmem>> -> memref<1x128x128xf32, #tpu.memory_space<vmem>>
            %dma_start3A_301 = tpu.memref_squeeze %dma_start3A_300 : memref<1x128x128xf32, #tpu.memory_space<vmem>> -> memref<128x128xf32, #tpu.memory_space<vmem>>
            %dma_start3A_302 = arith.constant 0 : i32
            %dma_start3A_303 = tpu.memref_slice %arg4[%mul3A_297, %dma_start3A_302] : memref<16000x128xf32, #tpu.memory_space<hbm>> -> memref<128x128xf32, #tpu.memory_space<hbm>>
            %dma_start3A_304 = tpu.memref_slice %run_scoped3A_19[%rem3A_295] : memref<2x!tpu.dma_semaphore, #tpu.memory_space<semaphore_mem>> -> memref<1x!tpu.dma_semaphore, #tpu.memory_space<semaphore_mem>>
            %dma_start3A_305 = tpu.memref_squeeze %dma_start3A_304 : memref<1x!tpu.dma_semaphore, #tpu.memory_space<semaphore_mem>> -> memref<!tpu.dma_semaphore, #tpu.memory_space<semaphore_mem>>
            %dma_start3A_306 = arith.constant 0 : i32
            %dma_start3A_307 = tpu.memref_slice %arg4[%mul3A_297, %dma_start3A_306] : memref<16000x128xf32, #tpu.memory_space<hbm>> -> memref<128x128xf32, #tpu.memory_space<hbm>>
            %dma_start3A_308 = arith.constant 0 : i32
            %dma_start3A_309 = arith.constant 0 : i32
            %dma_start3A_310 = tpu.memref_slice %run_scoped3A_18[%rem3A_295, %dma_start3A_308, %dma_start3A_309] : memref<2x128x128xf32, #tpu.memory_space<vmem>> -> memref<1x128x128xf32, #tpu.memory_space<vmem>>
            %dma_start3A_311 = tpu.memref_squeeze %dma_start3A_310 : memref<1x128x128xf32, #tpu.memory_space<vmem>> -> memref<128x128xf32, #tpu.memory_space<vmem>>
            tpu.enqueue_dma source(%dma_start3A_311 : memref<128x128xf32, #tpu.memory_space<vmem>>) target(%dma_start3A_307 : memref<128x128xf32, #tpu.memory_space<hbm>>) target_semaphore(%dma_start3A_305 : memref<!tpu.dma_semaphore, #tpu.memory_space<semaphore_mem>>)
            "tpu.trace_stop"() : () -> ()
          } else {
          }
          %and3A_248 = arith.constant true
          %and3A_249 = arith.andi %or3A_244, %and3A_248 : i1
          %add3A_250 = arith.constant 1 : i32
          %add3A_251 = arith.addi %while3A_145, %add3A_250 : i32
          %select_n3A_252 = arith.select %and3A_249, %add3A_251, %while3A_145 : i32
          %ne3A_253 = arith.cmpi ne, %add3A_155, %add3A_165 : i32
          %or3A_254 = arith.constant false
          %or3A_255 = arith.ori %or3A_254, %ne3A_253 : i1
          %not3A_256 = arith.constant true
          %not3A_257 = arith.xori %eq3A_151, %not3A_256 : i1
          %and3A_258 = arith.andi %or3A_255, %not3A_257 : i1
          %convert_element_type3A_259 = arith.extui %and3A_258 : i1 to i32
          %cond3A_260 = arith.constant 0 : i32
          %cond3A_261 = arith.cmpi ne, %convert_element_type3A_259, %cond3A_260 : i32
          scf.if %cond3A_261 {
          } else {
          }
          %and3A_262 = arith.constant false
          %and3A_263 = arith.andi %and3A_258, %and3A_262 : i1
          %ne3A_264 = arith.cmpi ne, %add3A_155, %add3A_165 : i32
          %or3A_265 = arith.constant false
          %or3A_266 = arith.ori %or3A_265, %ne3A_264 : i1
          %or3A_267 = arith.constant false
          %or3A_268 = arith.ori %or3A_266, %or3A_267 : i1
          %not3A_269 = arith.constant true
          %not3A_270 = arith.xori %eq3A_151, %not3A_269 : i1
          %and3A_271 = arith.andi %or3A_268, %not3A_270 : i1
          %convert_element_type3A_272 = arith.extui %and3A_271 : i1 to i32
          %cond3A_273 = arith.constant 0 : i32
          %cond3A_274 = arith.cmpi ne, %convert_element_type3A_272, %cond3A_273 : i32
          scf.if %cond3A_274 {
            "tpu.trace_start"() <{level = 10 : i32, message = "ep_wait_out"}> : () -> ()
            %rem3A_294 = arith.constant 2 : i32
            %rem3A_295 = arith.remui %while3A_146, %rem3A_294 : i32
            %mul3A_296 = arith.constant 128 : i32
            %mul3A_297 = arith.muli %mul3A_296, %add3A_165 : i32
            %dma_wait3A = arith.constant 0 : i32
            %dma_wait3A_298 = arith.constant 0 : i32
            %dma_wait3A_299 = tpu.memref_slice %run_scoped3A_18[%rem3A_295, %dma_wait3A, %dma_wait3A_298] : memref<2x128x128xf32, #tpu.memory_space<vmem>> -> memref<1x128x128xf32, #tpu.memory_space<vmem>>
            %dma_wait3A_300 = tpu.memref_squeeze %dma_wait3A_299 : memref<1x128x128xf32, #tpu.memory_space<vmem>> -> memref<128x128xf32, #tpu.memory_space<vmem>>
            %dma_wait3A_301 = arith.constant 0 : i32
            %dma_wait3A_302 = tpu.memref_slice %arg4[%mul3A_297, %dma_wait3A_301] : memref<16000x128xf32, #tpu.memory_space<hbm>> -> memref<128x128xf32, #tpu.memory_space<hbm>>
            %dma_wait3A_303 = tpu.memref_slice %run_scoped3A_19[%rem3A_295] : memref<2x!tpu.dma_semaphore, #tpu.memory_space<semaphore_mem>> -> memref<1x!tpu.dma_semaphore, #tpu.memory_space<semaphore_mem>>
            %dma_wait3A_304 = tpu.memref_squeeze %dma_wait3A_303 : memref<1x!tpu.dma_semaphore, #tpu.memory_space<semaphore_mem>> -> memref<!tpu.dma_semaphore, #tpu.memory_space<semaphore_mem>>
            %dma_wait3A_305 = arith.constant 0 : i32
            %dma_wait3A_306 = tpu.memref_slice %arg4[%mul3A_297, %dma_wait3A_305] : memref<16000x128xf32, #tpu.memory_space<hbm>> -> memref<128x128xf32, #tpu.memory_space<hbm>>
            %dma_wait3A_307 = arith.constant 0 : i32
            %dma_wait3A_308 = arith.constant 0 : i32
            %dma_wait3A_309 = tpu.memref_slice %run_scoped3A_18[%rem3A_295, %dma_wait3A_307, %dma_wait3A_308] : memref<2x128x128xf32, #tpu.memory_space<vmem>> -> memref<1x128x128xf32, #tpu.memory_space<vmem>>
            %dma_wait3A_310 = tpu.memref_squeeze %dma_wait3A_309 : memref<1x128x128xf32, #tpu.memory_space<vmem>> -> memref<128x128xf32, #tpu.memory_space<vmem>>
            tpu.wait_dma2 semaphore(%dma_wait3A_304 : memref<!tpu.dma_semaphore, #tpu.memory_space<semaphore_mem>>) src(%dma_wait3A_310 : memref<128x128xf32, #tpu.memory_space<vmem>>) dst(%dma_wait3A_306 : memref<128x128xf32, #tpu.memory_space<hbm>>)
            "tpu.trace_stop"() : () -> ()
          } else {
          }
          %and3A_275 = arith.constant true
          %and3A_276 = arith.andi %and3A_271, %and3A_275 : i1
          %add3A_277 = arith.constant 1 : i32
          %add3A_278 = arith.addi %while3A_146, %add3A_277 : i32
          %select_n3A_279 = arith.select %and3A_276, %add3A_278, %while3A_146 : i32
          %ne3A_280 = arith.cmpi ne, %add3A_155, %add3A_173 : i32
          %or3A_281 = arith.constant false
          %or3A_282 = arith.ori %or3A_281, %ne3A_280 : i1
          %or3A_283 = arith.ori %or3A_282, %eq3A_154 : i1
          %add3A_284 = arith.constant 1 : i32
          %add3A_285 = arith.addi %while3A_144, %add3A_284 : i32
          %select_n3A_286 = arith.select %or3A_283, %add3A_285, %while3A_144 : i32
          %add3A_287 = arith.constant 1 : i32
          %add3A_288 = arith.addi %while3A_147, %add3A_287 : i32
          %select_n3A_289 = arith.constant true
          %select_n3A_290 = arith.select %select_n3A_289, %add3A_288, %while3A_147 : i32
          %eq3A_291 = arith.cmpi eq, %select_n3A_290, %select_n3A : i32
          %select_n3A_292 = arith.constant 0 : i32
          %select_n3A_293 = arith.select %eq3A_291, %select_n3A_292, %select_n3A_290 : i32
          scf.yield %select_n3A_195, %select_n3A_286, %select_n3A_252, %select_n3A_279, %select_n3A_293 : i32, i32, i32, i32, i32
        }
        %sub3A_91 = arith.constant 1 : i32
        %sub3A_92 = arith.subi %while3A_90#4, %sub3A_91 : i32
        %select_n3A_93 = arith.constant true
        %select_n3A_94 = arith.select %select_n3A_93, %sub3A_92, %while3A_90#4 : i32
        %eq3A_95 = arith.constant -1 : i32
        %eq3A_96 = arith.cmpi eq, %select_n3A_94, %eq3A_95 : i32
        %sub3A_97 = arith.constant 1 : i32
        %sub3A_98 = arith.subi %select_n3A, %sub3A_97 : i32
        %select_n3A_99 = arith.select %eq3A_96, %sub3A_98, %select_n3A_94 : i32
        %sub3A_100 = arith.constant 1 : i32
        %sub3A_101 = arith.subi %mul3A_16, %sub3A_100 : i32
        %mul3A_102 = arith.constant 1 : i32
        %mul3A_103 = arith.muli %mul3A_102, %select_n3A : i32
        %eq3A_104 = arith.constant 0 : i32
        %eq3A_105 = arith.cmpi eq, %sub3A_101, %eq3A_104 : i32
        %sub3A_106 = arith.constant 1 : i32
        %sub3A_107 = arith.subi %mul3A_103, %sub3A_106 : i32
        %eq3A_108 = arith.cmpi eq, %sub3A_101, %sub3A_107 : i32
        %add3A_109 = arith.addi %select_n3A_99, %select_n3A_14 : i32
        %sub3A_110 = arith.constant 1 : i32
        %sub3A_111 = arith.subi %select_n3A_99, %sub3A_110 : i32
        %select_n3A_112 = arith.constant true
        %select_n3A_113 = arith.select %select_n3A_112, %sub3A_111, %select_n3A_99 : i32
        %eq3A_114 = arith.constant -1 : i32
        %eq3A_115 = arith.cmpi eq, %select_n3A_113, %eq3A_114 : i32
        %sub3A_116 = arith.constant 1 : i32
        %sub3A_117 = arith.subi %select_n3A, %sub3A_116 : i32
        %select_n3A_118 = arith.select %eq3A_115, %sub3A_117, %select_n3A_113 : i32
        %add3A_119 = arith.addi %select_n3A_118, %select_n3A_14 : i32
        %add3A_120 = arith.constant 1 : i32
        %add3A_121 = arith.addi %select_n3A_99, %add3A_120 : i32
        %select_n3A_122 = arith.constant true
        %select_n3A_123 = arith.select %select_n3A_122, %add3A_121, %select_n3A_99 : i32
        %eq3A_124 = arith.cmpi eq, %select_n3A_123, %select_n3A : i32
        %select_n3A_125 = arith.constant 0 : i32
        %select_n3A_126 = arith.select %eq3A_124, %select_n3A_125, %select_n3A_123 : i32
        %add3A_127 = arith.addi %select_n3A_126, %select_n3A_14 : i32
        %add3A_128 = arith.constant 1 : i32
        %add3A_129 = arith.addi %select_n3A_126, %add3A_128 : i32
        %select_n3A_130 = arith.constant true
        %select_n3A_131 = arith.select %select_n3A_130, %add3A_129, %select_n3A_126 : i32
        %eq3A_132 = arith.cmpi eq, %select_n3A_131, %select_n3A : i32
        %select_n3A_133 = arith.constant 0 : i32
        %select_n3A_134 = arith.select %eq3A_132, %select_n3A_133, %select_n3A_131 : i32
        %add3A_135 = arith.addi %select_n3A_134, %select_n3A_14 : i32
        %convert_element_type3A_136 = arith.extui %eq3A_108 : i1 to i32
        %cond3A_137 = arith.constant 0 : i32
        %cond3A_138 = arith.cmpi ne, %convert_element_type3A_136, %cond3A_137 : i32
        scf.if %cond3A_138 {
        } else {
        }
        %convert_element_type3A_139 = arith.extui %eq3A_108 : i1 to i32
        %cond3A_140 = arith.constant 0 : i32
        %cond3A_141 = arith.cmpi ne, %convert_element_type3A_139, %cond3A_140 : i32
        scf.if %cond3A_141 {
          "tpu.trace_start"() <{level = 10 : i32, message = "ep_finalize"}> : () -> ()
          %rem3A_142 = arith.constant 2 : i32
          %rem3A_143 = arith.remui %while3A_90#3, %rem3A_142 : i32
          %mul3A_144 = arith.constant 128 : i32
          %mul3A_145 = arith.muli %mul3A_144, %add3A_109 : i32
          %dma_wait3A = arith.constant 0 : i32
          %dma_wait3A_146 = arith.constant 0 : i32
          %dma_wait3A_147 = tpu.memref_slice %run_scoped3A_18[%rem3A_143, %dma_wait3A, %dma_wait3A_146] : memref<2x128x128xf32, #tpu.memory_space<vmem>> -> memref<1x128x128xf32, #tpu.memory_space<vmem>>
          %dma_wait3A_148 = tpu.memref_squeeze %dma_wait3A_147 : memref<1x128x128xf32, #tpu.memory_space<vmem>> -> memref<128x128xf32, #tpu.memory_space<vmem>>
          %dma_wait3A_149 = arith.constant 0 : i32
          %dma_wait3A_150 = tpu.memref_slice %arg4[%mul3A_145, %dma_wait3A_149] : memref<16000x128xf32, #tpu.memory_space<hbm>> -> memref<128x128xf32, #tpu.memory_space<hbm>>
          %dma_wait3A_151 = tpu.memref_slice %run_scoped3A_19[%rem3A_143] : memref<2x!tpu.dma_semaphore, #tpu.memory_space<semaphore_mem>> -> memref<1x!tpu.dma_semaphore, #tpu.memory_space<semaphore_mem>>
          %dma_wait3A_152 = tpu.memref_squeeze %dma_wait3A_151 : memref<1x!tpu.dma_semaphore, #tpu.memory_space<semaphore_mem>> -> memref<!tpu.dma_semaphore, #tpu.memory_space<semaphore_mem>>
          %dma_wait3A_153 = arith.constant 0 : i32
          %dma_wait3A_154 = tpu.memref_slice %arg4[%mul3A_145, %dma_wait3A_153] : memref<16000x128xf32, #tpu.memory_space<hbm>> -> memref<128x128xf32, #tpu.memory_space<hbm>>
          %dma_wait3A_155 = arith.constant 0 : i32
          %dma_wait3A_156 = arith.constant 0 : i32
          %dma_wait3A_157 = tpu.memref_slice %run_scoped3A_18[%rem3A_143, %dma_wait3A_155, %dma_wait3A_156] : memref<2x128x128xf32, #tpu.memory_space<vmem>> -> memref<1x128x128xf32, #tpu.memory_space<vmem>>
          %dma_wait3A_158 = tpu.memref_squeeze %dma_wait3A_157 : memref<1x128x128xf32, #tpu.memory_space<vmem>> -> memref<128x128xf32, #tpu.memory_space<vmem>>
          tpu.wait_dma2 semaphore(%dma_wait3A_152 : memref<!tpu.dma_semaphore, #tpu.memory_space<semaphore_mem>>) src(%dma_wait3A_158 : memref<128x128xf32, #tpu.memory_space<vmem>>) dst(%dma_wait3A_154 : memref<128x128xf32, #tpu.memory_space<hbm>>)
          "tpu.trace_stop"() : () -> ()
        } else {
        }
      } else {
      }
      tpu.yield
    }) : () -> ()
    return
  }
}

#map = affine_map<(d0, d1) -> (0, 0)>
module attributes {stable_mosaic.version = 14 : i64} {
  func.func @gather_kernel(%arg0: i32, %arg1: i32, %arg2: memref<8000x128xf32, #tpu.memory_space<hbm>>, %arg3: memref<1x16000xi32, #tpu.memory_space<hbm>>, %arg4: memref<16000x128xf32, #tpu.memory_space<hbm>>) attributes {dimension_semantics = [#tpu.dimension_semantics<core_parallel>, #tpu.dimension_semantics<subcore_parallel>], iteration_bounds = array<i64: 2, 16>, scalar_prefetch = 0 : i64, scratch_operands = 0 : i64, tpu.core_type = #tpu.core_type<sc_vector_subcore>, window_params = [{transform_indices = #map}, {transform_indices = #map}, {transform_indices = #map}]} {
    %mul3A = arith.constant 1 : i32
    %mul3A_0 = arith.muli %arg1, %mul3A : i32
    %add3A = arith.constant 0 : i32
    %add3A_1 = arith.addi %add3A, %mul3A_0 : i32
    %mul3A_2 = arith.constant 16 : i32
    %mul3A_3 = arith.muli %arg0, %mul3A_2 : i32
    %add3A_4 = arith.addi %add3A_1, %mul3A_3 : i32
    %lt3A = arith.constant 29 : i32
    %lt3A_5 = arith.cmpi slt, %add3A_4, %lt3A : i32
    %jit3A = arith.constant 4 : i32
    %jit3A_6 = arith.constant 3 : i32
    %select_n3A = arith.select %lt3A_5, %jit3A, %jit3A_6 : i32
    %lt3A_7 = arith.constant 29 : i32
    %lt3A_8 = arith.cmpi slt, %add3A_4, %lt3A_7 : i32
    %mul3A_9 = arith.muli %add3A_4, %select_n3A : i32
    %mul3A_10 = arith.constant 3 : i32
    %mul3A_11 = arith.muli %add3A_4, %mul3A_10 : i32
    %add3A_12 = arith.constant 29 : i32
    %add3A_13 = arith.addi %mul3A_11, %add3A_12 : i32
    %select_n3A_14 = arith.select %lt3A_8, %mul3A_9, %add3A_13 : i32
    %mul3A_15 = arith.constant 1 : i32
    %mul3A_16 = arith.muli %mul3A_15, %select_n3A : i32
    "tpu.region"() ({
      %run_scoped3A = memref.alloca() : memref<2x1x128xi32, #tpu.memory_space<vmem>>
      %run_scoped3A_17 = tpu.sem_alloc : memref<2x!tpu.dma_semaphore, #tpu.memory_space<semaphore_mem>>
      %run_scoped3A_18 = memref.alloca() : memref<2x128x128xf32, #tpu.memory_space<vmem>>
      %run_scoped3A_19 = tpu.sem_alloc : memref<2x!tpu.dma_semaphore, #tpu.memory_space<semaphore_mem>>
      %gt3A = arith.constant 0 : i32
      %gt3A_20 = arith.cmpi sgt, %mul3A_16, %gt3A : i32
      %convert_element_type3A = arith.extui %gt3A_20 : i1 to i32
      %cond3A = arith.constant 0 : i32
      %cond3A_21 = arith.cmpi ne, %convert_element_type3A, %cond3A : i32
      scf.if %cond3A_21 {
        %mul3A_22 = arith.constant 1 : i32
        %mul3A_23 = arith.muli %mul3A_22, %select_n3A : i32
        %sub3A = arith.constant 1 : i32
        %sub3A_24 = arith.subi %mul3A_23, %sub3A : i32
        %eq3A = arith.constant 0 : i32
        %eq3A_25 = arith.cmpi eq, %sub3A_24, %eq3A : i32
        %add3A_26 = arith.constant 0 : i32
        %add3A_27 = arith.addi %add3A_26, %select_n3A_14 : i32
        %select_n3A_28 = arith.constant true
        %select_n3A_29 = arith.constant 0 : i32
        %select_n3A_30 = arith.constant -1 : i32
        %select_n3A_31 = arith.select %select_n3A_28, %select_n3A_30, %select_n3A_29 : i32
        %eq3A_32 = arith.constant -1 : i32
        %eq3A_33 = arith.cmpi eq, %select_n3A_31, %eq3A_32 : i32
        %sub3A_34 = arith.constant 1 : i32
        %sub3A_35 = arith.subi %select_n3A, %sub3A_34 : i32
        %select_n3A_36 = arith.select %eq3A_33, %sub3A_35, %select_n3A_31 : i32
        %add3A_37 = arith.addi %select_n3A_36, %select_n3A_14 : i32
        %select_n3A_38 = arith.constant true
        %select_n3A_39 = arith.constant 0 : i32
        %select_n3A_40 = arith.constant 1 : i32
        %select_n3A_41 = arith.select %select_n3A_38, %select_n3A_40, %select_n3A_39 : i32
        %eq3A_42 = arith.cmpi eq, %select_n3A_41, %select_n3A : i32
        %select_n3A_43 = arith.constant 0 : i32
        %select_n3A_44 = arith.select %eq3A_42, %select_n3A_43, %select_n3A_41 : i32
        %add3A_45 = arith.addi %select_n3A_44, %select_n3A_14 : i32
        %add3A_46 = arith.constant 1 : i32
        %add3A_47 = arith.addi %select_n3A_44, %add3A_46 : i32
        %select_n3A_48 = arith.constant true
        %select_n3A_49 = arith.select %select_n3A_48, %add3A_47, %select_n3A_44 : i32
        %eq3A_50 = arith.cmpi eq, %select_n3A_49, %select_n3A : i32
        %select_n3A_51 = arith.constant 0 : i32
        %select_n3A_52 = arith.select %eq3A_50, %select_n3A_51, %select_n3A_49 : i32
        %add3A_53 = arith.addi %select_n3A_52, %select_n3A_14 : i32
        "tpu.trace_start"() <{level = 10 : i32, message = "ep_initialize_0"}> : () -> ()
        %rem3A = arith.constant 0 : i32
        %rem3A_54 = arith.constant 2 : i32
        %rem3A_55 = arith.remui %rem3A, %rem3A_54 : i32
        %mul3A_56 = arith.constant 128 : i32
        %mul3A_57 = arith.muli %mul3A_56, %add3A_27 : i32
        %dma_start3A = arith.constant 0 : i32
        %dma_start3A_58 = arith.constant 0 : i32
        %dma_start3A_59 = tpu.memref_slice %run_scoped3A[%rem3A_55, %dma_start3A, %dma_start3A_58] : memref<2x1x128xi32, #tpu.memory_space<vmem>> -> memref<1x1x128xi32, #tpu.memory_space<vmem>>
        %dma_start3A_60 = tpu.memref_squeeze %dma_start3A_59 : memref<1x1x128xi32, #tpu.memory_space<vmem>> -> memref<1x128xi32, #tpu.memory_space<vmem>>
        %dma_start3A_61 = arith.constant 0 : i32
        %dma_start3A_62 = tpu.memref_slice %arg3[%dma_start3A_61, %mul3A_57] : memref<1x16000xi32, #tpu.memory_space<hbm>> -> memref<1x128xi32, #tpu.memory_space<hbm>>
        %dma_start3A_63 = tpu.memref_slice %run_scoped3A_17[%rem3A_55] : memref<2x!tpu.dma_semaphore, #tpu.memory_space<semaphore_mem>> -> memref<1x!tpu.dma_semaphore, #tpu.memory_space<semaphore_mem>>
        %dma_start3A_64 = tpu.memref_squeeze %dma_start3A_63 : memref<1x!tpu.dma_semaphore, #tpu.memory_space<semaphore_mem>> -> memref<!tpu.dma_semaphore, #tpu.memory_space<semaphore_mem>>
        %dma_start3A_65 = arith.constant 0 : i32
        %dma_start3A_66 = arith.constant 0 : i32
        %dma_start3A_67 = tpu.memref_slice %run_scoped3A[%rem3A_55, %dma_start3A_65, %dma_start3A_66] : memref<2x1x128xi32, #tpu.memory_space<vmem>> -> memref<1x1x128xi32, #tpu.memory_space<vmem>>
        %dma_start3A_68 = tpu.memref_squeeze %dma_start3A_67 : memref<1x1x128xi32, #tpu.memory_space<vmem>> -> memref<1x128xi32, #tpu.memory_space<vmem>>
        %dma_start3A_69 = arith.constant 0 : i32
        %dma_start3A_70 = tpu.memref_slice %arg3[%dma_start3A_69, %mul3A_57] : memref<1x16000xi32, #tpu.memory_space<hbm>> -> memref<1x128xi32, #tpu.memory_space<hbm>>
        tpu.enqueue_dma source(%dma_start3A_70 : memref<1x128xi32, #tpu.memory_space<hbm>>) target(%dma_start3A_68 : memref<1x128xi32, #tpu.memory_space<vmem>>) target_semaphore(%dma_start3A_64 : memref<!tpu.dma_semaphore, #tpu.memory_space<semaphore_mem>>)
        %add3A_71 = arith.constant 0 : i32
        %add3A_72 = arith.constant 1 : i32
        %add3A_73 = arith.addi %add3A_71, %add3A_72 : i32
        %select_n3A_74 = arith.constant true
        %select_n3A_75 = arith.constant 0 : i32
        %select_n3A_76 = arith.select %select_n3A_74, %add3A_73, %select_n3A_75 : i32
        %while3A = arith.constant 0 : i32
        %while3A_77 = arith.constant 0 : i32
        %while3A_78 = arith.constant 0 : i32
        %while3A_79 = arith.constant 0 : i32
        %while3A_80 = arith.constant 0 : i32
        "tpu.trace_stop"() : () -> ()
        %while3A_81 = arith.subi %mul3A_16, %while3A : i32
        %while3A_82 = arith.addi %while3A, %while3A_81 : i32
        %while3A_83 = arith.constant 1 : i32
        %while3A_84 = arith.divsi %while3A_81, %while3A_83 : i32
        %while3A_85 = arith.muli %while3A_84, %while3A_83 : i32
        %while3A_86 = arith.addi %while3A, %while3A_85 : i32
        %while3A_87 = arith.constant 1 : i32
        %while3A_88:5 = scf.for %while3A_142 = %while3A to %while3A_86 step %while3A_87 iter_args(%while3A_143 = %select_n3A_76, %while3A_144 = %while3A_77, %while3A_145 = %while3A_78, %while3A_146 = %while3A_79, %while3A_147 = %while3A_80) -> (i32, i32, i32, i32, i32)  : i32 {
          %mul3A_148 = arith.constant 1 : i32
          %mul3A_149 = arith.muli %mul3A_148, %select_n3A : i32
          %eq3A_150 = arith.constant 0 : i32
          %eq3A_151 = arith.cmpi eq, %while3A_142, %eq3A_150 : i32
          %sub3A_152 = arith.constant 1 : i32
          %sub3A_153 = arith.subi %mul3A_149, %sub3A_152 : i32
          %eq3A_154 = arith.cmpi eq, %while3A_142, %sub3A_153 : i32
          %add3A_155 = arith.addi %while3A_147, %select_n3A_14 : i32
          %sub3A_156 = arith.constant 1 : i32
          %sub3A_157 = arith.subi %while3A_147, %sub3A_156 : i32
          %select_n3A_158 = arith.constant true
          %select_n3A_159 = arith.select %select_n3A_158, %sub3A_157, %while3A_147 : i32
          %eq3A_160 = arith.constant -1 : i32
          %eq3A_161 = arith.cmpi eq, %select_n3A_159, %eq3A_160 : i32
          %sub3A_162 = arith.constant 1 : i32
          %sub3A_163 = arith.subi %select_n3A, %sub3A_162 : i32
          %select_n3A_164 = arith.select %eq3A_161, %sub3A_163, %select_n3A_159 : i32
          %add3A_165 = arith.addi %select_n3A_164, %select_n3A_14 : i32
          %add3A_166 = arith.constant 1 : i32
          %add3A_167 = arith.addi %while3A_147, %add3A_166 : i32
          %select_n3A_168 = arith.constant true
          %select_n3A_169 = arith.select %select_n3A_168, %add3A_167, %while3A_147 : i32
          %eq3A_170 = arith.cmpi eq, %select_n3A_169, %select_n3A : i32
          %select_n3A_171 = arith.constant 0 : i32
          %select_n3A_172 = arith.select %eq3A_170, %select_n3A_171, %select_n3A_169 : i32
          %add3A_173 = arith.addi %select_n3A_172, %select_n3A_14 : i32
          %add3A_174 = arith.constant 1 : i32
          %add3A_175 = arith.addi %select_n3A_172, %add3A_174 : i32
          %select_n3A_176 = arith.constant true
          %select_n3A_177 = arith.select %select_n3A_176, %add3A_175, %select_n3A_172 : i32
          %eq3A_178 = arith.cmpi eq, %select_n3A_177, %select_n3A : i32
          %select_n3A_179 = arith.constant 0 : i32
          %select_n3A_180 = arith.select %eq3A_178, %select_n3A_179, %select_n3A_177 : i32
          %add3A_181 = arith.addi %select_n3A_180, %select_n3A_14 : i32
          %ne3A = arith.cmpi ne, %add3A_155, %add3A_173 : i32
          %or3A = arith.constant false
          %or3A_182 = arith.ori %or3A, %ne3A : i1
          %sub3A_183 = arith.constant 2 : i32
          %sub3A_184 = arith.subi %mul3A_149, %sub3A_183 : i32
          %add3A_185 = arith.constant 1 : i32
          %add3A_186 = arith.addi %sub3A_184, %add3A_185 : i32
          %ge3A = arith.cmpi sge, %while3A_142, %add3A_186 : i32
          %not3A = arith.constant true
          %not3A_187 = arith.xori %ge3A, %not3A : i1
          %and3A = arith.andi %or3A_182, %not3A_187 : i1
          %convert_element_type3A_188 = arith.extui %and3A : i1 to i32
          %cond3A_189 = arith.constant 0 : i32
          %cond3A_190 = arith.cmpi ne, %convert_element_type3A_188, %cond3A_189 : i32
          scf.if %cond3A_190 {
            "tpu.trace_start"() <{level = 10 : i32, message = "ep_copy_in"}> : () -> ()
            %rem3A_294 = arith.constant 2 : i32
            %rem3A_295 = arith.remui %while3A_143, %rem3A_294 : i32
            %mul3A_296 = arith.constant 128 : i32
            %mul3A_297 = arith.muli %mul3A_296, %add3A_173 : i32
            %dma_start3A_298 = arith.constant 0 : i32
            %dma_start3A_299 = arith.constant 0 : i32
            %dma_start3A_300 = tpu.memref_slice %run_scoped3A[%rem3A_295, %dma_start3A_298, %dma_start3A_299] : memref<2x1x128xi32, #tpu.memory_space<vmem>> -> memref<1x1x128xi32, #tpu.memory_space<vmem>>
            %dma_start3A_301 = tpu.memref_squeeze %dma_start3A_300 : memref<1x1x128xi32, #tpu.memory_space<vmem>> -> memref<1x128xi32, #tpu.memory_space<vmem>>
            %dma_start3A_302 = arith.constant 0 : i32
            %dma_start3A_303 = tpu.memref_slice %arg3[%dma_start3A_302, %mul3A_297] : memref<1x16000xi32, #tpu.memory_space<hbm>> -> memref<1x128xi32, #tpu.memory_space<hbm>>
            %dma_start3A_304 = tpu.memref_slice %run_scoped3A_17[%rem3A_295] : memref<2x!tpu.dma_semaphore, #tpu.memory_space<semaphore_mem>> -> memref<1x!tpu.dma_semaphore, #tpu.memory_space<semaphore_mem>>
            %dma_start3A_305 = tpu.memref_squeeze %dma_start3A_304 : memref<1x!tpu.dma_semaphore, #tpu.memory_space<semaphore_mem>> -> memref<!tpu.dma_semaphore, #tpu.memory_space<semaphore_mem>>
            %dma_start3A_306 = arith.constant 0 : i32
            %dma_start3A_307 = arith.constant 0 : i32
            %dma_start3A_308 = tpu.memref_slice %run_scoped3A[%rem3A_295, %dma_start3A_306, %dma_start3A_307] : memref<2x1x128xi32, #tpu.memory_space<vmem>> -> memref<1x1x128xi32, #tpu.memory_space<vmem>>
            %dma_start3A_309 = tpu.memref_squeeze %dma_start3A_308 : memref<1x1x128xi32, #tpu.memory_space<vmem>> -> memref<1x128xi32, #tpu.memory_space<vmem>>
            %dma_start3A_310 = arith.constant 0 : i32
            %dma_start3A_311 = tpu.memref_slice %arg3[%dma_start3A_310, %mul3A_297] : memref<1x16000xi32, #tpu.memory_space<hbm>> -> memref<1x128xi32, #tpu.memory_space<hbm>>
            tpu.enqueue_dma source(%dma_start3A_311 : memref<1x128xi32, #tpu.memory_space<hbm>>) target(%dma_start3A_309 : memref<1x128xi32, #tpu.memory_space<vmem>>) target_semaphore(%dma_start3A_305 : memref<!tpu.dma_semaphore, #tpu.memory_space<semaphore_mem>>)
            "tpu.trace_stop"() : () -> ()
          } else {
          }
          %and3A_191 = arith.constant true
          %and3A_192 = arith.andi %and3A, %and3A_191 : i1
          %add3A_193 = arith.constant 1 : i32
          %add3A_194 = arith.addi %while3A_143, %add3A_193 : i32
          %select_n3A_195 = arith.select %and3A_192, %add3A_194, %while3A_143 : i32
          %ne3A_196 = arith.cmpi ne, %add3A_155, %add3A_173 : i32
          %or3A_197 = arith.constant false
          %or3A_198 = arith.ori %or3A_197, %ne3A_196 : i1
          %or3A_199 = arith.constant false
          %or3A_200 = arith.ori %or3A_198, %or3A_199 : i1
          %sub3A_201 = arith.constant 2 : i32
          %sub3A_202 = arith.subi %mul3A_149, %sub3A_201 : i32
          %add3A_203 = arith.constant 1 : i32
          %add3A_204 = arith.addi %sub3A_202, %add3A_203 : i32
          %ge3A_205 = arith.cmpi sge, %while3A_142, %add3A_204 : i32
          %not3A_206 = arith.constant true
          %not3A_207 = arith.xori %ge3A_205, %not3A_206 : i1
          %and3A_208 = arith.andi %or3A_200, %not3A_207 : i1
          %ne3A_209 = arith.cmpi ne, %add3A_155, %add3A_165 : i32
          %or3A_210 = arith.constant false
          %or3A_211 = arith.ori %or3A_210, %ne3A_209 : i1
          %or3A_212 = arith.ori %or3A_211, %eq3A_151 : i1
          %convert_element_type3A_213 = arith.extui %or3A_212 : i1 to i32
          %cond3A_214 = arith.constant 0 : i32
          %cond3A_215 = arith.cmpi ne, %convert_element_type3A_213, %cond3A_214 : i32
          scf.if %cond3A_215 {
            "tpu.trace_start"() <{level = 10 : i32, message = "ep_wait_in"}> : () -> ()
            %mul3A_294 = arith.constant 128 : i32
            %mul3A_295 = arith.muli %mul3A_294, %add3A_155 : i32
            %rem3A_296 = arith.constant 2 : i32
            %rem3A_297 = arith.remui %while3A_144, %rem3A_296 : i32
            %dma_wait3A = arith.constant 0 : i32
            %dma_wait3A_298 = arith.constant 0 : i32
            %dma_wait3A_299 = tpu.memref_slice %run_scoped3A[%rem3A_297, %dma_wait3A, %dma_wait3A_298] : memref<2x1x128xi32, #tpu.memory_space<vmem>> -> memref<1x1x128xi32, #tpu.memory_space<vmem>>
            %dma_wait3A_300 = tpu.memref_squeeze %dma_wait3A_299 : memref<1x1x128xi32, #tpu.memory_space<vmem>> -> memref<1x128xi32, #tpu.memory_space<vmem>>
            %dma_wait3A_301 = arith.constant 0 : i32
            %dma_wait3A_302 = tpu.memref_slice %arg3[%dma_wait3A_301, %mul3A_295] : memref<1x16000xi32, #tpu.memory_space<hbm>> -> memref<1x128xi32, #tpu.memory_space<hbm>>
            %dma_wait3A_303 = tpu.memref_slice %run_scoped3A_17[%rem3A_297] : memref<2x!tpu.dma_semaphore, #tpu.memory_space<semaphore_mem>> -> memref<1x!tpu.dma_semaphore, #tpu.memory_space<semaphore_mem>>
            %dma_wait3A_304 = tpu.memref_squeeze %dma_wait3A_303 : memref<1x!tpu.dma_semaphore, #tpu.memory_space<semaphore_mem>> -> memref<!tpu.dma_semaphore, #tpu.memory_space<semaphore_mem>>
            %dma_wait3A_305 = arith.constant 0 : i32
            %dma_wait3A_306 = arith.constant 0 : i32
            %dma_wait3A_307 = tpu.memref_slice %run_scoped3A[%rem3A_297, %dma_wait3A_305, %dma_wait3A_306] : memref<2x1x128xi32, #tpu.memory_space<vmem>> -> memref<1x1x128xi32, #tpu.memory_space<vmem>>
            %dma_wait3A_308 = tpu.memref_squeeze %dma_wait3A_307 : memref<1x1x128xi32, #tpu.memory_space<vmem>> -> memref<1x128xi32, #tpu.memory_space<vmem>>
            %dma_wait3A_309 = arith.constant 0 : i32
            %dma_wait3A_310 = tpu.memref_slice %arg3[%dma_wait3A_309, %mul3A_295] : memref<1x16000xi32, #tpu.memory_space<hbm>> -> memref<1x128xi32, #tpu.memory_space<hbm>>
            tpu.wait_dma2 semaphore(%dma_wait3A_304 : memref<!tpu.dma_semaphore, #tpu.memory_space<semaphore_mem>>) src(%dma_wait3A_310 : memref<1x128xi32, #tpu.memory_space<hbm>>) dst(%dma_wait3A_308 : memref<1x128xi32, #tpu.memory_space<vmem>>)
            "tpu.trace_stop"() : () -> ()
          } else {
          }
          %ne3A_216 = arith.cmpi ne, %add3A_155, %add3A_165 : i32
          %or3A_217 = arith.constant false
          %or3A_218 = arith.ori %or3A_217, %ne3A_216 : i1
          %or3A_219 = arith.constant false
          %or3A_220 = arith.ori %or3A_218, %or3A_219 : i1
          %or3A_221 = arith.ori %or3A_220, %eq3A_151 : i1
          %convert_element_type3A_222 = arith.extui %or3A_221 : i1 to i32
          %cond3A_223 = arith.constant 0 : i32
          %cond3A_224 = arith.cmpi ne, %convert_element_type3A_222, %cond3A_223 : i32
          scf.if %cond3A_224 {
          } else {
          }
          %rem3A_225 = arith.constant 2 : i32
          %rem3A_226 = arith.remui %while3A_144, %rem3A_225 : i32
          %rem3A_227 = arith.constant 2 : i32
          %rem3A_228 = arith.remui %while3A_145, %rem3A_227 : i32
          %run_scoped3A_229 = arith.constant 0 : i32
          "tpu.trace_start"() <{level = 10 : i32, message = "ep_run_kernel"}> : () -> ()
          "tpu.region"() ({
            %run_scoped3A_294 = tpu.sem_alloc : memref<!tpu.dma_semaphore, #tpu.memory_space<semaphore_mem>>
            %dma_start3A_295 = arith.constant 0 : i32
            %dma_start3A_296 = arith.constant 0 : i32
            %dma_start3A_297 = tpu.memref_slice %run_scoped3A_18[%rem3A_228, %dma_start3A_295, %dma_start3A_296] : memref<2x128x128xf32, #tpu.memory_space<vmem>> -> memref<1x128x128xf32, #tpu.memory_space<vmem>>
            %dma_start3A_298 = tpu.memref_squeeze %dma_start3A_297 : memref<1x128x128xf32, #tpu.memory_space<vmem>> -> memref<128x128xf32, #tpu.memory_space<vmem>>
            %dma_start3A_299 = arith.constant 0 : i32
            %dma_start3A_300 = arith.constant 0 : i32
            %dma_start3A_301 = tpu.memref_slice %run_scoped3A[%rem3A_226, %dma_start3A_299, %dma_start3A_300] : memref<2x1x128xi32, #tpu.memory_space<vmem>> -> memref<1x1x128xi32, #tpu.memory_space<vmem>>
            %dma_start3A_302 = tpu.memref_squeeze %dma_start3A_301 : memref<1x1x128xi32, #tpu.memory_space<vmem>> -> memref<1x128xi32, #tpu.memory_space<vmem>>
            %dma_start3A_303 = arith.constant 0 : i32
            %dma_start3A_304 = tpu.memref_slice %dma_start3A_302[%run_scoped3A_229, %dma_start3A_303] : memref<1x128xi32, #tpu.memory_space<vmem>> -> memref<1x128xi32, #tpu.memory_space<vmem>>
            %dma_start3A_305 = tpu.memref_squeeze %dma_start3A_304 : memref<1x128xi32, #tpu.memory_space<vmem>> -> memref<128xi32, #tpu.memory_space<vmem>>
            %dma_start3A_306 = arith.constant 0 : i32
            %dma_start3A_307 = arith.constant 0 : i32
            %dma_start3A_308 = tpu.memref_slice %arg2[%dma_start3A_306, %dma_start3A_307] : memref<8000x128xf32, #tpu.memory_space<hbm>> -> memref<8000x128xf32, #tpu.memory_space<hbm>>
            tpu.enqueue_indirect_dma source(%dma_start3A_308 : memref<8000x128xf32, #tpu.memory_space<hbm>>) target(%dma_start3A_298 : memref<128x128xf32, #tpu.memory_space<vmem>>) offsets(%dma_start3A_305 : memref<128xi32, #tpu.memory_space<vmem>>) semaphore(%run_scoped3A_294 : memref<!tpu.dma_semaphore, #tpu.memory_space<semaphore_mem>>)
            %dma_wait3A = arith.constant 0 : i32
            %dma_wait3A_309 = arith.constant 0 : i32
            %dma_wait3A_310 = tpu.memref_slice %run_scoped3A_18[%rem3A_228, %dma_wait3A, %dma_wait3A_309] : memref<2x128x128xf32, #tpu.memory_space<vmem>> -> memref<1x128x128xf32, #tpu.memory_space<vmem>>
            %dma_wait3A_311 = tpu.memref_squeeze %dma_wait3A_310 : memref<1x128x128xf32, #tpu.memory_space<vmem>> -> memref<128x128xf32, #tpu.memory_space<vmem>>
            %dma_wait3A_312 = arith.constant 0 : i32
            %dma_wait3A_313 = arith.constant 0 : i32
            %dma_wait3A_314 = tpu.memref_slice %run_scoped3A[%rem3A_226, %dma_wait3A_312, %dma_wait3A_313] : memref<2x1x128xi32, #tpu.memory_space<vmem>> -> memref<1x1x128xi32, #tpu.memory_space<vmem>>
            %dma_wait3A_315 = tpu.memref_squeeze %dma_wait3A_314 : memref<1x1x128xi32, #tpu.memory_space<vmem>> -> memref<1x128xi32, #tpu.memory_space<vmem>>
            %dma_wait3A_316 = arith.constant 0 : i32
            %dma_wait3A_317 = tpu.memref_slice %dma_wait3A_315[%run_scoped3A_229, %dma_wait3A_316] : memref<1x128xi32, #tpu.memory_space<vmem>> -> memref<1x128xi32, #tpu.memory_space<vmem>>
            %dma_wait3A_318 = tpu.memref_squeeze %dma_wait3A_317 : memref<1x128xi32, #tpu.memory_space<vmem>> -> memref<128xi32, #tpu.memory_space<vmem>>
            %dma_wait3A_319 = arith.constant 0 : i32
            %dma_wait3A_320 = arith.constant 0 : i32
            %dma_wait3A_321 = tpu.memref_slice %arg2[%dma_wait3A_319, %dma_wait3A_320] : memref<8000x128xf32, #tpu.memory_space<hbm>> -> memref<8000x128xf32, #tpu.memory_space<hbm>>
            tpu.wait_indirect_dma semaphore(%run_scoped3A_294 : memref<!tpu.dma_semaphore, #tpu.memory_space<semaphore_mem>>) src(%dma_wait3A_321 : memref<8000x128xf32, #tpu.memory_space<hbm>>) dst(%dma_wait3A_311 : memref<128x128xf32, #tpu.memory_space<vmem>>)
            tpu.yield
          }) : () -> ()
          "tpu.trace_stop"() : () -> ()
          %ne3A_230 = arith.cmpi ne, %add3A_155, %add3A_173 : i32
          %or3A_231 = arith.constant false
          %or3A_232 = arith.ori %or3A_231, %ne3A_230 : i1
          %or3A_233 = arith.ori %or3A_232, %eq3A_154 : i1
          %convert_element_type3A_234 = arith.extui %or3A_233 : i1 to i32
          %cond3A_235 = arith.constant 0 : i32
          %cond3A_236 = arith.cmpi ne, %convert_element_type3A_234, %cond3A_235 : i32
          scf.if %cond3A_236 {
          } else {
          }
          %and3A_237 = arith.constant false
          %and3A_238 = arith.andi %or3A_233, %and3A_237 : i1
          %ne3A_239 = arith.cmpi ne, %add3A_155, %add3A_173 : i32
          %or3A_240 = arith.constant false
          %or3A_241 = arith.ori %or3A_240, %ne3A_239 : i1
          %or3A_242 = arith.constant false
          %or3A_243 = arith.ori %or3A_241, %or3A_242 : i1
          %or3A_244 = arith.ori %or3A_243, %eq3A_154 : i1
          %convert_element_type3A_245 = arith.extui %or3A_244 : i1 to i32
          %cond3A_246 = arith.constant 0 : i32
          %cond3A_247 = arith.cmpi ne, %convert_element_type3A_245, %cond3A_246 : i32
          scf.if %cond3A_247 {
            "tpu.trace_start"() <{level = 10 : i32, message = "ep_copy_out"}> : () -> ()
            %rem3A_294 = arith.constant 2 : i32
            %rem3A_295 = arith.remui %while3A_145, %rem3A_294 : i32
            %mul3A_296 = arith.constant 128 : i32
            %mul3A_297 = arith.muli %mul3A_296, %add3A_155 : i32
            %dma_start3A_298 = arith.constant 0 : i32
            %dma_start3A_299 = arith.constant 0 : i32
            %dma_start3A_300 = tpu.memref_slice %run_scoped3A_18[%rem3A_295, %dma_start3A_298, %dma_start3A_299] : memref<2x128x128xf32, #tpu.memory_space<vmem>> -> memref<1x128x128xf32, #tpu.memory_space<vmem>>
            %dma_start3A_301 = tpu.memref_squeeze %dma_start3A_300 : memref<1x128x128xf32, #tpu.memory_space<vmem>> -> memref<128x128xf32, #tpu.memory_space<vmem>>
            %dma_start3A_302 = arith.constant 0 : i32
            %dma_start3A_303 = tpu.memref_slice %arg4[%mul3A_297, %dma_start3A_302] : memref<16000x128xf32, #tpu.memory_space<hbm>> -> memref<128x128xf32, #tpu.memory_space<hbm>>
            %dma_start3A_304 = tpu.memref_slice %run_scoped3A_19[%rem3A_295] : memref<2x!tpu.dma_semaphore, #tpu.memory_space<semaphore_mem>> -> memref<1x!tpu.dma_semaphore, #tpu.memory_space<semaphore_mem>>
            %dma_start3A_305 = tpu.memref_squeeze %dma_start3A_304 : memref<1x!tpu.dma_semaphore, #tpu.memory_space<semaphore_mem>> -> memref<!tpu.dma_semaphore, #tpu.memory_space<semaphore_mem>>
            %dma_start3A_306 = arith.constant 0 : i32
            %dma_start3A_307 = tpu.memref_slice %arg4[%mul3A_297, %dma_start3A_306] : memref<16000x128xf32, #tpu.memory_space<hbm>> -> memref<128x128xf32, #tpu.memory_space<hbm>>
            %dma_start3A_308 = arith.constant 0 : i32
            %dma_start3A_309 = arith.constant 0 : i32
            %dma_start3A_310 = tpu.memref_slice %run_scoped3A_18[%rem3A_295, %dma_start3A_308, %dma_start3A_309] : memref<2x128x128xf32, #tpu.memory_space<vmem>> -> memref<1x128x128xf32, #tpu.memory_space<vmem>>
            %dma_start3A_311 = tpu.memref_squeeze %dma_start3A_310 : memref<1x128x128xf32, #tpu.memory_space<vmem>> -> memref<128x128xf32, #tpu.memory_space<vmem>>
            tpu.enqueue_dma source(%dma_start3A_311 : memref<128x128xf32, #tpu.memory_space<vmem>>) target(%dma_start3A_307 : memref<128x128xf32, #tpu.memory_space<hbm>>) target_semaphore(%dma_start3A_305 : memref<!tpu.dma_semaphore, #tpu.memory_space<semaphore_mem>>)
            "tpu.trace_stop"() : () -> ()
          } else {
          }
          %and3A_248 = arith.constant true
          %and3A_249 = arith.andi %or3A_244, %and3A_248 : i1
          %add3A_250 = arith.constant 1 : i32
          %add3A_251 = arith.addi %while3A_145, %add3A_250 : i32
          %select_n3A_252 = arith.select %and3A_249, %add3A_251, %while3A_145 : i32
          %ne3A_253 = arith.cmpi ne, %add3A_155, %add3A_165 : i32
          %or3A_254 = arith.constant false
          %or3A_255 = arith.ori %or3A_254, %ne3A_253 : i1
          %not3A_256 = arith.constant true
          %not3A_257 = arith.xori %eq3A_151, %not3A_256 : i1
          %and3A_258 = arith.andi %or3A_255, %not3A_257 : i1
          %convert_element_type3A_259 = arith.extui %and3A_258 : i1 to i32
          %cond3A_260 = arith.constant 0 : i32
          %cond3A_261 = arith.cmpi ne, %convert_element_type3A_259, %cond3A_260 : i32
          scf.if %cond3A_261 {
          } else {
          }
          %and3A_262 = arith.constant false
          %and3A_263 = arith.andi %and3A_258, %and3A_262 : i1
          %ne3A_264 = arith.cmpi ne, %add3A_155, %add3A_165 : i32
          %or3A_265 = arith.constant false
          %or3A_266 = arith.ori %or3A_265, %ne3A_264 : i1
          %or3A_267 = arith.constant false
          %or3A_268 = arith.ori %or3A_266, %or3A_267 : i1
          %not3A_269 = arith.constant true
          %not3A_270 = arith.xori %eq3A_151, %not3A_269 : i1
          %and3A_271 = arith.andi %or3A_268, %not3A_270 : i1
          %convert_element_type3A_272 = arith.extui %and3A_271 : i1 to i32
          %cond3A_273 = arith.constant 0 : i32
          %cond3A_274 = arith.cmpi ne, %convert_element_type3A_272, %cond3A_273 : i32
          scf.if %cond3A_274 {
            "tpu.trace_start"() <{level = 10 : i32, message = "ep_wait_out"}> : () -> ()
            %rem3A_294 = arith.constant 2 : i32
            %rem3A_295 = arith.remui %while3A_146, %rem3A_294 : i32
            %mul3A_296 = arith.constant 128 : i32
            %mul3A_297 = arith.muli %mul3A_296, %add3A_165 : i32
            %dma_wait3A = arith.constant 0 : i32
            %dma_wait3A_298 = arith.constant 0 : i32
            %dma_wait3A_299 = tpu.memref_slice %run_scoped3A_18[%rem3A_295, %dma_wait3A, %dma_wait3A_298] : memref<2x128x128xf32, #tpu.memory_space<vmem>> -> memref<1x128x128xf32, #tpu.memory_space<vmem>>
            %dma_wait3A_300 = tpu.memref_squeeze %dma_wait3A_299 : memref<1x128x128xf32, #tpu.memory_space<vmem>> -> memref<128x128xf32, #tpu.memory_space<vmem>>
            %dma_wait3A_301 = arith.constant 0 : i32
            %dma_wait3A_302 = tpu.memref_slice %arg4[%mul3A_297, %dma_wait3A_301] : memref<16000x128xf32, #tpu.memory_space<hbm>> -> memref<128x128xf32, #tpu.memory_space<hbm>>
            %dma_wait3A_303 = tpu.memref_slice %run_scoped3A_19[%rem3A_295] : memref<2x!tpu.dma_semaphore, #tpu.memory_space<semaphore_mem>> -> memref<1x!tpu.dma_semaphore, #tpu.memory_space<semaphore_mem>>
            %dma_wait3A_304 = tpu.memref_squeeze %dma_wait3A_303 : memref<1x!tpu.dma_semaphore, #tpu.memory_space<semaphore_mem>> -> memref<!tpu.dma_semaphore, #tpu.memory_space<semaphore_mem>>
            %dma_wait3A_305 = arith.constant 0 : i32
            %dma_wait3A_306 = tpu.memref_slice %arg4[%mul3A_297, %dma_wait3A_305] : memref<16000x128xf32, #tpu.memory_space<hbm>> -> memref<128x128xf32, #tpu.memory_space<hbm>>
            %dma_wait3A_307 = arith.constant 0 : i32
            %dma_wait3A_308 = arith.constant 0 : i32
            %dma_wait3A_309 = tpu.memref_slice %run_scoped3A_18[%rem3A_295, %dma_wait3A_307, %dma_wait3A_308] : memref<2x128x128xf32, #tpu.memory_space<vmem>> -> memref<1x128x128xf32, #tpu.memory_space<vmem>>
            %dma_wait3A_310 = tpu.memref_squeeze %dma_wait3A_309 : memref<1x128x128xf32, #tpu.memory_space<vmem>> -> memref<128x128xf32, #tpu.memory_space<vmem>>
            tpu.wait_dma2 semaphore(%dma_wait3A_304 : memref<!tpu.dma_semaphore, #tpu.memory_space<semaphore_mem>>) src(%dma_wait3A_310 : memref<128x128xf32, #tpu.memory_space<vmem>>) dst(%dma_wait3A_306 : memref<128x128xf32, #tpu.memory_space<hbm>>)
            "tpu.trace_stop"() : () -> ()
          } else {
          }
          %and3A_275 = arith.constant true
          %and3A_276 = arith.andi %and3A_271, %and3A_275 : i1
          %add3A_277 = arith.constant 1 : i32
          %add3A_278 = arith.addi %while3A_146, %add3A_277 : i32
          %select_n3A_279 = arith.select %and3A_276, %add3A_278, %while3A_146 : i32
          %ne3A_280 = arith.cmpi ne, %add3A_155, %add3A_173 : i32
          %or3A_281 = arith.constant false
          %or3A_282 = arith.ori %or3A_281, %ne3A_280 : i1
          %or3A_283 = arith.ori %or3A_282, %eq3A_154 : i1
          %add3A_284 = arith.constant 1 : i32
          %add3A_285 = arith.addi %while3A_144, %add3A_284 : i32
          %select_n3A_286 = arith.select %or3A_283, %add3A_285, %while3A_144 : i32
          %add3A_287 = arith.constant 1 : i32
          %add3A_288 = arith.addi %while3A_147, %add3A_287 : i32
          %select_n3A_289 = arith.constant true
          %select_n3A_290 = arith.select %select_n3A_289, %add3A_288, %while3A_147 : i32
          %eq3A_291 = arith.cmpi eq, %select_n3A_290, %select_n3A : i32
          %select_n3A_292 = arith.constant 0 : i32
          %select_n3A_293 = arith.select %eq3A_291, %select_n3A_292, %select_n3A_290 : i32
          scf.yield %select_n3A_195, %select_n3A_286, %select_n3A_252, %select_n3A_279, %select_n3A_293 : i32, i32, i32, i32, i32
        }
        %while3A_89 = arith.constant 1 : i32
        %while3A_90:5 = scf.for %while3A_142 = %while3A_86 to %while3A_82 step %while3A_89 iter_args(%while3A_143 = %while3A_88#0, %while3A_144 = %while3A_88#1, %while3A_145 = %while3A_88#2, %while3A_146 = %while3A_88#3, %while3A_147 = %while3A_88#4) -> (i32, i32, i32, i32, i32)  : i32 {
          %mul3A_148 = arith.constant 1 : i32
          %mul3A_149 = arith.muli %mul3A_148, %select_n3A : i32
          %eq3A_150 = arith.constant 0 : i32
          %eq3A_151 = arith.cmpi eq, %while3A_142, %eq3A_150 : i32
          %sub3A_152 = arith.constant 1 : i32
          %sub3A_153 = arith.subi %mul3A_149, %sub3A_152 : i32
          %eq3A_154 = arith.cmpi eq, %while3A_142, %sub3A_153 : i32
          %add3A_155 = arith.addi %while3A_147, %select_n3A_14 : i32
          %sub3A_156 = arith.constant 1 : i32
          %sub3A_157 = arith.subi %while3A_147, %sub3A_156 : i32
          %select_n3A_158 = arith.constant true
          %select_n3A_159 = arith.select %select_n3A_158, %sub3A_157, %while3A_147 : i32
          %eq3A_160 = arith.constant -1 : i32
          %eq3A_161 = arith.cmpi eq, %select_n3A_159, %eq3A_160 : i32
          %sub3A_162 = arith.constant 1 : i32
          %sub3A_163 = arith.subi %select_n3A, %sub3A_162 : i32
          %select_n3A_164 = arith.select %eq3A_161, %sub3A_163, %select_n3A_159 : i32
          %add3A_165 = arith.addi %select_n3A_164, %select_n3A_14 : i32
          %add3A_166 = arith.constant 1 : i32
          %add3A_167 = arith.addi %while3A_147, %add3A_166 : i32
          %select_n3A_168 = arith.constant true
          %select_n3A_169 = arith.select %select_n3A_168, %add3A_167, %while3A_147 : i32
          %eq3A_170 = arith.cmpi eq, %select_n3A_169, %select_n3A : i32
          %select_n3A_171 = arith.constant 0 : i32
          %select_n3A_172 = arith.select %eq3A_170, %select_n3A_171, %select_n3A_169 : i32
          %add3A_173 = arith.addi %select_n3A_172, %select_n3A_14 : i32
          %add3A_174 = arith.constant 1 : i32
          %add3A_175 = arith.addi %select_n3A_172, %add3A_174 : i32
          %select_n3A_176 = arith.constant true
          %select_n3A_177 = arith.select %select_n3A_176, %add3A_175, %select_n3A_172 : i32
          %eq3A_178 = arith.cmpi eq, %select_n3A_177, %select_n3A : i32
          %select_n3A_179 = arith.constant 0 : i32
          %select_n3A_180 = arith.select %eq3A_178, %select_n3A_179, %select_n3A_177 : i32
          %add3A_181 = arith.addi %select_n3A_180, %select_n3A_14 : i32
          %ne3A = arith.cmpi ne, %add3A_155, %add3A_173 : i32
          %or3A = arith.constant false
          %or3A_182 = arith.ori %or3A, %ne3A : i1
          %sub3A_183 = arith.constant 2 : i32
          %sub3A_184 = arith.subi %mul3A_149, %sub3A_183 : i32
          %add3A_185 = arith.constant 1 : i32
          %add3A_186 = arith.addi %sub3A_184, %add3A_185 : i32
          %ge3A = arith.cmpi sge, %while3A_142, %add3A_186 : i32
          %not3A = arith.constant true
          %not3A_187 = arith.xori %ge3A, %not3A : i1
          %and3A = arith.andi %or3A_182, %not3A_187 : i1
          %convert_element_type3A_188 = arith.extui %and3A : i1 to i32
          %cond3A_189 = arith.constant 0 : i32
          %cond3A_190 = arith.cmpi ne, %convert_element_type3A_188, %cond3A_189 : i32
          scf.if %cond3A_190 {
            "tpu.trace_start"() <{level = 10 : i32, message = "ep_copy_in"}> : () -> ()
            %rem3A_294 = arith.constant 2 : i32
            %rem3A_295 = arith.remui %while3A_143, %rem3A_294 : i32
            %mul3A_296 = arith.constant 128 : i32
            %mul3A_297 = arith.muli %mul3A_296, %add3A_173 : i32
            %dma_start3A_298 = arith.constant 0 : i32
            %dma_start3A_299 = arith.constant 0 : i32
            %dma_start3A_300 = tpu.memref_slice %run_scoped3A[%rem3A_295, %dma_start3A_298, %dma_start3A_299] : memref<2x1x128xi32, #tpu.memory_space<vmem>> -> memref<1x1x128xi32, #tpu.memory_space<vmem>>
            %dma_start3A_301 = tpu.memref_squeeze %dma_start3A_300 : memref<1x1x128xi32, #tpu.memory_space<vmem>> -> memref<1x128xi32, #tpu.memory_space<vmem>>
            %dma_start3A_302 = arith.constant 0 : i32
            %dma_start3A_303 = tpu.memref_slice %arg3[%dma_start3A_302, %mul3A_297] : memref<1x16000xi32, #tpu.memory_space<hbm>> -> memref<1x128xi32, #tpu.memory_space<hbm>>
            %dma_start3A_304 = tpu.memref_slice %run_scoped3A_17[%rem3A_295] : memref<2x!tpu.dma_semaphore, #tpu.memory_space<semaphore_mem>> -> memref<1x!tpu.dma_semaphore, #tpu.memory_space<semaphore_mem>>
            %dma_start3A_305 = tpu.memref_squeeze %dma_start3A_304 : memref<1x!tpu.dma_semaphore, #tpu.memory_space<semaphore_mem>> -> memref<!tpu.dma_semaphore, #tpu.memory_space<semaphore_mem>>
            %dma_start3A_306 = arith.constant 0 : i32
            %dma_start3A_307 = arith.constant 0 : i32
            %dma_start3A_308 = tpu.memref_slice %run_scoped3A[%rem3A_295, %dma_start3A_306, %dma_start3A_307] : memref<2x1x128xi32, #tpu.memory_space<vmem>> -> memref<1x1x128xi32, #tpu.memory_space<vmem>>
            %dma_start3A_309 = tpu.memref_squeeze %dma_start3A_308 : memref<1x1x128xi32, #tpu.memory_space<vmem>> -> memref<1x128xi32, #tpu.memory_space<vmem>>
            %dma_start3A_310 = arith.constant 0 : i32
            %dma_start3A_311 = tpu.memref_slice %arg3[%dma_start3A_310, %mul3A_297] : memref<1x16000xi32, #tpu.memory_space<hbm>> -> memref<1x128xi32, #tpu.memory_space<hbm>>
            tpu.enqueue_dma source(%dma_start3A_311 : memref<1x128xi32, #tpu.memory_space<hbm>>) target(%dma_start3A_309 : memref<1x128xi32, #tpu.memory_space<vmem>>) target_semaphore(%dma_start3A_305 : memref<!tpu.dma_semaphore, #tpu.memory_space<semaphore_mem>>)
            "tpu.trace_stop"() : () -> ()
          } else {
          }
          %and3A_191 = arith.constant true
          %and3A_192 = arith.andi %and3A, %and3A_191 : i1
          %add3A_193 = arith.constant 1 : i32
          %add3A_194 = arith.addi %while3A_143, %add3A_193 : i32
          %select_n3A_195 = arith.select %and3A_192, %add3A_194, %while3A_143 : i32
          %ne3A_196 = arith.cmpi ne, %add3A_155, %add3A_173 : i32
          %or3A_197 = arith.constant false
          %or3A_198 = arith.ori %or3A_197, %ne3A_196 : i1
          %or3A_199 = arith.constant false
          %or3A_200 = arith.ori %or3A_198, %or3A_199 : i1
          %sub3A_201 = arith.constant 2 : i32
          %sub3A_202 = arith.subi %mul3A_149, %sub3A_201 : i32
          %add3A_203 = arith.constant 1 : i32
          %add3A_204 = arith.addi %sub3A_202, %add3A_203 : i32
          %ge3A_205 = arith.cmpi sge, %while3A_142, %add3A_204 : i32
          %not3A_206 = arith.constant true
          %not3A_207 = arith.xori %ge3A_205, %not3A_206 : i1
          %and3A_208 = arith.andi %or3A_200, %not3A_207 : i1
          %ne3A_209 = arith.cmpi ne, %add3A_155, %add3A_165 : i32
          %or3A_210 = arith.constant false
          %or3A_211 = arith.ori %or3A_210, %ne3A_209 : i1
          %or3A_212 = arith.ori %or3A_211, %eq3A_151 : i1
          %convert_element_type3A_213 = arith.extui %or3A_212 : i1 to i32
          %cond3A_214 = arith.constant 0 : i32
          %cond3A_215 = arith.cmpi ne, %convert_element_type3A_213, %cond3A_214 : i32
          scf.if %cond3A_215 {
            "tpu.trace_start"() <{level = 10 : i32, message = "ep_wait_in"}> : () -> ()
            %mul3A_294 = arith.constant 128 : i32
            %mul3A_295 = arith.muli %mul3A_294, %add3A_155 : i32
            %rem3A_296 = arith.constant 2 : i32
            %rem3A_297 = arith.remui %while3A_144, %rem3A_296 : i32
            %dma_wait3A = arith.constant 0 : i32
            %dma_wait3A_298 = arith.constant 0 : i32
            %dma_wait3A_299 = tpu.memref_slice %run_scoped3A[%rem3A_297, %dma_wait3A, %dma_wait3A_298] : memref<2x1x128xi32, #tpu.memory_space<vmem>> -> memref<1x1x128xi32, #tpu.memory_space<vmem>>
            %dma_wait3A_300 = tpu.memref_squeeze %dma_wait3A_299 : memref<1x1x128xi32, #tpu.memory_space<vmem>> -> memref<1x128xi32, #tpu.memory_space<vmem>>
            %dma_wait3A_301 = arith.constant 0 : i32
            %dma_wait3A_302 = tpu.memref_slice %arg3[%dma_wait3A_301, %mul3A_295] : memref<1x16000xi32, #tpu.memory_space<hbm>> -> memref<1x128xi32, #tpu.memory_space<hbm>>
            %dma_wait3A_303 = tpu.memref_slice %run_scoped3A_17[%rem3A_297] : memref<2x!tpu.dma_semaphore, #tpu.memory_space<semaphore_mem>> -> memref<1x!tpu.dma_semaphore, #tpu.memory_space<semaphore_mem>>
            %dma_wait3A_304 = tpu.memref_squeeze %dma_wait3A_303 : memref<1x!tpu.dma_semaphore, #tpu.memory_space<semaphore_mem>> -> memref<!tpu.dma_semaphore, #tpu.memory_space<semaphore_mem>>
            %dma_wait3A_305 = arith.constant 0 : i32
            %dma_wait3A_306 = arith.constant 0 : i32
            %dma_wait3A_307 = tpu.memref_slice %run_scoped3A[%rem3A_297, %dma_wait3A_305, %dma_wait3A_306] : memref<2x1x128xi32, #tpu.memory_space<vmem>> -> memref<1x1x128xi32, #tpu.memory_space<vmem>>
            %dma_wait3A_308 = tpu.memref_squeeze %dma_wait3A_307 : memref<1x1x128xi32, #tpu.memory_space<vmem>> -> memref<1x128xi32, #tpu.memory_space<vmem>>
            %dma_wait3A_309 = arith.constant 0 : i32
            %dma_wait3A_310 = tpu.memref_slice %arg3[%dma_wait3A_309, %mul3A_295] : memref<1x16000xi32, #tpu.memory_space<hbm>> -> memref<1x128xi32, #tpu.memory_space<hbm>>
            tpu.wait_dma2 semaphore(%dma_wait3A_304 : memref<!tpu.dma_semaphore, #tpu.memory_space<semaphore_mem>>) src(%dma_wait3A_310 : memref<1x128xi32, #tpu.memory_space<hbm>>) dst(%dma_wait3A_308 : memref<1x128xi32, #tpu.memory_space<vmem>>)
            "tpu.trace_stop"() : () -> ()
          } else {
          }
          %ne3A_216 = arith.cmpi ne, %add3A_155, %add3A_165 : i32
          %or3A_217 = arith.constant false
          %or3A_218 = arith.ori %or3A_217, %ne3A_216 : i1
          %or3A_219 = arith.constant false
          %or3A_220 = arith.ori %or3A_218, %or3A_219 : i1
          %or3A_221 = arith.ori %or3A_220, %eq3A_151 : i1
          %convert_element_type3A_222 = arith.extui %or3A_221 : i1 to i32
          %cond3A_223 = arith.constant 0 : i32
          %cond3A_224 = arith.cmpi ne, %convert_element_type3A_222, %cond3A_223 : i32
          scf.if %cond3A_224 {
          } else {
          }
          %rem3A_225 = arith.constant 2 : i32
          %rem3A_226 = arith.remui %while3A_144, %rem3A_225 : i32
          %rem3A_227 = arith.constant 2 : i32
          %rem3A_228 = arith.remui %while3A_145, %rem3A_227 : i32
          %run_scoped3A_229 = arith.constant 0 : i32
          "tpu.trace_start"() <{level = 10 : i32, message = "ep_run_kernel"}> : () -> ()
          "tpu.region"() ({
            %run_scoped3A_294 = tpu.sem_alloc : memref<!tpu.dma_semaphore, #tpu.memory_space<semaphore_mem>>
            %dma_start3A_295 = arith.constant 0 : i32
            %dma_start3A_296 = arith.constant 0 : i32
            %dma_start3A_297 = tpu.memref_slice %run_scoped3A_18[%rem3A_228, %dma_start3A_295, %dma_start3A_296] : memref<2x128x128xf32, #tpu.memory_space<vmem>> -> memref<1x128x128xf32, #tpu.memory_space<vmem>>
            %dma_start3A_298 = tpu.memref_squeeze %dma_start3A_297 : memref<1x128x128xf32, #tpu.memory_space<vmem>> -> memref<128x128xf32, #tpu.memory_space<vmem>>
            %dma_start3A_299 = arith.constant 0 : i32
            %dma_start3A_300 = arith.constant 0 : i32
            %dma_start3A_301 = tpu.memref_slice %run_scoped3A[%rem3A_226, %dma_start3A_299, %dma_start3A_300] : memref<2x1x128xi32, #tpu.memory_space<vmem>> -> memref<1x1x128xi32, #tpu.memory_space<vmem>>
            %dma_start3A_302 = tpu.memref_squeeze %dma_start3A_301 : memref<1x1x128xi32, #tpu.memory_space<vmem>> -> memref<1x128xi32, #tpu.memory_space<vmem>>
            %dma_start3A_303 = arith.constant 0 : i32
            %dma_start3A_304 = tpu.memref_slice %dma_start3A_302[%run_scoped3A_229, %dma_start3A_303] : memref<1x128xi32, #tpu.memory_space<vmem>> -> memref<1x128xi32, #tpu.memory_space<vmem>>
            %dma_start3A_305 = tpu.memref_squeeze %dma_start3A_304 : memref<1x128xi32, #tpu.memory_space<vmem>> -> memref<128xi32, #tpu.memory_space<vmem>>
            %dma_start3A_306 = arith.constant 0 : i32
            %dma_start3A_307 = arith.constant 0 : i32
            %dma_start3A_308 = tpu.memref_slice %arg2[%dma_start3A_306, %dma_start3A_307] : memref<8000x128xf32, #tpu.memory_space<hbm>> -> memref<8000x128xf32, #tpu.memory_space<hbm>>
            tpu.enqueue_indirect_dma source(%dma_start3A_308 : memref<8000x128xf32, #tpu.memory_space<hbm>>) target(%dma_start3A_298 : memref<128x128xf32, #tpu.memory_space<vmem>>) offsets(%dma_start3A_305 : memref<128xi32, #tpu.memory_space<vmem>>) semaphore(%run_scoped3A_294 : memref<!tpu.dma_semaphore, #tpu.memory_space<semaphore_mem>>)
            %dma_wait3A = arith.constant 0 : i32
            %dma_wait3A_309 = arith.constant 0 : i32
            %dma_wait3A_310 = tpu.memref_slice %run_scoped3A_18[%rem3A_228, %dma_wait3A, %dma_wait3A_309] : memref<2x128x128xf32, #tpu.memory_space<vmem>> -> memref<1x128x128xf32, #tpu.memory_space<vmem>>
            %dma_wait3A_311 = tpu.memref_squeeze %dma_wait3A_310 : memref<1x128x128xf32, #tpu.memory_space<vmem>> -> memref<128x128xf32, #tpu.memory_space<vmem>>
            %dma_wait3A_312 = arith.constant 0 : i32
            %dma_wait3A_313 = arith.constant 0 : i32
            %dma_wait3A_314 = tpu.memref_slice %run_scoped3A[%rem3A_226, %dma_wait3A_312, %dma_wait3A_313] : memref<2x1x128xi32, #tpu.memory_space<vmem>> -> memref<1x1x128xi32, #tpu.memory_space<vmem>>
            %dma_wait3A_315 = tpu.memref_squeeze %dma_wait3A_314 : memref<1x1x128xi32, #tpu.memory_space<vmem>> -> memref<1x128xi32, #tpu.memory_space<vmem>>
            %dma_wait3A_316 = arith.constant 0 : i32
            %dma_wait3A_317 = tpu.memref_slice %dma_wait3A_315[%run_scoped3A_229, %dma_wait3A_316] : memref<1x128xi32, #tpu.memory_space<vmem>> -> memref<1x128xi32, #tpu.memory_space<vmem>>
            %dma_wait3A_318 = tpu.memref_squeeze %dma_wait3A_317 : memref<1x128xi32, #tpu.memory_space<vmem>> -> memref<128xi32, #tpu.memory_space<vmem>>
            %dma_wait3A_319 = arith.constant 0 : i32
            %dma_wait3A_320 = arith.constant 0 : i32
            %dma_wait3A_321 = tpu.memref_slice %arg2[%dma_wait3A_319, %dma_wait3A_320] : memref<8000x128xf32, #tpu.memory_space<hbm>> -> memref<8000x128xf32, #tpu.memory_space<hbm>>
            tpu.wait_indirect_dma semaphore(%run_scoped3A_294 : memref<!tpu.dma_semaphore, #tpu.memory_space<semaphore_mem>>) src(%dma_wait3A_321 : memref<8000x128xf32, #tpu.memory_space<hbm>>) dst(%dma_wait3A_311 : memref<128x128xf32, #tpu.memory_space<vmem>>)
            tpu.yield
          }) : () -> ()
          "tpu.trace_stop"() : () -> ()
          %ne3A_230 = arith.cmpi ne, %add3A_155, %add3A_173 : i32
          %or3A_231 = arith.constant false
          %or3A_232 = arith.ori %or3A_231, %ne3A_230 : i1
          %or3A_233 = arith.ori %or3A_232, %eq3A_154 : i1
          %convert_element_type3A_234 = arith.extui %or3A_233 : i1 to i32
          %cond3A_235 = arith.constant 0 : i32
          %cond3A_236 = arith.cmpi ne, %convert_element_type3A_234, %cond3A_235 : i32
          scf.if %cond3A_236 {
          } else {
          }
          %and3A_237 = arith.constant false
          %and3A_238 = arith.andi %or3A_233, %and3A_237 : i1
          %ne3A_239 = arith.cmpi ne, %add3A_155, %add3A_173 : i32
          %or3A_240 = arith.constant false
          %or3A_241 = arith.ori %or3A_240, %ne3A_239 : i1
          %or3A_242 = arith.constant false
          %or3A_243 = arith.ori %or3A_241, %or3A_242 : i1
          %or3A_244 = arith.ori %or3A_243, %eq3A_154 : i1
          %convert_element_type3A_245 = arith.extui %or3A_244 : i1 to i32
          %cond3A_246 = arith.constant 0 : i32
          %cond3A_247 = arith.cmpi ne, %convert_element_type3A_245, %cond3A_246 : i32
          scf.if %cond3A_247 {
            "tpu.trace_start"() <{level = 10 : i32, message = "ep_copy_out"}> : () -> ()
            %rem3A_294 = arith.constant 2 : i32
            %rem3A_295 = arith.remui %while3A_145, %rem3A_294 : i32
            %mul3A_296 = arith.constant 128 : i32
            %mul3A_297 = arith.muli %mul3A_296, %add3A_155 : i32
            %dma_start3A_298 = arith.constant 0 : i32
            %dma_start3A_299 = arith.constant 0 : i32
            %dma_start3A_300 = tpu.memref_slice %run_scoped3A_18[%rem3A_295, %dma_start3A_298, %dma_start3A_299] : memref<2x128x128xf32, #tpu.memory_space<vmem>> -> memref<1x128x128xf32, #tpu.memory_space<vmem>>
            %dma_start3A_301 = tpu.memref_squeeze %dma_start3A_300 : memref<1x128x128xf32, #tpu.memory_space<vmem>> -> memref<128x128xf32, #tpu.memory_space<vmem>>
            %dma_start3A_302 = arith.constant 0 : i32
            %dma_start3A_303 = tpu.memref_slice %arg4[%mul3A_297, %dma_start3A_302] : memref<16000x128xf32, #tpu.memory_space<hbm>> -> memref<128x128xf32, #tpu.memory_space<hbm>>
            %dma_start3A_304 = tpu.memref_slice %run_scoped3A_19[%rem3A_295] : memref<2x!tpu.dma_semaphore, #tpu.memory_space<semaphore_mem>> -> memref<1x!tpu.dma_semaphore, #tpu.memory_space<semaphore_mem>>
            %dma_start3A_305 = tpu.memref_squeeze %dma_start3A_304 : memref<1x!tpu.dma_semaphore, #tpu.memory_space<semaphore_mem>> -> memref<!tpu.dma_semaphore, #tpu.memory_space<semaphore_mem>>
            %dma_start3A_306 = arith.constant 0 : i32
            %dma_start3A_307 = tpu.memref_slice %arg4[%mul3A_297, %dma_start3A_306] : memref<16000x128xf32, #tpu.memory_space<hbm>> -> memref<128x128xf32, #tpu.memory_space<hbm>>
            %dma_start3A_308 = arith.constant 0 : i32
            %dma_start3A_309 = arith.constant 0 : i32
            %dma_start3A_310 = tpu.memref_slice %run_scoped3A_18[%rem3A_295, %dma_start3A_308, %dma_start3A_309] : memref<2x128x128xf32, #tpu.memory_space<vmem>> -> memref<1x128x128xf32, #tpu.memory_space<vmem>>
            %dma_start3A_311 = tpu.memref_squeeze %dma_start3A_310 : memref<1x128x128xf32, #tpu.memory_space<vmem>> -> memref<128x128xf32, #tpu.memory_space<vmem>>
            tpu.enqueue_dma source(%dma_start3A_311 : memref<128x128xf32, #tpu.memory_space<vmem>>) target(%dma_start3A_307 : memref<128x128xf32, #tpu.memory_space<hbm>>) target_semaphore(%dma_start3A_305 : memref<!tpu.dma_semaphore, #tpu.memory_space<semaphore_mem>>)
            "tpu.trace_stop"() : () -> ()
          } else {
          }
          %and3A_248 = arith.constant true
          %and3A_249 = arith.andi %or3A_244, %and3A_248 : i1
          %add3A_250 = arith.constant 1 : i32
          %add3A_251 = arith.addi %while3A_145, %add3A_250 : i32
          %select_n3A_252 = arith.select %and3A_249, %add3A_251, %while3A_145 : i32
          %ne3A_253 = arith.cmpi ne, %add3A_155, %add3A_165 : i32
          %or3A_254 = arith.constant false
          %or3A_255 = arith.ori %or3A_254, %ne3A_253 : i1
          %not3A_256 = arith.constant true
          %not3A_257 = arith.xori %eq3A_151, %not3A_256 : i1
          %and3A_258 = arith.andi %or3A_255, %not3A_257 : i1
          %convert_element_type3A_259 = arith.extui %and3A_258 : i1 to i32
          %cond3A_260 = arith.constant 0 : i32
          %cond3A_261 = arith.cmpi ne, %convert_element_type3A_259, %cond3A_260 : i32
          scf.if %cond3A_261 {
          } else {
          }
          %and3A_262 = arith.constant false
          %and3A_263 = arith.andi %and3A_258, %and3A_262 : i1
          %ne3A_264 = arith.cmpi ne, %add3A_155, %add3A_165 : i32
          %or3A_265 = arith.constant false
          %or3A_266 = arith.ori %or3A_265, %ne3A_264 : i1
          %or3A_267 = arith.constant false
          %or3A_268 = arith.ori %or3A_266, %or3A_267 : i1
          %not3A_269 = arith.constant true
          %not3A_270 = arith.xori %eq3A_151, %not3A_269 : i1
          %and3A_271 = arith.andi %or3A_268, %not3A_270 : i1
          %convert_element_type3A_272 = arith.extui %and3A_271 : i1 to i32
          %cond3A_273 = arith.constant 0 : i32
          %cond3A_274 = arith.cmpi ne, %convert_element_type3A_272, %cond3A_273 : i32
          scf.if %cond3A_274 {
            "tpu.trace_start"() <{level = 10 : i32, message = "ep_wait_out"}> : () -> ()
            %rem3A_294 = arith.constant 2 : i32
            %rem3A_295 = arith.remui %while3A_146, %rem3A_294 : i32
            %mul3A_296 = arith.constant 128 : i32
            %mul3A_297 = arith.muli %mul3A_296, %add3A_165 : i32
            %dma_wait3A = arith.constant 0 : i32
            %dma_wait3A_298 = arith.constant 0 : i32
            %dma_wait3A_299 = tpu.memref_slice %run_scoped3A_18[%rem3A_295, %dma_wait3A, %dma_wait3A_298] : memref<2x128x128xf32, #tpu.memory_space<vmem>> -> memref<1x128x128xf32, #tpu.memory_space<vmem>>
            %dma_wait3A_300 = tpu.memref_squeeze %dma_wait3A_299 : memref<1x128x128xf32, #tpu.memory_space<vmem>> -> memref<128x128xf32, #tpu.memory_space<vmem>>
            %dma_wait3A_301 = arith.constant 0 : i32
            %dma_wait3A_302 = tpu.memref_slice %arg4[%mul3A_297, %dma_wait3A_301] : memref<16000x128xf32, #tpu.memory_space<hbm>> -> memref<128x128xf32, #tpu.memory_space<hbm>>
            %dma_wait3A_303 = tpu.memref_slice %run_scoped3A_19[%rem3A_295] : memref<2x!tpu.dma_semaphore, #tpu.memory_space<semaphore_mem>> -> memref<1x!tpu.dma_semaphore, #tpu.memory_space<semaphore_mem>>
            %dma_wait3A_304 = tpu.memref_squeeze %dma_wait3A_303 : memref<1x!tpu.dma_semaphore, #tpu.memory_space<semaphore_mem>> -> memref<!tpu.dma_semaphore, #tpu.memory_space<semaphore_mem>>
            %dma_wait3A_305 = arith.constant 0 : i32
            %dma_wait3A_306 = tpu.memref_slice %arg4[%mul3A_297, %dma_wait3A_305] : memref<16000x128xf32, #tpu.memory_space<hbm>> -> memref<128x128xf32, #tpu.memory_space<hbm>>
            %dma_wait3A_307 = arith.constant 0 : i32
            %dma_wait3A_308 = arith.constant 0 : i32
            %dma_wait3A_309 = tpu.memref_slice %run_scoped3A_18[%rem3A_295, %dma_wait3A_307, %dma_wait3A_308] : memref<2x128x128xf32, #tpu.memory_space<vmem>> -> memref<1x128x128xf32, #tpu.memory_space<vmem>>
            %dma_wait3A_310 = tpu.memref_squeeze %dma_wait3A_309 : memref<1x128x128xf32, #tpu.memory_space<vmem>> -> memref<128x128xf32, #tpu.memory_space<vmem>>
            tpu.wait_dma2 semaphore(%dma_wait3A_304 : memref<!tpu.dma_semaphore, #tpu.memory_space<semaphore_mem>>) src(%dma_wait3A_310 : memref<128x128xf32, #tpu.memory_space<vmem>>) dst(%dma_wait3A_306 : memref<128x128xf32, #tpu.memory_space<hbm>>)
            "tpu.trace_stop"() : () -> ()
          } else {
          }
          %and3A_275 = arith.constant true
          %and3A_276 = arith.andi %and3A_271, %and3A_275 : i1
          %add3A_277 = arith.constant 1 : i32
          %add3A_278 = arith.addi %while3A_146, %add3A_277 : i32
          %select_n3A_279 = arith.select %and3A_276, %add3A_278, %while3A_146 : i32
          %ne3A_280 = arith.cmpi ne, %add3A_155, %add3A_173 : i32
          %or3A_281 = arith.constant false
          %or3A_282 = arith.ori %or3A_281, %ne3A_280 : i1
          %or3A_283 = arith.ori %or3A_282, %eq3A_154 : i1
          %add3A_284 = arith.constant 1 : i32
          %add3A_285 = arith.addi %while3A_144, %add3A_284 : i32
          %select_n3A_286 = arith.select %or3A_283, %add3A_285, %while3A_144 : i32
          %add3A_287 = arith.constant 1 : i32
          %add3A_288 = arith.addi %while3A_147, %add3A_287 : i32
          %select_n3A_289 = arith.constant true
          %select_n3A_290 = arith.select %select_n3A_289, %add3A_288, %while3A_147 : i32
          %eq3A_291 = arith.cmpi eq, %select_n3A_290, %select_n3A : i32
          %select_n3A_292 = arith.constant 0 : i32
          %select_n3A_293 = arith.select %eq3A_291, %select_n3A_292, %select_n3A_290 : i32
          scf.yield %select_n3A_195, %select_n3A_286, %select_n3A_252, %select_n3A_279, %select_n3A_293 : i32, i32, i32, i32, i32
        }
        %sub3A_91 = arith.constant 1 : i32
        %sub3A_92 = arith.subi %while3A_90#4, %sub3A_91 : i32
        %select_n3A_93 = arith.constant true
        %select_n3A_94 = arith.select %select_n3A_93, %sub3A_92, %while3A_90#4 : i32
        %eq3A_95 = arith.constant -1 : i32
        %eq3A_96 = arith.cmpi eq, %select_n3A_94, %eq3A_95 : i32
        %sub3A_97 = arith.constant 1 : i32
        %sub3A_98 = arith.subi %select_n3A, %sub3A_97 : i32
        %select_n3A_99 = arith.select %eq3A_96, %sub3A_98, %select_n3A_94 : i32
        %sub3A_100 = arith.constant 1 : i32
        %sub3A_101 = arith.subi %mul3A_16, %sub3A_100 : i32
        %mul3A_102 = arith.constant 1 : i32
        %mul3A_103 = arith.muli %mul3A_102, %select_n3A : i32
        %eq3A_104 = arith.constant 0 : i32
        %eq3A_105 = arith.cmpi eq, %sub3A_101, %eq3A_104 : i32
        %sub3A_106 = arith.constant 1 : i32
        %sub3A_107 = arith.subi %mul3A_103, %sub3A_106 : i32
        %eq3A_108 = arith.cmpi eq, %sub3A_101, %sub3A_107 : i32
        %add3A_109 = arith.addi %select_n3A_99, %select_n3A_14 : i32
        %sub3A_110 = arith.constant 1 : i32
        %sub3A_111 = arith.subi %select_n3A_99, %sub3A_110 : i32
        %select_n3A_112 = arith.constant true
        %select_n3A_113 = arith.select %select_n3A_112, %sub3A_111, %select_n3A_99 : i32
        %eq3A_114 = arith.constant -1 : i32
        %eq3A_115 = arith.cmpi eq, %select_n3A_113, %eq3A_114 : i32
        %sub3A_116 = arith.constant 1 : i32
        %sub3A_117 = arith.subi %select_n3A, %sub3A_116 : i32
        %select_n3A_118 = arith.select %eq3A_115, %sub3A_117, %select_n3A_113 : i32
        %add3A_119 = arith.addi %select_n3A_118, %select_n3A_14 : i32
        %add3A_120 = arith.constant 1 : i32
        %add3A_121 = arith.addi %select_n3A_99, %add3A_120 : i32
        %select_n3A_122 = arith.constant true
        %select_n3A_123 = arith.select %select_n3A_122, %add3A_121, %select_n3A_99 : i32
        %eq3A_124 = arith.cmpi eq, %select_n3A_123, %select_n3A : i32
        %select_n3A_125 = arith.constant 0 : i32
        %select_n3A_126 = arith.select %eq3A_124, %select_n3A_125, %select_n3A_123 : i32
        %add3A_127 = arith.addi %select_n3A_126, %select_n3A_14 : i32
        %add3A_128 = arith.constant 1 : i32
        %add3A_129 = arith.addi %select_n3A_126, %add3A_128 : i32
        %select_n3A_130 = arith.constant true
        %select_n3A_131 = arith.select %select_n3A_130, %add3A_129, %select_n3A_126 : i32
        %eq3A_132 = arith.cmpi eq, %select_n3A_131, %select_n3A : i32
        %select_n3A_133 = arith.constant 0 : i32
        %select_n3A_134 = arith.select %eq3A_132, %select_n3A_133, %select_n3A_131 : i32
        %add3A_135 = arith.addi %select_n3A_134, %select_n3A_14 : i32
        %convert_element_type3A_136 = arith.extui %eq3A_108 : i1 to i32
        %cond3A_137 = arith.constant 0 : i32
        %cond3A_138 = arith.cmpi ne, %convert_element_type3A_136, %cond3A_137 : i32
        scf.if %cond3A_138 {
        } else {
        }
        %convert_element_type3A_139 = arith.extui %eq3A_108 : i1 to i32
        %cond3A_140 = arith.constant 0 : i32
        %cond3A_141 = arith.cmpi ne, %convert_element_type3A_139, %cond3A_140 : i32
        scf.if %cond3A_141 {
          "tpu.trace_start"() <{level = 10 : i32, message = "ep_finalize"}> : () -> ()
          %rem3A_142 = arith.constant 2 : i32
          %rem3A_143 = arith.remui %while3A_90#3, %rem3A_142 : i32
          %mul3A_144 = arith.constant 128 : i32
          %mul3A_145 = arith.muli %mul3A_144, %add3A_109 : i32
          %dma_wait3A = arith.constant 0 : i32
          %dma_wait3A_146 = arith.constant 0 : i32
          %dma_wait3A_147 = tpu.memref_slice %run_scoped3A_18[%rem3A_143, %dma_wait3A, %dma_wait3A_146] : memref<2x128x128xf32, #tpu.memory_space<vmem>> -> memref<1x128x128xf32, #tpu.memory_space<vmem>>
          %dma_wait3A_148 = tpu.memref_squeeze %dma_wait3A_147 : memref<1x128x128xf32, #tpu.memory_space<vmem>> -> memref<128x128xf32, #tpu.memory_space<vmem>>
          %dma_wait3A_149 = arith.constant 0 : i32
          %dma_wait3A_150 = tpu.memref_slice %arg4[%mul3A_145, %dma_wait3A_149] : memref<16000x128xf32, #tpu.memory_space<hbm>> -> memref<128x128xf32, #tpu.memory_space<hbm>>
          %dma_wait3A_151 = tpu.memref_slice %run_scoped3A_19[%rem3A_143] : memref<2x!tpu.dma_semaphore, #tpu.memory_space<semaphore_mem>> -> memref<1x!tpu.dma_semaphore, #tpu.memory_space<semaphore_mem>>
          %dma_wait3A_152 = tpu.memref_squeeze %dma_wait3A_151 : memref<1x!tpu.dma_semaphore, #tpu.memory_space<semaphore_mem>> -> memref<!tpu.dma_semaphore, #tpu.memory_space<semaphore_mem>>
          %dma_wait3A_153 = arith.constant 0 : i32
          %dma_wait3A_154 = tpu.memref_slice %arg4[%mul3A_145, %dma_wait3A_153] : memref<16000x128xf32, #tpu.memory_space<hbm>> -> memref<128x128xf32, #tpu.memory_space<hbm>>
          %dma_wait3A_155 = arith.constant 0 : i32
          %dma_wait3A_156 = arith.constant 0 : i32
          %dma_wait3A_157 = tpu.memref_slice %run_scoped3A_18[%rem3A_143, %dma_wait3A_155, %dma_wait3A_156] : memref<2x128x128xf32, #tpu.memory_space<vmem>> -> memref<1x128x128xf32, #tpu.memory_space<vmem>>
          %dma_wait3A_158 = tpu.memref_squeeze %dma_wait3A_157 : memref<1x128x128xf32, #tpu.memory_space<vmem>> -> memref<128x128xf32, #tpu.memory_space<vmem>>
          tpu.wait_dma2 semaphore(%dma_wait3A_152 : memref<!tpu.dma_semaphore, #tpu.memory_space<semaphore_mem>>) src(%dma_wait3A_158 : memref<128x128xf32, #tpu.memory_space<vmem>>) dst(%dma_wait3A_154 : memref<128x128xf32, #tpu.memory_space<hbm>>)
          "tpu.trace_stop"() : () -> ()
        } else {
        }
      } else {
      }
      tpu.yield
    }) : () -> ()
    return
  }
}

#map = affine_map<(d0, d1) -> (0, 0)>
module attributes {stable_mosaic.version = 14 : i64} {
  func.func @gather_kernel(%arg0: i32, %arg1: i32, %arg2: memref<8000x128xf32, #tpu.memory_space<hbm>>, %arg3: memref<1x80000xi32, #tpu.memory_space<hbm>>, %arg4: memref<80000x128xf32, #tpu.memory_space<hbm>>) attributes {dimension_semantics = [#tpu.dimension_semantics<core_parallel>, #tpu.dimension_semantics<subcore_parallel>], iteration_bounds = array<i64: 2, 16>, scalar_prefetch = 0 : i64, scratch_operands = 0 : i64, tpu.core_type = #tpu.core_type<sc_vector_subcore>, window_params = [{transform_indices = #map}, {transform_indices = #map}, {transform_indices = #map}]} {
    %mul3A = arith.constant 1 : i32
    %mul3A_0 = arith.muli %arg1, %mul3A : i32
    %add3A = arith.constant 0 : i32
    %add3A_1 = arith.addi %add3A, %mul3A_0 : i32
    %mul3A_2 = arith.constant 16 : i32
    %mul3A_3 = arith.muli %arg0, %mul3A_2 : i32
    %add3A_4 = arith.addi %add3A_1, %mul3A_3 : i32
    %lt3A = arith.constant 17 : i32
    %lt3A_5 = arith.cmpi slt, %add3A_4, %lt3A : i32
    %jit3A = arith.constant 20 : i32
    %jit3A_6 = arith.constant 19 : i32
    %select_n3A = arith.select %lt3A_5, %jit3A, %jit3A_6 : i32
    %lt3A_7 = arith.constant 17 : i32
    %lt3A_8 = arith.cmpi slt, %add3A_4, %lt3A_7 : i32
    %mul3A_9 = arith.muli %add3A_4, %select_n3A : i32
    %mul3A_10 = arith.constant 19 : i32
    %mul3A_11 = arith.muli %add3A_4, %mul3A_10 : i32
    %add3A_12 = arith.constant 17 : i32
    %add3A_13 = arith.addi %mul3A_11, %add3A_12 : i32
    %select_n3A_14 = arith.select %lt3A_8, %mul3A_9, %add3A_13 : i32
    %mul3A_15 = arith.constant 1 : i32
    %mul3A_16 = arith.muli %mul3A_15, %select_n3A : i32
    "tpu.region"() ({
      %run_scoped3A = memref.alloca() : memref<2x1x128xi32, #tpu.memory_space<vmem>>
      %run_scoped3A_17 = tpu.sem_alloc : memref<2x!tpu.dma_semaphore, #tpu.memory_space<semaphore_mem>>
      %run_scoped3A_18 = memref.alloca() : memref<2x128x128xf32, #tpu.memory_space<vmem>>
      %run_scoped3A_19 = tpu.sem_alloc : memref<2x!tpu.dma_semaphore, #tpu.memory_space<semaphore_mem>>
      %gt3A = arith.constant 0 : i32
      %gt3A_20 = arith.cmpi sgt, %mul3A_16, %gt3A : i32
      %convert_element_type3A = arith.extui %gt3A_20 : i1 to i32
      %cond3A = arith.constant 0 : i32
      %cond3A_21 = arith.cmpi ne, %convert_element_type3A, %cond3A : i32
      scf.if %cond3A_21 {
        %mul3A_22 = arith.constant 1 : i32
        %mul3A_23 = arith.muli %mul3A_22, %select_n3A : i32
        %sub3A = arith.constant 1 : i32
        %sub3A_24 = arith.subi %mul3A_23, %sub3A : i32
        %eq3A = arith.constant 0 : i32
        %eq3A_25 = arith.cmpi eq, %sub3A_24, %eq3A : i32
        %add3A_26 = arith.constant 0 : i32
        %add3A_27 = arith.addi %add3A_26, %select_n3A_14 : i32
        %select_n3A_28 = arith.constant true
        %select_n3A_29 = arith.constant 0 : i32
        %select_n3A_30 = arith.constant -1 : i32
        %select_n3A_31 = arith.select %select_n3A_28, %select_n3A_30, %select_n3A_29 : i32
        %eq3A_32 = arith.constant -1 : i32
        %eq3A_33 = arith.cmpi eq, %select_n3A_31, %eq3A_32 : i32
        %sub3A_34 = arith.constant 1 : i32
        %sub3A_35 = arith.subi %select_n3A, %sub3A_34 : i32
        %select_n3A_36 = arith.select %eq3A_33, %sub3A_35, %select_n3A_31 : i32
        %add3A_37 = arith.addi %select_n3A_36, %select_n3A_14 : i32
        %select_n3A_38 = arith.constant true
        %select_n3A_39 = arith.constant 0 : i32
        %select_n3A_40 = arith.constant 1 : i32
        %select_n3A_41 = arith.select %select_n3A_38, %select_n3A_40, %select_n3A_39 : i32
        %eq3A_42 = arith.cmpi eq, %select_n3A_41, %select_n3A : i32
        %select_n3A_43 = arith.constant 0 : i32
        %select_n3A_44 = arith.select %eq3A_42, %select_n3A_43, %select_n3A_41 : i32
        %add3A_45 = arith.addi %select_n3A_44, %select_n3A_14 : i32
        %add3A_46 = arith.constant 1 : i32
        %add3A_47 = arith.addi %select_n3A_44, %add3A_46 : i32
        %select_n3A_48 = arith.constant true
        %select_n3A_49 = arith.select %select_n3A_48, %add3A_47, %select_n3A_44 : i32
        %eq3A_50 = arith.cmpi eq, %select_n3A_49, %select_n3A : i32
        %select_n3A_51 = arith.constant 0 : i32
        %select_n3A_52 = arith.select %eq3A_50, %select_n3A_51, %select_n3A_49 : i32
        %add3A_53 = arith.addi %select_n3A_52, %select_n3A_14 : i32
        "tpu.trace_start"() <{level = 10 : i32, message = "ep_initialize_0"}> : () -> ()
        %rem3A = arith.constant 0 : i32
        %rem3A_54 = arith.constant 2 : i32
        %rem3A_55 = arith.remui %rem3A, %rem3A_54 : i32
        %mul3A_56 = arith.constant 128 : i32
        %mul3A_57 = arith.muli %mul3A_56, %add3A_27 : i32
        %dma_start3A = arith.constant 0 : i32
        %dma_start3A_58 = arith.constant 0 : i32
        %dma_start3A_59 = tpu.memref_slice %run_scoped3A[%rem3A_55, %dma_start3A, %dma_start3A_58] : memref<2x1x128xi32, #tpu.memory_space<vmem>> -> memref<1x1x128xi32, #tpu.memory_space<vmem>>
        %dma_start3A_60 = tpu.memref_squeeze %dma_start3A_59 : memref<1x1x128xi32, #tpu.memory_space<vmem>> -> memref<1x128xi32, #tpu.memory_space<vmem>>
        %dma_start3A_61 = arith.constant 0 : i32
        %dma_start3A_62 = tpu.memref_slice %arg3[%dma_start3A_61, %mul3A_57] : memref<1x80000xi32, #tpu.memory_space<hbm>> -> memref<1x128xi32, #tpu.memory_space<hbm>>
        %dma_start3A_63 = tpu.memref_slice %run_scoped3A_17[%rem3A_55] : memref<2x!tpu.dma_semaphore, #tpu.memory_space<semaphore_mem>> -> memref<1x!tpu.dma_semaphore, #tpu.memory_space<semaphore_mem>>
        %dma_start3A_64 = tpu.memref_squeeze %dma_start3A_63 : memref<1x!tpu.dma_semaphore, #tpu.memory_space<semaphore_mem>> -> memref<!tpu.dma_semaphore, #tpu.memory_space<semaphore_mem>>
        %dma_start3A_65 = arith.constant 0 : i32
        %dma_start3A_66 = arith.constant 0 : i32
        %dma_start3A_67 = tpu.memref_slice %run_scoped3A[%rem3A_55, %dma_start3A_65, %dma_start3A_66] : memref<2x1x128xi32, #tpu.memory_space<vmem>> -> memref<1x1x128xi32, #tpu.memory_space<vmem>>
        %dma_start3A_68 = tpu.memref_squeeze %dma_start3A_67 : memref<1x1x128xi32, #tpu.memory_space<vmem>> -> memref<1x128xi32, #tpu.memory_space<vmem>>
        %dma_start3A_69 = arith.constant 0 : i32
        %dma_start3A_70 = tpu.memref_slice %arg3[%dma_start3A_69, %mul3A_57] : memref<1x80000xi32, #tpu.memory_space<hbm>> -> memref<1x128xi32, #tpu.memory_space<hbm>>
        tpu.enqueue_dma source(%dma_start3A_70 : memref<1x128xi32, #tpu.memory_space<hbm>>) target(%dma_start3A_68 : memref<1x128xi32, #tpu.memory_space<vmem>>) target_semaphore(%dma_start3A_64 : memref<!tpu.dma_semaphore, #tpu.memory_space<semaphore_mem>>)
        %add3A_71 = arith.constant 0 : i32
        %add3A_72 = arith.constant 1 : i32
        %add3A_73 = arith.addi %add3A_71, %add3A_72 : i32
        %select_n3A_74 = arith.constant true
        %select_n3A_75 = arith.constant 0 : i32
        %select_n3A_76 = arith.select %select_n3A_74, %add3A_73, %select_n3A_75 : i32
        %while3A = arith.constant 0 : i32
        %while3A_77 = arith.constant 0 : i32
        %while3A_78 = arith.constant 0 : i32
        %while3A_79 = arith.constant 0 : i32
        %while3A_80 = arith.constant 0 : i32
        "tpu.trace_stop"() : () -> ()
        %while3A_81 = arith.subi %mul3A_16, %while3A : i32
        %while3A_82 = arith.addi %while3A, %while3A_81 : i32
        %while3A_83 = arith.constant 1 : i32
        %while3A_84 = arith.divsi %while3A_81, %while3A_83 : i32
        %while3A_85 = arith.muli %while3A_84, %while3A_83 : i32
        %while3A_86 = arith.addi %while3A, %while3A_85 : i32
        %while3A_87 = arith.constant 1 : i32
        %while3A_88:5 = scf.for %while3A_142 = %while3A to %while3A_86 step %while3A_87 iter_args(%while3A_143 = %select_n3A_76, %while3A_144 = %while3A_77, %while3A_145 = %while3A_78, %while3A_146 = %while3A_79, %while3A_147 = %while3A_80) -> (i32, i32, i32, i32, i32)  : i32 {
          %mul3A_148 = arith.constant 1 : i32
          %mul3A_149 = arith.muli %mul3A_148, %select_n3A : i32
          %eq3A_150 = arith.constant 0 : i32
          %eq3A_151 = arith.cmpi eq, %while3A_142, %eq3A_150 : i32
          %sub3A_152 = arith.constant 1 : i32
          %sub3A_153 = arith.subi %mul3A_149, %sub3A_152 : i32
          %eq3A_154 = arith.cmpi eq, %while3A_142, %sub3A_153 : i32
          %add3A_155 = arith.addi %while3A_147, %select_n3A_14 : i32
          %sub3A_156 = arith.constant 1 : i32
          %sub3A_157 = arith.subi %while3A_147, %sub3A_156 : i32
          %select_n3A_158 = arith.constant true
          %select_n3A_159 = arith.select %select_n3A_158, %sub3A_157, %while3A_147 : i32
          %eq3A_160 = arith.constant -1 : i32
          %eq3A_161 = arith.cmpi eq, %select_n3A_159, %eq3A_160 : i32
          %sub3A_162 = arith.constant 1 : i32
          %sub3A_163 = arith.subi %select_n3A, %sub3A_162 : i32
          %select_n3A_164 = arith.select %eq3A_161, %sub3A_163, %select_n3A_159 : i32
          %add3A_165 = arith.addi %select_n3A_164, %select_n3A_14 : i32
          %add3A_166 = arith.constant 1 : i32
          %add3A_167 = arith.addi %while3A_147, %add3A_166 : i32
          %select_n3A_168 = arith.constant true
          %select_n3A_169 = arith.select %select_n3A_168, %add3A_167, %while3A_147 : i32
          %eq3A_170 = arith.cmpi eq, %select_n3A_169, %select_n3A : i32
          %select_n3A_171 = arith.constant 0 : i32
          %select_n3A_172 = arith.select %eq3A_170, %select_n3A_171, %select_n3A_169 : i32
          %add3A_173 = arith.addi %select_n3A_172, %select_n3A_14 : i32
          %add3A_174 = arith.constant 1 : i32
          %add3A_175 = arith.addi %select_n3A_172, %add3A_174 : i32
          %select_n3A_176 = arith.constant true
          %select_n3A_177 = arith.select %select_n3A_176, %add3A_175, %select_n3A_172 : i32
          %eq3A_178 = arith.cmpi eq, %select_n3A_177, %select_n3A : i32
          %select_n3A_179 = arith.constant 0 : i32
          %select_n3A_180 = arith.select %eq3A_178, %select_n3A_179, %select_n3A_177 : i32
          %add3A_181 = arith.addi %select_n3A_180, %select_n3A_14 : i32
          %ne3A = arith.cmpi ne, %add3A_155, %add3A_173 : i32
          %or3A = arith.constant false
          %or3A_182 = arith.ori %or3A, %ne3A : i1
          %sub3A_183 = arith.constant 2 : i32
          %sub3A_184 = arith.subi %mul3A_149, %sub3A_183 : i32
          %add3A_185 = arith.constant 1 : i32
          %add3A_186 = arith.addi %sub3A_184, %add3A_185 : i32
          %ge3A = arith.cmpi sge, %while3A_142, %add3A_186 : i32
          %not3A = arith.constant true
          %not3A_187 = arith.xori %ge3A, %not3A : i1
          %and3A = arith.andi %or3A_182, %not3A_187 : i1
          %convert_element_type3A_188 = arith.extui %and3A : i1 to i32
          %cond3A_189 = arith.constant 0 : i32
          %cond3A_190 = arith.cmpi ne, %convert_element_type3A_188, %cond3A_189 : i32
          scf.if %cond3A_190 {
            "tpu.trace_start"() <{level = 10 : i32, message = "ep_copy_in"}> : () -> ()
            %rem3A_294 = arith.constant 2 : i32
            %rem3A_295 = arith.remui %while3A_143, %rem3A_294 : i32
            %mul3A_296 = arith.constant 128 : i32
            %mul3A_297 = arith.muli %mul3A_296, %add3A_173 : i32
            %dma_start3A_298 = arith.constant 0 : i32
            %dma_start3A_299 = arith.constant 0 : i32
            %dma_start3A_300 = tpu.memref_slice %run_scoped3A[%rem3A_295, %dma_start3A_298, %dma_start3A_299] : memref<2x1x128xi32, #tpu.memory_space<vmem>> -> memref<1x1x128xi32, #tpu.memory_space<vmem>>
            %dma_start3A_301 = tpu.memref_squeeze %dma_start3A_300 : memref<1x1x128xi32, #tpu.memory_space<vmem>> -> memref<1x128xi32, #tpu.memory_space<vmem>>
            %dma_start3A_302 = arith.constant 0 : i32
            %dma_start3A_303 = tpu.memref_slice %arg3[%dma_start3A_302, %mul3A_297] : memref<1x80000xi32, #tpu.memory_space<hbm>> -> memref<1x128xi32, #tpu.memory_space<hbm>>
            %dma_start3A_304 = tpu.memref_slice %run_scoped3A_17[%rem3A_295] : memref<2x!tpu.dma_semaphore, #tpu.memory_space<semaphore_mem>> -> memref<1x!tpu.dma_semaphore, #tpu.memory_space<semaphore_mem>>
            %dma_start3A_305 = tpu.memref_squeeze %dma_start3A_304 : memref<1x!tpu.dma_semaphore, #tpu.memory_space<semaphore_mem>> -> memref<!tpu.dma_semaphore, #tpu.memory_space<semaphore_mem>>
            %dma_start3A_306 = arith.constant 0 : i32
            %dma_start3A_307 = arith.constant 0 : i32
            %dma_start3A_308 = tpu.memref_slice %run_scoped3A[%rem3A_295, %dma_start3A_306, %dma_start3A_307] : memref<2x1x128xi32, #tpu.memory_space<vmem>> -> memref<1x1x128xi32, #tpu.memory_space<vmem>>
            %dma_start3A_309 = tpu.memref_squeeze %dma_start3A_308 : memref<1x1x128xi32, #tpu.memory_space<vmem>> -> memref<1x128xi32, #tpu.memory_space<vmem>>
            %dma_start3A_310 = arith.constant 0 : i32
            %dma_start3A_311 = tpu.memref_slice %arg3[%dma_start3A_310, %mul3A_297] : memref<1x80000xi32, #tpu.memory_space<hbm>> -> memref<1x128xi32, #tpu.memory_space<hbm>>
            tpu.enqueue_dma source(%dma_start3A_311 : memref<1x128xi32, #tpu.memory_space<hbm>>) target(%dma_start3A_309 : memref<1x128xi32, #tpu.memory_space<vmem>>) target_semaphore(%dma_start3A_305 : memref<!tpu.dma_semaphore, #tpu.memory_space<semaphore_mem>>)
            "tpu.trace_stop"() : () -> ()
          } else {
          }
          %and3A_191 = arith.constant true
          %and3A_192 = arith.andi %and3A, %and3A_191 : i1
          %add3A_193 = arith.constant 1 : i32
          %add3A_194 = arith.addi %while3A_143, %add3A_193 : i32
          %select_n3A_195 = arith.select %and3A_192, %add3A_194, %while3A_143 : i32
          %ne3A_196 = arith.cmpi ne, %add3A_155, %add3A_173 : i32
          %or3A_197 = arith.constant false
          %or3A_198 = arith.ori %or3A_197, %ne3A_196 : i1
          %or3A_199 = arith.constant false
          %or3A_200 = arith.ori %or3A_198, %or3A_199 : i1
          %sub3A_201 = arith.constant 2 : i32
          %sub3A_202 = arith.subi %mul3A_149, %sub3A_201 : i32
          %add3A_203 = arith.constant 1 : i32
          %add3A_204 = arith.addi %sub3A_202, %add3A_203 : i32
          %ge3A_205 = arith.cmpi sge, %while3A_142, %add3A_204 : i32
          %not3A_206 = arith.constant true
          %not3A_207 = arith.xori %ge3A_205, %not3A_206 : i1
          %and3A_208 = arith.andi %or3A_200, %not3A_207 : i1
          %ne3A_209 = arith.cmpi ne, %add3A_155, %add3A_165 : i32
          %or3A_210 = arith.constant false
          %or3A_211 = arith.ori %or3A_210, %ne3A_209 : i1
          %or3A_212 = arith.ori %or3A_211, %eq3A_151 : i1
          %convert_element_type3A_213 = arith.extui %or3A_212 : i1 to i32
          %cond3A_214 = arith.constant 0 : i32
          %cond3A_215 = arith.cmpi ne, %convert_element_type3A_213, %cond3A_214 : i32
          scf.if %cond3A_215 {
            "tpu.trace_start"() <{level = 10 : i32, message = "ep_wait_in"}> : () -> ()
            %mul3A_294 = arith.constant 128 : i32
            %mul3A_295 = arith.muli %mul3A_294, %add3A_155 : i32
            %rem3A_296 = arith.constant 2 : i32
            %rem3A_297 = arith.remui %while3A_144, %rem3A_296 : i32
            %dma_wait3A = arith.constant 0 : i32
            %dma_wait3A_298 = arith.constant 0 : i32
            %dma_wait3A_299 = tpu.memref_slice %run_scoped3A[%rem3A_297, %dma_wait3A, %dma_wait3A_298] : memref<2x1x128xi32, #tpu.memory_space<vmem>> -> memref<1x1x128xi32, #tpu.memory_space<vmem>>
            %dma_wait3A_300 = tpu.memref_squeeze %dma_wait3A_299 : memref<1x1x128xi32, #tpu.memory_space<vmem>> -> memref<1x128xi32, #tpu.memory_space<vmem>>
            %dma_wait3A_301 = arith.constant 0 : i32
            %dma_wait3A_302 = tpu.memref_slice %arg3[%dma_wait3A_301, %mul3A_295] : memref<1x80000xi32, #tpu.memory_space<hbm>> -> memref<1x128xi32, #tpu.memory_space<hbm>>
            %dma_wait3A_303 = tpu.memref_slice %run_scoped3A_17[%rem3A_297] : memref<2x!tpu.dma_semaphore, #tpu.memory_space<semaphore_mem>> -> memref<1x!tpu.dma_semaphore, #tpu.memory_space<semaphore_mem>>
            %dma_wait3A_304 = tpu.memref_squeeze %dma_wait3A_303 : memref<1x!tpu.dma_semaphore, #tpu.memory_space<semaphore_mem>> -> memref<!tpu.dma_semaphore, #tpu.memory_space<semaphore_mem>>
            %dma_wait3A_305 = arith.constant 0 : i32
            %dma_wait3A_306 = arith.constant 0 : i32
            %dma_wait3A_307 = tpu.memref_slice %run_scoped3A[%rem3A_297, %dma_wait3A_305, %dma_wait3A_306] : memref<2x1x128xi32, #tpu.memory_space<vmem>> -> memref<1x1x128xi32, #tpu.memory_space<vmem>>
            %dma_wait3A_308 = tpu.memref_squeeze %dma_wait3A_307 : memref<1x1x128xi32, #tpu.memory_space<vmem>> -> memref<1x128xi32, #tpu.memory_space<vmem>>
            %dma_wait3A_309 = arith.constant 0 : i32
            %dma_wait3A_310 = tpu.memref_slice %arg3[%dma_wait3A_309, %mul3A_295] : memref<1x80000xi32, #tpu.memory_space<hbm>> -> memref<1x128xi32, #tpu.memory_space<hbm>>
            tpu.wait_dma2 semaphore(%dma_wait3A_304 : memref<!tpu.dma_semaphore, #tpu.memory_space<semaphore_mem>>) src(%dma_wait3A_310 : memref<1x128xi32, #tpu.memory_space<hbm>>) dst(%dma_wait3A_308 : memref<1x128xi32, #tpu.memory_space<vmem>>)
            "tpu.trace_stop"() : () -> ()
          } else {
          }
          %ne3A_216 = arith.cmpi ne, %add3A_155, %add3A_165 : i32
          %or3A_217 = arith.constant false
          %or3A_218 = arith.ori %or3A_217, %ne3A_216 : i1
          %or3A_219 = arith.constant false
          %or3A_220 = arith.ori %or3A_218, %or3A_219 : i1
          %or3A_221 = arith.ori %or3A_220, %eq3A_151 : i1
          %convert_element_type3A_222 = arith.extui %or3A_221 : i1 to i32
          %cond3A_223 = arith.constant 0 : i32
          %cond3A_224 = arith.cmpi ne, %convert_element_type3A_222, %cond3A_223 : i32
          scf.if %cond3A_224 {
          } else {
          }
          %rem3A_225 = arith.constant 2 : i32
          %rem3A_226 = arith.remui %while3A_144, %rem3A_225 : i32
          %rem3A_227 = arith.constant 2 : i32
          %rem3A_228 = arith.remui %while3A_145, %rem3A_227 : i32
          %run_scoped3A_229 = arith.constant 0 : i32
          "tpu.trace_start"() <{level = 10 : i32, message = "ep_run_kernel"}> : () -> ()
          "tpu.region"() ({
            %run_scoped3A_294 = tpu.sem_alloc : memref<!tpu.dma_semaphore, #tpu.memory_space<semaphore_mem>>
            %dma_start3A_295 = arith.constant 0 : i32
            %dma_start3A_296 = arith.constant 0 : i32
            %dma_start3A_297 = tpu.memref_slice %run_scoped3A_18[%rem3A_228, %dma_start3A_295, %dma_start3A_296] : memref<2x128x128xf32, #tpu.memory_space<vmem>> -> memref<1x128x128xf32, #tpu.memory_space<vmem>>
            %dma_start3A_298 = tpu.memref_squeeze %dma_start3A_297 : memref<1x128x128xf32, #tpu.memory_space<vmem>> -> memref<128x128xf32, #tpu.memory_space<vmem>>
            %dma_start3A_299 = arith.constant 0 : i32
            %dma_start3A_300 = arith.constant 0 : i32
            %dma_start3A_301 = tpu.memref_slice %run_scoped3A[%rem3A_226, %dma_start3A_299, %dma_start3A_300] : memref<2x1x128xi32, #tpu.memory_space<vmem>> -> memref<1x1x128xi32, #tpu.memory_space<vmem>>
            %dma_start3A_302 = tpu.memref_squeeze %dma_start3A_301 : memref<1x1x128xi32, #tpu.memory_space<vmem>> -> memref<1x128xi32, #tpu.memory_space<vmem>>
            %dma_start3A_303 = arith.constant 0 : i32
            %dma_start3A_304 = tpu.memref_slice %dma_start3A_302[%run_scoped3A_229, %dma_start3A_303] : memref<1x128xi32, #tpu.memory_space<vmem>> -> memref<1x128xi32, #tpu.memory_space<vmem>>
            %dma_start3A_305 = tpu.memref_squeeze %dma_start3A_304 : memref<1x128xi32, #tpu.memory_space<vmem>> -> memref<128xi32, #tpu.memory_space<vmem>>
            %dma_start3A_306 = arith.constant 0 : i32
            %dma_start3A_307 = arith.constant 0 : i32
            %dma_start3A_308 = tpu.memref_slice %arg2[%dma_start3A_306, %dma_start3A_307] : memref<8000x128xf32, #tpu.memory_space<hbm>> -> memref<8000x128xf32, #tpu.memory_space<hbm>>
            tpu.enqueue_indirect_dma source(%dma_start3A_308 : memref<8000x128xf32, #tpu.memory_space<hbm>>) target(%dma_start3A_298 : memref<128x128xf32, #tpu.memory_space<vmem>>) offsets(%dma_start3A_305 : memref<128xi32, #tpu.memory_space<vmem>>) semaphore(%run_scoped3A_294 : memref<!tpu.dma_semaphore, #tpu.memory_space<semaphore_mem>>)
            %dma_wait3A = arith.constant 0 : i32
            %dma_wait3A_309 = arith.constant 0 : i32
            %dma_wait3A_310 = tpu.memref_slice %run_scoped3A_18[%rem3A_228, %dma_wait3A, %dma_wait3A_309] : memref<2x128x128xf32, #tpu.memory_space<vmem>> -> memref<1x128x128xf32, #tpu.memory_space<vmem>>
            %dma_wait3A_311 = tpu.memref_squeeze %dma_wait3A_310 : memref<1x128x128xf32, #tpu.memory_space<vmem>> -> memref<128x128xf32, #tpu.memory_space<vmem>>
            %dma_wait3A_312 = arith.constant 0 : i32
            %dma_wait3A_313 = arith.constant 0 : i32
            %dma_wait3A_314 = tpu.memref_slice %run_scoped3A[%rem3A_226, %dma_wait3A_312, %dma_wait3A_313] : memref<2x1x128xi32, #tpu.memory_space<vmem>> -> memref<1x1x128xi32, #tpu.memory_space<vmem>>
            %dma_wait3A_315 = tpu.memref_squeeze %dma_wait3A_314 : memref<1x1x128xi32, #tpu.memory_space<vmem>> -> memref<1x128xi32, #tpu.memory_space<vmem>>
            %dma_wait3A_316 = arith.constant 0 : i32
            %dma_wait3A_317 = tpu.memref_slice %dma_wait3A_315[%run_scoped3A_229, %dma_wait3A_316] : memref<1x128xi32, #tpu.memory_space<vmem>> -> memref<1x128xi32, #tpu.memory_space<vmem>>
            %dma_wait3A_318 = tpu.memref_squeeze %dma_wait3A_317 : memref<1x128xi32, #tpu.memory_space<vmem>> -> memref<128xi32, #tpu.memory_space<vmem>>
            %dma_wait3A_319 = arith.constant 0 : i32
            %dma_wait3A_320 = arith.constant 0 : i32
            %dma_wait3A_321 = tpu.memref_slice %arg2[%dma_wait3A_319, %dma_wait3A_320] : memref<8000x128xf32, #tpu.memory_space<hbm>> -> memref<8000x128xf32, #tpu.memory_space<hbm>>
            tpu.wait_indirect_dma semaphore(%run_scoped3A_294 : memref<!tpu.dma_semaphore, #tpu.memory_space<semaphore_mem>>) src(%dma_wait3A_321 : memref<8000x128xf32, #tpu.memory_space<hbm>>) dst(%dma_wait3A_311 : memref<128x128xf32, #tpu.memory_space<vmem>>)
            tpu.yield
          }) : () -> ()
          "tpu.trace_stop"() : () -> ()
          %ne3A_230 = arith.cmpi ne, %add3A_155, %add3A_173 : i32
          %or3A_231 = arith.constant false
          %or3A_232 = arith.ori %or3A_231, %ne3A_230 : i1
          %or3A_233 = arith.ori %or3A_232, %eq3A_154 : i1
          %convert_element_type3A_234 = arith.extui %or3A_233 : i1 to i32
          %cond3A_235 = arith.constant 0 : i32
          %cond3A_236 = arith.cmpi ne, %convert_element_type3A_234, %cond3A_235 : i32
          scf.if %cond3A_236 {
          } else {
          }
          %and3A_237 = arith.constant false
          %and3A_238 = arith.andi %or3A_233, %and3A_237 : i1
          %ne3A_239 = arith.cmpi ne, %add3A_155, %add3A_173 : i32
          %or3A_240 = arith.constant false
          %or3A_241 = arith.ori %or3A_240, %ne3A_239 : i1
          %or3A_242 = arith.constant false
          %or3A_243 = arith.ori %or3A_241, %or3A_242 : i1
          %or3A_244 = arith.ori %or3A_243, %eq3A_154 : i1
          %convert_element_type3A_245 = arith.extui %or3A_244 : i1 to i32
          %cond3A_246 = arith.constant 0 : i32
          %cond3A_247 = arith.cmpi ne, %convert_element_type3A_245, %cond3A_246 : i32
          scf.if %cond3A_247 {
            "tpu.trace_start"() <{level = 10 : i32, message = "ep_copy_out"}> : () -> ()
            %rem3A_294 = arith.constant 2 : i32
            %rem3A_295 = arith.remui %while3A_145, %rem3A_294 : i32
            %mul3A_296 = arith.constant 128 : i32
            %mul3A_297 = arith.muli %mul3A_296, %add3A_155 : i32
            %dma_start3A_298 = arith.constant 0 : i32
            %dma_start3A_299 = arith.constant 0 : i32
            %dma_start3A_300 = tpu.memref_slice %run_scoped3A_18[%rem3A_295, %dma_start3A_298, %dma_start3A_299] : memref<2x128x128xf32, #tpu.memory_space<vmem>> -> memref<1x128x128xf32, #tpu.memory_space<vmem>>
            %dma_start3A_301 = tpu.memref_squeeze %dma_start3A_300 : memref<1x128x128xf32, #tpu.memory_space<vmem>> -> memref<128x128xf32, #tpu.memory_space<vmem>>
            %dma_start3A_302 = arith.constant 0 : i32
            %dma_start3A_303 = tpu.memref_slice %arg4[%mul3A_297, %dma_start3A_302] : memref<80000x128xf32, #tpu.memory_space<hbm>> -> memref<128x128xf32, #tpu.memory_space<hbm>>
            %dma_start3A_304 = tpu.memref_slice %run_scoped3A_19[%rem3A_295] : memref<2x!tpu.dma_semaphore, #tpu.memory_space<semaphore_mem>> -> memref<1x!tpu.dma_semaphore, #tpu.memory_space<semaphore_mem>>
            %dma_start3A_305 = tpu.memref_squeeze %dma_start3A_304 : memref<1x!tpu.dma_semaphore, #tpu.memory_space<semaphore_mem>> -> memref<!tpu.dma_semaphore, #tpu.memory_space<semaphore_mem>>
            %dma_start3A_306 = arith.constant 0 : i32
            %dma_start3A_307 = tpu.memref_slice %arg4[%mul3A_297, %dma_start3A_306] : memref<80000x128xf32, #tpu.memory_space<hbm>> -> memref<128x128xf32, #tpu.memory_space<hbm>>
            %dma_start3A_308 = arith.constant 0 : i32
            %dma_start3A_309 = arith.constant 0 : i32
            %dma_start3A_310 = tpu.memref_slice %run_scoped3A_18[%rem3A_295, %dma_start3A_308, %dma_start3A_309] : memref<2x128x128xf32, #tpu.memory_space<vmem>> -> memref<1x128x128xf32, #tpu.memory_space<vmem>>
            %dma_start3A_311 = tpu.memref_squeeze %dma_start3A_310 : memref<1x128x128xf32, #tpu.memory_space<vmem>> -> memref<128x128xf32, #tpu.memory_space<vmem>>
            tpu.enqueue_dma source(%dma_start3A_311 : memref<128x128xf32, #tpu.memory_space<vmem>>) target(%dma_start3A_307 : memref<128x128xf32, #tpu.memory_space<hbm>>) target_semaphore(%dma_start3A_305 : memref<!tpu.dma_semaphore, #tpu.memory_space<semaphore_mem>>)
            "tpu.trace_stop"() : () -> ()
          } else {
          }
          %and3A_248 = arith.constant true
          %and3A_249 = arith.andi %or3A_244, %and3A_248 : i1
          %add3A_250 = arith.constant 1 : i32
          %add3A_251 = arith.addi %while3A_145, %add3A_250 : i32
          %select_n3A_252 = arith.select %and3A_249, %add3A_251, %while3A_145 : i32
          %ne3A_253 = arith.cmpi ne, %add3A_155, %add3A_165 : i32
          %or3A_254 = arith.constant false
          %or3A_255 = arith.ori %or3A_254, %ne3A_253 : i1
          %not3A_256 = arith.constant true
          %not3A_257 = arith.xori %eq3A_151, %not3A_256 : i1
          %and3A_258 = arith.andi %or3A_255, %not3A_257 : i1
          %convert_element_type3A_259 = arith.extui %and3A_258 : i1 to i32
          %cond3A_260 = arith.constant 0 : i32
          %cond3A_261 = arith.cmpi ne, %convert_element_type3A_259, %cond3A_260 : i32
          scf.if %cond3A_261 {
          } else {
          }
          %and3A_262 = arith.constant false
          %and3A_263 = arith.andi %and3A_258, %and3A_262 : i1
          %ne3A_264 = arith.cmpi ne, %add3A_155, %add3A_165 : i32
          %or3A_265 = arith.constant false
          %or3A_266 = arith.ori %or3A_265, %ne3A_264 : i1
          %or3A_267 = arith.constant false
          %or3A_268 = arith.ori %or3A_266, %or3A_267 : i1
          %not3A_269 = arith.constant true
          %not3A_270 = arith.xori %eq3A_151, %not3A_269 : i1
          %and3A_271 = arith.andi %or3A_268, %not3A_270 : i1
          %convert_element_type3A_272 = arith.extui %and3A_271 : i1 to i32
          %cond3A_273 = arith.constant 0 : i32
          %cond3A_274 = arith.cmpi ne, %convert_element_type3A_272, %cond3A_273 : i32
          scf.if %cond3A_274 {
            "tpu.trace_start"() <{level = 10 : i32, message = "ep_wait_out"}> : () -> ()
            %rem3A_294 = arith.constant 2 : i32
            %rem3A_295 = arith.remui %while3A_146, %rem3A_294 : i32
            %mul3A_296 = arith.constant 128 : i32
            %mul3A_297 = arith.muli %mul3A_296, %add3A_165 : i32
            %dma_wait3A = arith.constant 0 : i32
            %dma_wait3A_298 = arith.constant 0 : i32
            %dma_wait3A_299 = tpu.memref_slice %run_scoped3A_18[%rem3A_295, %dma_wait3A, %dma_wait3A_298] : memref<2x128x128xf32, #tpu.memory_space<vmem>> -> memref<1x128x128xf32, #tpu.memory_space<vmem>>
            %dma_wait3A_300 = tpu.memref_squeeze %dma_wait3A_299 : memref<1x128x128xf32, #tpu.memory_space<vmem>> -> memref<128x128xf32, #tpu.memory_space<vmem>>
            %dma_wait3A_301 = arith.constant 0 : i32
            %dma_wait3A_302 = tpu.memref_slice %arg4[%mul3A_297, %dma_wait3A_301] : memref<80000x128xf32, #tpu.memory_space<hbm>> -> memref<128x128xf32, #tpu.memory_space<hbm>>
            %dma_wait3A_303 = tpu.memref_slice %run_scoped3A_19[%rem3A_295] : memref<2x!tpu.dma_semaphore, #tpu.memory_space<semaphore_mem>> -> memref<1x!tpu.dma_semaphore, #tpu.memory_space<semaphore_mem>>
            %dma_wait3A_304 = tpu.memref_squeeze %dma_wait3A_303 : memref<1x!tpu.dma_semaphore, #tpu.memory_space<semaphore_mem>> -> memref<!tpu.dma_semaphore, #tpu.memory_space<semaphore_mem>>
            %dma_wait3A_305 = arith.constant 0 : i32
            %dma_wait3A_306 = tpu.memref_slice %arg4[%mul3A_297, %dma_wait3A_305] : memref<80000x128xf32, #tpu.memory_space<hbm>> -> memref<128x128xf32, #tpu.memory_space<hbm>>
            %dma_wait3A_307 = arith.constant 0 : i32
            %dma_wait3A_308 = arith.constant 0 : i32
            %dma_wait3A_309 = tpu.memref_slice %run_scoped3A_18[%rem3A_295, %dma_wait3A_307, %dma_wait3A_308] : memref<2x128x128xf32, #tpu.memory_space<vmem>> -> memref<1x128x128xf32, #tpu.memory_space<vmem>>
            %dma_wait3A_310 = tpu.memref_squeeze %dma_wait3A_309 : memref<1x128x128xf32, #tpu.memory_space<vmem>> -> memref<128x128xf32, #tpu.memory_space<vmem>>
            tpu.wait_dma2 semaphore(%dma_wait3A_304 : memref<!tpu.dma_semaphore, #tpu.memory_space<semaphore_mem>>) src(%dma_wait3A_310 : memref<128x128xf32, #tpu.memory_space<vmem>>) dst(%dma_wait3A_306 : memref<128x128xf32, #tpu.memory_space<hbm>>)
            "tpu.trace_stop"() : () -> ()
          } else {
          }
          %and3A_275 = arith.constant true
          %and3A_276 = arith.andi %and3A_271, %and3A_275 : i1
          %add3A_277 = arith.constant 1 : i32
          %add3A_278 = arith.addi %while3A_146, %add3A_277 : i32
          %select_n3A_279 = arith.select %and3A_276, %add3A_278, %while3A_146 : i32
          %ne3A_280 = arith.cmpi ne, %add3A_155, %add3A_173 : i32
          %or3A_281 = arith.constant false
          %or3A_282 = arith.ori %or3A_281, %ne3A_280 : i1
          %or3A_283 = arith.ori %or3A_282, %eq3A_154 : i1
          %add3A_284 = arith.constant 1 : i32
          %add3A_285 = arith.addi %while3A_144, %add3A_284 : i32
          %select_n3A_286 = arith.select %or3A_283, %add3A_285, %while3A_144 : i32
          %add3A_287 = arith.constant 1 : i32
          %add3A_288 = arith.addi %while3A_147, %add3A_287 : i32
          %select_n3A_289 = arith.constant true
          %select_n3A_290 = arith.select %select_n3A_289, %add3A_288, %while3A_147 : i32
          %eq3A_291 = arith.cmpi eq, %select_n3A_290, %select_n3A : i32
          %select_n3A_292 = arith.constant 0 : i32
          %select_n3A_293 = arith.select %eq3A_291, %select_n3A_292, %select_n3A_290 : i32
          scf.yield %select_n3A_195, %select_n3A_286, %select_n3A_252, %select_n3A_279, %select_n3A_293 : i32, i32, i32, i32, i32
        }
        %while3A_89 = arith.constant 1 : i32
        %while3A_90:5 = scf.for %while3A_142 = %while3A_86 to %while3A_82 step %while3A_89 iter_args(%while3A_143 = %while3A_88#0, %while3A_144 = %while3A_88#1, %while3A_145 = %while3A_88#2, %while3A_146 = %while3A_88#3, %while3A_147 = %while3A_88#4) -> (i32, i32, i32, i32, i32)  : i32 {
          %mul3A_148 = arith.constant 1 : i32
          %mul3A_149 = arith.muli %mul3A_148, %select_n3A : i32
          %eq3A_150 = arith.constant 0 : i32
          %eq3A_151 = arith.cmpi eq, %while3A_142, %eq3A_150 : i32
          %sub3A_152 = arith.constant 1 : i32
          %sub3A_153 = arith.subi %mul3A_149, %sub3A_152 : i32
          %eq3A_154 = arith.cmpi eq, %while3A_142, %sub3A_153 : i32
          %add3A_155 = arith.addi %while3A_147, %select_n3A_14 : i32
          %sub3A_156 = arith.constant 1 : i32
          %sub3A_157 = arith.subi %while3A_147, %sub3A_156 : i32
          %select_n3A_158 = arith.constant true
          %select_n3A_159 = arith.select %select_n3A_158, %sub3A_157, %while3A_147 : i32
          %eq3A_160 = arith.constant -1 : i32
          %eq3A_161 = arith.cmpi eq, %select_n3A_159, %eq3A_160 : i32
          %sub3A_162 = arith.constant 1 : i32
          %sub3A_163 = arith.subi %select_n3A, %sub3A_162 : i32
          %select_n3A_164 = arith.select %eq3A_161, %sub3A_163, %select_n3A_159 : i32
          %add3A_165 = arith.addi %select_n3A_164, %select_n3A_14 : i32
          %add3A_166 = arith.constant 1 : i32
          %add3A_167 = arith.addi %while3A_147, %add3A_166 : i32
          %select_n3A_168 = arith.constant true
          %select_n3A_169 = arith.select %select_n3A_168, %add3A_167, %while3A_147 : i32
          %eq3A_170 = arith.cmpi eq, %select_n3A_169, %select_n3A : i32
          %select_n3A_171 = arith.constant 0 : i32
          %select_n3A_172 = arith.select %eq3A_170, %select_n3A_171, %select_n3A_169 : i32
          %add3A_173 = arith.addi %select_n3A_172, %select_n3A_14 : i32
          %add3A_174 = arith.constant 1 : i32
          %add3A_175 = arith.addi %select_n3A_172, %add3A_174 : i32
          %select_n3A_176 = arith.constant true
          %select_n3A_177 = arith.select %select_n3A_176, %add3A_175, %select_n3A_172 : i32
          %eq3A_178 = arith.cmpi eq, %select_n3A_177, %select_n3A : i32
          %select_n3A_179 = arith.constant 0 : i32
          %select_n3A_180 = arith.select %eq3A_178, %select_n3A_179, %select_n3A_177 : i32
          %add3A_181 = arith.addi %select_n3A_180, %select_n3A_14 : i32
          %ne3A = arith.cmpi ne, %add3A_155, %add3A_173 : i32
          %or3A = arith.constant false
          %or3A_182 = arith.ori %or3A, %ne3A : i1
          %sub3A_183 = arith.constant 2 : i32
          %sub3A_184 = arith.subi %mul3A_149, %sub3A_183 : i32
          %add3A_185 = arith.constant 1 : i32
          %add3A_186 = arith.addi %sub3A_184, %add3A_185 : i32
          %ge3A = arith.cmpi sge, %while3A_142, %add3A_186 : i32
          %not3A = arith.constant true
          %not3A_187 = arith.xori %ge3A, %not3A : i1
          %and3A = arith.andi %or3A_182, %not3A_187 : i1
          %convert_element_type3A_188 = arith.extui %and3A : i1 to i32
          %cond3A_189 = arith.constant 0 : i32
          %cond3A_190 = arith.cmpi ne, %convert_element_type3A_188, %cond3A_189 : i32
          scf.if %cond3A_190 {
            "tpu.trace_start"() <{level = 10 : i32, message = "ep_copy_in"}> : () -> ()
            %rem3A_294 = arith.constant 2 : i32
            %rem3A_295 = arith.remui %while3A_143, %rem3A_294 : i32
            %mul3A_296 = arith.constant 128 : i32
            %mul3A_297 = arith.muli %mul3A_296, %add3A_173 : i32
            %dma_start3A_298 = arith.constant 0 : i32
            %dma_start3A_299 = arith.constant 0 : i32
            %dma_start3A_300 = tpu.memref_slice %run_scoped3A[%rem3A_295, %dma_start3A_298, %dma_start3A_299] : memref<2x1x128xi32, #tpu.memory_space<vmem>> -> memref<1x1x128xi32, #tpu.memory_space<vmem>>
            %dma_start3A_301 = tpu.memref_squeeze %dma_start3A_300 : memref<1x1x128xi32, #tpu.memory_space<vmem>> -> memref<1x128xi32, #tpu.memory_space<vmem>>
            %dma_start3A_302 = arith.constant 0 : i32
            %dma_start3A_303 = tpu.memref_slice %arg3[%dma_start3A_302, %mul3A_297] : memref<1x80000xi32, #tpu.memory_space<hbm>> -> memref<1x128xi32, #tpu.memory_space<hbm>>
            %dma_start3A_304 = tpu.memref_slice %run_scoped3A_17[%rem3A_295] : memref<2x!tpu.dma_semaphore, #tpu.memory_space<semaphore_mem>> -> memref<1x!tpu.dma_semaphore, #tpu.memory_space<semaphore_mem>>
            %dma_start3A_305 = tpu.memref_squeeze %dma_start3A_304 : memref<1x!tpu.dma_semaphore, #tpu.memory_space<semaphore_mem>> -> memref<!tpu.dma_semaphore, #tpu.memory_space<semaphore_mem>>
            %dma_start3A_306 = arith.constant 0 : i32
            %dma_start3A_307 = arith.constant 0 : i32
            %dma_start3A_308 = tpu.memref_slice %run_scoped3A[%rem3A_295, %dma_start3A_306, %dma_start3A_307] : memref<2x1x128xi32, #tpu.memory_space<vmem>> -> memref<1x1x128xi32, #tpu.memory_space<vmem>>
            %dma_start3A_309 = tpu.memref_squeeze %dma_start3A_308 : memref<1x1x128xi32, #tpu.memory_space<vmem>> -> memref<1x128xi32, #tpu.memory_space<vmem>>
            %dma_start3A_310 = arith.constant 0 : i32
            %dma_start3A_311 = tpu.memref_slice %arg3[%dma_start3A_310, %mul3A_297] : memref<1x80000xi32, #tpu.memory_space<hbm>> -> memref<1x128xi32, #tpu.memory_space<hbm>>
            tpu.enqueue_dma source(%dma_start3A_311 : memref<1x128xi32, #tpu.memory_space<hbm>>) target(%dma_start3A_309 : memref<1x128xi32, #tpu.memory_space<vmem>>) target_semaphore(%dma_start3A_305 : memref<!tpu.dma_semaphore, #tpu.memory_space<semaphore_mem>>)
            "tpu.trace_stop"() : () -> ()
          } else {
          }
          %and3A_191 = arith.constant true
          %and3A_192 = arith.andi %and3A, %and3A_191 : i1
          %add3A_193 = arith.constant 1 : i32
          %add3A_194 = arith.addi %while3A_143, %add3A_193 : i32
          %select_n3A_195 = arith.select %and3A_192, %add3A_194, %while3A_143 : i32
          %ne3A_196 = arith.cmpi ne, %add3A_155, %add3A_173 : i32
          %or3A_197 = arith.constant false
          %or3A_198 = arith.ori %or3A_197, %ne3A_196 : i1
          %or3A_199 = arith.constant false
          %or3A_200 = arith.ori %or3A_198, %or3A_199 : i1
          %sub3A_201 = arith.constant 2 : i32
          %sub3A_202 = arith.subi %mul3A_149, %sub3A_201 : i32
          %add3A_203 = arith.constant 1 : i32
          %add3A_204 = arith.addi %sub3A_202, %add3A_203 : i32
          %ge3A_205 = arith.cmpi sge, %while3A_142, %add3A_204 : i32
          %not3A_206 = arith.constant true
          %not3A_207 = arith.xori %ge3A_205, %not3A_206 : i1
          %and3A_208 = arith.andi %or3A_200, %not3A_207 : i1
          %ne3A_209 = arith.cmpi ne, %add3A_155, %add3A_165 : i32
          %or3A_210 = arith.constant false
          %or3A_211 = arith.ori %or3A_210, %ne3A_209 : i1
          %or3A_212 = arith.ori %or3A_211, %eq3A_151 : i1
          %convert_element_type3A_213 = arith.extui %or3A_212 : i1 to i32
          %cond3A_214 = arith.constant 0 : i32
          %cond3A_215 = arith.cmpi ne, %convert_element_type3A_213, %cond3A_214 : i32
          scf.if %cond3A_215 {
            "tpu.trace_start"() <{level = 10 : i32, message = "ep_wait_in"}> : () -> ()
            %mul3A_294 = arith.constant 128 : i32
            %mul3A_295 = arith.muli %mul3A_294, %add3A_155 : i32
            %rem3A_296 = arith.constant 2 : i32
            %rem3A_297 = arith.remui %while3A_144, %rem3A_296 : i32
            %dma_wait3A = arith.constant 0 : i32
            %dma_wait3A_298 = arith.constant 0 : i32
            %dma_wait3A_299 = tpu.memref_slice %run_scoped3A[%rem3A_297, %dma_wait3A, %dma_wait3A_298] : memref<2x1x128xi32, #tpu.memory_space<vmem>> -> memref<1x1x128xi32, #tpu.memory_space<vmem>>
            %dma_wait3A_300 = tpu.memref_squeeze %dma_wait3A_299 : memref<1x1x128xi32, #tpu.memory_space<vmem>> -> memref<1x128xi32, #tpu.memory_space<vmem>>
            %dma_wait3A_301 = arith.constant 0 : i32
            %dma_wait3A_302 = tpu.memref_slice %arg3[%dma_wait3A_301, %mul3A_295] : memref<1x80000xi32, #tpu.memory_space<hbm>> -> memref<1x128xi32, #tpu.memory_space<hbm>>
            %dma_wait3A_303 = tpu.memref_slice %run_scoped3A_17[%rem3A_297] : memref<2x!tpu.dma_semaphore, #tpu.memory_space<semaphore_mem>> -> memref<1x!tpu.dma_semaphore, #tpu.memory_space<semaphore_mem>>
            %dma_wait3A_304 = tpu.memref_squeeze %dma_wait3A_303 : memref<1x!tpu.dma_semaphore, #tpu.memory_space<semaphore_mem>> -> memref<!tpu.dma_semaphore, #tpu.memory_space<semaphore_mem>>
            %dma_wait3A_305 = arith.constant 0 : i32
            %dma_wait3A_306 = arith.constant 0 : i32
            %dma_wait3A_307 = tpu.memref_slice %run_scoped3A[%rem3A_297, %dma_wait3A_305, %dma_wait3A_306] : memref<2x1x128xi32, #tpu.memory_space<vmem>> -> memref<1x1x128xi32, #tpu.memory_space<vmem>>
            %dma_wait3A_308 = tpu.memref_squeeze %dma_wait3A_307 : memref<1x1x128xi32, #tpu.memory_space<vmem>> -> memref<1x128xi32, #tpu.memory_space<vmem>>
            %dma_wait3A_309 = arith.constant 0 : i32
            %dma_wait3A_310 = tpu.memref_slice %arg3[%dma_wait3A_309, %mul3A_295] : memref<1x80000xi32, #tpu.memory_space<hbm>> -> memref<1x128xi32, #tpu.memory_space<hbm>>
            tpu.wait_dma2 semaphore(%dma_wait3A_304 : memref<!tpu.dma_semaphore, #tpu.memory_space<semaphore_mem>>) src(%dma_wait3A_310 : memref<1x128xi32, #tpu.memory_space<hbm>>) dst(%dma_wait3A_308 : memref<1x128xi32, #tpu.memory_space<vmem>>)
            "tpu.trace_stop"() : () -> ()
          } else {
          }
          %ne3A_216 = arith.cmpi ne, %add3A_155, %add3A_165 : i32
          %or3A_217 = arith.constant false
          %or3A_218 = arith.ori %or3A_217, %ne3A_216 : i1
          %or3A_219 = arith.constant false
          %or3A_220 = arith.ori %or3A_218, %or3A_219 : i1
          %or3A_221 = arith.ori %or3A_220, %eq3A_151 : i1
          %convert_element_type3A_222 = arith.extui %or3A_221 : i1 to i32
          %cond3A_223 = arith.constant 0 : i32
          %cond3A_224 = arith.cmpi ne, %convert_element_type3A_222, %cond3A_223 : i32
          scf.if %cond3A_224 {
          } else {
          }
          %rem3A_225 = arith.constant 2 : i32
          %rem3A_226 = arith.remui %while3A_144, %rem3A_225 : i32
          %rem3A_227 = arith.constant 2 : i32
          %rem3A_228 = arith.remui %while3A_145, %rem3A_227 : i32
          %run_scoped3A_229 = arith.constant 0 : i32
          "tpu.trace_start"() <{level = 10 : i32, message = "ep_run_kernel"}> : () -> ()
          "tpu.region"() ({
            %run_scoped3A_294 = tpu.sem_alloc : memref<!tpu.dma_semaphore, #tpu.memory_space<semaphore_mem>>
            %dma_start3A_295 = arith.constant 0 : i32
            %dma_start3A_296 = arith.constant 0 : i32
            %dma_start3A_297 = tpu.memref_slice %run_scoped3A_18[%rem3A_228, %dma_start3A_295, %dma_start3A_296] : memref<2x128x128xf32, #tpu.memory_space<vmem>> -> memref<1x128x128xf32, #tpu.memory_space<vmem>>
            %dma_start3A_298 = tpu.memref_squeeze %dma_start3A_297 : memref<1x128x128xf32, #tpu.memory_space<vmem>> -> memref<128x128xf32, #tpu.memory_space<vmem>>
            %dma_start3A_299 = arith.constant 0 : i32
            %dma_start3A_300 = arith.constant 0 : i32
            %dma_start3A_301 = tpu.memref_slice %run_scoped3A[%rem3A_226, %dma_start3A_299, %dma_start3A_300] : memref<2x1x128xi32, #tpu.memory_space<vmem>> -> memref<1x1x128xi32, #tpu.memory_space<vmem>>
            %dma_start3A_302 = tpu.memref_squeeze %dma_start3A_301 : memref<1x1x128xi32, #tpu.memory_space<vmem>> -> memref<1x128xi32, #tpu.memory_space<vmem>>
            %dma_start3A_303 = arith.constant 0 : i32
            %dma_start3A_304 = tpu.memref_slice %dma_start3A_302[%run_scoped3A_229, %dma_start3A_303] : memref<1x128xi32, #tpu.memory_space<vmem>> -> memref<1x128xi32, #tpu.memory_space<vmem>>
            %dma_start3A_305 = tpu.memref_squeeze %dma_start3A_304 : memref<1x128xi32, #tpu.memory_space<vmem>> -> memref<128xi32, #tpu.memory_space<vmem>>
            %dma_start3A_306 = arith.constant 0 : i32
            %dma_start3A_307 = arith.constant 0 : i32
            %dma_start3A_308 = tpu.memref_slice %arg2[%dma_start3A_306, %dma_start3A_307] : memref<8000x128xf32, #tpu.memory_space<hbm>> -> memref<8000x128xf32, #tpu.memory_space<hbm>>
            tpu.enqueue_indirect_dma source(%dma_start3A_308 : memref<8000x128xf32, #tpu.memory_space<hbm>>) target(%dma_start3A_298 : memref<128x128xf32, #tpu.memory_space<vmem>>) offsets(%dma_start3A_305 : memref<128xi32, #tpu.memory_space<vmem>>) semaphore(%run_scoped3A_294 : memref<!tpu.dma_semaphore, #tpu.memory_space<semaphore_mem>>)
            %dma_wait3A = arith.constant 0 : i32
            %dma_wait3A_309 = arith.constant 0 : i32
            %dma_wait3A_310 = tpu.memref_slice %run_scoped3A_18[%rem3A_228, %dma_wait3A, %dma_wait3A_309] : memref<2x128x128xf32, #tpu.memory_space<vmem>> -> memref<1x128x128xf32, #tpu.memory_space<vmem>>
            %dma_wait3A_311 = tpu.memref_squeeze %dma_wait3A_310 : memref<1x128x128xf32, #tpu.memory_space<vmem>> -> memref<128x128xf32, #tpu.memory_space<vmem>>
            %dma_wait3A_312 = arith.constant 0 : i32
            %dma_wait3A_313 = arith.constant 0 : i32
            %dma_wait3A_314 = tpu.memref_slice %run_scoped3A[%rem3A_226, %dma_wait3A_312, %dma_wait3A_313] : memref<2x1x128xi32, #tpu.memory_space<vmem>> -> memref<1x1x128xi32, #tpu.memory_space<vmem>>
            %dma_wait3A_315 = tpu.memref_squeeze %dma_wait3A_314 : memref<1x1x128xi32, #tpu.memory_space<vmem>> -> memref<1x128xi32, #tpu.memory_space<vmem>>
            %dma_wait3A_316 = arith.constant 0 : i32
            %dma_wait3A_317 = tpu.memref_slice %dma_wait3A_315[%run_scoped3A_229, %dma_wait3A_316] : memref<1x128xi32, #tpu.memory_space<vmem>> -> memref<1x128xi32, #tpu.memory_space<vmem>>
            %dma_wait3A_318 = tpu.memref_squeeze %dma_wait3A_317 : memref<1x128xi32, #tpu.memory_space<vmem>> -> memref<128xi32, #tpu.memory_space<vmem>>
            %dma_wait3A_319 = arith.constant 0 : i32
            %dma_wait3A_320 = arith.constant 0 : i32
            %dma_wait3A_321 = tpu.memref_slice %arg2[%dma_wait3A_319, %dma_wait3A_320] : memref<8000x128xf32, #tpu.memory_space<hbm>> -> memref<8000x128xf32, #tpu.memory_space<hbm>>
            tpu.wait_indirect_dma semaphore(%run_scoped3A_294 : memref<!tpu.dma_semaphore, #tpu.memory_space<semaphore_mem>>) src(%dma_wait3A_321 : memref<8000x128xf32, #tpu.memory_space<hbm>>) dst(%dma_wait3A_311 : memref<128x128xf32, #tpu.memory_space<vmem>>)
            tpu.yield
          }) : () -> ()
          "tpu.trace_stop"() : () -> ()
          %ne3A_230 = arith.cmpi ne, %add3A_155, %add3A_173 : i32
          %or3A_231 = arith.constant false
          %or3A_232 = arith.ori %or3A_231, %ne3A_230 : i1
          %or3A_233 = arith.ori %or3A_232, %eq3A_154 : i1
          %convert_element_type3A_234 = arith.extui %or3A_233 : i1 to i32
          %cond3A_235 = arith.constant 0 : i32
          %cond3A_236 = arith.cmpi ne, %convert_element_type3A_234, %cond3A_235 : i32
          scf.if %cond3A_236 {
          } else {
          }
          %and3A_237 = arith.constant false
          %and3A_238 = arith.andi %or3A_233, %and3A_237 : i1
          %ne3A_239 = arith.cmpi ne, %add3A_155, %add3A_173 : i32
          %or3A_240 = arith.constant false
          %or3A_241 = arith.ori %or3A_240, %ne3A_239 : i1
          %or3A_242 = arith.constant false
          %or3A_243 = arith.ori %or3A_241, %or3A_242 : i1
          %or3A_244 = arith.ori %or3A_243, %eq3A_154 : i1
          %convert_element_type3A_245 = arith.extui %or3A_244 : i1 to i32
          %cond3A_246 = arith.constant 0 : i32
          %cond3A_247 = arith.cmpi ne, %convert_element_type3A_245, %cond3A_246 : i32
          scf.if %cond3A_247 {
            "tpu.trace_start"() <{level = 10 : i32, message = "ep_copy_out"}> : () -> ()
            %rem3A_294 = arith.constant 2 : i32
            %rem3A_295 = arith.remui %while3A_145, %rem3A_294 : i32
            %mul3A_296 = arith.constant 128 : i32
            %mul3A_297 = arith.muli %mul3A_296, %add3A_155 : i32
            %dma_start3A_298 = arith.constant 0 : i32
            %dma_start3A_299 = arith.constant 0 : i32
            %dma_start3A_300 = tpu.memref_slice %run_scoped3A_18[%rem3A_295, %dma_start3A_298, %dma_start3A_299] : memref<2x128x128xf32, #tpu.memory_space<vmem>> -> memref<1x128x128xf32, #tpu.memory_space<vmem>>
            %dma_start3A_301 = tpu.memref_squeeze %dma_start3A_300 : memref<1x128x128xf32, #tpu.memory_space<vmem>> -> memref<128x128xf32, #tpu.memory_space<vmem>>
            %dma_start3A_302 = arith.constant 0 : i32
            %dma_start3A_303 = tpu.memref_slice %arg4[%mul3A_297, %dma_start3A_302] : memref<80000x128xf32, #tpu.memory_space<hbm>> -> memref<128x128xf32, #tpu.memory_space<hbm>>
            %dma_start3A_304 = tpu.memref_slice %run_scoped3A_19[%rem3A_295] : memref<2x!tpu.dma_semaphore, #tpu.memory_space<semaphore_mem>> -> memref<1x!tpu.dma_semaphore, #tpu.memory_space<semaphore_mem>>
            %dma_start3A_305 = tpu.memref_squeeze %dma_start3A_304 : memref<1x!tpu.dma_semaphore, #tpu.memory_space<semaphore_mem>> -> memref<!tpu.dma_semaphore, #tpu.memory_space<semaphore_mem>>
            %dma_start3A_306 = arith.constant 0 : i32
            %dma_start3A_307 = tpu.memref_slice %arg4[%mul3A_297, %dma_start3A_306] : memref<80000x128xf32, #tpu.memory_space<hbm>> -> memref<128x128xf32, #tpu.memory_space<hbm>>
            %dma_start3A_308 = arith.constant 0 : i32
            %dma_start3A_309 = arith.constant 0 : i32
            %dma_start3A_310 = tpu.memref_slice %run_scoped3A_18[%rem3A_295, %dma_start3A_308, %dma_start3A_309] : memref<2x128x128xf32, #tpu.memory_space<vmem>> -> memref<1x128x128xf32, #tpu.memory_space<vmem>>
            %dma_start3A_311 = tpu.memref_squeeze %dma_start3A_310 : memref<1x128x128xf32, #tpu.memory_space<vmem>> -> memref<128x128xf32, #tpu.memory_space<vmem>>
            tpu.enqueue_dma source(%dma_start3A_311 : memref<128x128xf32, #tpu.memory_space<vmem>>) target(%dma_start3A_307 : memref<128x128xf32, #tpu.memory_space<hbm>>) target_semaphore(%dma_start3A_305 : memref<!tpu.dma_semaphore, #tpu.memory_space<semaphore_mem>>)
            "tpu.trace_stop"() : () -> ()
          } else {
          }
          %and3A_248 = arith.constant true
          %and3A_249 = arith.andi %or3A_244, %and3A_248 : i1
          %add3A_250 = arith.constant 1 : i32
          %add3A_251 = arith.addi %while3A_145, %add3A_250 : i32
          %select_n3A_252 = arith.select %and3A_249, %add3A_251, %while3A_145 : i32
          %ne3A_253 = arith.cmpi ne, %add3A_155, %add3A_165 : i32
          %or3A_254 = arith.constant false
          %or3A_255 = arith.ori %or3A_254, %ne3A_253 : i1
          %not3A_256 = arith.constant true
          %not3A_257 = arith.xori %eq3A_151, %not3A_256 : i1
          %and3A_258 = arith.andi %or3A_255, %not3A_257 : i1
          %convert_element_type3A_259 = arith.extui %and3A_258 : i1 to i32
          %cond3A_260 = arith.constant 0 : i32
          %cond3A_261 = arith.cmpi ne, %convert_element_type3A_259, %cond3A_260 : i32
          scf.if %cond3A_261 {
          } else {
          }
          %and3A_262 = arith.constant false
          %and3A_263 = arith.andi %and3A_258, %and3A_262 : i1
          %ne3A_264 = arith.cmpi ne, %add3A_155, %add3A_165 : i32
          %or3A_265 = arith.constant false
          %or3A_266 = arith.ori %or3A_265, %ne3A_264 : i1
          %or3A_267 = arith.constant false
          %or3A_268 = arith.ori %or3A_266, %or3A_267 : i1
          %not3A_269 = arith.constant true
          %not3A_270 = arith.xori %eq3A_151, %not3A_269 : i1
          %and3A_271 = arith.andi %or3A_268, %not3A_270 : i1
          %convert_element_type3A_272 = arith.extui %and3A_271 : i1 to i32
          %cond3A_273 = arith.constant 0 : i32
          %cond3A_274 = arith.cmpi ne, %convert_element_type3A_272, %cond3A_273 : i32
          scf.if %cond3A_274 {
            "tpu.trace_start"() <{level = 10 : i32, message = "ep_wait_out"}> : () -> ()
            %rem3A_294 = arith.constant 2 : i32
            %rem3A_295 = arith.remui %while3A_146, %rem3A_294 : i32
            %mul3A_296 = arith.constant 128 : i32
            %mul3A_297 = arith.muli %mul3A_296, %add3A_165 : i32
            %dma_wait3A = arith.constant 0 : i32
            %dma_wait3A_298 = arith.constant 0 : i32
            %dma_wait3A_299 = tpu.memref_slice %run_scoped3A_18[%rem3A_295, %dma_wait3A, %dma_wait3A_298] : memref<2x128x128xf32, #tpu.memory_space<vmem>> -> memref<1x128x128xf32, #tpu.memory_space<vmem>>
            %dma_wait3A_300 = tpu.memref_squeeze %dma_wait3A_299 : memref<1x128x128xf32, #tpu.memory_space<vmem>> -> memref<128x128xf32, #tpu.memory_space<vmem>>
            %dma_wait3A_301 = arith.constant 0 : i32
            %dma_wait3A_302 = tpu.memref_slice %arg4[%mul3A_297, %dma_wait3A_301] : memref<80000x128xf32, #tpu.memory_space<hbm>> -> memref<128x128xf32, #tpu.memory_space<hbm>>
            %dma_wait3A_303 = tpu.memref_slice %run_scoped3A_19[%rem3A_295] : memref<2x!tpu.dma_semaphore, #tpu.memory_space<semaphore_mem>> -> memref<1x!tpu.dma_semaphore, #tpu.memory_space<semaphore_mem>>
            %dma_wait3A_304 = tpu.memref_squeeze %dma_wait3A_303 : memref<1x!tpu.dma_semaphore, #tpu.memory_space<semaphore_mem>> -> memref<!tpu.dma_semaphore, #tpu.memory_space<semaphore_mem>>
            %dma_wait3A_305 = arith.constant 0 : i32
            %dma_wait3A_306 = tpu.memref_slice %arg4[%mul3A_297, %dma_wait3A_305] : memref<80000x128xf32, #tpu.memory_space<hbm>> -> memref<128x128xf32, #tpu.memory_space<hbm>>
            %dma_wait3A_307 = arith.constant 0 : i32
            %dma_wait3A_308 = arith.constant 0 : i32
            %dma_wait3A_309 = tpu.memref_slice %run_scoped3A_18[%rem3A_295, %dma_wait3A_307, %dma_wait3A_308] : memref<2x128x128xf32, #tpu.memory_space<vmem>> -> memref<1x128x128xf32, #tpu.memory_space<vmem>>
            %dma_wait3A_310 = tpu.memref_squeeze %dma_wait3A_309 : memref<1x128x128xf32, #tpu.memory_space<vmem>> -> memref<128x128xf32, #tpu.memory_space<vmem>>
            tpu.wait_dma2 semaphore(%dma_wait3A_304 : memref<!tpu.dma_semaphore, #tpu.memory_space<semaphore_mem>>) src(%dma_wait3A_310 : memref<128x128xf32, #tpu.memory_space<vmem>>) dst(%dma_wait3A_306 : memref<128x128xf32, #tpu.memory_space<hbm>>)
            "tpu.trace_stop"() : () -> ()
          } else {
          }
          %and3A_275 = arith.constant true
          %and3A_276 = arith.andi %and3A_271, %and3A_275 : i1
          %add3A_277 = arith.constant 1 : i32
          %add3A_278 = arith.addi %while3A_146, %add3A_277 : i32
          %select_n3A_279 = arith.select %and3A_276, %add3A_278, %while3A_146 : i32
          %ne3A_280 = arith.cmpi ne, %add3A_155, %add3A_173 : i32
          %or3A_281 = arith.constant false
          %or3A_282 = arith.ori %or3A_281, %ne3A_280 : i1
          %or3A_283 = arith.ori %or3A_282, %eq3A_154 : i1
          %add3A_284 = arith.constant 1 : i32
          %add3A_285 = arith.addi %while3A_144, %add3A_284 : i32
          %select_n3A_286 = arith.select %or3A_283, %add3A_285, %while3A_144 : i32
          %add3A_287 = arith.constant 1 : i32
          %add3A_288 = arith.addi %while3A_147, %add3A_287 : i32
          %select_n3A_289 = arith.constant true
          %select_n3A_290 = arith.select %select_n3A_289, %add3A_288, %while3A_147 : i32
          %eq3A_291 = arith.cmpi eq, %select_n3A_290, %select_n3A : i32
          %select_n3A_292 = arith.constant 0 : i32
          %select_n3A_293 = arith.select %eq3A_291, %select_n3A_292, %select_n3A_290 : i32
          scf.yield %select_n3A_195, %select_n3A_286, %select_n3A_252, %select_n3A_279, %select_n3A_293 : i32, i32, i32, i32, i32
        }
        %sub3A_91 = arith.constant 1 : i32
        %sub3A_92 = arith.subi %while3A_90#4, %sub3A_91 : i32
        %select_n3A_93 = arith.constant true
        %select_n3A_94 = arith.select %select_n3A_93, %sub3A_92, %while3A_90#4 : i32
        %eq3A_95 = arith.constant -1 : i32
        %eq3A_96 = arith.cmpi eq, %select_n3A_94, %eq3A_95 : i32
        %sub3A_97 = arith.constant 1 : i32
        %sub3A_98 = arith.subi %select_n3A, %sub3A_97 : i32
        %select_n3A_99 = arith.select %eq3A_96, %sub3A_98, %select_n3A_94 : i32
        %sub3A_100 = arith.constant 1 : i32
        %sub3A_101 = arith.subi %mul3A_16, %sub3A_100 : i32
        %mul3A_102 = arith.constant 1 : i32
        %mul3A_103 = arith.muli %mul3A_102, %select_n3A : i32
        %eq3A_104 = arith.constant 0 : i32
        %eq3A_105 = arith.cmpi eq, %sub3A_101, %eq3A_104 : i32
        %sub3A_106 = arith.constant 1 : i32
        %sub3A_107 = arith.subi %mul3A_103, %sub3A_106 : i32
        %eq3A_108 = arith.cmpi eq, %sub3A_101, %sub3A_107 : i32
        %add3A_109 = arith.addi %select_n3A_99, %select_n3A_14 : i32
        %sub3A_110 = arith.constant 1 : i32
        %sub3A_111 = arith.subi %select_n3A_99, %sub3A_110 : i32
        %select_n3A_112 = arith.constant true
        %select_n3A_113 = arith.select %select_n3A_112, %sub3A_111, %select_n3A_99 : i32
        %eq3A_114 = arith.constant -1 : i32
        %eq3A_115 = arith.cmpi eq, %select_n3A_113, %eq3A_114 : i32
        %sub3A_116 = arith.constant 1 : i32
        %sub3A_117 = arith.subi %select_n3A, %sub3A_116 : i32
        %select_n3A_118 = arith.select %eq3A_115, %sub3A_117, %select_n3A_113 : i32
        %add3A_119 = arith.addi %select_n3A_118, %select_n3A_14 : i32
        %add3A_120 = arith.constant 1 : i32
        %add3A_121 = arith.addi %select_n3A_99, %add3A_120 : i32
        %select_n3A_122 = arith.constant true
        %select_n3A_123 = arith.select %select_n3A_122, %add3A_121, %select_n3A_99 : i32
        %eq3A_124 = arith.cmpi eq, %select_n3A_123, %select_n3A : i32
        %select_n3A_125 = arith.constant 0 : i32
        %select_n3A_126 = arith.select %eq3A_124, %select_n3A_125, %select_n3A_123 : i32
        %add3A_127 = arith.addi %select_n3A_126, %select_n3A_14 : i32
        %add3A_128 = arith.constant 1 : i32
        %add3A_129 = arith.addi %select_n3A_126, %add3A_128 : i32
        %select_n3A_130 = arith.constant true
        %select_n3A_131 = arith.select %select_n3A_130, %add3A_129, %select_n3A_126 : i32
        %eq3A_132 = arith.cmpi eq, %select_n3A_131, %select_n3A : i32
        %select_n3A_133 = arith.constant 0 : i32
        %select_n3A_134 = arith.select %eq3A_132, %select_n3A_133, %select_n3A_131 : i32
        %add3A_135 = arith.addi %select_n3A_134, %select_n3A_14 : i32
        %convert_element_type3A_136 = arith.extui %eq3A_108 : i1 to i32
        %cond3A_137 = arith.constant 0 : i32
        %cond3A_138 = arith.cmpi ne, %convert_element_type3A_136, %cond3A_137 : i32
        scf.if %cond3A_138 {
        } else {
        }
        %convert_element_type3A_139 = arith.extui %eq3A_108 : i1 to i32
        %cond3A_140 = arith.constant 0 : i32
        %cond3A_141 = arith.cmpi ne, %convert_element_type3A_139, %cond3A_140 : i32
        scf.if %cond3A_141 {
          "tpu.trace_start"() <{level = 10 : i32, message = "ep_finalize"}> : () -> ()
          %rem3A_142 = arith.constant 2 : i32
          %rem3A_143 = arith.remui %while3A_90#3, %rem3A_142 : i32
          %mul3A_144 = arith.constant 128 : i32
          %mul3A_145 = arith.muli %mul3A_144, %add3A_109 : i32
          %dma_wait3A = arith.constant 0 : i32
          %dma_wait3A_146 = arith.constant 0 : i32
          %dma_wait3A_147 = tpu.memref_slice %run_scoped3A_18[%rem3A_143, %dma_wait3A, %dma_wait3A_146] : memref<2x128x128xf32, #tpu.memory_space<vmem>> -> memref<1x128x128xf32, #tpu.memory_space<vmem>>
          %dma_wait3A_148 = tpu.memref_squeeze %dma_wait3A_147 : memref<1x128x128xf32, #tpu.memory_space<vmem>> -> memref<128x128xf32, #tpu.memory_space<vmem>>
          %dma_wait3A_149 = arith.constant 0 : i32
          %dma_wait3A_150 = tpu.memref_slice %arg4[%mul3A_145, %dma_wait3A_149] : memref<80000x128xf32, #tpu.memory_space<hbm>> -> memref<128x128xf32, #tpu.memory_space<hbm>>
          %dma_wait3A_151 = tpu.memref_slice %run_scoped3A_19[%rem3A_143] : memref<2x!tpu.dma_semaphore, #tpu.memory_space<semaphore_mem>> -> memref<1x!tpu.dma_semaphore, #tpu.memory_space<semaphore_mem>>
          %dma_wait3A_152 = tpu.memref_squeeze %dma_wait3A_151 : memref<1x!tpu.dma_semaphore, #tpu.memory_space<semaphore_mem>> -> memref<!tpu.dma_semaphore, #tpu.memory_space<semaphore_mem>>
          %dma_wait3A_153 = arith.constant 0 : i32
          %dma_wait3A_154 = tpu.memref_slice %arg4[%mul3A_145, %dma_wait3A_153] : memref<80000x128xf32, #tpu.memory_space<hbm>> -> memref<128x128xf32, #tpu.memory_space<hbm>>
          %dma_wait3A_155 = arith.constant 0 : i32
          %dma_wait3A_156 = arith.constant 0 : i32
          %dma_wait3A_157 = tpu.memref_slice %run_scoped3A_18[%rem3A_143, %dma_wait3A_155, %dma_wait3A_156] : memref<2x128x128xf32, #tpu.memory_space<vmem>> -> memref<1x128x128xf32, #tpu.memory_space<vmem>>
          %dma_wait3A_158 = tpu.memref_squeeze %dma_wait3A_157 : memref<1x128x128xf32, #tpu.memory_space<vmem>> -> memref<128x128xf32, #tpu.memory_space<vmem>>
          tpu.wait_dma2 semaphore(%dma_wait3A_152 : memref<!tpu.dma_semaphore, #tpu.memory_space<semaphore_mem>>) src(%dma_wait3A_158 : memref<128x128xf32, #tpu.memory_space<vmem>>) dst(%dma_wait3A_154 : memref<128x128xf32, #tpu.memory_space<hbm>>)
          "tpu.trace_stop"() : () -> ()
        } else {
        }
      } else {
      }
      tpu.yield
    }) : () -> ()
    return
  }
}

module attributes {stable_mosaic.version = 14 : i64} {
  func.func @_prep_body(%arg0: i32, %arg1: i32, %arg2: memref<1x400x128xf32, #tpu.memory_space<vmem>>, %arg3: memref<1x128x4096xf32, #tpu.memory_space<vmem>>, %arg4: memref<128x128xf32, #tpu.memory_space<vmem>>, %arg5: memref<128x128xf32, #tpu.memory_space<vmem>>, %arg6: memref<1x128xf32, #tpu.memory_space<vmem>>, %arg7: memref<1x400x128xf32, #tpu.memory_space<vmem>>, %arg8: memref<1x400x128xf32, #tpu.memory_space<vmem>>, %arg9: memref<1x400x10xi32, #tpu.memory_space<vmem>>) attributes {dimension_semantics = [#tpu.dimension_semantics<parallel>, #tpu.dimension_semantics<arbitrary>], iteration_bounds = array<i64: 2, 10>, scalar_prefetch = 0 : i64, scratch_operands = 0 : i64, tpu.core_type = #tpu.core_type<tc>, window_params = [{transform_indices = @transform_0, window_bounds = array<i64: 1, 400, 128>}, {transform_indices = @transform_1, window_bounds = array<i64: 1, 128, 4096>}, {pipeline_mode = #tpu.pipeline_mode<synchronous>, transform_indices = @transform_2, window_bounds = array<i64: 128, 128>}, {pipeline_mode = #tpu.pipeline_mode<synchronous>, transform_indices = @transform_3, window_bounds = array<i64: 128, 128>}, {pipeline_mode = #tpu.pipeline_mode<synchronous>, transform_indices = @transform_4, window_bounds = array<i64: 1, 128>}, {transform_indices = @transform_5, window_bounds = array<i64: 1, 400, 128>}, {transform_indices = @transform_6, window_bounds = array<i64: 1, 400, 128>}, {transform_indices = @transform_7, window_bounds = array<i64: 1, 400, 10>}]} {
    %get3A = arith.constant 0 : index
    %get3A_0 = arith.constant 0 : index
    %get3A_1 = arith.constant 0 : index
    %get3A_2 = vector.load %arg2[%get3A, %get3A_0, %get3A_1] : memref<1x400x128xf32, #tpu.memory_space<vmem>>, vector<1x400x128xf32>
    %get3A_3 = vector.shape_cast %get3A_2 : vector<1x400x128xf32> to vector<400x128xf32>
    %get3A_4 = arith.constant 0 : index
    %get3A_5 = arith.constant 0 : index
    %get3A_6 = vector.load %arg4[%get3A_4, %get3A_5] : memref<128x128xf32, #tpu.memory_space<vmem>>, vector<128x128xf32>
    %convert_element_type3A = arith.truncf %get3A_3 : vector<400x128xf32> to vector<400x128xbf16>
    %convert_element_type3A_7 = arith.truncf %get3A_6 : vector<128x128xf32> to vector<128x128xbf16>
    %dot_general3A = arith.constant dense<0.000000e+00> : vector<400x128xf32>
    %dot_general3A_8 = tpu.matmul %convert_element_type3A, %convert_element_type3A_7, %dot_general3A {dimension_numbers = #tpu.dot_dimension_numbers<[1], [0], [0], [1], [0, 0, 1, 1], [], []>, transpose_lhs_hint = false} : vector<400x128xbf16>, vector<128x128xbf16>, vector<400x128xf32> -> vector<400x128xf32>
    %swap3A = arith.constant 0 : index
    %swap3A_9 = arith.constant 0 : index
    %swap3A_10 = arith.constant 0 : index
    %swap3A_11 = vector.load %arg7[%swap3A, %swap3A_9, %swap3A_10] : memref<1x400x128xf32, #tpu.memory_space<vmem>>, vector<1x400x128xf32>
    %swap3A_12 = vector.shape_cast %swap3A_11 : vector<1x400x128xf32> to vector<400x128xf32>
    %swap3A_13 = vector.shape_cast %dot_general3A_8 : vector<400x128xf32> to vector<1x400x128xf32>
    tpu.vector_store %arg7[%swap3A, %swap3A_9, %swap3A_10], %swap3A_13 {strides = array<i32>} : memref<1x400x128xf32, #tpu.memory_space<vmem>>, vector<1x400x128xf32>,
    %get3A_14 = arith.constant 0 : index
    %get3A_15 = arith.constant 0 : index
    %get3A_16 = vector.load %arg5[%get3A_14, %get3A_15] : memref<128x128xf32, #tpu.memory_space<vmem>>, vector<128x128xf32>
    %convert_element_type3A_17 = arith.truncf %get3A_3 : vector<400x128xf32> to vector<400x128xbf16>
    %convert_element_type3A_18 = arith.truncf %get3A_16 : vector<128x128xf32> to vector<128x128xbf16>
    %dot_general3A_19 = arith.constant dense<0.000000e+00> : vector<400x128xf32>
    %dot_general3A_20 = tpu.matmul %convert_element_type3A_17, %convert_element_type3A_18, %dot_general3A_19 {dimension_numbers = #tpu.dot_dimension_numbers<[1], [0], [0], [1], [0, 0, 1, 1], [], []>, transpose_lhs_hint = false} : vector<400x128xbf16>, vector<128x128xbf16>, vector<400x128xf32> -> vector<400x128xf32>
    %get3A_21 = arith.constant 0 : index
    %get3A_22 = arith.constant 0 : index
    %get3A_23 = vector.load %arg6[%get3A_21, %get3A_22] : memref<1x128xf32, #tpu.memory_space<vmem>>, vector<1x128xf32>
    %add3A = vector.broadcast %get3A_23 : vector<1x128xf32> to vector<400x128xf32>
    %add3A_24 = arith.addf %dot_general3A_20, %add3A : vector<400x128xf32>
    %swap3A_25 = arith.constant 0 : index
    %swap3A_26 = arith.constant 0 : index
    %swap3A_27 = arith.constant 0 : index
    %swap3A_28 = vector.load %arg8[%swap3A_25, %swap3A_26, %swap3A_27] : memref<1x400x128xf32, #tpu.memory_space<vmem>>, vector<1x400x128xf32>
    %swap3A_29 = vector.shape_cast %swap3A_28 : vector<1x400x128xf32> to vector<400x128xf32>
    %swap3A_30 = vector.shape_cast %add3A_24 : vector<400x128xf32> to vector<1x400x128xf32>
    tpu.vector_store %arg8[%swap3A_25, %swap3A_26, %swap3A_27], %swap3A_30 {strides = array<i32>} : memref<1x400x128xf32, #tpu.memory_space<vmem>>, vector<1x400x128xf32>,
    %get3A_31 = arith.constant 0 : index
    %get3A_32 = arith.constant 0 : index
    %get3A_33 = arith.constant 0 : index
    %get3A_34 = vector.load %arg3[%get3A_31, %get3A_32, %get3A_33] : memref<1x128x4096xf32, #tpu.memory_space<vmem>>, vector<1x128x4096xf32>
    %get3A_35 = vector.shape_cast %get3A_34 : vector<1x128x4096xf32> to vector<128x4096xf32>
    %convert_element_type3A_36 = arith.truncf %get3A_3 : vector<400x128xf32> to vector<400x128xbf16>
    %convert_element_type3A_37 = arith.truncf %get3A_35 : vector<128x4096xf32> to vector<128x4096xbf16>
    %dot_general3A_38 = arith.constant dense<0.000000e+00> : vector<400x4096xf32>
    %dot_general3A_39 = tpu.matmul %convert_element_type3A_36, %convert_element_type3A_37, %dot_general3A_38 {dimension_numbers = #tpu.dot_dimension_numbers<[1], [0], [0], [1], [0, 0, 1, 1], [], []>, transpose_lhs_hint = false} : vector<400x128xbf16>, vector<128x4096xbf16>, vector<400x4096xf32> -> vector<400x4096xf32>
    %mul3A = arith.constant -2.000000e+00 : f32
    %mul3A_40 = vector.broadcast %mul3A : f32 to vector<400x4096xf32>
    %mul3A_41 = arith.mulf %mul3A_40, %dot_general3A_39 : vector<400x4096xf32>
    %mul3A_42 = arith.mulf %get3A_35, %get3A_35 : vector<128x4096xf32>
    %reduce_sum3A = arith.constant dense<0.000000e+00> : vector<4096xf32>
    %reduce_sum3A_43 = vector.multi_reduction <add>, %mul3A_42, %reduce_sum3A [0] : vector<128x4096xf32> to vector<4096xf32>
    %broadcast_in_dim3A = vector.shape_cast %reduce_sum3A_43 : vector<4096xf32> to vector<1x4096xf32>
    %mul3A_44 = arith.mulf %get3A_3, %get3A_3 : vector<400x128xf32>
    %reduce_sum3A_45 = arith.constant dense<0.000000e+00> : vector<400xf32>
    %reduce_sum3A_46 = vector.multi_reduction <add>, %mul3A_44, %reduce_sum3A_45 [1] : vector<400x128xf32> to vector<400xf32>
    %broadcast_in_dim3A_47 = vector.shape_cast %reduce_sum3A_46 : vector<400xf32> to vector<400x1xf32>
    %iota3A = tpu.iota {dimensions = array<i32: 1>} : vector<1x4096xi32>
    %ge3A = arith.constant 4000 : i32
    %ge3A_48 = vector.broadcast %ge3A : i32 to vector<1x4096xi32>
    %ge3A_49 = arith.cmpi sge, %iota3A, %ge3A_48 : vector<1x4096xi32>
    %jit3A = arith.constant 0x7F800000 : f32
    %jit3A_50 = arith.constant 0.000000e+00 : f32
    %broadcast_in_dim3A_51 = vector.broadcast %jit3A : f32 to vector<1x4096xf32>
    %broadcast_in_dim3A_52 = vector.broadcast %jit3A_50 : f32 to vector<1x4096xf32>
    %select_n3A = arith.select %ge3A_49, %broadcast_in_dim3A_51, %broadcast_in_dim3A_52 : vector<1x4096xi1>, vector<1x4096xf32>
    %add3A_53 = arith.addf %broadcast_in_dim3A, %select_n3A : vector<1x4096xf32>
    %neg3A = arith.constant 0.000000e+00 : f32
    %neg3A_54 = vector.broadcast %neg3A : f32 to vector<1x4096xf32>
    %neg3A_55 = arith.subf %neg3A_54, %add3A_53 : vector<1x4096xf32>
    %sub3A = vector.broadcast %neg3A_55 : vector<1x4096xf32> to vector<400x4096xf32>
    %sub3A_56 = arith.subf %sub3A, %mul3A_41 : vector<400x4096xf32>
    %sub3A_57 = vector.broadcast %broadcast_in_dim3A_47 : vector<400x1xf32> to vector<400x4096xf32>
    %sub3A_58 = arith.subf %sub3A_56, %sub3A_57 : vector<400x4096xf32>
    %iota3A_59 = tpu.iota {dimensions = array<i32: 1>} : vector<400x128xi32>
    %convert_element_type3A_60 = arith.sitofp %iota3A_59 : vector<400x128xi32> to vector<400x128xf32>
    %broadcast_in_dim3A_61 = arith.constant 0xFF800000 : f32
    %broadcast_in_dim3A_62 = vector.broadcast %broadcast_in_dim3A_61 : f32 to vector<400x128xf32>
    %broadcast_in_dim3A_63 = arith.constant 0xFF800000 : f32
    %broadcast_in_dim3A_64 = vector.broadcast %broadcast_in_dim3A_63 : f32 to vector<400x128xf32>
    %broadcast_in_dim3A_65 = arith.constant 0xFF800000 : f32
    %broadcast_in_dim3A_66 = vector.broadcast %broadcast_in_dim3A_65 : f32 to vector<400x128xf32>
    %broadcast_in_dim3A_67 = arith.constant 0xFF800000 : f32
    %broadcast_in_dim3A_68 = vector.broadcast %broadcast_in_dim3A_67 : f32 to vector<400x128xf32>
    %broadcast_in_dim3A_69 = arith.constant 0xFF800000 : f32
    %broadcast_in_dim3A_70 = vector.broadcast %broadcast_in_dim3A_69 : f32 to vector<400x128xf32>
    %broadcast_in_dim3A_71 = arith.constant 0xFF800000 : f32
    %broadcast_in_dim3A_72 = vector.broadcast %broadcast_in_dim3A_71 : f32 to vector<400x128xf32>
    %broadcast_in_dim3A_73 = arith.constant 0xFF800000 : f32
    %broadcast_in_dim3A_74 = vector.broadcast %broadcast_in_dim3A_73 : f32 to vector<400x128xf32>
    %broadcast_in_dim3A_75 = arith.constant 0xFF800000 : f32
    %broadcast_in_dim3A_76 = vector.broadcast %broadcast_in_dim3A_75 : f32 to vector<400x128xf32>
    %broadcast_in_dim3A_77 = arith.constant 0xFF800000 : f32
    %broadcast_in_dim3A_78 = vector.broadcast %broadcast_in_dim3A_77 : f32 to vector<400x128xf32>
    %slice3A = vector.extract_strided_slice %sub3A_58 {offsets = [0, 0], sizes = [400, 128], strides = [1, 1]} : vector<400x4096xf32> to vector<400x128xf32>
    %add3A_79 = arith.constant 0.000000e+00 : f32
    %add3A_80 = vector.broadcast %add3A_79 : f32 to vector<400x128xf32>
    %add3A_81 = arith.addf %convert_element_type3A_60, %add3A_80 : vector<400x128xf32>
    %neg3A_82 = arith.constant 0.000000e+00 : f32
    %neg3A_83 = vector.broadcast %neg3A_82 : f32 to vector<400x128xf32>
    %neg3A_84 = arith.subf %neg3A_83, %add3A_81 : vector<400x128xf32>
    %gt3A = arith.cmpf ogt, %slice3A, %broadcast_in_dim3A_62 : vector<400x128xf32>
    %gt3A_85 = arith.cmpf ogt, %slice3A, %broadcast_in_dim3A_64 : vector<400x128xf32>
    %gt3A_86 = arith.cmpf ogt, %slice3A, %broadcast_in_dim3A_66 : vector<400x128xf32>
    %gt3A_87 = arith.cmpf ogt, %slice3A, %broadcast_in_dim3A_68 : vector<400x128xf32>
    %select_n3A_88 = arith.select %gt3A_87, %broadcast_in_dim3A_68, %slice3A : vector<400x128xi1>, vector<400x128xf32>
    %max3A = arith.maximumf %broadcast_in_dim3A_78, %select_n3A_88 : vector<400x128xf32>
    %select_n3A_89 = arith.select %gt3A, %slice3A, %broadcast_in_dim3A_62 : vector<400x128xi1>, vector<400x128xf32>
    %select_n3A_90 = arith.select %gt3A_85, %slice3A, %broadcast_in_dim3A_64 : vector<400x128xi1>, vector<400x128xf32>
    %select_n3A_91 = arith.select %gt3A, %broadcast_in_dim3A_62, %select_n3A_90 : vector<400x128xi1>, vector<400x128xf32>
    %select_n3A_92 = arith.select %gt3A_86, %slice3A, %broadcast_in_dim3A_66 : vector<400x128xi1>, vector<400x128xf32>
    %select_n3A_93 = arith.select %gt3A_85, %broadcast_in_dim3A_64, %select_n3A_92 : vector<400x128xi1>, vector<400x128xf32>
    %select_n3A_94 = arith.select %gt3A_87, %slice3A, %broadcast_in_dim3A_68 : vector<400x128xi1>, vector<400x128xf32>
    %select_n3A_95 = arith.select %gt3A_86, %broadcast_in_dim3A_66, %select_n3A_94 : vector<400x128xi1>, vector<400x128xf32>
    %select_n3A_96 = arith.select %gt3A, %neg3A_84, %broadcast_in_dim3A_70 : vector<400x128xi1>, vector<400x128xf32>
    %select_n3A_97 = arith.select %gt3A_85, %neg3A_84, %broadcast_in_dim3A_72 : vector<400x128xi1>, vector<400x128xf32>
    %select_n3A_98 = arith.select %gt3A, %broadcast_in_dim3A_70, %select_n3A_97 : vector<400x128xi1>, vector<400x128xf32>
    %select_n3A_99 = arith.select %gt3A_86, %neg3A_84, %broadcast_in_dim3A_74 : vector<400x128xi1>, vector<400x128xf32>
    %select_n3A_100 = arith.select %gt3A_85, %broadcast_in_dim3A_72, %select_n3A_99 : vector<400x128xi1>, vector<400x128xf32>
    %select_n3A_101 = arith.select %gt3A_87, %neg3A_84, %broadcast_in_dim3A_76 : vector<400x128xi1>, vector<400x128xf32>
    %select_n3A_102 = arith.select %gt3A_86, %broadcast_in_dim3A_74, %select_n3A_101 : vector<400x128xi1>, vector<400x128xf32>
    %slice3A_103 = vector.extract_strided_slice %sub3A_58 {offsets = [0, 128], sizes = [400, 128], strides = [1, 1]} : vector<400x4096xf32> to vector<400x128xf32>
    %add3A_104 = arith.constant 1.280000e+02 : f32
    %add3A_105 = vector.broadcast %add3A_104 : f32 to vector<400x128xf32>
    %add3A_106 = arith.addf %convert_element_type3A_60, %add3A_105 : vector<400x128xf32>
    %neg3A_107 = arith.constant 0.000000e+00 : f32
    %neg3A_108 = vector.broadcast %neg3A_107 : f32 to vector<400x128xf32>
    %neg3A_109 = arith.subf %neg3A_108, %add3A_106 : vector<400x128xf32>
    %gt3A_110 = arith.cmpf ogt, %slice3A_103, %select_n3A_89 : vector<400x128xf32>
    %gt3A_111 = arith.cmpf ogt, %slice3A_103, %select_n3A_91 : vector<400x128xf32>
    %gt3A_112 = arith.cmpf ogt, %slice3A_103, %select_n3A_93 : vector<400x128xf32>
    %gt3A_113 = arith.cmpf ogt, %slice3A_103, %select_n3A_95 : vector<400x128xf32>
    %select_n3A_114 = arith.select %gt3A_113, %select_n3A_95, %slice3A_103 : vector<400x128xi1>, vector<400x128xf32>
    %max3A_115 = arith.maximumf %max3A, %select_n3A_114 : vector<400x128xf32>
    %select_n3A_116 = arith.select %gt3A_110, %slice3A_103, %select_n3A_89 : vector<400x128xi1>, vector<400x128xf32>
    %select_n3A_117 = arith.select %gt3A_111, %slice3A_103, %select_n3A_91 : vector<400x128xi1>, vector<400x128xf32>
    %select_n3A_118 = arith.select %gt3A_110, %select_n3A_89, %select_n3A_117 : vector<400x128xi1>, vector<400x128xf32>
    %select_n3A_119 = arith.select %gt3A_112, %slice3A_103, %select_n3A_93 : vector<400x128xi1>, vector<400x128xf32>
    %select_n3A_120 = arith.select %gt3A_111, %select_n3A_91, %select_n3A_119 : vector<400x128xi1>, vector<400x128xf32>
    %select_n3A_121 = arith.select %gt3A_113, %slice3A_103, %select_n3A_95 : vector<400x128xi1>, vector<400x128xf32>
    %select_n3A_122 = arith.select %gt3A_112, %select_n3A_93, %select_n3A_121 : vector<400x128xi1>, vector<400x128xf32>
    %select_n3A_123 = arith.select %gt3A_110, %neg3A_109, %select_n3A_96 : vector<400x128xi1>, vector<400x128xf32>
    %select_n3A_124 = arith.select %gt3A_111, %neg3A_109, %select_n3A_98 : vector<400x128xi1>, vector<400x128xf32>
    %select_n3A_125 = arith.select %gt3A_110, %select_n3A_96, %select_n3A_124 : vector<400x128xi1>, vector<400x128xf32>
    %select_n3A_126 = arith.select %gt3A_112, %neg3A_109, %select_n3A_100 : vector<400x128xi1>, vector<400x128xf32>
    %select_n3A_127 = arith.select %gt3A_111, %select_n3A_98, %select_n3A_126 : vector<400x128xi1>, vector<400x128xf32>
    %select_n3A_128 = arith.select %gt3A_113, %neg3A_109, %select_n3A_102 : vector<400x128xi1>, vector<400x128xf32>
    %select_n3A_129 = arith.select %gt3A_112, %select_n3A_100, %select_n3A_128 : vector<400x128xi1>, vector<400x128xf32>
    %slice3A_130 = vector.extract_strided_slice %sub3A_58 {offsets = [0, 256], sizes = [400, 128], strides = [1, 1]} : vector<400x4096xf32> to vector<400x128xf32>
    %add3A_131 = arith.constant 2.560000e+02 : f32
    %add3A_132 = vector.broadcast %add3A_131 : f32 to vector<400x128xf32>
    %add3A_133 = arith.addf %convert_element_type3A_60, %add3A_132 : vector<400x128xf32>
    %neg3A_134 = arith.constant 0.000000e+00 : f32
    %neg3A_135 = vector.broadcast %neg3A_134 : f32 to vector<400x128xf32>
    %neg3A_136 = arith.subf %neg3A_135, %add3A_133 : vector<400x128xf32>
    %gt3A_137 = arith.cmpf ogt, %slice3A_130, %select_n3A_116 : vector<400x128xf32>
    %gt3A_138 = arith.cmpf ogt, %slice3A_130, %select_n3A_118 : vector<400x128xf32>
    %gt3A_139 = arith.cmpf ogt, %slice3A_130, %select_n3A_120 : vector<400x128xf32>
    %gt3A_140 = arith.cmpf ogt, %slice3A_130, %select_n3A_122 : vector<400x128xf32>
    %select_n3A_141 = arith.select %gt3A_140, %select_n3A_122, %slice3A_130 : vector<400x128xi1>, vector<400x128xf32>
    %max3A_142 = arith.maximumf %max3A_115, %select_n3A_141 : vector<400x128xf32>
    %select_n3A_143 = arith.select %gt3A_137, %slice3A_130, %select_n3A_116 : vector<400x128xi1>, vector<400x128xf32>
    %select_n3A_144 = arith.select %gt3A_138, %slice3A_130, %select_n3A_118 : vector<400x128xi1>, vector<400x128xf32>
    %select_n3A_145 = arith.select %gt3A_137, %select_n3A_116, %select_n3A_144 : vector<400x128xi1>, vector<400x128xf32>
    %select_n3A_146 = arith.select %gt3A_139, %slice3A_130, %select_n3A_120 : vector<400x128xi1>, vector<400x128xf32>
    %select_n3A_147 = arith.select %gt3A_138, %select_n3A_118, %select_n3A_146 : vector<400x128xi1>, vector<400x128xf32>
    %select_n3A_148 = arith.select %gt3A_140, %slice3A_130, %select_n3A_122 : vector<400x128xi1>, vector<400x128xf32>
    %select_n3A_149 = arith.select %gt3A_139, %select_n3A_120, %select_n3A_148 : vector<400x128xi1>, vector<400x128xf32>
    %select_n3A_150 = arith.select %gt3A_137, %neg3A_136, %select_n3A_123 : vector<400x128xi1>, vector<400x128xf32>
    %select_n3A_151 = arith.select %gt3A_138, %neg3A_136, %select_n3A_125 : vector<400x128xi1>, vector<400x128xf32>
    %select_n3A_152 = arith.select %gt3A_137, %select_n3A_123, %select_n3A_151 : vector<400x128xi1>, vector<400x128xf32>
    %select_n3A_153 = arith.select %gt3A_139, %neg3A_136, %select_n3A_127 : vector<400x128xi1>, vector<400x128xf32>
    %select_n3A_154 = arith.select %gt3A_138, %select_n3A_125, %select_n3A_153 : vector<400x128xi1>, vector<400x128xf32>
    %select_n3A_155 = arith.select %gt3A_140, %neg3A_136, %select_n3A_129 : vector<400x128xi1>, vector<400x128xf32>
    %select_n3A_156 = arith.select %gt3A_139, %select_n3A_127, %select_n3A_155 : vector<400x128xi1>, vector<400x128xf32>
    %slice3A_157 = vector.extract_strided_slice %sub3A_58 {offsets = [0, 384], sizes = [400, 128], strides = [1, 1]} : vector<400x4096xf32> to vector<400x128xf32>
    %add3A_158 = arith.constant 3.840000e+02 : f32
    %add3A_159 = vector.broadcast %add3A_158 : f32 to vector<400x128xf32>
    %add3A_160 = arith.addf %convert_element_type3A_60, %add3A_159 : vector<400x128xf32>
    %neg3A_161 = arith.constant 0.000000e+00 : f32
    %neg3A_162 = vector.broadcast %neg3A_161 : f32 to vector<400x128xf32>
    %neg3A_163 = arith.subf %neg3A_162, %add3A_160 : vector<400x128xf32>
    %gt3A_164 = arith.cmpf ogt, %slice3A_157, %select_n3A_143 : vector<400x128xf32>
    %gt3A_165 = arith.cmpf ogt, %slice3A_157, %select_n3A_145 : vector<400x128xf32>
    %gt3A_166 = arith.cmpf ogt, %slice3A_157, %select_n3A_147 : vector<400x128xf32>
    %gt3A_167 = arith.cmpf ogt, %slice3A_157, %select_n3A_149 : vector<400x128xf32>
    %select_n3A_168 = arith.select %gt3A_167, %select_n3A_149, %slice3A_157 : vector<400x128xi1>, vector<400x128xf32>
    %max3A_169 = arith.maximumf %max3A_142, %select_n3A_168 : vector<400x128xf32>
    %select_n3A_170 = arith.select %gt3A_164, %slice3A_157, %select_n3A_143 : vector<400x128xi1>, vector<400x128xf32>
    %select_n3A_171 = arith.select %gt3A_165, %slice3A_157, %select_n3A_145 : vector<400x128xi1>, vector<400x128xf32>
    %select_n3A_172 = arith.select %gt3A_164, %select_n3A_143, %select_n3A_171 : vector<400x128xi1>, vector<400x128xf32>
    %select_n3A_173 = arith.select %gt3A_166, %slice3A_157, %select_n3A_147 : vector<400x128xi1>, vector<400x128xf32>
    %select_n3A_174 = arith.select %gt3A_165, %select_n3A_145, %select_n3A_173 : vector<400x128xi1>, vector<400x128xf32>
    %select_n3A_175 = arith.select %gt3A_167, %slice3A_157, %select_n3A_149 : vector<400x128xi1>, vector<400x128xf32>
    %select_n3A_176 = arith.select %gt3A_166, %select_n3A_147, %select_n3A_175 : vector<400x128xi1>, vector<400x128xf32>
    %select_n3A_177 = arith.select %gt3A_164, %neg3A_163, %select_n3A_150 : vector<400x128xi1>, vector<400x128xf32>
    %select_n3A_178 = arith.select %gt3A_165, %neg3A_163, %select_n3A_152 : vector<400x128xi1>, vector<400x128xf32>
    %select_n3A_179 = arith.select %gt3A_164, %select_n3A_150, %select_n3A_178 : vector<400x128xi1>, vector<400x128xf32>
    %select_n3A_180 = arith.select %gt3A_166, %neg3A_163, %select_n3A_154 : vector<400x128xi1>, vector<400x128xf32>
    %select_n3A_181 = arith.select %gt3A_165, %select_n3A_152, %select_n3A_180 : vector<400x128xi1>, vector<400x128xf32>
    %select_n3A_182 = arith.select %gt3A_167, %neg3A_163, %select_n3A_156 : vector<400x128xi1>, vector<400x128xf32>
    %select_n3A_183 = arith.select %gt3A_166, %select_n3A_154, %select_n3A_182 : vector<400x128xi1>, vector<400x128xf32>
    %slice3A_184 = vector.extract_strided_slice %sub3A_58 {offsets = [0, 512], sizes = [400, 128], strides = [1, 1]} : vector<400x4096xf32> to vector<400x128xf32>
    %add3A_185 = arith.constant 5.120000e+02 : f32
    %add3A_186 = vector.broadcast %add3A_185 : f32 to vector<400x128xf32>
    %add3A_187 = arith.addf %convert_element_type3A_60, %add3A_186 : vector<400x128xf32>
    %neg3A_188 = arith.constant 0.000000e+00 : f32
    %neg3A_189 = vector.broadcast %neg3A_188 : f32 to vector<400x128xf32>
    %neg3A_190 = arith.subf %neg3A_189, %add3A_187 : vector<400x128xf32>
    %gt3A_191 = arith.cmpf ogt, %slice3A_184, %select_n3A_170 : vector<400x128xf32>
    %gt3A_192 = arith.cmpf ogt, %slice3A_184, %select_n3A_172 : vector<400x128xf32>
    %gt3A_193 = arith.cmpf ogt, %slice3A_184, %select_n3A_174 : vector<400x128xf32>
    %gt3A_194 = arith.cmpf ogt, %slice3A_184, %select_n3A_176 : vector<400x128xf32>
    %select_n3A_195 = arith.select %gt3A_194, %select_n3A_176, %slice3A_184 : vector<400x128xi1>, vector<400x128xf32>
    %max3A_196 = arith.maximumf %max3A_169, %select_n3A_195 : vector<400x128xf32>
    %select_n3A_197 = arith.select %gt3A_191, %slice3A_184, %select_n3A_170 : vector<400x128xi1>, vector<400x128xf32>
    %select_n3A_198 = arith.select %gt3A_192, %slice3A_184, %select_n3A_172 : vector<400x128xi1>, vector<400x128xf32>
    %select_n3A_199 = arith.select %gt3A_191, %select_n3A_170, %select_n3A_198 : vector<400x128xi1>, vector<400x128xf32>
    %select_n3A_200 = arith.select %gt3A_193, %slice3A_184, %select_n3A_174 : vector<400x128xi1>, vector<400x128xf32>
    %select_n3A_201 = arith.select %gt3A_192, %select_n3A_172, %select_n3A_200 : vector<400x128xi1>, vector<400x128xf32>
    %select_n3A_202 = arith.select %gt3A_194, %slice3A_184, %select_n3A_176 : vector<400x128xi1>, vector<400x128xf32>
    %select_n3A_203 = arith.select %gt3A_193, %select_n3A_174, %select_n3A_202 : vector<400x128xi1>, vector<400x128xf32>
    %select_n3A_204 = arith.select %gt3A_191, %neg3A_190, %select_n3A_177 : vector<400x128xi1>, vector<400x128xf32>
    %select_n3A_205 = arith.select %gt3A_192, %neg3A_190, %select_n3A_179 : vector<400x128xi1>, vector<400x128xf32>
    %select_n3A_206 = arith.select %gt3A_191, %select_n3A_177, %select_n3A_205 : vector<400x128xi1>, vector<400x128xf32>
    %select_n3A_207 = arith.select %gt3A_193, %neg3A_190, %select_n3A_181 : vector<400x128xi1>, vector<400x128xf32>
    %select_n3A_208 = arith.select %gt3A_192, %select_n3A_179, %select_n3A_207 : vector<400x128xi1>, vector<400x128xf32>
    %select_n3A_209 = arith.select %gt3A_194, %neg3A_190, %select_n3A_183 : vector<400x128xi1>, vector<400x128xf32>
    %select_n3A_210 = arith.select %gt3A_193, %select_n3A_181, %select_n3A_209 : vector<400x128xi1>, vector<400x128xf32>
    %slice3A_211 = vector.extract_strided_slice %sub3A_58 {offsets = [0, 640], sizes = [400, 128], strides = [1, 1]} : vector<400x4096xf32> to vector<400x128xf32>
    %add3A_212 = arith.constant 6.400000e+02 : f32
    %add3A_213 = vector.broadcast %add3A_212 : f32 to vector<400x128xf32>
    %add3A_214 = arith.addf %convert_element_type3A_60, %add3A_213 : vector<400x128xf32>
    %neg3A_215 = arith.constant 0.000000e+00 : f32
    %neg3A_216 = vector.broadcast %neg3A_215 : f32 to vector<400x128xf32>
    %neg3A_217 = arith.subf %neg3A_216, %add3A_214 : vector<400x128xf32>
    %gt3A_218 = arith.cmpf ogt, %slice3A_211, %select_n3A_197 : vector<400x128xf32>
    %gt3A_219 = arith.cmpf ogt, %slice3A_211, %select_n3A_199 : vector<400x128xf32>
    %gt3A_220 = arith.cmpf ogt, %slice3A_211, %select_n3A_201 : vector<400x128xf32>
    %gt3A_221 = arith.cmpf ogt, %slice3A_211, %select_n3A_203 : vector<400x128xf32>
    %select_n3A_222 = arith.select %gt3A_221, %select_n3A_203, %slice3A_211 : vector<400x128xi1>, vector<400x128xf32>
    %max3A_223 = arith.maximumf %max3A_196, %select_n3A_222 : vector<400x128xf32>
    %select_n3A_224 = arith.select %gt3A_218, %slice3A_211, %select_n3A_197 : vector<400x128xi1>, vector<400x128xf32>
    %select_n3A_225 = arith.select %gt3A_219, %slice3A_211, %select_n3A_199 : vector<400x128xi1>, vector<400x128xf32>
    %select_n3A_226 = arith.select %gt3A_218, %select_n3A_197, %select_n3A_225 : vector<400x128xi1>, vector<400x128xf32>
    %select_n3A_227 = arith.select %gt3A_220, %slice3A_211, %select_n3A_201 : vector<400x128xi1>, vector<400x128xf32>
    %select_n3A_228 = arith.select %gt3A_219, %select_n3A_199, %select_n3A_227 : vector<400x128xi1>, vector<400x128xf32>
    %select_n3A_229 = arith.select %gt3A_221, %slice3A_211, %select_n3A_203 : vector<400x128xi1>, vector<400x128xf32>
    %select_n3A_230 = arith.select %gt3A_220, %select_n3A_201, %select_n3A_229 : vector<400x128xi1>, vector<400x128xf32>
    %select_n3A_231 = arith.select %gt3A_218, %neg3A_217, %select_n3A_204 : vector<400x128xi1>, vector<400x128xf32>
    %select_n3A_232 = arith.select %gt3A_219, %neg3A_217, %select_n3A_206 : vector<400x128xi1>, vector<400x128xf32>
    %select_n3A_233 = arith.select %gt3A_218, %select_n3A_204, %select_n3A_232 : vector<400x128xi1>, vector<400x128xf32>
    %select_n3A_234 = arith.select %gt3A_220, %neg3A_217, %select_n3A_208 : vector<400x128xi1>, vector<400x128xf32>
    %select_n3A_235 = arith.select %gt3A_219, %select_n3A_206, %select_n3A_234 : vector<400x128xi1>, vector<400x128xf32>
    %select_n3A_236 = arith.select %gt3A_221, %neg3A_217, %select_n3A_210 : vector<400x128xi1>, vector<400x128xf32>
    %select_n3A_237 = arith.select %gt3A_220, %select_n3A_208, %select_n3A_236 : vector<400x128xi1>, vector<400x128xf32>
    %slice3A_238 = vector.extract_strided_slice %sub3A_58 {offsets = [0, 768], sizes = [400, 128], strides = [1, 1]} : vector<400x4096xf32> to vector<400x128xf32>
    %add3A_239 = arith.constant 7.680000e+02 : f32
    %add3A_240 = vector.broadcast %add3A_239 : f32 to vector<400x128xf32>
    %add3A_241 = arith.addf %convert_element_type3A_60, %add3A_240 : vector<400x128xf32>
    %neg3A_242 = arith.constant 0.000000e+00 : f32
    %neg3A_243 = vector.broadcast %neg3A_242 : f32 to vector<400x128xf32>
    %neg3A_244 = arith.subf %neg3A_243, %add3A_241 : vector<400x128xf32>
    %gt3A_245 = arith.cmpf ogt, %slice3A_238, %select_n3A_224 : vector<400x128xf32>
    %gt3A_246 = arith.cmpf ogt, %slice3A_238, %select_n3A_226 : vector<400x128xf32>
    %gt3A_247 = arith.cmpf ogt, %slice3A_238, %select_n3A_228 : vector<400x128xf32>
    %gt3A_248 = arith.cmpf ogt, %slice3A_238, %select_n3A_230 : vector<400x128xf32>
    %select_n3A_249 = arith.select %gt3A_248, %select_n3A_230, %slice3A_238 : vector<400x128xi1>, vector<400x128xf32>
    %max3A_250 = arith.maximumf %max3A_223, %select_n3A_249 : vector<400x128xf32>
    %select_n3A_251 = arith.select %gt3A_245, %slice3A_238, %select_n3A_224 : vector<400x128xi1>, vector<400x128xf32>
    %select_n3A_252 = arith.select %gt3A_246, %slice3A_238, %select_n3A_226 : vector<400x128xi1>, vector<400x128xf32>
    %select_n3A_253 = arith.select %gt3A_245, %select_n3A_224, %select_n3A_252 : vector<400x128xi1>, vector<400x128xf32>
    %select_n3A_254 = arith.select %gt3A_247, %slice3A_238, %select_n3A_228 : vector<400x128xi1>, vector<400x128xf32>
    %select_n3A_255 = arith.select %gt3A_246, %select_n3A_226, %select_n3A_254 : vector<400x128xi1>, vector<400x128xf32>
    %select_n3A_256 = arith.select %gt3A_248, %slice3A_238, %select_n3A_230 : vector<400x128xi1>, vector<400x128xf32>
    %select_n3A_257 = arith.select %gt3A_247, %select_n3A_228, %select_n3A_256 : vector<400x128xi1>, vector<400x128xf32>
    %select_n3A_258 = arith.select %gt3A_245, %neg3A_244, %select_n3A_231 : vector<400x128xi1>, vector<400x128xf32>
    %select_n3A_259 = arith.select %gt3A_246, %neg3A_244, %select_n3A_233 : vector<400x128xi1>, vector<400x128xf32>
    %select_n3A_260 = arith.select %gt3A_245, %select_n3A_231, %select_n3A_259 : vector<400x128xi1>, vector<400x128xf32>
    %select_n3A_261 = arith.select %gt3A_247, %neg3A_244, %select_n3A_235 : vector<400x128xi1>, vector<400x128xf32>
    %select_n3A_262 = arith.select %gt3A_246, %select_n3A_233, %select_n3A_261 : vector<400x128xi1>, vector<400x128xf32>
    %select_n3A_263 = arith.select %gt3A_248, %neg3A_244, %select_n3A_237 : vector<400x128xi1>, vector<400x128xf32>
    %select_n3A_264 = arith.select %gt3A_247, %select_n3A_235, %select_n3A_263 : vector<400x128xi1>, vector<400x128xf32>
    %slice3A_265 = vector.extract_strided_slice %sub3A_58 {offsets = [0, 896], sizes = [400, 128], strides = [1, 1]} : vector<400x4096xf32> to vector<400x128xf32>
    %add3A_266 = arith.constant 8.960000e+02 : f32
    %add3A_267 = vector.broadcast %add3A_266 : f32 to vector<400x128xf32>
    %add3A_268 = arith.addf %convert_element_type3A_60, %add3A_267 : vector<400x128xf32>
    %neg3A_269 = arith.constant 0.000000e+00 : f32
    %neg3A_270 = vector.broadcast %neg3A_269 : f32 to vector<400x128xf32>
    %neg3A_271 = arith.subf %neg3A_270, %add3A_268 : vector<400x128xf32>
    %gt3A_272 = arith.cmpf ogt, %slice3A_265, %select_n3A_251 : vector<400x128xf32>
    %gt3A_273 = arith.cmpf ogt, %slice3A_265, %select_n3A_253 : vector<400x128xf32>
    %gt3A_274 = arith.cmpf ogt, %slice3A_265, %select_n3A_255 : vector<400x128xf32>
    %gt3A_275 = arith.cmpf ogt, %slice3A_265, %select_n3A_257 : vector<400x128xf32>
    %select_n3A_276 = arith.select %gt3A_275, %select_n3A_257, %slice3A_265 : vector<400x128xi1>, vector<400x128xf32>
    %max3A_277 = arith.maximumf %max3A_250, %select_n3A_276 : vector<400x128xf32>
    %select_n3A_278 = arith.select %gt3A_272, %slice3A_265, %select_n3A_251 : vector<400x128xi1>, vector<400x128xf32>
    %select_n3A_279 = arith.select %gt3A_273, %slice3A_265, %select_n3A_253 : vector<400x128xi1>, vector<400x128xf32>
    %select_n3A_280 = arith.select %gt3A_272, %select_n3A_251, %select_n3A_279 : vector<400x128xi1>, vector<400x128xf32>
    %select_n3A_281 = arith.select %gt3A_274, %slice3A_265, %select_n3A_255 : vector<400x128xi1>, vector<400x128xf32>
    %select_n3A_282 = arith.select %gt3A_273, %select_n3A_253, %select_n3A_281 : vector<400x128xi1>, vector<400x128xf32>
    %select_n3A_283 = arith.select %gt3A_275, %slice3A_265, %select_n3A_257 : vector<400x128xi1>, vector<400x128xf32>
    %select_n3A_284 = arith.select %gt3A_274, %select_n3A_255, %select_n3A_283 : vector<400x128xi1>, vector<400x128xf32>
    %select_n3A_285 = arith.select %gt3A_272, %neg3A_271, %select_n3A_258 : vector<400x128xi1>, vector<400x128xf32>
    %select_n3A_286 = arith.select %gt3A_273, %neg3A_271, %select_n3A_260 : vector<400x128xi1>, vector<400x128xf32>
    %select_n3A_287 = arith.select %gt3A_272, %select_n3A_258, %select_n3A_286 : vector<400x128xi1>, vector<400x128xf32>
    %select_n3A_288 = arith.select %gt3A_274, %neg3A_271, %select_n3A_262 : vector<400x128xi1>, vector<400x128xf32>
    %select_n3A_289 = arith.select %gt3A_273, %select_n3A_260, %select_n3A_288 : vector<400x128xi1>, vector<400x128xf32>
    %select_n3A_290 = arith.select %gt3A_275, %neg3A_271, %select_n3A_264 : vector<400x128xi1>, vector<400x128xf32>
    %select_n3A_291 = arith.select %gt3A_274, %select_n3A_262, %select_n3A_290 : vector<400x128xi1>, vector<400x128xf32>
    %slice3A_292 = vector.extract_strided_slice %sub3A_58 {offsets = [0, 1024], sizes = [400, 128], strides = [1, 1]} : vector<400x4096xf32> to vector<400x128xf32>
    %add3A_293 = arith.constant 1.024000e+03 : f32
    %add3A_294 = vector.broadcast %add3A_293 : f32 to vector<400x128xf32>
    %add3A_295 = arith.addf %convert_element_type3A_60, %add3A_294 : vector<400x128xf32>
    %neg3A_296 = arith.constant 0.000000e+00 : f32
    %neg3A_297 = vector.broadcast %neg3A_296 : f32 to vector<400x128xf32>
    %neg3A_298 = arith.subf %neg3A_297, %add3A_295 : vector<400x128xf32>
    %gt3A_299 = arith.cmpf ogt, %slice3A_292, %select_n3A_278 : vector<400x128xf32>
    %gt3A_300 = arith.cmpf ogt, %slice3A_292, %select_n3A_280 : vector<400x128xf32>
    %gt3A_301 = arith.cmpf ogt, %slice3A_292, %select_n3A_282 : vector<400x128xf32>
    %gt3A_302 = arith.cmpf ogt, %slice3A_292, %select_n3A_284 : vector<400x128xf32>
    %select_n3A_303 = arith.select %gt3A_302, %select_n3A_284, %slice3A_292 : vector<400x128xi1>, vector<400x128xf32>
    %max3A_304 = arith.maximumf %max3A_277, %select_n3A_303 : vector<400x128xf32>
    %select_n3A_305 = arith.select %gt3A_299, %slice3A_292, %select_n3A_278 : vector<400x128xi1>, vector<400x128xf32>
    %select_n3A_306 = arith.select %gt3A_300, %slice3A_292, %select_n3A_280 : vector<400x128xi1>, vector<400x128xf32>
    %select_n3A_307 = arith.select %gt3A_299, %select_n3A_278, %select_n3A_306 : vector<400x128xi1>, vector<400x128xf32>
    %select_n3A_308 = arith.select %gt3A_301, %slice3A_292, %select_n3A_282 : vector<400x128xi1>, vector<400x128xf32>
    %select_n3A_309 = arith.select %gt3A_300, %select_n3A_280, %select_n3A_308 : vector<400x128xi1>, vector<400x128xf32>
    %select_n3A_310 = arith.select %gt3A_302, %slice3A_292, %select_n3A_284 : vector<400x128xi1>, vector<400x128xf32>
    %select_n3A_311 = arith.select %gt3A_301, %select_n3A_282, %select_n3A_310 : vector<400x128xi1>, vector<400x128xf32>
    %select_n3A_312 = arith.select %gt3A_299, %neg3A_298, %select_n3A_285 : vector<400x128xi1>, vector<400x128xf32>
    %select_n3A_313 = arith.select %gt3A_300, %neg3A_298, %select_n3A_287 : vector<400x128xi1>, vector<400x128xf32>
    %select_n3A_314 = arith.select %gt3A_299, %select_n3A_285, %select_n3A_313 : vector<400x128xi1>, vector<400x128xf32>
    %select_n3A_315 = arith.select %gt3A_301, %neg3A_298, %select_n3A_289 : vector<400x128xi1>, vector<400x128xf32>
    %select_n3A_316 = arith.select %gt3A_300, %select_n3A_287, %select_n3A_315 : vector<400x128xi1>, vector<400x128xf32>
    %select_n3A_317 = arith.select %gt3A_302, %neg3A_298, %select_n3A_291 : vector<400x128xi1>, vector<400x128xf32>
    %select_n3A_318 = arith.select %gt3A_301, %select_n3A_289, %select_n3A_317 : vector<400x128xi1>, vector<400x128xf32>
    %slice3A_319 = vector.extract_strided_slice %sub3A_58 {offsets = [0, 1152], sizes = [400, 128], strides = [1, 1]} : vector<400x4096xf32> to vector<400x128xf32>
    %add3A_320 = arith.constant 1.152000e+03 : f32
    %add3A_321 = vector.broadcast %add3A_320 : f32 to vector<400x128xf32>
    %add3A_322 = arith.addf %convert_element_type3A_60, %add3A_321 : vector<400x128xf32>
    %neg3A_323 = arith.constant 0.000000e+00 : f32
    %neg3A_324 = vector.broadcast %neg3A_323 : f32 to vector<400x128xf32>
    %neg3A_325 = arith.subf %neg3A_324, %add3A_322 : vector<400x128xf32>
    %gt3A_326 = arith.cmpf ogt, %slice3A_319, %select_n3A_305 : vector<400x128xf32>
    %gt3A_327 = arith.cmpf ogt, %slice3A_319, %select_n3A_307 : vector<400x128xf32>
    %gt3A_328 = arith.cmpf ogt, %slice3A_319, %select_n3A_309 : vector<400x128xf32>
    %gt3A_329 = arith.cmpf ogt, %slice3A_319, %select_n3A_311 : vector<400x128xf32>
    %select_n3A_330 = arith.select %gt3A_329, %select_n3A_311, %slice3A_319 : vector<400x128xi1>, vector<400x128xf32>
    %max3A_331 = arith.maximumf %max3A_304, %select_n3A_330 : vector<400x128xf32>
    %select_n3A_332 = arith.select %gt3A_326, %slice3A_319, %select_n3A_305 : vector<400x128xi1>, vector<400x128xf32>
    %select_n3A_333 = arith.select %gt3A_327, %slice3A_319, %select_n3A_307 : vector<400x128xi1>, vector<400x128xf32>
    %select_n3A_334 = arith.select %gt3A_326, %select_n3A_305, %select_n3A_333 : vector<400x128xi1>, vector<400x128xf32>
    %select_n3A_335 = arith.select %gt3A_328, %slice3A_319, %select_n3A_309 : vector<400x128xi1>, vector<400x128xf32>
    %select_n3A_336 = arith.select %gt3A_327, %select_n3A_307, %select_n3A_335 : vector<400x128xi1>, vector<400x128xf32>
    %select_n3A_337 = arith.select %gt3A_329, %slice3A_319, %select_n3A_311 : vector<400x128xi1>, vector<400x128xf32>
    %select_n3A_338 = arith.select %gt3A_328, %select_n3A_309, %select_n3A_337 : vector<400x128xi1>, vector<400x128xf32>
    %select_n3A_339 = arith.select %gt3A_326, %neg3A_325, %select_n3A_312 : vector<400x128xi1>, vector<400x128xf32>
    %select_n3A_340 = arith.select %gt3A_327, %neg3A_325, %select_n3A_314 : vector<400x128xi1>, vector<400x128xf32>
    %select_n3A_341 = arith.select %gt3A_326, %select_n3A_312, %select_n3A_340 : vector<400x128xi1>, vector<400x128xf32>
    %select_n3A_342 = arith.select %gt3A_328, %neg3A_325, %select_n3A_316 : vector<400x128xi1>, vector<400x128xf32>
    %select_n3A_343 = arith.select %gt3A_327, %select_n3A_314, %select_n3A_342 : vector<400x128xi1>, vector<400x128xf32>
    %select_n3A_344 = arith.select %gt3A_329, %neg3A_325, %select_n3A_318 : vector<400x128xi1>, vector<400x128xf32>
    %select_n3A_345 = arith.select %gt3A_328, %select_n3A_316, %select_n3A_344 : vector<400x128xi1>, vector<400x128xf32>
    %slice3A_346 = vector.extract_strided_slice %sub3A_58 {offsets = [0, 1280], sizes = [400, 128], strides = [1, 1]} : vector<400x4096xf32> to vector<400x128xf32>
    %add3A_347 = arith.constant 1.280000e+03 : f32
    %add3A_348 = vector.broadcast %add3A_347 : f32 to vector<400x128xf32>
    %add3A_349 = arith.addf %convert_element_type3A_60, %add3A_348 : vector<400x128xf32>
    %neg3A_350 = arith.constant 0.000000e+00 : f32
    %neg3A_351 = vector.broadcast %neg3A_350 : f32 to vector<400x128xf32>
    %neg3A_352 = arith.subf %neg3A_351, %add3A_349 : vector<400x128xf32>
    %gt3A_353 = arith.cmpf ogt, %slice3A_346, %select_n3A_332 : vector<400x128xf32>
    %gt3A_354 = arith.cmpf ogt, %slice3A_346, %select_n3A_334 : vector<400x128xf32>
    %gt3A_355 = arith.cmpf ogt, %slice3A_346, %select_n3A_336 : vector<400x128xf32>
    %gt3A_356 = arith.cmpf ogt, %slice3A_346, %select_n3A_338 : vector<400x128xf32>
    %select_n3A_357 = arith.select %gt3A_356, %select_n3A_338, %slice3A_346 : vector<400x128xi1>, vector<400x128xf32>
    %max3A_358 = arith.maximumf %max3A_331, %select_n3A_357 : vector<400x128xf32>
    %select_n3A_359 = arith.select %gt3A_353, %slice3A_346, %select_n3A_332 : vector<400x128xi1>, vector<400x128xf32>
    %select_n3A_360 = arith.select %gt3A_354, %slice3A_346, %select_n3A_334 : vector<400x128xi1>, vector<400x128xf32>
    %select_n3A_361 = arith.select %gt3A_353, %select_n3A_332, %select_n3A_360 : vector<400x128xi1>, vector<400x128xf32>
    %select_n3A_362 = arith.select %gt3A_355, %slice3A_346, %select_n3A_336 : vector<400x128xi1>, vector<400x128xf32>
    %select_n3A_363 = arith.select %gt3A_354, %select_n3A_334, %select_n3A_362 : vector<400x128xi1>, vector<400x128xf32>
    %select_n3A_364 = arith.select %gt3A_356, %slice3A_346, %select_n3A_338 : vector<400x128xi1>, vector<400x128xf32>
    %select_n3A_365 = arith.select %gt3A_355, %select_n3A_336, %select_n3A_364 : vector<400x128xi1>, vector<400x128xf32>
    %select_n3A_366 = arith.select %gt3A_353, %neg3A_352, %select_n3A_339 : vector<400x128xi1>, vector<400x128xf32>
    %select_n3A_367 = arith.select %gt3A_354, %neg3A_352, %select_n3A_341 : vector<400x128xi1>, vector<400x128xf32>
    %select_n3A_368 = arith.select %gt3A_353, %select_n3A_339, %select_n3A_367 : vector<400x128xi1>, vector<400x128xf32>
    %select_n3A_369 = arith.select %gt3A_355, %neg3A_352, %select_n3A_343 : vector<400x128xi1>, vector<400x128xf32>
    %select_n3A_370 = arith.select %gt3A_354, %select_n3A_341, %select_n3A_369 : vector<400x128xi1>, vector<400x128xf32>
    %select_n3A_371 = arith.select %gt3A_356, %neg3A_352, %select_n3A_345 : vector<400x128xi1>, vector<400x128xf32>
    %select_n3A_372 = arith.select %gt3A_355, %select_n3A_343, %select_n3A_371 : vector<400x128xi1>, vector<400x128xf32>
    %slice3A_373 = vector.extract_strided_slice %sub3A_58 {offsets = [0, 1408], sizes = [400, 128], strides = [1, 1]} : vector<400x4096xf32> to vector<400x128xf32>
    %add3A_374 = arith.constant 1.408000e+03 : f32
    %add3A_375 = vector.broadcast %add3A_374 : f32 to vector<400x128xf32>
    %add3A_376 = arith.addf %convert_element_type3A_60, %add3A_375 : vector<400x128xf32>
    %neg3A_377 = arith.constant 0.000000e+00 : f32
    %neg3A_378 = vector.broadcast %neg3A_377 : f32 to vector<400x128xf32>
    %neg3A_379 = arith.subf %neg3A_378, %add3A_376 : vector<400x128xf32>
    %gt3A_380 = arith.cmpf ogt, %slice3A_373, %select_n3A_359 : vector<400x128xf32>
    %gt3A_381 = arith.cmpf ogt, %slice3A_373, %select_n3A_361 : vector<400x128xf32>
    %gt3A_382 = arith.cmpf ogt, %slice3A_373, %select_n3A_363 : vector<400x128xf32>
    %gt3A_383 = arith.cmpf ogt, %slice3A_373, %select_n3A_365 : vector<400x128xf32>
    %select_n3A_384 = arith.select %gt3A_383, %select_n3A_365, %slice3A_373 : vector<400x128xi1>, vector<400x128xf32>
    %max3A_385 = arith.maximumf %max3A_358, %select_n3A_384 : vector<400x128xf32>
    %select_n3A_386 = arith.select %gt3A_380, %slice3A_373, %select_n3A_359 : vector<400x128xi1>, vector<400x128xf32>
    %select_n3A_387 = arith.select %gt3A_381, %slice3A_373, %select_n3A_361 : vector<400x128xi1>, vector<400x128xf32>
    %select_n3A_388 = arith.select %gt3A_380, %select_n3A_359, %select_n3A_387 : vector<400x128xi1>, vector<400x128xf32>
    %select_n3A_389 = arith.select %gt3A_382, %slice3A_373, %select_n3A_363 : vector<400x128xi1>, vector<400x128xf32>
    %select_n3A_390 = arith.select %gt3A_381, %select_n3A_361, %select_n3A_389 : vector<400x128xi1>, vector<400x128xf32>
    %select_n3A_391 = arith.select %gt3A_383, %slice3A_373, %select_n3A_365 : vector<400x128xi1>, vector<400x128xf32>
    %select_n3A_392 = arith.select %gt3A_382, %select_n3A_363, %select_n3A_391 : vector<400x128xi1>, vector<400x128xf32>
    %select_n3A_393 = arith.select %gt3A_380, %neg3A_379, %select_n3A_366 : vector<400x128xi1>, vector<400x128xf32>
    %select_n3A_394 = arith.select %gt3A_381, %neg3A_379, %select_n3A_368 : vector<400x128xi1>, vector<400x128xf32>
    %select_n3A_395 = arith.select %gt3A_380, %select_n3A_366, %select_n3A_394 : vector<400x128xi1>, vector<400x128xf32>
    %select_n3A_396 = arith.select %gt3A_382, %neg3A_379, %select_n3A_370 : vector<400x128xi1>, vector<400x128xf32>
    %select_n3A_397 = arith.select %gt3A_381, %select_n3A_368, %select_n3A_396 : vector<400x128xi1>, vector<400x128xf32>
    %select_n3A_398 = arith.select %gt3A_383, %neg3A_379, %select_n3A_372 : vector<400x128xi1>, vector<400x128xf32>
    %select_n3A_399 = arith.select %gt3A_382, %select_n3A_370, %select_n3A_398 : vector<400x128xi1>, vector<400x128xf32>
    %slice3A_400 = vector.extract_strided_slice %sub3A_58 {offsets = [0, 1536], sizes = [400, 128], strides = [1, 1]} : vector<400x4096xf32> to vector<400x128xf32>
    %add3A_401 = arith.constant 1.536000e+03 : f32
    %add3A_402 = vector.broadcast %add3A_401 : f32 to vector<400x128xf32>
    %add3A_403 = arith.addf %convert_element_type3A_60, %add3A_402 : vector<400x128xf32>
    %neg3A_404 = arith.constant 0.000000e+00 : f32
    %neg3A_405 = vector.broadcast %neg3A_404 : f32 to vector<400x128xf32>
    %neg3A_406 = arith.subf %neg3A_405, %add3A_403 : vector<400x128xf32>
    %gt3A_407 = arith.cmpf ogt, %slice3A_400, %select_n3A_386 : vector<400x128xf32>
    %gt3A_408 = arith.cmpf ogt, %slice3A_400, %select_n3A_388 : vector<400x128xf32>
    %gt3A_409 = arith.cmpf ogt, %slice3A_400, %select_n3A_390 : vector<400x128xf32>
    %gt3A_410 = arith.cmpf ogt, %slice3A_400, %select_n3A_392 : vector<400x128xf32>
    %select_n3A_411 = arith.select %gt3A_410, %select_n3A_392, %slice3A_400 : vector<400x128xi1>, vector<400x128xf32>
    %max3A_412 = arith.maximumf %max3A_385, %select_n3A_411 : vector<400x128xf32>
    %select_n3A_413 = arith.select %gt3A_407, %slice3A_400, %select_n3A_386 : vector<400x128xi1>, vector<400x128xf32>
    %select_n3A_414 = arith.select %gt3A_408, %slice3A_400, %select_n3A_388 : vector<400x128xi1>, vector<400x128xf32>
    %select_n3A_415 = arith.select %gt3A_407, %select_n3A_386, %select_n3A_414 : vector<400x128xi1>, vector<400x128xf32>
    %select_n3A_416 = arith.select %gt3A_409, %slice3A_400, %select_n3A_390 : vector<400x128xi1>, vector<400x128xf32>
    %select_n3A_417 = arith.select %gt3A_408, %select_n3A_388, %select_n3A_416 : vector<400x128xi1>, vector<400x128xf32>
    %select_n3A_418 = arith.select %gt3A_410, %slice3A_400, %select_n3A_392 : vector<400x128xi1>, vector<400x128xf32>
    %select_n3A_419 = arith.select %gt3A_409, %select_n3A_390, %select_n3A_418 : vector<400x128xi1>, vector<400x128xf32>
    %select_n3A_420 = arith.select %gt3A_407, %neg3A_406, %select_n3A_393 : vector<400x128xi1>, vector<400x128xf32>
    %select_n3A_421 = arith.select %gt3A_408, %neg3A_406, %select_n3A_395 : vector<400x128xi1>, vector<400x128xf32>
    %select_n3A_422 = arith.select %gt3A_407, %select_n3A_393, %select_n3A_421 : vector<400x128xi1>, vector<400x128xf32>
    %select_n3A_423 = arith.select %gt3A_409, %neg3A_406, %select_n3A_397 : vector<400x128xi1>, vector<400x128xf32>
    %select_n3A_424 = arith.select %gt3A_408, %select_n3A_395, %select_n3A_423 : vector<400x128xi1>, vector<400x128xf32>
    %select_n3A_425 = arith.select %gt3A_410, %neg3A_406, %select_n3A_399 : vector<400x128xi1>, vector<400x128xf32>
    %select_n3A_426 = arith.select %gt3A_409, %select_n3A_397, %select_n3A_425 : vector<400x128xi1>, vector<400x128xf32>
    %slice3A_427 = vector.extract_strided_slice %sub3A_58 {offsets = [0, 1664], sizes = [400, 128], strides = [1, 1]} : vector<400x4096xf32> to vector<400x128xf32>
    %add3A_428 = arith.constant 1.664000e+03 : f32
    %add3A_429 = vector.broadcast %add3A_428 : f32 to vector<400x128xf32>
    %add3A_430 = arith.addf %convert_element_type3A_60, %add3A_429 : vector<400x128xf32>
    %neg3A_431 = arith.constant 0.000000e+00 : f32
    %neg3A_432 = vector.broadcast %neg3A_431 : f32 to vector<400x128xf32>
    %neg3A_433 = arith.subf %neg3A_432, %add3A_430 : vector<400x128xf32>
    %gt3A_434 = arith.cmpf ogt, %slice3A_427, %select_n3A_413 : vector<400x128xf32>
    %gt3A_435 = arith.cmpf ogt, %slice3A_427, %select_n3A_415 : vector<400x128xf32>
    %gt3A_436 = arith.cmpf ogt, %slice3A_427, %select_n3A_417 : vector<400x128xf32>
    %gt3A_437 = arith.cmpf ogt, %slice3A_427, %select_n3A_419 : vector<400x128xf32>
    %select_n3A_438 = arith.select %gt3A_437, %select_n3A_419, %slice3A_427 : vector<400x128xi1>, vector<400x128xf32>
    %max3A_439 = arith.maximumf %max3A_412, %select_n3A_438 : vector<400x128xf32>
    %select_n3A_440 = arith.select %gt3A_434, %slice3A_427, %select_n3A_413 : vector<400x128xi1>, vector<400x128xf32>
    %select_n3A_441 = arith.select %gt3A_435, %slice3A_427, %select_n3A_415 : vector<400x128xi1>, vector<400x128xf32>
    %select_n3A_442 = arith.select %gt3A_434, %select_n3A_413, %select_n3A_441 : vector<400x128xi1>, vector<400x128xf32>
    %select_n3A_443 = arith.select %gt3A_436, %slice3A_427, %select_n3A_417 : vector<400x128xi1>, vector<400x128xf32>
    %select_n3A_444 = arith.select %gt3A_435, %select_n3A_415, %select_n3A_443 : vector<400x128xi1>, vector<400x128xf32>
    %select_n3A_445 = arith.select %gt3A_437, %slice3A_427, %select_n3A_419 : vector<400x128xi1>, vector<400x128xf32>
    %select_n3A_446 = arith.select %gt3A_436, %select_n3A_417, %select_n3A_445 : vector<400x128xi1>, vector<400x128xf32>
    %select_n3A_447 = arith.select %gt3A_434, %neg3A_433, %select_n3A_420 : vector<400x128xi1>, vector<400x128xf32>
    %select_n3A_448 = arith.select %gt3A_435, %neg3A_433, %select_n3A_422 : vector<400x128xi1>, vector<400x128xf32>
    %select_n3A_449 = arith.select %gt3A_434, %select_n3A_420, %select_n3A_448 : vector<400x128xi1>, vector<400x128xf32>
    %select_n3A_450 = arith.select %gt3A_436, %neg3A_433, %select_n3A_424 : vector<400x128xi1>, vector<400x128xf32>
    %select_n3A_451 = arith.select %gt3A_435, %select_n3A_422, %select_n3A_450 : vector<400x128xi1>, vector<400x128xf32>
    %select_n3A_452 = arith.select %gt3A_437, %neg3A_433, %select_n3A_426 : vector<400x128xi1>, vector<400x128xf32>
    %select_n3A_453 = arith.select %gt3A_436, %select_n3A_424, %select_n3A_452 : vector<400x128xi1>, vector<400x128xf32>
    %slice3A_454 = vector.extract_strided_slice %sub3A_58 {offsets = [0, 1792], sizes = [400, 128], strides = [1, 1]} : vector<400x4096xf32> to vector<400x128xf32>
    %add3A_455 = arith.constant 1.792000e+03 : f32
    %add3A_456 = vector.broadcast %add3A_455 : f32 to vector<400x128xf32>
    %add3A_457 = arith.addf %convert_element_type3A_60, %add3A_456 : vector<400x128xf32>
    %neg3A_458 = arith.constant 0.000000e+00 : f32
    %neg3A_459 = vector.broadcast %neg3A_458 : f32 to vector<400x128xf32>
    %neg3A_460 = arith.subf %neg3A_459, %add3A_457 : vector<400x128xf32>
    %gt3A_461 = arith.cmpf ogt, %slice3A_454, %select_n3A_440 : vector<400x128xf32>
    %gt3A_462 = arith.cmpf ogt, %slice3A_454, %select_n3A_442 : vector<400x128xf32>
    %gt3A_463 = arith.cmpf ogt, %slice3A_454, %select_n3A_444 : vector<400x128xf32>
    %gt3A_464 = arith.cmpf ogt, %slice3A_454, %select_n3A_446 : vector<400x128xf32>
    %select_n3A_465 = arith.select %gt3A_464, %select_n3A_446, %slice3A_454 : vector<400x128xi1>, vector<400x128xf32>
    %max3A_466 = arith.maximumf %max3A_439, %select_n3A_465 : vector<400x128xf32>
    %select_n3A_467 = arith.select %gt3A_461, %slice3A_454, %select_n3A_440 : vector<400x128xi1>, vector<400x128xf32>
    %select_n3A_468 = arith.select %gt3A_462, %slice3A_454, %select_n3A_442 : vector<400x128xi1>, vector<400x128xf32>
    %select_n3A_469 = arith.select %gt3A_461, %select_n3A_440, %select_n3A_468 : vector<400x128xi1>, vector<400x128xf32>
    %select_n3A_470 = arith.select %gt3A_463, %slice3A_454, %select_n3A_444 : vector<400x128xi1>, vector<400x128xf32>
    %select_n3A_471 = arith.select %gt3A_462, %select_n3A_442, %select_n3A_470 : vector<400x128xi1>, vector<400x128xf32>
    %select_n3A_472 = arith.select %gt3A_464, %slice3A_454, %select_n3A_446 : vector<400x128xi1>, vector<400x128xf32>
    %select_n3A_473 = arith.select %gt3A_463, %select_n3A_444, %select_n3A_472 : vector<400x128xi1>, vector<400x128xf32>
    %select_n3A_474 = arith.select %gt3A_461, %neg3A_460, %select_n3A_447 : vector<400x128xi1>, vector<400x128xf32>
    %select_n3A_475 = arith.select %gt3A_462, %neg3A_460, %select_n3A_449 : vector<400x128xi1>, vector<400x128xf32>
    %select_n3A_476 = arith.select %gt3A_461, %select_n3A_447, %select_n3A_475 : vector<400x128xi1>, vector<400x128xf32>
    %select_n3A_477 = arith.select %gt3A_463, %neg3A_460, %select_n3A_451 : vector<400x128xi1>, vector<400x128xf32>
    %select_n3A_478 = arith.select %gt3A_462, %select_n3A_449, %select_n3A_477 : vector<400x128xi1>, vector<400x128xf32>
    %select_n3A_479 = arith.select %gt3A_464, %neg3A_460, %select_n3A_453 : vector<400x128xi1>, vector<400x128xf32>
    %select_n3A_480 = arith.select %gt3A_463, %select_n3A_451, %select_n3A_479 : vector<400x128xi1>, vector<400x128xf32>
    %slice3A_481 = vector.extract_strided_slice %sub3A_58 {offsets = [0, 1920], sizes = [400, 128], strides = [1, 1]} : vector<400x4096xf32> to vector<400x128xf32>
    %add3A_482 = arith.constant 1.920000e+03 : f32
    %add3A_483 = vector.broadcast %add3A_482 : f32 to vector<400x128xf32>
    %add3A_484 = arith.addf %convert_element_type3A_60, %add3A_483 : vector<400x128xf32>
    %neg3A_485 = arith.constant 0.000000e+00 : f32
    %neg3A_486 = vector.broadcast %neg3A_485 : f32 to vector<400x128xf32>
    %neg3A_487 = arith.subf %neg3A_486, %add3A_484 : vector<400x128xf32>
    %gt3A_488 = arith.cmpf ogt, %slice3A_481, %select_n3A_467 : vector<400x128xf32>
    %gt3A_489 = arith.cmpf ogt, %slice3A_481, %select_n3A_469 : vector<400x128xf32>
    %gt3A_490 = arith.cmpf ogt, %slice3A_481, %select_n3A_471 : vector<400x128xf32>
    %gt3A_491 = arith.cmpf ogt, %slice3A_481, %select_n3A_473 : vector<400x128xf32>
    %select_n3A_492 = arith.select %gt3A_491, %select_n3A_473, %slice3A_481 : vector<400x128xi1>, vector<400x128xf32>
    %max3A_493 = arith.maximumf %max3A_466, %select_n3A_492 : vector<400x128xf32>
    %select_n3A_494 = arith.select %gt3A_488, %slice3A_481, %select_n3A_467 : vector<400x128xi1>, vector<400x128xf32>
    %select_n3A_495 = arith.select %gt3A_489, %slice3A_481, %select_n3A_469 : vector<400x128xi1>, vector<400x128xf32>
    %select_n3A_496 = arith.select %gt3A_488, %select_n3A_467, %select_n3A_495 : vector<400x128xi1>, vector<400x128xf32>
    %select_n3A_497 = arith.select %gt3A_490, %slice3A_481, %select_n3A_471 : vector<400x128xi1>, vector<400x128xf32>
    %select_n3A_498 = arith.select %gt3A_489, %select_n3A_469, %select_n3A_497 : vector<400x128xi1>, vector<400x128xf32>
    %select_n3A_499 = arith.select %gt3A_491, %slice3A_481, %select_n3A_473 : vector<400x128xi1>, vector<400x128xf32>
    %select_n3A_500 = arith.select %gt3A_490, %select_n3A_471, %select_n3A_499 : vector<400x128xi1>, vector<400x128xf32>
    %select_n3A_501 = arith.select %gt3A_488, %neg3A_487, %select_n3A_474 : vector<400x128xi1>, vector<400x128xf32>
    %select_n3A_502 = arith.select %gt3A_489, %neg3A_487, %select_n3A_476 : vector<400x128xi1>, vector<400x128xf32>
    %select_n3A_503 = arith.select %gt3A_488, %select_n3A_474, %select_n3A_502 : vector<400x128xi1>, vector<400x128xf32>
    %select_n3A_504 = arith.select %gt3A_490, %neg3A_487, %select_n3A_478 : vector<400x128xi1>, vector<400x128xf32>
    %select_n3A_505 = arith.select %gt3A_489, %select_n3A_476, %select_n3A_504 : vector<400x128xi1>, vector<400x128xf32>
    %select_n3A_506 = arith.select %gt3A_491, %neg3A_487, %select_n3A_480 : vector<400x128xi1>, vector<400x128xf32>
    %select_n3A_507 = arith.select %gt3A_490, %select_n3A_478, %select_n3A_506 : vector<400x128xi1>, vector<400x128xf32>
    %slice3A_508 = vector.extract_strided_slice %sub3A_58 {offsets = [0, 2048], sizes = [400, 128], strides = [1, 1]} : vector<400x4096xf32> to vector<400x128xf32>
    %add3A_509 = arith.constant 2.048000e+03 : f32
    %add3A_510 = vector.broadcast %add3A_509 : f32 to vector<400x128xf32>
    %add3A_511 = arith.addf %convert_element_type3A_60, %add3A_510 : vector<400x128xf32>
    %neg3A_512 = arith.constant 0.000000e+00 : f32
    %neg3A_513 = vector.broadcast %neg3A_512 : f32 to vector<400x128xf32>
    %neg3A_514 = arith.subf %neg3A_513, %add3A_511 : vector<400x128xf32>
    %gt3A_515 = arith.cmpf ogt, %slice3A_508, %select_n3A_494 : vector<400x128xf32>
    %gt3A_516 = arith.cmpf ogt, %slice3A_508, %select_n3A_496 : vector<400x128xf32>
    %gt3A_517 = arith.cmpf ogt, %slice3A_508, %select_n3A_498 : vector<400x128xf32>
    %gt3A_518 = arith.cmpf ogt, %slice3A_508, %select_n3A_500 : vector<400x128xf32>
    %select_n3A_519 = arith.select %gt3A_518, %select_n3A_500, %slice3A_508 : vector<400x128xi1>, vector<400x128xf32>
    %max3A_520 = arith.maximumf %max3A_493, %select_n3A_519 : vector<400x128xf32>
    %select_n3A_521 = arith.select %gt3A_515, %slice3A_508, %select_n3A_494 : vector<400x128xi1>, vector<400x128xf32>
    %select_n3A_522 = arith.select %gt3A_516, %slice3A_508, %select_n3A_496 : vector<400x128xi1>, vector<400x128xf32>
    %select_n3A_523 = arith.select %gt3A_515, %select_n3A_494, %select_n3A_522 : vector<400x128xi1>, vector<400x128xf32>
    %select_n3A_524 = arith.select %gt3A_517, %slice3A_508, %select_n3A_498 : vector<400x128xi1>, vector<400x128xf32>
    %select_n3A_525 = arith.select %gt3A_516, %select_n3A_496, %select_n3A_524 : vector<400x128xi1>, vector<400x128xf32>
    %select_n3A_526 = arith.select %gt3A_518, %slice3A_508, %select_n3A_500 : vector<400x128xi1>, vector<400x128xf32>
    %select_n3A_527 = arith.select %gt3A_517, %select_n3A_498, %select_n3A_526 : vector<400x128xi1>, vector<400x128xf32>
    %select_n3A_528 = arith.select %gt3A_515, %neg3A_514, %select_n3A_501 : vector<400x128xi1>, vector<400x128xf32>
    %select_n3A_529 = arith.select %gt3A_516, %neg3A_514, %select_n3A_503 : vector<400x128xi1>, vector<400x128xf32>
    %select_n3A_530 = arith.select %gt3A_515, %select_n3A_501, %select_n3A_529 : vector<400x128xi1>, vector<400x128xf32>
    %select_n3A_531 = arith.select %gt3A_517, %neg3A_514, %select_n3A_505 : vector<400x128xi1>, vector<400x128xf32>
    %select_n3A_532 = arith.select %gt3A_516, %select_n3A_503, %select_n3A_531 : vector<400x128xi1>, vector<400x128xf32>
    %select_n3A_533 = arith.select %gt3A_518, %neg3A_514, %select_n3A_507 : vector<400x128xi1>, vector<400x128xf32>
    %select_n3A_534 = arith.select %gt3A_517, %select_n3A_505, %select_n3A_533 : vector<400x128xi1>, vector<400x128xf32>
    %slice3A_535 = vector.extract_strided_slice %sub3A_58 {offsets = [0, 2176], sizes = [400, 128], strides = [1, 1]} : vector<400x4096xf32> to vector<400x128xf32>
    %add3A_536 = arith.constant 2.176000e+03 : f32
    %add3A_537 = vector.broadcast %add3A_536 : f32 to vector<400x128xf32>
    %add3A_538 = arith.addf %convert_element_type3A_60, %add3A_537 : vector<400x128xf32>
    %neg3A_539 = arith.constant 0.000000e+00 : f32
    %neg3A_540 = vector.broadcast %neg3A_539 : f32 to vector<400x128xf32>
    %neg3A_541 = arith.subf %neg3A_540, %add3A_538 : vector<400x128xf32>
    %gt3A_542 = arith.cmpf ogt, %slice3A_535, %select_n3A_521 : vector<400x128xf32>
    %gt3A_543 = arith.cmpf ogt, %slice3A_535, %select_n3A_523 : vector<400x128xf32>
    %gt3A_544 = arith.cmpf ogt, %slice3A_535, %select_n3A_525 : vector<400x128xf32>
    %gt3A_545 = arith.cmpf ogt, %slice3A_535, %select_n3A_527 : vector<400x128xf32>
    %select_n3A_546 = arith.select %gt3A_545, %select_n3A_527, %slice3A_535 : vector<400x128xi1>, vector<400x128xf32>
    %max3A_547 = arith.maximumf %max3A_520, %select_n3A_546 : vector<400x128xf32>
    %select_n3A_548 = arith.select %gt3A_542, %slice3A_535, %select_n3A_521 : vector<400x128xi1>, vector<400x128xf32>
    %select_n3A_549 = arith.select %gt3A_543, %slice3A_535, %select_n3A_523 : vector<400x128xi1>, vector<400x128xf32>
    %select_n3A_550 = arith.select %gt3A_542, %select_n3A_521, %select_n3A_549 : vector<400x128xi1>, vector<400x128xf32>
    %select_n3A_551 = arith.select %gt3A_544, %slice3A_535, %select_n3A_525 : vector<400x128xi1>, vector<400x128xf32>
    %select_n3A_552 = arith.select %gt3A_543, %select_n3A_523, %select_n3A_551 : vector<400x128xi1>, vector<400x128xf32>
    %select_n3A_553 = arith.select %gt3A_545, %slice3A_535, %select_n3A_527 : vector<400x128xi1>, vector<400x128xf32>
    %select_n3A_554 = arith.select %gt3A_544, %select_n3A_525, %select_n3A_553 : vector<400x128xi1>, vector<400x128xf32>
    %select_n3A_555 = arith.select %gt3A_542, %neg3A_541, %select_n3A_528 : vector<400x128xi1>, vector<400x128xf32>
    %select_n3A_556 = arith.select %gt3A_543, %neg3A_541, %select_n3A_530 : vector<400x128xi1>, vector<400x128xf32>
    %select_n3A_557 = arith.select %gt3A_542, %select_n3A_528, %select_n3A_556 : vector<400x128xi1>, vector<400x128xf32>
    %select_n3A_558 = arith.select %gt3A_544, %neg3A_541, %select_n3A_532 : vector<400x128xi1>, vector<400x128xf32>
    %select_n3A_559 = arith.select %gt3A_543, %select_n3A_530, %select_n3A_558 : vector<400x128xi1>, vector<400x128xf32>
    %select_n3A_560 = arith.select %gt3A_545, %neg3A_541, %select_n3A_534 : vector<400x128xi1>, vector<400x128xf32>
    %select_n3A_561 = arith.select %gt3A_544, %select_n3A_532, %select_n3A_560 : vector<400x128xi1>, vector<400x128xf32>
    %slice3A_562 = vector.extract_strided_slice %sub3A_58 {offsets = [0, 2304], sizes = [400, 128], strides = [1, 1]} : vector<400x4096xf32> to vector<400x128xf32>
    %add3A_563 = arith.constant 2.304000e+03 : f32
    %add3A_564 = vector.broadcast %add3A_563 : f32 to vector<400x128xf32>
    %add3A_565 = arith.addf %convert_element_type3A_60, %add3A_564 : vector<400x128xf32>
    %neg3A_566 = arith.constant 0.000000e+00 : f32
    %neg3A_567 = vector.broadcast %neg3A_566 : f32 to vector<400x128xf32>
    %neg3A_568 = arith.subf %neg3A_567, %add3A_565 : vector<400x128xf32>
    %gt3A_569 = arith.cmpf ogt, %slice3A_562, %select_n3A_548 : vector<400x128xf32>
    %gt3A_570 = arith.cmpf ogt, %slice3A_562, %select_n3A_550 : vector<400x128xf32>
    %gt3A_571 = arith.cmpf ogt, %slice3A_562, %select_n3A_552 : vector<400x128xf32>
    %gt3A_572 = arith.cmpf ogt, %slice3A_562, %select_n3A_554 : vector<400x128xf32>
    %select_n3A_573 = arith.select %gt3A_572, %select_n3A_554, %slice3A_562 : vector<400x128xi1>, vector<400x128xf32>
    %max3A_574 = arith.maximumf %max3A_547, %select_n3A_573 : vector<400x128xf32>
    %select_n3A_575 = arith.select %gt3A_569, %slice3A_562, %select_n3A_548 : vector<400x128xi1>, vector<400x128xf32>
    %select_n3A_576 = arith.select %gt3A_570, %slice3A_562, %select_n3A_550 : vector<400x128xi1>, vector<400x128xf32>
    %select_n3A_577 = arith.select %gt3A_569, %select_n3A_548, %select_n3A_576 : vector<400x128xi1>, vector<400x128xf32>
    %select_n3A_578 = arith.select %gt3A_571, %slice3A_562, %select_n3A_552 : vector<400x128xi1>, vector<400x128xf32>
    %select_n3A_579 = arith.select %gt3A_570, %select_n3A_550, %select_n3A_578 : vector<400x128xi1>, vector<400x128xf32>
    %select_n3A_580 = arith.select %gt3A_572, %slice3A_562, %select_n3A_554 : vector<400x128xi1>, vector<400x128xf32>
    %select_n3A_581 = arith.select %gt3A_571, %select_n3A_552, %select_n3A_580 : vector<400x128xi1>, vector<400x128xf32>
    %select_n3A_582 = arith.select %gt3A_569, %neg3A_568, %select_n3A_555 : vector<400x128xi1>, vector<400x128xf32>
    %select_n3A_583 = arith.select %gt3A_570, %neg3A_568, %select_n3A_557 : vector<400x128xi1>, vector<400x128xf32>
    %select_n3A_584 = arith.select %gt3A_569, %select_n3A_555, %select_n3A_583 : vector<400x128xi1>, vector<400x128xf32>
    %select_n3A_585 = arith.select %gt3A_571, %neg3A_568, %select_n3A_559 : vector<400x128xi1>, vector<400x128xf32>
    %select_n3A_586 = arith.select %gt3A_570, %select_n3A_557, %select_n3A_585 : vector<400x128xi1>, vector<400x128xf32>
    %select_n3A_587 = arith.select %gt3A_572, %neg3A_568, %select_n3A_561 : vector<400x128xi1>, vector<400x128xf32>
    %select_n3A_588 = arith.select %gt3A_571, %select_n3A_559, %select_n3A_587 : vector<400x128xi1>, vector<400x128xf32>
    %slice3A_589 = vector.extract_strided_slice %sub3A_58 {offsets = [0, 2432], sizes = [400, 128], strides = [1, 1]} : vector<400x4096xf32> to vector<400x128xf32>
    %add3A_590 = arith.constant 2.432000e+03 : f32
    %add3A_591 = vector.broadcast %add3A_590 : f32 to vector<400x128xf32>
    %add3A_592 = arith.addf %convert_element_type3A_60, %add3A_591 : vector<400x128xf32>
    %neg3A_593 = arith.constant 0.000000e+00 : f32
    %neg3A_594 = vector.broadcast %neg3A_593 : f32 to vector<400x128xf32>
    %neg3A_595 = arith.subf %neg3A_594, %add3A_592 : vector<400x128xf32>
    %gt3A_596 = arith.cmpf ogt, %slice3A_589, %select_n3A_575 : vector<400x128xf32>
    %gt3A_597 = arith.cmpf ogt, %slice3A_589, %select_n3A_577 : vector<400x128xf32>
    %gt3A_598 = arith.cmpf ogt, %slice3A_589, %select_n3A_579 : vector<400x128xf32>
    %gt3A_599 = arith.cmpf ogt, %slice3A_589, %select_n3A_581 : vector<400x128xf32>
    %select_n3A_600 = arith.select %gt3A_599, %select_n3A_581, %slice3A_589 : vector<400x128xi1>, vector<400x128xf32>
    %max3A_601 = arith.maximumf %max3A_574, %select_n3A_600 : vector<400x128xf32>
    %select_n3A_602 = arith.select %gt3A_596, %slice3A_589, %select_n3A_575 : vector<400x128xi1>, vector<400x128xf32>
    %select_n3A_603 = arith.select %gt3A_597, %slice3A_589, %select_n3A_577 : vector<400x128xi1>, vector<400x128xf32>
    %select_n3A_604 = arith.select %gt3A_596, %select_n3A_575, %select_n3A_603 : vector<400x128xi1>, vector<400x128xf32>
    %select_n3A_605 = arith.select %gt3A_598, %slice3A_589, %select_n3A_579 : vector<400x128xi1>, vector<400x128xf32>
    %select_n3A_606 = arith.select %gt3A_597, %select_n3A_577, %select_n3A_605 : vector<400x128xi1>, vector<400x128xf32>
    %select_n3A_607 = arith.select %gt3A_599, %slice3A_589, %select_n3A_581 : vector<400x128xi1>, vector<400x128xf32>
    %select_n3A_608 = arith.select %gt3A_598, %select_n3A_579, %select_n3A_607 : vector<400x128xi1>, vector<400x128xf32>
    %select_n3A_609 = arith.select %gt3A_596, %neg3A_595, %select_n3A_582 : vector<400x128xi1>, vector<400x128xf32>
    %select_n3A_610 = arith.select %gt3A_597, %neg3A_595, %select_n3A_584 : vector<400x128xi1>, vector<400x128xf32>
    %select_n3A_611 = arith.select %gt3A_596, %select_n3A_582, %select_n3A_610 : vector<400x128xi1>, vector<400x128xf32>
    %select_n3A_612 = arith.select %gt3A_598, %neg3A_595, %select_n3A_586 : vector<400x128xi1>, vector<400x128xf32>
    %select_n3A_613 = arith.select %gt3A_597, %select_n3A_584, %select_n3A_612 : vector<400x128xi1>, vector<400x128xf32>
    %select_n3A_614 = arith.select %gt3A_599, %neg3A_595, %select_n3A_588 : vector<400x128xi1>, vector<400x128xf32>
    %select_n3A_615 = arith.select %gt3A_598, %select_n3A_586, %select_n3A_614 : vector<400x128xi1>, vector<400x128xf32>
    %slice3A_616 = vector.extract_strided_slice %sub3A_58 {offsets = [0, 2560], sizes = [400, 128], strides = [1, 1]} : vector<400x4096xf32> to vector<400x128xf32>
    %add3A_617 = arith.constant 2.560000e+03 : f32
    %add3A_618 = vector.broadcast %add3A_617 : f32 to vector<400x128xf32>
    %add3A_619 = arith.addf %convert_element_type3A_60, %add3A_618 : vector<400x128xf32>
    %neg3A_620 = arith.constant 0.000000e+00 : f32
    %neg3A_621 = vector.broadcast %neg3A_620 : f32 to vector<400x128xf32>
    %neg3A_622 = arith.subf %neg3A_621, %add3A_619 : vector<400x128xf32>
    %gt3A_623 = arith.cmpf ogt, %slice3A_616, %select_n3A_602 : vector<400x128xf32>
    %gt3A_624 = arith.cmpf ogt, %slice3A_616, %select_n3A_604 : vector<400x128xf32>
    %gt3A_625 = arith.cmpf ogt, %slice3A_616, %select_n3A_606 : vector<400x128xf32>
    %gt3A_626 = arith.cmpf ogt, %slice3A_616, %select_n3A_608 : vector<400x128xf32>
    %select_n3A_627 = arith.select %gt3A_626, %select_n3A_608, %slice3A_616 : vector<400x128xi1>, vector<400x128xf32>
    %max3A_628 = arith.maximumf %max3A_601, %select_n3A_627 : vector<400x128xf32>
    %select_n3A_629 = arith.select %gt3A_623, %slice3A_616, %select_n3A_602 : vector<400x128xi1>, vector<400x128xf32>
    %select_n3A_630 = arith.select %gt3A_624, %slice3A_616, %select_n3A_604 : vector<400x128xi1>, vector<400x128xf32>
    %select_n3A_631 = arith.select %gt3A_623, %select_n3A_602, %select_n3A_630 : vector<400x128xi1>, vector<400x128xf32>
    %select_n3A_632 = arith.select %gt3A_625, %slice3A_616, %select_n3A_606 : vector<400x128xi1>, vector<400x128xf32>
    %select_n3A_633 = arith.select %gt3A_624, %select_n3A_604, %select_n3A_632 : vector<400x128xi1>, vector<400x128xf32>
    %select_n3A_634 = arith.select %gt3A_626, %slice3A_616, %select_n3A_608 : vector<400x128xi1>, vector<400x128xf32>
    %select_n3A_635 = arith.select %gt3A_625, %select_n3A_606, %select_n3A_634 : vector<400x128xi1>, vector<400x128xf32>
    %select_n3A_636 = arith.select %gt3A_623, %neg3A_622, %select_n3A_609 : vector<400x128xi1>, vector<400x128xf32>
    %select_n3A_637 = arith.select %gt3A_624, %neg3A_622, %select_n3A_611 : vector<400x128xi1>, vector<400x128xf32>
    %select_n3A_638 = arith.select %gt3A_623, %select_n3A_609, %select_n3A_637 : vector<400x128xi1>, vector<400x128xf32>
    %select_n3A_639 = arith.select %gt3A_625, %neg3A_622, %select_n3A_613 : vector<400x128xi1>, vector<400x128xf32>
    %select_n3A_640 = arith.select %gt3A_624, %select_n3A_611, %select_n3A_639 : vector<400x128xi1>, vector<400x128xf32>
    %select_n3A_641 = arith.select %gt3A_626, %neg3A_622, %select_n3A_615 : vector<400x128xi1>, vector<400x128xf32>
    %select_n3A_642 = arith.select %gt3A_625, %select_n3A_613, %select_n3A_641 : vector<400x128xi1>, vector<400x128xf32>
    %slice3A_643 = vector.extract_strided_slice %sub3A_58 {offsets = [0, 2688], sizes = [400, 128], strides = [1, 1]} : vector<400x4096xf32> to vector<400x128xf32>
    %add3A_644 = arith.constant 2.688000e+03 : f32
    %add3A_645 = vector.broadcast %add3A_644 : f32 to vector<400x128xf32>
    %add3A_646 = arith.addf %convert_element_type3A_60, %add3A_645 : vector<400x128xf32>
    %neg3A_647 = arith.constant 0.000000e+00 : f32
    %neg3A_648 = vector.broadcast %neg3A_647 : f32 to vector<400x128xf32>
    %neg3A_649 = arith.subf %neg3A_648, %add3A_646 : vector<400x128xf32>
    %gt3A_650 = arith.cmpf ogt, %slice3A_643, %select_n3A_629 : vector<400x128xf32>
    %gt3A_651 = arith.cmpf ogt, %slice3A_643, %select_n3A_631 : vector<400x128xf32>
    %gt3A_652 = arith.cmpf ogt, %slice3A_643, %select_n3A_633 : vector<400x128xf32>
    %gt3A_653 = arith.cmpf ogt, %slice3A_643, %select_n3A_635 : vector<400x128xf32>
    %select_n3A_654 = arith.select %gt3A_653, %select_n3A_635, %slice3A_643 : vector<400x128xi1>, vector<400x128xf32>
    %max3A_655 = arith.maximumf %max3A_628, %select_n3A_654 : vector<400x128xf32>
    %select_n3A_656 = arith.select %gt3A_650, %slice3A_643, %select_n3A_629 : vector<400x128xi1>, vector<400x128xf32>
    %select_n3A_657 = arith.select %gt3A_651, %slice3A_643, %select_n3A_631 : vector<400x128xi1>, vector<400x128xf32>
    %select_n3A_658 = arith.select %gt3A_650, %select_n3A_629, %select_n3A_657 : vector<400x128xi1>, vector<400x128xf32>
    %select_n3A_659 = arith.select %gt3A_652, %slice3A_643, %select_n3A_633 : vector<400x128xi1>, vector<400x128xf32>
    %select_n3A_660 = arith.select %gt3A_651, %select_n3A_631, %select_n3A_659 : vector<400x128xi1>, vector<400x128xf32>
    %select_n3A_661 = arith.select %gt3A_653, %slice3A_643, %select_n3A_635 : vector<400x128xi1>, vector<400x128xf32>
    %select_n3A_662 = arith.select %gt3A_652, %select_n3A_633, %select_n3A_661 : vector<400x128xi1>, vector<400x128xf32>
    %select_n3A_663 = arith.select %gt3A_650, %neg3A_649, %select_n3A_636 : vector<400x128xi1>, vector<400x128xf32>
    %select_n3A_664 = arith.select %gt3A_651, %neg3A_649, %select_n3A_638 : vector<400x128xi1>, vector<400x128xf32>
    %select_n3A_665 = arith.select %gt3A_650, %select_n3A_636, %select_n3A_664 : vector<400x128xi1>, vector<400x128xf32>
    %select_n3A_666 = arith.select %gt3A_652, %neg3A_649, %select_n3A_640 : vector<400x128xi1>, vector<400x128xf32>
    %select_n3A_667 = arith.select %gt3A_651, %select_n3A_638, %select_n3A_666 : vector<400x128xi1>, vector<400x128xf32>
    %select_n3A_668 = arith.select %gt3A_653, %neg3A_649, %select_n3A_642 : vector<400x128xi1>, vector<400x128xf32>
    %select_n3A_669 = arith.select %gt3A_652, %select_n3A_640, %select_n3A_668 : vector<400x128xi1>, vector<400x128xf32>
    %slice3A_670 = vector.extract_strided_slice %sub3A_58 {offsets = [0, 2816], sizes = [400, 128], strides = [1, 1]} : vector<400x4096xf32> to vector<400x128xf32>
    %add3A_671 = arith.constant 2.816000e+03 : f32
    %add3A_672 = vector.broadcast %add3A_671 : f32 to vector<400x128xf32>
    %add3A_673 = arith.addf %convert_element_type3A_60, %add3A_672 : vector<400x128xf32>
    %neg3A_674 = arith.constant 0.000000e+00 : f32
    %neg3A_675 = vector.broadcast %neg3A_674 : f32 to vector<400x128xf32>
    %neg3A_676 = arith.subf %neg3A_675, %add3A_673 : vector<400x128xf32>
    %gt3A_677 = arith.cmpf ogt, %slice3A_670, %select_n3A_656 : vector<400x128xf32>
    %gt3A_678 = arith.cmpf ogt, %slice3A_670, %select_n3A_658 : vector<400x128xf32>
    %gt3A_679 = arith.cmpf ogt, %slice3A_670, %select_n3A_660 : vector<400x128xf32>
    %gt3A_680 = arith.cmpf ogt, %slice3A_670, %select_n3A_662 : vector<400x128xf32>
    %select_n3A_681 = arith.select %gt3A_680, %select_n3A_662, %slice3A_670 : vector<400x128xi1>, vector<400x128xf32>
    %max3A_682 = arith.maximumf %max3A_655, %select_n3A_681 : vector<400x128xf32>
    %select_n3A_683 = arith.select %gt3A_677, %slice3A_670, %select_n3A_656 : vector<400x128xi1>, vector<400x128xf32>
    %select_n3A_684 = arith.select %gt3A_678, %slice3A_670, %select_n3A_658 : vector<400x128xi1>, vector<400x128xf32>
    %select_n3A_685 = arith.select %gt3A_677, %select_n3A_656, %select_n3A_684 : vector<400x128xi1>, vector<400x128xf32>
    %select_n3A_686 = arith.select %gt3A_679, %slice3A_670, %select_n3A_660 : vector<400x128xi1>, vector<400x128xf32>
    %select_n3A_687 = arith.select %gt3A_678, %select_n3A_658, %select_n3A_686 : vector<400x128xi1>, vector<400x128xf32>
    %select_n3A_688 = arith.select %gt3A_680, %slice3A_670, %select_n3A_662 : vector<400x128xi1>, vector<400x128xf32>
    %select_n3A_689 = arith.select %gt3A_679, %select_n3A_660, %select_n3A_688 : vector<400x128xi1>, vector<400x128xf32>
    %select_n3A_690 = arith.select %gt3A_677, %neg3A_676, %select_n3A_663 : vector<400x128xi1>, vector<400x128xf32>
    %select_n3A_691 = arith.select %gt3A_678, %neg3A_676, %select_n3A_665 : vector<400x128xi1>, vector<400x128xf32>
    %select_n3A_692 = arith.select %gt3A_677, %select_n3A_663, %select_n3A_691 : vector<400x128xi1>, vector<400x128xf32>
    %select_n3A_693 = arith.select %gt3A_679, %neg3A_676, %select_n3A_667 : vector<400x128xi1>, vector<400x128xf32>
    %select_n3A_694 = arith.select %gt3A_678, %select_n3A_665, %select_n3A_693 : vector<400x128xi1>, vector<400x128xf32>
    %select_n3A_695 = arith.select %gt3A_680, %neg3A_676, %select_n3A_669 : vector<400x128xi1>, vector<400x128xf32>
    %select_n3A_696 = arith.select %gt3A_679, %select_n3A_667, %select_n3A_695 : vector<400x128xi1>, vector<400x128xf32>
    %slice3A_697 = vector.extract_strided_slice %sub3A_58 {offsets = [0, 2944], sizes = [400, 128], strides = [1, 1]} : vector<400x4096xf32> to vector<400x128xf32>
    %add3A_698 = arith.constant 2.944000e+03 : f32
    %add3A_699 = vector.broadcast %add3A_698 : f32 to vector<400x128xf32>
    %add3A_700 = arith.addf %convert_element_type3A_60, %add3A_699 : vector<400x128xf32>
    %neg3A_701 = arith.constant 0.000000e+00 : f32
    %neg3A_702 = vector.broadcast %neg3A_701 : f32 to vector<400x128xf32>
    %neg3A_703 = arith.subf %neg3A_702, %add3A_700 : vector<400x128xf32>
    %gt3A_704 = arith.cmpf ogt, %slice3A_697, %select_n3A_683 : vector<400x128xf32>
    %gt3A_705 = arith.cmpf ogt, %slice3A_697, %select_n3A_685 : vector<400x128xf32>
    %gt3A_706 = arith.cmpf ogt, %slice3A_697, %select_n3A_687 : vector<400x128xf32>
    %gt3A_707 = arith.cmpf ogt, %slice3A_697, %select_n3A_689 : vector<400x128xf32>
    %select_n3A_708 = arith.select %gt3A_707, %select_n3A_689, %slice3A_697 : vector<400x128xi1>, vector<400x128xf32>
    %max3A_709 = arith.maximumf %max3A_682, %select_n3A_708 : vector<400x128xf32>
    %select_n3A_710 = arith.select %gt3A_704, %slice3A_697, %select_n3A_683 : vector<400x128xi1>, vector<400x128xf32>
    %select_n3A_711 = arith.select %gt3A_705, %slice3A_697, %select_n3A_685 : vector<400x128xi1>, vector<400x128xf32>
    %select_n3A_712 = arith.select %gt3A_704, %select_n3A_683, %select_n3A_711 : vector<400x128xi1>, vector<400x128xf32>
    %select_n3A_713 = arith.select %gt3A_706, %slice3A_697, %select_n3A_687 : vector<400x128xi1>, vector<400x128xf32>
    %select_n3A_714 = arith.select %gt3A_705, %select_n3A_685, %select_n3A_713 : vector<400x128xi1>, vector<400x128xf32>
    %select_n3A_715 = arith.select %gt3A_707, %slice3A_697, %select_n3A_689 : vector<400x128xi1>, vector<400x128xf32>
    %select_n3A_716 = arith.select %gt3A_706, %select_n3A_687, %select_n3A_715 : vector<400x128xi1>, vector<400x128xf32>
    %select_n3A_717 = arith.select %gt3A_704, %neg3A_703, %select_n3A_690 : vector<400x128xi1>, vector<400x128xf32>
    %select_n3A_718 = arith.select %gt3A_705, %neg3A_703, %select_n3A_692 : vector<400x128xi1>, vector<400x128xf32>
    %select_n3A_719 = arith.select %gt3A_704, %select_n3A_690, %select_n3A_718 : vector<400x128xi1>, vector<400x128xf32>
    %select_n3A_720 = arith.select %gt3A_706, %neg3A_703, %select_n3A_694 : vector<400x128xi1>, vector<400x128xf32>
    %select_n3A_721 = arith.select %gt3A_705, %select_n3A_692, %select_n3A_720 : vector<400x128xi1>, vector<400x128xf32>
    %select_n3A_722 = arith.select %gt3A_707, %neg3A_703, %select_n3A_696 : vector<400x128xi1>, vector<400x128xf32>
    %select_n3A_723 = arith.select %gt3A_706, %select_n3A_694, %select_n3A_722 : vector<400x128xi1>, vector<400x128xf32>
    %slice3A_724 = vector.extract_strided_slice %sub3A_58 {offsets = [0, 3072], sizes = [400, 128], strides = [1, 1]} : vector<400x4096xf32> to vector<400x128xf32>
    %add3A_725 = arith.constant 3.072000e+03 : f32
    %add3A_726 = vector.broadcast %add3A_725 : f32 to vector<400x128xf32>
    %add3A_727 = arith.addf %convert_element_type3A_60, %add3A_726 : vector<400x128xf32>
    %neg3A_728 = arith.constant 0.000000e+00 : f32
    %neg3A_729 = vector.broadcast %neg3A_728 : f32 to vector<400x128xf32>
    %neg3A_730 = arith.subf %neg3A_729, %add3A_727 : vector<400x128xf32>
    %gt3A_731 = arith.cmpf ogt, %slice3A_724, %select_n3A_710 : vector<400x128xf32>
    %gt3A_732 = arith.cmpf ogt, %slice3A_724, %select_n3A_712 : vector<400x128xf32>
    %gt3A_733 = arith.cmpf ogt, %slice3A_724, %select_n3A_714 : vector<400x128xf32>
    %gt3A_734 = arith.cmpf ogt, %slice3A_724, %select_n3A_716 : vector<400x128xf32>
    %select_n3A_735 = arith.select %gt3A_734, %select_n3A_716, %slice3A_724 : vector<400x128xi1>, vector<400x128xf32>
    %max3A_736 = arith.maximumf %max3A_709, %select_n3A_735 : vector<400x128xf32>
    %select_n3A_737 = arith.select %gt3A_731, %slice3A_724, %select_n3A_710 : vector<400x128xi1>, vector<400x128xf32>
    %select_n3A_738 = arith.select %gt3A_732, %slice3A_724, %select_n3A_712 : vector<400x128xi1>, vector<400x128xf32>
    %select_n3A_739 = arith.select %gt3A_731, %select_n3A_710, %select_n3A_738 : vector<400x128xi1>, vector<400x128xf32>
    %select_n3A_740 = arith.select %gt3A_733, %slice3A_724, %select_n3A_714 : vector<400x128xi1>, vector<400x128xf32>
    %select_n3A_741 = arith.select %gt3A_732, %select_n3A_712, %select_n3A_740 : vector<400x128xi1>, vector<400x128xf32>
    %select_n3A_742 = arith.select %gt3A_734, %slice3A_724, %select_n3A_716 : vector<400x128xi1>, vector<400x128xf32>
    %select_n3A_743 = arith.select %gt3A_733, %select_n3A_714, %select_n3A_742 : vector<400x128xi1>, vector<400x128xf32>
    %select_n3A_744 = arith.select %gt3A_731, %neg3A_730, %select_n3A_717 : vector<400x128xi1>, vector<400x128xf32>
    %select_n3A_745 = arith.select %gt3A_732, %neg3A_730, %select_n3A_719 : vector<400x128xi1>, vector<400x128xf32>
    %select_n3A_746 = arith.select %gt3A_731, %select_n3A_717, %select_n3A_745 : vector<400x128xi1>, vector<400x128xf32>
    %select_n3A_747 = arith.select %gt3A_733, %neg3A_730, %select_n3A_721 : vector<400x128xi1>, vector<400x128xf32>
    %select_n3A_748 = arith.select %gt3A_732, %select_n3A_719, %select_n3A_747 : vector<400x128xi1>, vector<400x128xf32>
    %select_n3A_749 = arith.select %gt3A_734, %neg3A_730, %select_n3A_723 : vector<400x128xi1>, vector<400x128xf32>
    %select_n3A_750 = arith.select %gt3A_733, %select_n3A_721, %select_n3A_749 : vector<400x128xi1>, vector<400x128xf32>
    %slice3A_751 = vector.extract_strided_slice %sub3A_58 {offsets = [0, 3200], sizes = [400, 128], strides = [1, 1]} : vector<400x4096xf32> to vector<400x128xf32>
    %add3A_752 = arith.constant 3.200000e+03 : f32
    %add3A_753 = vector.broadcast %add3A_752 : f32 to vector<400x128xf32>
    %add3A_754 = arith.addf %convert_element_type3A_60, %add3A_753 : vector<400x128xf32>
    %neg3A_755 = arith.constant 0.000000e+00 : f32
    %neg3A_756 = vector.broadcast %neg3A_755 : f32 to vector<400x128xf32>
    %neg3A_757 = arith.subf %neg3A_756, %add3A_754 : vector<400x128xf32>
    %gt3A_758 = arith.cmpf ogt, %slice3A_751, %select_n3A_737 : vector<400x128xf32>
    %gt3A_759 = arith.cmpf ogt, %slice3A_751, %select_n3A_739 : vector<400x128xf32>
    %gt3A_760 = arith.cmpf ogt, %slice3A_751, %select_n3A_741 : vector<400x128xf32>
    %gt3A_761 = arith.cmpf ogt, %slice3A_751, %select_n3A_743 : vector<400x128xf32>
    %select_n3A_762 = arith.select %gt3A_761, %select_n3A_743, %slice3A_751 : vector<400x128xi1>, vector<400x128xf32>
    %max3A_763 = arith.maximumf %max3A_736, %select_n3A_762 : vector<400x128xf32>
    %select_n3A_764 = arith.select %gt3A_758, %slice3A_751, %select_n3A_737 : vector<400x128xi1>, vector<400x128xf32>
    %select_n3A_765 = arith.select %gt3A_759, %slice3A_751, %select_n3A_739 : vector<400x128xi1>, vector<400x128xf32>
    %select_n3A_766 = arith.select %gt3A_758, %select_n3A_737, %select_n3A_765 : vector<400x128xi1>, vector<400x128xf32>
    %select_n3A_767 = arith.select %gt3A_760, %slice3A_751, %select_n3A_741 : vector<400x128xi1>, vector<400x128xf32>
    %select_n3A_768 = arith.select %gt3A_759, %select_n3A_739, %select_n3A_767 : vector<400x128xi1>, vector<400x128xf32>
    %select_n3A_769 = arith.select %gt3A_761, %slice3A_751, %select_n3A_743 : vector<400x128xi1>, vector<400x128xf32>
    %select_n3A_770 = arith.select %gt3A_760, %select_n3A_741, %select_n3A_769 : vector<400x128xi1>, vector<400x128xf32>
    %select_n3A_771 = arith.select %gt3A_758, %neg3A_757, %select_n3A_744 : vector<400x128xi1>, vector<400x128xf32>
    %select_n3A_772 = arith.select %gt3A_759, %neg3A_757, %select_n3A_746 : vector<400x128xi1>, vector<400x128xf32>
    %select_n3A_773 = arith.select %gt3A_758, %select_n3A_744, %select_n3A_772 : vector<400x128xi1>, vector<400x128xf32>
    %select_n3A_774 = arith.select %gt3A_760, %neg3A_757, %select_n3A_748 : vector<400x128xi1>, vector<400x128xf32>
    %select_n3A_775 = arith.select %gt3A_759, %select_n3A_746, %select_n3A_774 : vector<400x128xi1>, vector<400x128xf32>
    %select_n3A_776 = arith.select %gt3A_761, %neg3A_757, %select_n3A_750 : vector<400x128xi1>, vector<400x128xf32>
    %select_n3A_777 = arith.select %gt3A_760, %select_n3A_748, %select_n3A_776 : vector<400x128xi1>, vector<400x128xf32>
    %slice3A_778 = vector.extract_strided_slice %sub3A_58 {offsets = [0, 3328], sizes = [400, 128], strides = [1, 1]} : vector<400x4096xf32> to vector<400x128xf32>
    %add3A_779 = arith.constant 3.328000e+03 : f32
    %add3A_780 = vector.broadcast %add3A_779 : f32 to vector<400x128xf32>
    %add3A_781 = arith.addf %convert_element_type3A_60, %add3A_780 : vector<400x128xf32>
    %neg3A_782 = arith.constant 0.000000e+00 : f32
    %neg3A_783 = vector.broadcast %neg3A_782 : f32 to vector<400x128xf32>
    %neg3A_784 = arith.subf %neg3A_783, %add3A_781 : vector<400x128xf32>
    %gt3A_785 = arith.cmpf ogt, %slice3A_778, %select_n3A_764 : vector<400x128xf32>
    %gt3A_786 = arith.cmpf ogt, %slice3A_778, %select_n3A_766 : vector<400x128xf32>
    %gt3A_787 = arith.cmpf ogt, %slice3A_778, %select_n3A_768 : vector<400x128xf32>
    %gt3A_788 = arith.cmpf ogt, %slice3A_778, %select_n3A_770 : vector<400x128xf32>
    %select_n3A_789 = arith.select %gt3A_788, %select_n3A_770, %slice3A_778 : vector<400x128xi1>, vector<400x128xf32>
    %max3A_790 = arith.maximumf %max3A_763, %select_n3A_789 : vector<400x128xf32>
    %select_n3A_791 = arith.select %gt3A_785, %slice3A_778, %select_n3A_764 : vector<400x128xi1>, vector<400x128xf32>
    %select_n3A_792 = arith.select %gt3A_786, %slice3A_778, %select_n3A_766 : vector<400x128xi1>, vector<400x128xf32>
    %select_n3A_793 = arith.select %gt3A_785, %select_n3A_764, %select_n3A_792 : vector<400x128xi1>, vector<400x128xf32>
    %select_n3A_794 = arith.select %gt3A_787, %slice3A_778, %select_n3A_768 : vector<400x128xi1>, vector<400x128xf32>
    %select_n3A_795 = arith.select %gt3A_786, %select_n3A_766, %select_n3A_794 : vector<400x128xi1>, vector<400x128xf32>
    %select_n3A_796 = arith.select %gt3A_788, %slice3A_778, %select_n3A_770 : vector<400x128xi1>, vector<400x128xf32>
    %select_n3A_797 = arith.select %gt3A_787, %select_n3A_768, %select_n3A_796 : vector<400x128xi1>, vector<400x128xf32>
    %select_n3A_798 = arith.select %gt3A_785, %neg3A_784, %select_n3A_771 : vector<400x128xi1>, vector<400x128xf32>
    %select_n3A_799 = arith.select %gt3A_786, %neg3A_784, %select_n3A_773 : vector<400x128xi1>, vector<400x128xf32>
    %select_n3A_800 = arith.select %gt3A_785, %select_n3A_771, %select_n3A_799 : vector<400x128xi1>, vector<400x128xf32>
    %select_n3A_801 = arith.select %gt3A_787, %neg3A_784, %select_n3A_775 : vector<400x128xi1>, vector<400x128xf32>
    %select_n3A_802 = arith.select %gt3A_786, %select_n3A_773, %select_n3A_801 : vector<400x128xi1>, vector<400x128xf32>
    %select_n3A_803 = arith.select %gt3A_788, %neg3A_784, %select_n3A_777 : vector<400x128xi1>, vector<400x128xf32>
    %select_n3A_804 = arith.select %gt3A_787, %select_n3A_775, %select_n3A_803 : vector<400x128xi1>, vector<400x128xf32>
    %slice3A_805 = vector.extract_strided_slice %sub3A_58 {offsets = [0, 3456], sizes = [400, 128], strides = [1, 1]} : vector<400x4096xf32> to vector<400x128xf32>
    %add3A_806 = arith.constant 3.456000e+03 : f32
    %add3A_807 = vector.broadcast %add3A_806 : f32 to vector<400x128xf32>
    %add3A_808 = arith.addf %convert_element_type3A_60, %add3A_807 : vector<400x128xf32>
    %neg3A_809 = arith.constant 0.000000e+00 : f32
    %neg3A_810 = vector.broadcast %neg3A_809 : f32 to vector<400x128xf32>
    %neg3A_811 = arith.subf %neg3A_810, %add3A_808 : vector<400x128xf32>
    %gt3A_812 = arith.cmpf ogt, %slice3A_805, %select_n3A_791 : vector<400x128xf32>
    %gt3A_813 = arith.cmpf ogt, %slice3A_805, %select_n3A_793 : vector<400x128xf32>
    %gt3A_814 = arith.cmpf ogt, %slice3A_805, %select_n3A_795 : vector<400x128xf32>
    %gt3A_815 = arith.cmpf ogt, %slice3A_805, %select_n3A_797 : vector<400x128xf32>
    %select_n3A_816 = arith.select %gt3A_815, %select_n3A_797, %slice3A_805 : vector<400x128xi1>, vector<400x128xf32>
    %max3A_817 = arith.maximumf %max3A_790, %select_n3A_816 : vector<400x128xf32>
    %select_n3A_818 = arith.select %gt3A_812, %slice3A_805, %select_n3A_791 : vector<400x128xi1>, vector<400x128xf32>
    %select_n3A_819 = arith.select %gt3A_813, %slice3A_805, %select_n3A_793 : vector<400x128xi1>, vector<400x128xf32>
    %select_n3A_820 = arith.select %gt3A_812, %select_n3A_791, %select_n3A_819 : vector<400x128xi1>, vector<400x128xf32>
    %select_n3A_821 = arith.select %gt3A_814, %slice3A_805, %select_n3A_795 : vector<400x128xi1>, vector<400x128xf32>
    %select_n3A_822 = arith.select %gt3A_813, %select_n3A_793, %select_n3A_821 : vector<400x128xi1>, vector<400x128xf32>
    %select_n3A_823 = arith.select %gt3A_815, %slice3A_805, %select_n3A_797 : vector<400x128xi1>, vector<400x128xf32>
    %select_n3A_824 = arith.select %gt3A_814, %select_n3A_795, %select_n3A_823 : vector<400x128xi1>, vector<400x128xf32>
    %select_n3A_825 = arith.select %gt3A_812, %neg3A_811, %select_n3A_798 : vector<400x128xi1>, vector<400x128xf32>
    %select_n3A_826 = arith.select %gt3A_813, %neg3A_811, %select_n3A_800 : vector<400x128xi1>, vector<400x128xf32>
    %select_n3A_827 = arith.select %gt3A_812, %select_n3A_798, %select_n3A_826 : vector<400x128xi1>, vector<400x128xf32>
    %select_n3A_828 = arith.select %gt3A_814, %neg3A_811, %select_n3A_802 : vector<400x128xi1>, vector<400x128xf32>
    %select_n3A_829 = arith.select %gt3A_813, %select_n3A_800, %select_n3A_828 : vector<400x128xi1>, vector<400x128xf32>
    %select_n3A_830 = arith.select %gt3A_815, %neg3A_811, %select_n3A_804 : vector<400x128xi1>, vector<400x128xf32>
    %select_n3A_831 = arith.select %gt3A_814, %select_n3A_802, %select_n3A_830 : vector<400x128xi1>, vector<400x128xf32>
    %slice3A_832 = vector.extract_strided_slice %sub3A_58 {offsets = [0, 3584], sizes = [400, 128], strides = [1, 1]} : vector<400x4096xf32> to vector<400x128xf32>
    %add3A_833 = arith.constant 3.584000e+03 : f32
    %add3A_834 = vector.broadcast %add3A_833 : f32 to vector<400x128xf32>
    %add3A_835 = arith.addf %convert_element_type3A_60, %add3A_834 : vector<400x128xf32>
    %neg3A_836 = arith.constant 0.000000e+00 : f32
    %neg3A_837 = vector.broadcast %neg3A_836 : f32 to vector<400x128xf32>
    %neg3A_838 = arith.subf %neg3A_837, %add3A_835 : vector<400x128xf32>
    %gt3A_839 = arith.cmpf ogt, %slice3A_832, %select_n3A_818 : vector<400x128xf32>
    %gt3A_840 = arith.cmpf ogt, %slice3A_832, %select_n3A_820 : vector<400x128xf32>
    %gt3A_841 = arith.cmpf ogt, %slice3A_832, %select_n3A_822 : vector<400x128xf32>
    %gt3A_842 = arith.cmpf ogt, %slice3A_832, %select_n3A_824 : vector<400x128xf32>
    %select_n3A_843 = arith.select %gt3A_842, %select_n3A_824, %slice3A_832 : vector<400x128xi1>, vector<400x128xf32>
    %max3A_844 = arith.maximumf %max3A_817, %select_n3A_843 : vector<400x128xf32>
    %select_n3A_845 = arith.select %gt3A_839, %slice3A_832, %select_n3A_818 : vector<400x128xi1>, vector<400x128xf32>
    %select_n3A_846 = arith.select %gt3A_840, %slice3A_832, %select_n3A_820 : vector<400x128xi1>, vector<400x128xf32>
    %select_n3A_847 = arith.select %gt3A_839, %select_n3A_818, %select_n3A_846 : vector<400x128xi1>, vector<400x128xf32>
    %select_n3A_848 = arith.select %gt3A_841, %slice3A_832, %select_n3A_822 : vector<400x128xi1>, vector<400x128xf32>
    %select_n3A_849 = arith.select %gt3A_840, %select_n3A_820, %select_n3A_848 : vector<400x128xi1>, vector<400x128xf32>
    %select_n3A_850 = arith.select %gt3A_842, %slice3A_832, %select_n3A_824 : vector<400x128xi1>, vector<400x128xf32>
    %select_n3A_851 = arith.select %gt3A_841, %select_n3A_822, %select_n3A_850 : vector<400x128xi1>, vector<400x128xf32>
    %select_n3A_852 = arith.select %gt3A_839, %neg3A_838, %select_n3A_825 : vector<400x128xi1>, vector<400x128xf32>
    %select_n3A_853 = arith.select %gt3A_840, %neg3A_838, %select_n3A_827 : vector<400x128xi1>, vector<400x128xf32>
    %select_n3A_854 = arith.select %gt3A_839, %select_n3A_825, %select_n3A_853 : vector<400x128xi1>, vector<400x128xf32>
    %select_n3A_855 = arith.select %gt3A_841, %neg3A_838, %select_n3A_829 : vector<400x128xi1>, vector<400x128xf32>
    %select_n3A_856 = arith.select %gt3A_840, %select_n3A_827, %select_n3A_855 : vector<400x128xi1>, vector<400x128xf32>
    %select_n3A_857 = arith.select %gt3A_842, %neg3A_838, %select_n3A_831 : vector<400x128xi1>, vector<400x128xf32>
    %select_n3A_858 = arith.select %gt3A_841, %select_n3A_829, %select_n3A_857 : vector<400x128xi1>, vector<400x128xf32>
    %slice3A_859 = vector.extract_strided_slice %sub3A_58 {offsets = [0, 3712], sizes = [400, 128], strides = [1, 1]} : vector<400x4096xf32> to vector<400x128xf32>
    %add3A_860 = arith.constant 3.712000e+03 : f32
    %add3A_861 = vector.broadcast %add3A_860 : f32 to vector<400x128xf32>
    %add3A_862 = arith.addf %convert_element_type3A_60, %add3A_861 : vector<400x128xf32>
    %neg3A_863 = arith.constant 0.000000e+00 : f32
    %neg3A_864 = vector.broadcast %neg3A_863 : f32 to vector<400x128xf32>
    %neg3A_865 = arith.subf %neg3A_864, %add3A_862 : vector<400x128xf32>
    %gt3A_866 = arith.cmpf ogt, %slice3A_859, %select_n3A_845 : vector<400x128xf32>
    %gt3A_867 = arith.cmpf ogt, %slice3A_859, %select_n3A_847 : vector<400x128xf32>
    %gt3A_868 = arith.cmpf ogt, %slice3A_859, %select_n3A_849 : vector<400x128xf32>
    %gt3A_869 = arith.cmpf ogt, %slice3A_859, %select_n3A_851 : vector<400x128xf32>
    %select_n3A_870 = arith.select %gt3A_869, %select_n3A_851, %slice3A_859 : vector<400x128xi1>, vector<400x128xf32>
    %max3A_871 = arith.maximumf %max3A_844, %select_n3A_870 : vector<400x128xf32>
    %select_n3A_872 = arith.select %gt3A_866, %slice3A_859, %select_n3A_845 : vector<400x128xi1>, vector<400x128xf32>
    %select_n3A_873 = arith.select %gt3A_867, %slice3A_859, %select_n3A_847 : vector<400x128xi1>, vector<400x128xf32>
    %select_n3A_874 = arith.select %gt3A_866, %select_n3A_845, %select_n3A_873 : vector<400x128xi1>, vector<400x128xf32>
    %select_n3A_875 = arith.select %gt3A_868, %slice3A_859, %select_n3A_849 : vector<400x128xi1>, vector<400x128xf32>
    %select_n3A_876 = arith.select %gt3A_867, %select_n3A_847, %select_n3A_875 : vector<400x128xi1>, vector<400x128xf32>
    %select_n3A_877 = arith.select %gt3A_869, %slice3A_859, %select_n3A_851 : vector<400x128xi1>, vector<400x128xf32>
    %select_n3A_878 = arith.select %gt3A_868, %select_n3A_849, %select_n3A_877 : vector<400x128xi1>, vector<400x128xf32>
    %select_n3A_879 = arith.select %gt3A_866, %neg3A_865, %select_n3A_852 : vector<400x128xi1>, vector<400x128xf32>
    %select_n3A_880 = arith.select %gt3A_867, %neg3A_865, %select_n3A_854 : vector<400x128xi1>, vector<400x128xf32>
    %select_n3A_881 = arith.select %gt3A_866, %select_n3A_852, %select_n3A_880 : vector<400x128xi1>, vector<400x128xf32>
    %select_n3A_882 = arith.select %gt3A_868, %neg3A_865, %select_n3A_856 : vector<400x128xi1>, vector<400x128xf32>
    %select_n3A_883 = arith.select %gt3A_867, %select_n3A_854, %select_n3A_882 : vector<400x128xi1>, vector<400x128xf32>
    %select_n3A_884 = arith.select %gt3A_869, %neg3A_865, %select_n3A_858 : vector<400x128xi1>, vector<400x128xf32>
    %select_n3A_885 = arith.select %gt3A_868, %select_n3A_856, %select_n3A_884 : vector<400x128xi1>, vector<400x128xf32>
    %slice3A_886 = vector.extract_strided_slice %sub3A_58 {offsets = [0, 3840], sizes = [400, 128], strides = [1, 1]} : vector<400x4096xf32> to vector<400x128xf32>
    %add3A_887 = arith.constant 3.840000e+03 : f32
    %add3A_888 = vector.broadcast %add3A_887 : f32 to vector<400x128xf32>
    %add3A_889 = arith.addf %convert_element_type3A_60, %add3A_888 : vector<400x128xf32>
    %neg3A_890 = arith.constant 0.000000e+00 : f32
    %neg3A_891 = vector.broadcast %neg3A_890 : f32 to vector<400x128xf32>
    %neg3A_892 = arith.subf %neg3A_891, %add3A_889 : vector<400x128xf32>
    %gt3A_893 = arith.cmpf ogt, %slice3A_886, %select_n3A_872 : vector<400x128xf32>
    %gt3A_894 = arith.cmpf ogt, %slice3A_886, %select_n3A_874 : vector<400x128xf32>
    %gt3A_895 = arith.cmpf ogt, %slice3A_886, %select_n3A_876 : vector<400x128xf32>
    %gt3A_896 = arith.cmpf ogt, %slice3A_886, %select_n3A_878 : vector<400x128xf32>
    %select_n3A_897 = arith.select %gt3A_896, %select_n3A_878, %slice3A_886 : vector<400x128xi1>, vector<400x128xf32>
    %max3A_898 = arith.maximumf %max3A_871, %select_n3A_897 : vector<400x128xf32>
    %select_n3A_899 = arith.select %gt3A_893, %slice3A_886, %select_n3A_872 : vector<400x128xi1>, vector<400x128xf32>
    %select_n3A_900 = arith.select %gt3A_894, %slice3A_886, %select_n3A_874 : vector<400x128xi1>, vector<400x128xf32>
    %select_n3A_901 = arith.select %gt3A_893, %select_n3A_872, %select_n3A_900 : vector<400x128xi1>, vector<400x128xf32>
    %select_n3A_902 = arith.select %gt3A_895, %slice3A_886, %select_n3A_876 : vector<400x128xi1>, vector<400x128xf32>
    %select_n3A_903 = arith.select %gt3A_894, %select_n3A_874, %select_n3A_902 : vector<400x128xi1>, vector<400x128xf32>
    %select_n3A_904 = arith.select %gt3A_896, %slice3A_886, %select_n3A_878 : vector<400x128xi1>, vector<400x128xf32>
    %select_n3A_905 = arith.select %gt3A_895, %select_n3A_876, %select_n3A_904 : vector<400x128xi1>, vector<400x128xf32>
    %select_n3A_906 = arith.select %gt3A_893, %neg3A_892, %select_n3A_879 : vector<400x128xi1>, vector<400x128xf32>
    %select_n3A_907 = arith.select %gt3A_894, %neg3A_892, %select_n3A_881 : vector<400x128xi1>, vector<400x128xf32>
    %select_n3A_908 = arith.select %gt3A_893, %select_n3A_879, %select_n3A_907 : vector<400x128xi1>, vector<400x128xf32>
    %select_n3A_909 = arith.select %gt3A_895, %neg3A_892, %select_n3A_883 : vector<400x128xi1>, vector<400x128xf32>
    %select_n3A_910 = arith.select %gt3A_894, %select_n3A_881, %select_n3A_909 : vector<400x128xi1>, vector<400x128xf32>
    %select_n3A_911 = arith.select %gt3A_896, %neg3A_892, %select_n3A_885 : vector<400x128xi1>, vector<400x128xf32>
    %select_n3A_912 = arith.select %gt3A_895, %select_n3A_883, %select_n3A_911 : vector<400x128xi1>, vector<400x128xf32>
    %slice3A_913 = vector.extract_strided_slice %sub3A_58 {offsets = [0, 3968], sizes = [400, 128], strides = [1, 1]} : vector<400x4096xf32> to vector<400x128xf32>
    %add3A_914 = arith.constant 3.968000e+03 : f32
    %add3A_915 = vector.broadcast %add3A_914 : f32 to vector<400x128xf32>
    %add3A_916 = arith.addf %convert_element_type3A_60, %add3A_915 : vector<400x128xf32>
    %neg3A_917 = arith.constant 0.000000e+00 : f32
    %neg3A_918 = vector.broadcast %neg3A_917 : f32 to vector<400x128xf32>
    %neg3A_919 = arith.subf %neg3A_918, %add3A_916 : vector<400x128xf32>
    %gt3A_920 = arith.cmpf ogt, %slice3A_913, %select_n3A_899 : vector<400x128xf32>
    %gt3A_921 = arith.cmpf ogt, %slice3A_913, %select_n3A_901 : vector<400x128xf32>
    %gt3A_922 = arith.cmpf ogt, %slice3A_913, %select_n3A_903 : vector<400x128xf32>
    %gt3A_923 = arith.cmpf ogt, %slice3A_913, %select_n3A_905 : vector<400x128xf32>
    %select_n3A_924 = arith.select %gt3A_923, %select_n3A_905, %slice3A_913 : vector<400x128xi1>, vector<400x128xf32>
    %max3A_925 = arith.maximumf %max3A_898, %select_n3A_924 : vector<400x128xf32>
    %select_n3A_926 = arith.select %gt3A_920, %slice3A_913, %select_n3A_899 : vector<400x128xi1>, vector<400x128xf32>
    %select_n3A_927 = arith.select %gt3A_921, %slice3A_913, %select_n3A_901 : vector<400x128xi1>, vector<400x128xf32>
    %select_n3A_928 = arith.select %gt3A_920, %select_n3A_899, %select_n3A_927 : vector<400x128xi1>, vector<400x128xf32>
    %select_n3A_929 = arith.select %gt3A_922, %slice3A_913, %select_n3A_903 : vector<400x128xi1>, vector<400x128xf32>
    %select_n3A_930 = arith.select %gt3A_921, %select_n3A_901, %select_n3A_929 : vector<400x128xi1>, vector<400x128xf32>
    %select_n3A_931 = arith.select %gt3A_923, %slice3A_913, %select_n3A_905 : vector<400x128xi1>, vector<400x128xf32>
    %select_n3A_932 = arith.select %gt3A_922, %select_n3A_903, %select_n3A_931 : vector<400x128xi1>, vector<400x128xf32>
    %select_n3A_933 = arith.select %gt3A_920, %neg3A_919, %select_n3A_906 : vector<400x128xi1>, vector<400x128xf32>
    %select_n3A_934 = arith.select %gt3A_921, %neg3A_919, %select_n3A_908 : vector<400x128xi1>, vector<400x128xf32>
    %select_n3A_935 = arith.select %gt3A_920, %select_n3A_906, %select_n3A_934 : vector<400x128xi1>, vector<400x128xf32>
    %select_n3A_936 = arith.select %gt3A_922, %neg3A_919, %select_n3A_910 : vector<400x128xi1>, vector<400x128xf32>
    %select_n3A_937 = arith.select %gt3A_921, %select_n3A_908, %select_n3A_936 : vector<400x128xi1>, vector<400x128xf32>
    %select_n3A_938 = arith.select %gt3A_923, %neg3A_919, %select_n3A_912 : vector<400x128xi1>, vector<400x128xf32>
    %select_n3A_939 = arith.select %gt3A_922, %select_n3A_910, %select_n3A_938 : vector<400x128xi1>, vector<400x128xf32>
    %mul3A_940 = arith.constant 4000 : i32
    %mul3A_941 = arith.muli %arg0, %mul3A_940 : i32
    %reduce_max3A = arith.constant dense<0xFF800000> : vector<400xf32>
    %reduce_max3A_942 = vector.multi_reduction <maximumf>, %select_n3A_926, %reduce_max3A [1] : vector<400x128xf32> to vector<400xf32>
    %broadcast_in_dim3A_943 = vector.shape_cast %reduce_max3A_942 : vector<400xf32> to vector<400x1xf32>
    %eq3A = vector.broadcast %broadcast_in_dim3A_943 : vector<400x1xf32> to vector<400x128xf32>
    %eq3A_944 = arith.cmpf oeq, %select_n3A_926, %eq3A : vector<400x128xf32>
    %jit3A_945 = arith.constant 0xFF800000 : f32
    %broadcast_in_dim3A_946 = vector.broadcast %jit3A_945 : f32 to vector<400x128xf32>
    %select_n3A_947 = arith.select %eq3A_944, %select_n3A_933, %broadcast_in_dim3A_946 : vector<400x128xi1>, vector<400x128xf32>
    %reduce_max3A_948 = arith.constant dense<0xFF800000> : vector<400xf32>
    %reduce_max3A_949 = vector.multi_reduction <maximumf>, %select_n3A_947, %reduce_max3A_948 [1] : vector<400x128xf32> to vector<400xf32>
    %broadcast_in_dim3A_950 = vector.shape_cast %reduce_max3A_949 : vector<400xf32> to vector<400x1xf32>
    %eq3A_951 = vector.broadcast %broadcast_in_dim3A_950 : vector<400x1xf32> to vector<400x128xf32>
    %eq3A_952 = arith.cmpf oeq, %select_n3A_933, %eq3A_951 : vector<400x128xf32>
    %select_n3A_953 = arith.select %eq3A_952, %select_n3A_928, %select_n3A_926 : vector<400x128xi1>, vector<400x128xf32>
    %select_n3A_954 = arith.select %eq3A_952, %select_n3A_930, %select_n3A_928 : vector<400x128xi1>, vector<400x128xf32>
    %select_n3A_955 = arith.select %eq3A_952, %select_n3A_932, %select_n3A_930 : vector<400x128xi1>, vector<400x128xf32>
    %jit3A_956 = arith.constant 0xFF800000 : f32
    %broadcast_in_dim3A_957 = vector.broadcast %jit3A_956 : f32 to vector<400x128xf32>
    %select_n3A_958 = arith.select %eq3A_952, %broadcast_in_dim3A_957, %select_n3A_932 : vector<400x128xi1>, vector<400x128xf32>
    %select_n3A_959 = arith.select %eq3A_952, %select_n3A_935, %select_n3A_933 : vector<400x128xi1>, vector<400x128xf32>
    %select_n3A_960 = arith.select %eq3A_952, %select_n3A_937, %select_n3A_935 : vector<400x128xi1>, vector<400x128xf32>
    %select_n3A_961 = arith.select %eq3A_952, %select_n3A_939, %select_n3A_937 : vector<400x128xi1>, vector<400x128xf32>
    %jit3A_962 = arith.constant 0xFF800000 : f32
    %broadcast_in_dim3A_963 = vector.broadcast %jit3A_962 : f32 to vector<400x128xf32>
    %select_n3A_964 = arith.select %eq3A_952, %broadcast_in_dim3A_963, %select_n3A_939 : vector<400x128xi1>, vector<400x128xf32>
    %reduce_max3A_965 = arith.constant dense<0xFF800000> : vector<400xf32>
    %reduce_max3A_966 = vector.multi_reduction <maximumf>, %select_n3A_953, %reduce_max3A_965 [1] : vector<400x128xf32> to vector<400xf32>
    %broadcast_in_dim3A_967 = vector.shape_cast %reduce_max3A_966 : vector<400xf32> to vector<400x1xf32>
    %eq3A_968 = vector.broadcast %broadcast_in_dim3A_967 : vector<400x1xf32> to vector<400x128xf32>
    %eq3A_969 = arith.cmpf oeq, %select_n3A_953, %eq3A_968 : vector<400x128xf32>
    %jit3A_970 = arith.constant 0xFF800000 : f32
    %broadcast_in_dim3A_971 = vector.broadcast %jit3A_970 : f32 to vector<400x128xf32>
    %select_n3A_972 = arith.select %eq3A_969, %select_n3A_959, %broadcast_in_dim3A_971 : vector<400x128xi1>, vector<400x128xf32>
    %reduce_max3A_973 = arith.constant dense<0xFF800000> : vector<400xf32>
    %reduce_max3A_974 = vector.multi_reduction <maximumf>, %select_n3A_972, %reduce_max3A_973 [1] : vector<400x128xf32> to vector<400xf32>
    %broadcast_in_dim3A_975 = vector.shape_cast %reduce_max3A_974 : vector<400xf32> to vector<400x1xf32>
    %eq3A_976 = vector.broadcast %broadcast_in_dim3A_975 : vector<400x1xf32> to vector<400x128xf32>
    %eq3A_977 = arith.cmpf oeq, %select_n3A_959, %eq3A_976 : vector<400x128xf32>
    %select_n3A_978 = arith.select %eq3A_977, %select_n3A_954, %select_n3A_953 : vector<400x128xi1>, vector<400x128xf32>
    %select_n3A_979 = arith.select %eq3A_977, %select_n3A_955, %select_n3A_954 : vector<400x128xi1>, vector<400x128xf32>
    %select_n3A_980 = arith.select %eq3A_977, %select_n3A_958, %select_n3A_955 : vector<400x128xi1>, vector<400x128xf32>
    %jit3A_981 = arith.constant 0xFF800000 : f32
    %broadcast_in_dim3A_982 = vector.broadcast %jit3A_981 : f32 to vector<400x128xf32>
    %select_n3A_983 = arith.select %eq3A_977, %broadcast_in_dim3A_982, %select_n3A_958 : vector<400x128xi1>, vector<400x128xf32>
    %select_n3A_984 = arith.select %eq3A_977, %select_n3A_960, %select_n3A_959 : vector<400x128xi1>, vector<400x128xf32>
    %select_n3A_985 = arith.select %eq3A_977, %select_n3A_961, %select_n3A_960 : vector<400x128xi1>, vector<400x128xf32>
    %select_n3A_986 = arith.select %eq3A_977, %select_n3A_964, %select_n3A_961 : vector<400x128xi1>, vector<400x128xf32>
    %jit3A_987 = arith.constant 0xFF800000 : f32
    %broadcast_in_dim3A_988 = vector.broadcast %jit3A_987 : f32 to vector<400x128xf32>
    %select_n3A_989 = arith.select %eq3A_977, %broadcast_in_dim3A_988, %select_n3A_964 : vector<400x128xi1>, vector<400x128xf32>
    %reduce_max3A_990 = arith.constant dense<0xFF800000> : vector<400xf32>
    %reduce_max3A_991 = vector.multi_reduction <maximumf>, %select_n3A_978, %reduce_max3A_990 [1] : vector<400x128xf32> to vector<400xf32>
    %broadcast_in_dim3A_992 = vector.shape_cast %reduce_max3A_991 : vector<400xf32> to vector<400x1xf32>
    %eq3A_993 = vector.broadcast %broadcast_in_dim3A_992 : vector<400x1xf32> to vector<400x128xf32>
    %eq3A_994 = arith.cmpf oeq, %select_n3A_978, %eq3A_993 : vector<400x128xf32>
    %jit3A_995 = arith.constant 0xFF800000 : f32
    %broadcast_in_dim3A_996 = vector.broadcast %jit3A_995 : f32 to vector<400x128xf32>
    %select_n3A_997 = arith.select %eq3A_994, %select_n3A_984, %broadcast_in_dim3A_996 : vector<400x128xi1>, vector<400x128xf32>
    %reduce_max3A_998 = arith.constant dense<0xFF800000> : vector<400xf32>
    %reduce_max3A_999 = vector.multi_reduction <maximumf>, %select_n3A_997, %reduce_max3A_998 [1] : vector<400x128xf32> to vector<400xf32>
    %broadcast_in_dim3A_1000 = vector.shape_cast %reduce_max3A_999 : vector<400xf32> to vector<400x1xf32>
    %eq3A_1001 = vector.broadcast %broadcast_in_dim3A_1000 : vector<400x1xf32> to vector<400x128xf32>
    %eq3A_1002 = arith.cmpf oeq, %select_n3A_984, %eq3A_1001 : vector<400x128xf32>
    %select_n3A_1003 = arith.select %eq3A_1002, %select_n3A_979, %select_n3A_978 : vector<400x128xi1>, vector<400x128xf32>
    %select_n3A_1004 = arith.select %eq3A_1002, %select_n3A_980, %select_n3A_979 : vector<400x128xi1>, vector<400x128xf32>
    %select_n3A_1005 = arith.select %eq3A_1002, %select_n3A_983, %select_n3A_980 : vector<400x128xi1>, vector<400x128xf32>
    %jit3A_1006 = arith.constant 0xFF800000 : f32
    %broadcast_in_dim3A_1007 = vector.broadcast %jit3A_1006 : f32 to vector<400x128xf32>
    %select_n3A_1008 = arith.select %eq3A_1002, %broadcast_in_dim3A_1007, %select_n3A_983 : vector<400x128xi1>, vector<400x128xf32>
    %select_n3A_1009 = arith.select %eq3A_1002, %select_n3A_985, %select_n3A_984 : vector<400x128xi1>, vector<400x128xf32>
    %select_n3A_1010 = arith.select %eq3A_1002, %select_n3A_986, %select_n3A_985 : vector<400x128xi1>, vector<400x128xf32>
    %select_n3A_1011 = arith.select %eq3A_1002, %select_n3A_989, %select_n3A_986 : vector<400x128xi1>, vector<400x128xf32>
    %jit3A_1012 = arith.constant 0xFF800000 : f32
    %broadcast_in_dim3A_1013 = vector.broadcast %jit3A_1012 : f32 to vector<400x128xf32>
    %select_n3A_1014 = arith.select %eq3A_1002, %broadcast_in_dim3A_1013, %select_n3A_989 : vector<400x128xi1>, vector<400x128xf32>
    %reduce_max3A_1015 = arith.constant dense<0xFF800000> : vector<400xf32>
    %reduce_max3A_1016 = vector.multi_reduction <maximumf>, %select_n3A_1003, %reduce_max3A_1015 [1] : vector<400x128xf32> to vector<400xf32>
    %broadcast_in_dim3A_1017 = vector.shape_cast %reduce_max3A_1016 : vector<400xf32> to vector<400x1xf32>
    %eq3A_1018 = vector.broadcast %broadcast_in_dim3A_1017 : vector<400x1xf32> to vector<400x128xf32>
    %eq3A_1019 = arith.cmpf oeq, %select_n3A_1003, %eq3A_1018 : vector<400x128xf32>
    %jit3A_1020 = arith.constant 0xFF800000 : f32
    %broadcast_in_dim3A_1021 = vector.broadcast %jit3A_1020 : f32 to vector<400x128xf32>
    %select_n3A_1022 = arith.select %eq3A_1019, %select_n3A_1009, %broadcast_in_dim3A_1021 : vector<400x128xi1>, vector<400x128xf32>
    %reduce_max3A_1023 = arith.constant dense<0xFF800000> : vector<400xf32>
    %reduce_max3A_1024 = vector.multi_reduction <maximumf>, %select_n3A_1022, %reduce_max3A_1023 [1] : vector<400x128xf32> to vector<400xf32>
    %broadcast_in_dim3A_1025 = vector.shape_cast %reduce_max3A_1024 : vector<400xf32> to vector<400x1xf32>
    %eq3A_1026 = vector.broadcast %broadcast_in_dim3A_1025 : vector<400x1xf32> to vector<400x128xf32>
    %eq3A_1027 = arith.cmpf oeq, %select_n3A_1009, %eq3A_1026 : vector<400x128xf32>
    %select_n3A_1028 = arith.select %eq3A_1027, %select_n3A_1004, %select_n3A_1003 : vector<400x128xi1>, vector<400x128xf32>
    %select_n3A_1029 = arith.select %eq3A_1027, %select_n3A_1005, %select_n3A_1004 : vector<400x128xi1>, vector<400x128xf32>
    %select_n3A_1030 = arith.select %eq3A_1027, %select_n3A_1008, %select_n3A_1005 : vector<400x128xi1>, vector<400x128xf32>
    %jit3A_1031 = arith.constant 0xFF800000 : f32
    %broadcast_in_dim3A_1032 = vector.broadcast %jit3A_1031 : f32 to vector<400x128xf32>
    %select_n3A_1033 = arith.select %eq3A_1027, %broadcast_in_dim3A_1032, %select_n3A_1008 : vector<400x128xi1>, vector<400x128xf32>
    %select_n3A_1034 = arith.select %eq3A_1027, %select_n3A_1010, %select_n3A_1009 : vector<400x128xi1>, vector<400x128xf32>
    %select_n3A_1035 = arith.select %eq3A_1027, %select_n3A_1011, %select_n3A_1010 : vector<400x128xi1>, vector<400x128xf32>
    %select_n3A_1036 = arith.select %eq3A_1027, %select_n3A_1014, %select_n3A_1011 : vector<400x128xi1>, vector<400x128xf32>
    %jit3A_1037 = arith.constant 0xFF800000 : f32
    %broadcast_in_dim3A_1038 = vector.broadcast %jit3A_1037 : f32 to vector<400x128xf32>
    %select_n3A_1039 = arith.select %eq3A_1027, %broadcast_in_dim3A_1038, %select_n3A_1014 : vector<400x128xi1>, vector<400x128xf32>
    %reduce_max3A_1040 = arith.constant dense<0xFF800000> : vector<400xf32>
    %reduce_max3A_1041 = vector.multi_reduction <maximumf>, %select_n3A_1028, %reduce_max3A_1040 [1] : vector<400x128xf32> to vector<400xf32>
    %broadcast_in_dim3A_1042 = vector.shape_cast %reduce_max3A_1041 : vector<400xf32> to vector<400x1xf32>
    %eq3A_1043 = vector.broadcast %broadcast_in_dim3A_1042 : vector<400x1xf32> to vector<400x128xf32>
    %eq3A_1044 = arith.cmpf oeq, %select_n3A_1028, %eq3A_1043 : vector<400x128xf32>
    %jit3A_1045 = arith.constant 0xFF800000 : f32
    %broadcast_in_dim3A_1046 = vector.broadcast %jit3A_1045 : f32 to vector<400x128xf32>
    %select_n3A_1047 = arith.select %eq3A_1044, %select_n3A_1034, %broadcast_in_dim3A_1046 : vector<400x128xi1>, vector<400x128xf32>
    %reduce_max3A_1048 = arith.constant dense<0xFF800000> : vector<400xf32>
    %reduce_max3A_1049 = vector.multi_reduction <maximumf>, %select_n3A_1047, %reduce_max3A_1048 [1] : vector<400x128xf32> to vector<400xf32>
    %broadcast_in_dim3A_1050 = vector.shape_cast %reduce_max3A_1049 : vector<400xf32> to vector<400x1xf32>
    %eq3A_1051 = vector.broadcast %broadcast_in_dim3A_1050 : vector<400x1xf32> to vector<400x128xf32>
    %eq3A_1052 = arith.cmpf oeq, %select_n3A_1034, %eq3A_1051 : vector<400x128xf32>
    %select_n3A_1053 = arith.select %eq3A_1052, %select_n3A_1029, %select_n3A_1028 : vector<400x128xi1>, vector<400x128xf32>
    %select_n3A_1054 = arith.select %eq3A_1052, %select_n3A_1030, %select_n3A_1029 : vector<400x128xi1>, vector<400x128xf32>
    %select_n3A_1055 = arith.select %eq3A_1052, %select_n3A_1033, %select_n3A_1030 : vector<400x128xi1>, vector<400x128xf32>
    %jit3A_1056 = arith.constant 0xFF800000 : f32
    %broadcast_in_dim3A_1057 = vector.broadcast %jit3A_1056 : f32 to vector<400x128xf32>
    %select_n3A_1058 = arith.select %eq3A_1052, %broadcast_in_dim3A_1057, %select_n3A_1033 : vector<400x128xi1>, vector<400x128xf32>
    %select_n3A_1059 = arith.select %eq3A_1052, %select_n3A_1035, %select_n3A_1034 : vector<400x128xi1>, vector<400x128xf32>
    %select_n3A_1060 = arith.select %eq3A_1052, %select_n3A_1036, %select_n3A_1035 : vector<400x128xi1>, vector<400x128xf32>
    %select_n3A_1061 = arith.select %eq3A_1052, %select_n3A_1039, %select_n3A_1036 : vector<400x128xi1>, vector<400x128xf32>
    %jit3A_1062 = arith.constant 0xFF800000 : f32
    %broadcast_in_dim3A_1063 = vector.broadcast %jit3A_1062 : f32 to vector<400x128xf32>
    %select_n3A_1064 = arith.select %eq3A_1052, %broadcast_in_dim3A_1063, %select_n3A_1039 : vector<400x128xi1>, vector<400x128xf32>
    %reduce_max3A_1065 = arith.constant dense<0xFF800000> : vector<400xf32>
    %reduce_max3A_1066 = vector.multi_reduction <maximumf>, %select_n3A_1053, %reduce_max3A_1065 [1] : vector<400x128xf32> to vector<400xf32>
    %broadcast_in_dim3A_1067 = vector.shape_cast %reduce_max3A_1066 : vector<400xf32> to vector<400x1xf32>
    %eq3A_1068 = vector.broadcast %broadcast_in_dim3A_1067 : vector<400x1xf32> to vector<400x128xf32>
    %eq3A_1069 = arith.cmpf oeq, %select_n3A_1053, %eq3A_1068 : vector<400x128xf32>
    %jit3A_1070 = arith.constant 0xFF800000 : f32
    %broadcast_in_dim3A_1071 = vector.broadcast %jit3A_1070 : f32 to vector<400x128xf32>
    %select_n3A_1072 = arith.select %eq3A_1069, %select_n3A_1059, %broadcast_in_dim3A_1071 : vector<400x128xi1>, vector<400x128xf32>
    %reduce_max3A_1073 = arith.constant dense<0xFF800000> : vector<400xf32>
    %reduce_max3A_1074 = vector.multi_reduction <maximumf>, %select_n3A_1072, %reduce_max3A_1073 [1] : vector<400x128xf32> to vector<400xf32>
    %broadcast_in_dim3A_1075 = vector.shape_cast %reduce_max3A_1074 : vector<400xf32> to vector<400x1xf32>
    %eq3A_1076 = vector.broadcast %broadcast_in_dim3A_1075 : vector<400x1xf32> to vector<400x128xf32>
    %eq3A_1077 = arith.cmpf oeq, %select_n3A_1059, %eq3A_1076 : vector<400x128xf32>
    %select_n3A_1078 = arith.select %eq3A_1077, %select_n3A_1054, %select_n3A_1053 : vector<400x128xi1>, vector<400x128xf32>
    %select_n3A_1079 = arith.select %eq3A_1077, %select_n3A_1055, %select_n3A_1054 : vector<400x128xi1>, vector<400x128xf32>
    %select_n3A_1080 = arith.select %eq3A_1077, %select_n3A_1058, %select_n3A_1055 : vector<400x128xi1>, vector<400x128xf32>
    %jit3A_1081 = arith.constant 0xFF800000 : f32
    %broadcast_in_dim3A_1082 = vector.broadcast %jit3A_1081 : f32 to vector<400x128xf32>
    %select_n3A_1083 = arith.select %eq3A_1077, %broadcast_in_dim3A_1082, %select_n3A_1058 : vector<400x128xi1>, vector<400x128xf32>
    %select_n3A_1084 = arith.select %eq3A_1077, %select_n3A_1060, %select_n3A_1059 : vector<400x128xi1>, vector<400x128xf32>
    %select_n3A_1085 = arith.select %eq3A_1077, %select_n3A_1061, %select_n3A_1060 : vector<400x128xi1>, vector<400x128xf32>
    %select_n3A_1086 = arith.select %eq3A_1077, %select_n3A_1064, %select_n3A_1061 : vector<400x128xi1>, vector<400x128xf32>
    %jit3A_1087 = arith.constant 0xFF800000 : f32
    %broadcast_in_dim3A_1088 = vector.broadcast %jit3A_1087 : f32 to vector<400x128xf32>
    %select_n3A_1089 = arith.select %eq3A_1077, %broadcast_in_dim3A_1088, %select_n3A_1064 : vector<400x128xi1>, vector<400x128xf32>
    %reduce_max3A_1090 = arith.constant dense<0xFF800000> : vector<400xf32>
    %reduce_max3A_1091 = vector.multi_reduction <maximumf>, %select_n3A_1078, %reduce_max3A_1090 [1] : vector<400x128xf32> to vector<400xf32>
    %broadcast_in_dim3A_1092 = vector.shape_cast %reduce_max3A_1091 : vector<400xf32> to vector<400x1xf32>
    %eq3A_1093 = vector.broadcast %broadcast_in_dim3A_1092 : vector<400x1xf32> to vector<400x128xf32>
    %eq3A_1094 = arith.cmpf oeq, %select_n3A_1078, %eq3A_1093 : vector<400x128xf32>
    %jit3A_1095 = arith.constant 0xFF800000 : f32
    %broadcast_in_dim3A_1096 = vector.broadcast %jit3A_1095 : f32 to vector<400x128xf32>
    %select_n3A_1097 = arith.select %eq3A_1094, %select_n3A_1084, %broadcast_in_dim3A_1096 : vector<400x128xi1>, vector<400x128xf32>
    %reduce_max3A_1098 = arith.constant dense<0xFF800000> : vector<400xf32>
    %reduce_max3A_1099 = vector.multi_reduction <maximumf>, %select_n3A_1097, %reduce_max3A_1098 [1] : vector<400x128xf32> to vector<400xf32>
    %broadcast_in_dim3A_1100 = vector.shape_cast %reduce_max3A_1099 : vector<400xf32> to vector<400x1xf32>
    %eq3A_1101 = vector.broadcast %broadcast_in_dim3A_1100 : vector<400x1xf32> to vector<400x128xf32>
    %eq3A_1102 = arith.cmpf oeq, %select_n3A_1084, %eq3A_1101 : vector<400x128xf32>
    %select_n3A_1103 = arith.select %eq3A_1102, %select_n3A_1079, %select_n3A_1078 : vector<400x128xi1>, vector<400x128xf32>
    %select_n3A_1104 = arith.select %eq3A_1102, %select_n3A_1080, %select_n3A_1079 : vector<400x128xi1>, vector<400x128xf32>
    %select_n3A_1105 = arith.select %eq3A_1102, %select_n3A_1083, %select_n3A_1080 : vector<400x128xi1>, vector<400x128xf32>
    %select_n3A_1106 = arith.select %eq3A_1102, %select_n3A_1085, %select_n3A_1084 : vector<400x128xi1>, vector<400x128xf32>
    %select_n3A_1107 = arith.select %eq3A_1102, %select_n3A_1086, %select_n3A_1085 : vector<400x128xi1>, vector<400x128xf32>
    %select_n3A_1108 = arith.select %eq3A_1102, %select_n3A_1089, %select_n3A_1086 : vector<400x128xi1>, vector<400x128xf32>
    %reduce_max3A_1109 = arith.constant dense<0xFF800000> : vector<400xf32>
    %reduce_max3A_1110 = vector.multi_reduction <maximumf>, %select_n3A_1103, %reduce_max3A_1109 [1] : vector<400x128xf32> to vector<400xf32>
    %broadcast_in_dim3A_1111 = vector.shape_cast %reduce_max3A_1110 : vector<400xf32> to vector<400x1xf32>
    %eq3A_1112 = vector.broadcast %broadcast_in_dim3A_1111 : vector<400x1xf32> to vector<400x128xf32>
    %eq3A_1113 = arith.cmpf oeq, %select_n3A_1103, %eq3A_1112 : vector<400x128xf32>
    %jit3A_1114 = arith.constant 0xFF800000 : f32
    %broadcast_in_dim3A_1115 = vector.broadcast %jit3A_1114 : f32 to vector<400x128xf32>
    %select_n3A_1116 = arith.select %eq3A_1113, %select_n3A_1106, %broadcast_in_dim3A_1115 : vector<400x128xi1>, vector<400x128xf32>
    %reduce_max3A_1117 = arith.constant dense<0xFF800000> : vector<400xf32>
    %reduce_max3A_1118 = vector.multi_reduction <maximumf>, %select_n3A_1116, %reduce_max3A_1117 [1] : vector<400x128xf32> to vector<400xf32>
    %broadcast_in_dim3A_1119 = vector.shape_cast %reduce_max3A_1118 : vector<400xf32> to vector<400x1xf32>
    %eq3A_1120 = vector.broadcast %broadcast_in_dim3A_1119 : vector<400x1xf32> to vector<400x128xf32>
    %eq3A_1121 = arith.cmpf oeq, %select_n3A_1106, %eq3A_1120 : vector<400x128xf32>
    %select_n3A_1122 = arith.select %eq3A_1121, %select_n3A_1104, %select_n3A_1103 : vector<400x128xi1>, vector<400x128xf32>
    %select_n3A_1123 = arith.select %eq3A_1121, %select_n3A_1105, %select_n3A_1104 : vector<400x128xi1>, vector<400x128xf32>
    %select_n3A_1124 = arith.select %eq3A_1121, %select_n3A_1107, %select_n3A_1106 : vector<400x128xi1>, vector<400x128xf32>
    %select_n3A_1125 = arith.select %eq3A_1121, %select_n3A_1108, %select_n3A_1107 : vector<400x128xi1>, vector<400x128xf32>
    %reduce_max3A_1126 = arith.constant dense<0xFF800000> : vector<400xf32>
    %reduce_max3A_1127 = vector.multi_reduction <maximumf>, %select_n3A_1122, %reduce_max3A_1126 [1] : vector<400x128xf32> to vector<400xf32>
    %broadcast_in_dim3A_1128 = vector.shape_cast %reduce_max3A_1127 : vector<400xf32> to vector<400x1xf32>
    %eq3A_1129 = vector.broadcast %broadcast_in_dim3A_1128 : vector<400x1xf32> to vector<400x128xf32>
    %eq3A_1130 = arith.cmpf oeq, %select_n3A_1122, %eq3A_1129 : vector<400x128xf32>
    %jit3A_1131 = arith.constant 0xFF800000 : f32
    %broadcast_in_dim3A_1132 = vector.broadcast %jit3A_1131 : f32 to vector<400x128xf32>
    %select_n3A_1133 = arith.select %eq3A_1130, %select_n3A_1124, %broadcast_in_dim3A_1132 : vector<400x128xi1>, vector<400x128xf32>
    %reduce_max3A_1134 = arith.constant dense<0xFF800000> : vector<400xf32>
    %reduce_max3A_1135 = vector.multi_reduction <maximumf>, %select_n3A_1133, %reduce_max3A_1134 [1] : vector<400x128xf32> to vector<400xf32>
    %broadcast_in_dim3A_1136 = vector.shape_cast %reduce_max3A_1135 : vector<400xf32> to vector<400x1xf32>
    %eq3A_1137 = vector.broadcast %broadcast_in_dim3A_1136 : vector<400x1xf32> to vector<400x128xf32>
    %eq3A_1138 = arith.cmpf oeq, %select_n3A_1124, %eq3A_1137 : vector<400x128xf32>
    %select_n3A_1139 = arith.select %eq3A_1138, %select_n3A_1123, %select_n3A_1122 : vector<400x128xi1>, vector<400x128xf32>
    %select_n3A_1140 = arith.select %eq3A_1138, %select_n3A_1125, %select_n3A_1124 : vector<400x128xi1>, vector<400x128xf32>
    %reduce_max3A_1141 = arith.constant dense<0xFF800000> : vector<400xf32>
    %reduce_max3A_1142 = vector.multi_reduction <maximumf>, %select_n3A_1139, %reduce_max3A_1141 [1] : vector<400x128xf32> to vector<400xf32>
    %broadcast_in_dim3A_1143 = vector.shape_cast %reduce_max3A_1142 : vector<400xf32> to vector<400x1xf32>
    %eq3A_1144 = vector.broadcast %broadcast_in_dim3A_1143 : vector<400x1xf32> to vector<400x128xf32>
    %eq3A_1145 = arith.cmpf oeq, %select_n3A_1139, %eq3A_1144 : vector<400x128xf32>
    %jit3A_1146 = arith.constant 0xFF800000 : f32
    %broadcast_in_dim3A_1147 = vector.broadcast %jit3A_1146 : f32 to vector<400x128xf32>
    %select_n3A_1148 = arith.select %eq3A_1145, %select_n3A_1140, %broadcast_in_dim3A_1147 : vector<400x128xi1>, vector<400x128xf32>
    %reduce_max3A_1149 = arith.constant dense<0xFF800000> : vector<400xf32>
    %reduce_max3A_1150 = vector.multi_reduction <maximumf>, %select_n3A_1148, %reduce_max3A_1149 [1] : vector<400x128xf32> to vector<400xf32>
    %broadcast_in_dim3A_1151 = vector.shape_cast %reduce_max3A_1150 : vector<400xf32> to vector<400x1xf32>
    %concatenate3A = tpu.concatenate %broadcast_in_dim3A_950, %broadcast_in_dim3A_975, %broadcast_in_dim3A_1000, %broadcast_in_dim3A_1025, %broadcast_in_dim3A_1050, %broadcast_in_dim3A_1075, %broadcast_in_dim3A_1100, %broadcast_in_dim3A_1119, %broadcast_in_dim3A_1136, %broadcast_in_dim3A_1151 in 1 : vector<400x1xf32>, vector<400x1xf32>, vector<400x1xf32>, vector<400x1xf32>, vector<400x1xf32>, vector<400x1xf32>, vector<400x1xf32>, vector<400x1xf32>, vector<400x1xf32>, vector<400x1xf32> -> vector<400x10xf32>
    %neg3A_1152 = arith.constant 0.000000e+00 : f32
    %neg3A_1153 = vector.broadcast %neg3A_1152 : f32 to vector<400x10xf32>
    %neg3A_1154 = arith.subf %neg3A_1153, %concatenate3A : vector<400x10xf32>
    %convert_element_type3A_1155 = arith.fptosi %neg3A_1154 : vector<400x10xf32> to vector<400x10xi32>
    %add3A_1156 = vector.broadcast %mul3A_941 : i32 to vector<400x10xi32>
    %add3A_1157 = arith.addi %convert_element_type3A_1155, %add3A_1156 : vector<400x10xi32>
    %swap3A_1158 = arith.constant 0 : index
    %swap3A_1159 = arith.constant 0 : index
    %swap3A_1160 = arith.constant 0 : index
    %swap3A_1161 = vector.load %arg9[%swap3A_1158, %swap3A_1159, %swap3A_1160] : memref<1x400x10xi32, #tpu.memory_space<vmem>>, vector<1x400x10xi32>
    %swap3A_1162 = vector.shape_cast %swap3A_1161 : vector<1x400x10xi32> to vector<400x10xi32>
    %swap3A_1163 = vector.shape_cast %add3A_1157 : vector<400x10xi32> to vector<1x400x10xi32>
    tpu.vector_store %arg9[%swap3A_1158, %swap3A_1159, %swap3A_1160], %swap3A_1163 {strides = array<i32>} : memref<1x400x10xi32, #tpu.memory_space<vmem>>, vector<1x400x10xi32>,
    %reduce_max3A_1164 = arith.constant dense<0xFF800000> : vector<400xf32>
    %reduce_max3A_1165 = vector.multi_reduction <maximumf>, %max3A_925, %reduce_max3A_1164 [1] : vector<400x128xf32> to vector<400xf32>
    %broadcast_in_dim3A_1166 = vector.shape_cast %reduce_max3A_1165 : vector<400xf32> to vector<400x1xf32>
    %ge3A_1167 = arith.cmpf oge, %broadcast_in_dim3A_1166, %broadcast_in_dim3A_1143 : vector<400x1xf32>
    %reduce_or3A = arith.constant 1.000000e+00 : f32
    %reduce_or3A_1168 = arith.constant 0.000000e+00 : f32
    %reduce_or3A_1169 = vector.broadcast %reduce_or3A : f32 to vector<400x1xf32>
    %reduce_or3A_1170 = vector.broadcast %reduce_or3A_1168 : f32 to vector<400x1xf32>
    %reduce_or3A_1171 = arith.select %ge3A_1167, %reduce_or3A_1169, %reduce_or3A_1170 : vector<400x1xi1>, vector<400x1xf32>
    %reduce_or3A_1172 = vector.shape_cast %reduce_or3A_1171 : vector<400x1xf32> to vector<1x400x1xf32>
    %reduce_or3A_1173 = arith.constant dense<0xFF800000> : vector<1xf32>
    %reduce_or3A_1174 = vector.multi_reduction <maximumf>, %reduce_or3A_1172, %reduce_or3A_1173 [1, 2] : vector<1x400x1xf32> to vector<1xf32>
    %reduce_or3A_1175 = vector.shape_cast %reduce_or3A_1174 : vector<1xf32> to vector<1x1x1xf32>
    %reduce_or3A_1176 = vector.extract %reduce_or3A_1175[0, 0, 0] : f32 from vector<1x1x1xf32>
    %reduce_or3A_1177 = arith.constant 0.000000e+00 : f32
    %reduce_or3A_1178 = arith.cmpf ogt, %reduce_or3A_1176, %reduce_or3A_1177 : f32
    %convert_element_type3A_1179 = arith.extui %reduce_or3A_1178 : i1 to i32
    %cond3A = arith.constant 0xFF800000 : f32
    %cond3A_1180 = arith.constant 0 : i32
    %cond3A_1181 = arith.cmpi ne, %convert_element_type3A_1179, %cond3A_1180 : i32
    scf.if %cond3A_1181 {
      %iota3A_1182 = tpu.iota {dimensions = array<i32: 1>} : vector<400x4096xi32>
      %convert_element_type3A_1183 = arith.sitofp %iota3A_1182 : vector<400x4096xi32> to vector<400x4096xf32>
      %neg3A_1184 = arith.constant 0.000000e+00 : f32
      %neg3A_1185 = vector.broadcast %neg3A_1184 : f32 to vector<400x4096xf32>
      %neg3A_1186 = arith.subf %neg3A_1185, %convert_element_type3A_1183 : vector<400x4096xf32>
      %reduce_max3A_1187 = arith.constant dense<0xFF800000> : vector<400xf32>
      %reduce_max3A_1188 = vector.multi_reduction <maximumf>, %sub3A_58, %reduce_max3A_1187 [1] : vector<400x4096xf32> to vector<400xf32>
      %broadcast_in_dim3A_1189 = vector.shape_cast %reduce_max3A_1188 : vector<400xf32> to vector<400x1xf32>
      %eq3A_1190 = vector.broadcast %broadcast_in_dim3A_1189 : vector<400x1xf32> to vector<400x4096xf32>
      %eq3A_1191 = arith.cmpf oeq, %sub3A_58, %eq3A_1190 : vector<400x4096xf32>
      %broadcast_in_dim3A_1192 = vector.broadcast %cond3A : f32 to vector<400x4096xf32>
      %select_n3A_1193 = arith.select %eq3A_1191, %neg3A_1186, %broadcast_in_dim3A_1192 : vector<400x4096xi1>, vector<400x4096xf32>
      %reduce_max3A_1194 = arith.constant dense<0xFF800000> : vector<400xf32>
      %reduce_max3A_1195 = vector.multi_reduction <maximumf>, %select_n3A_1193, %reduce_max3A_1194 [1] : vector<400x4096xf32> to vector<400xf32>
      %broadcast_in_dim3A_1196 = vector.shape_cast %reduce_max3A_1195 : vector<400xf32> to vector<400x1xf32>
      %eq3A_1197 = vector.broadcast %broadcast_in_dim3A_1196 : vector<400x1xf32> to vector<400x4096xf32>
      %eq3A_1198 = arith.cmpf oeq, %select_n3A_1193, %eq3A_1197 : vector<400x4096xf32>
      %broadcast_in_dim3A_1199 = vector.broadcast %cond3A : f32 to vector<400x4096xf32>
      %select_n3A_1200 = arith.select %eq3A_1198, %broadcast_in_dim3A_1199, %sub3A_58 : vector<400x4096xi1>, vector<400x4096xf32>
      %reduce_max3A_1201 = arith.constant dense<0xFF800000> : vector<400xf32>
      %reduce_max3A_1202 = vector.multi_reduction <maximumf>, %select_n3A_1200, %reduce_max3A_1201 [1] : vector<400x4096xf32> to vector<400xf32>
      %broadcast_in_dim3A_1203 = vector.shape_cast %reduce_max3A_1202 : vector<400xf32> to vector<400x1xf32>
      %eq3A_1204 = vector.broadcast %broadcast_in_dim3A_1203 : vector<400x1xf32> to vector<400x4096xf32>
      %eq3A_1205 = arith.cmpf oeq, %select_n3A_1200, %eq3A_1204 : vector<400x4096xf32>
      %broadcast_in_dim3A_1206 = vector.broadcast %cond3A : f32 to vector<400x4096xf32>
      %select_n3A_1207 = arith.select %eq3A_1205, %neg3A_1186, %broadcast_in_dim3A_1206 : vector<400x4096xi1>, vector<400x4096xf32>
      %reduce_max3A_1208 = arith.constant dense<0xFF800000> : vector<400xf32>
      %reduce_max3A_1209 = vector.multi_reduction <maximumf>, %select_n3A_1207, %reduce_max3A_1208 [1] : vector<400x4096xf32> to vector<400xf32>
      %broadcast_in_dim3A_1210 = vector.shape_cast %reduce_max3A_1209 : vector<400xf32> to vector<400x1xf32>
      %eq3A_1211 = vector.broadcast %broadcast_in_dim3A_1210 : vector<400x1xf32> to vector<400x4096xf32>
      %eq3A_1212 = arith.cmpf oeq, %select_n3A_1207, %eq3A_1211 : vector<400x4096xf32>
      %broadcast_in_dim3A_1213 = vector.broadcast %cond3A : f32 to vector<400x4096xf32>
      %select_n3A_1214 = arith.select %eq3A_1212, %broadcast_in_dim3A_1213, %select_n3A_1200 : vector<400x4096xi1>, vector<400x4096xf32>
      %reduce_max3A_1215 = arith.constant dense<0xFF800000> : vector<400xf32>
      %reduce_max3A_1216 = vector.multi_reduction <maximumf>, %select_n3A_1214, %reduce_max3A_1215 [1] : vector<400x4096xf32> to vector<400xf32>
      %broadcast_in_dim3A_1217 = vector.shape_cast %reduce_max3A_1216 : vector<400xf32> to vector<400x1xf32>
      %eq3A_1218 = vector.broadcast %broadcast_in_dim3A_1217 : vector<400x1xf32> to vector<400x4096xf32>
      %eq3A_1219 = arith.cmpf oeq, %select_n3A_1214, %eq3A_1218 : vector<400x4096xf32>
      %broadcast_in_dim3A_1220 = vector.broadcast %cond3A : f32 to vector<400x4096xf32>
      %select_n3A_1221 = arith.select %eq3A_1219, %neg3A_1186, %broadcast_in_dim3A_1220 : vector<400x4096xi1>, vector<400x4096xf32>
      %reduce_max3A_1222 = arith.constant dense<0xFF800000> : vector<400xf32>
      %reduce_max3A_1223 = vector.multi_reduction <maximumf>, %select_n3A_1221, %reduce_max3A_1222 [1] : vector<400x4096xf32> to vector<400xf32>
      %broadcast_in_dim3A_1224 = vector.shape_cast %reduce_max3A_1223 : vector<400xf32> to vector<400x1xf32>
      %eq3A_1225 = vector.broadcast %broadcast_in_dim3A_1224 : vector<400x1xf32> to vector<400x4096xf32>
      %eq3A_1226 = arith.cmpf oeq, %select_n3A_1221, %eq3A_1225 : vector<400x4096xf32>
      %broadcast_in_dim3A_1227 = vector.broadcast %cond3A : f32 to vector<400x4096xf32>
      %select_n3A_1228 = arith.select %eq3A_1226, %broadcast_in_dim3A_1227, %select_n3A_1214 : vector<400x4096xi1>, vector<400x4096xf32>
      %reduce_max3A_1229 = arith.constant dense<0xFF800000> : vector<400xf32>
      %reduce_max3A_1230 = vector.multi_reduction <maximumf>, %select_n3A_1228, %reduce_max3A_1229 [1] : vector<400x4096xf32> to vector<400xf32>
      %broadcast_in_dim3A_1231 = vector.shape_cast %reduce_max3A_1230 : vector<400xf32> to vector<400x1xf32>
      %eq3A_1232 = vector.broadcast %broadcast_in_dim3A_1231 : vector<400x1xf32> to vector<400x4096xf32>
      %eq3A_1233 = arith.cmpf oeq, %select_n3A_1228, %eq3A_1232 : vector<400x4096xf32>
      %broadcast_in_dim3A_1234 = vector.broadcast %cond3A : f32 to vector<400x4096xf32>
      %select_n3A_1235 = arith.select %eq3A_1233, %neg3A_1186, %broadcast_in_dim3A_1234 : vector<400x4096xi1>, vector<400x4096xf32>
      %reduce_max3A_1236 = arith.constant dense<0xFF800000> : vector<400xf32>
      %reduce_max3A_1237 = vector.multi_reduction <maximumf>, %select_n3A_1235, %reduce_max3A_1236 [1] : vector<400x4096xf32> to vector<400xf32>
      %broadcast_in_dim3A_1238 = vector.shape_cast %reduce_max3A_1237 : vector<400xf32> to vector<400x1xf32>
      %eq3A_1239 = vector.broadcast %broadcast_in_dim3A_1238 : vector<400x1xf32> to vector<400x4096xf32>
      %eq3A_1240 = arith.cmpf oeq, %select_n3A_1235, %eq3A_1239 : vector<400x4096xf32>
      %broadcast_in_dim3A_1241 = vector.broadcast %cond3A : f32 to vector<400x4096xf32>
      %select_n3A_1242 = arith.select %eq3A_1240, %broadcast_in_dim3A_1241, %select_n3A_1228 : vector<400x4096xi1>, vector<400x4096xf32>
      %reduce_max3A_1243 = arith.constant dense<0xFF800000> : vector<400xf32>
      %reduce_max3A_1244 = vector.multi_reduction <maximumf>, %select_n3A_1242, %reduce_max3A_1243 [1] : vector<400x4096xf32> to vector<400xf32>
      %broadcast_in_dim3A_1245 = vector.shape_cast %reduce_max3A_1244 : vector<400xf32> to vector<400x1xf32>
      %eq3A_1246 = vector.broadcast %broadcast_in_dim3A_1245 : vector<400x1xf32> to vector<400x4096xf32>
      %eq3A_1247 = arith.cmpf oeq, %select_n3A_1242, %eq3A_1246 : vector<400x4096xf32>
      %broadcast_in_dim3A_1248 = vector.broadcast %cond3A : f32 to vector<400x4096xf32>
      %select_n3A_1249 = arith.select %eq3A_1247, %neg3A_1186, %broadcast_in_dim3A_1248 : vector<400x4096xi1>, vector<400x4096xf32>
      %reduce_max3A_1250 = arith.constant dense<0xFF800000> : vector<400xf32>
      %reduce_max3A_1251 = vector.multi_reduction <maximumf>, %select_n3A_1249, %reduce_max3A_1250 [1] : vector<400x4096xf32> to vector<400xf32>
      %broadcast_in_dim3A_1252 = vector.shape_cast %reduce_max3A_1251 : vector<400xf32> to vector<400x1xf32>
      %eq3A_1253 = vector.broadcast %broadcast_in_dim3A_1252 : vector<400x1xf32> to vector<400x4096xf32>
      %eq3A_1254 = arith.cmpf oeq, %select_n3A_1249, %eq3A_1253 : vector<400x4096xf32>
      %broadcast_in_dim3A_1255 = vector.broadcast %cond3A : f32 to vector<400x4096xf32>
      %select_n3A_1256 = arith.select %eq3A_1254, %broadcast_in_dim3A_1255, %select_n3A_1242 : vector<400x4096xi1>, vector<400x4096xf32>
      %reduce_max3A_1257 = arith.constant dense<0xFF800000> : vector<400xf32>
      %reduce_max3A_1258 = vector.multi_reduction <maximumf>, %select_n3A_1256, %reduce_max3A_1257 [1] : vector<400x4096xf32> to vector<400xf32>
      %broadcast_in_dim3A_1259 = vector.shape_cast %reduce_max3A_1258 : vector<400xf32> to vector<400x1xf32>
      %eq3A_1260 = vector.broadcast %broadcast_in_dim3A_1259 : vector<400x1xf32> to vector<400x4096xf32>
      %eq3A_1261 = arith.cmpf oeq, %select_n3A_1256, %eq3A_1260 : vector<400x4096xf32>
      %broadcast_in_dim3A_1262 = vector.broadcast %cond3A : f32 to vector<400x4096xf32>
      %select_n3A_1263 = arith.select %eq3A_1261, %neg3A_1186, %broadcast_in_dim3A_1262 : vector<400x4096xi1>, vector<400x4096xf32>
      %reduce_max3A_1264 = arith.constant dense<0xFF800000> : vector<400xf32>
      %reduce_max3A_1265 = vector.multi_reduction <maximumf>, %select_n3A_1263, %reduce_max3A_1264 [1] : vector<400x4096xf32> to vector<400xf32>
      %broadcast_in_dim3A_1266 = vector.shape_cast %reduce_max3A_1265 : vector<400xf32> to vector<400x1xf32>
      %eq3A_1267 = vector.broadcast %broadcast_in_dim3A_1266 : vector<400x1xf32> to vector<400x4096xf32>
      %eq3A_1268 = arith.cmpf oeq, %select_n3A_1263, %eq3A_1267 : vector<400x4096xf32>
      %broadcast_in_dim3A_1269 = vector.broadcast %cond3A : f32 to vector<400x4096xf32>
      %select_n3A_1270 = arith.select %eq3A_1268, %broadcast_in_dim3A_1269, %select_n3A_1256 : vector<400x4096xi1>, vector<400x4096xf32>
      %reduce_max3A_1271 = arith.constant dense<0xFF800000> : vector<400xf32>
      %reduce_max3A_1272 = vector.multi_reduction <maximumf>, %select_n3A_1270, %reduce_max3A_1271 [1] : vector<400x4096xf32> to vector<400xf32>
      %broadcast_in_dim3A_1273 = vector.shape_cast %reduce_max3A_1272 : vector<400xf32> to vector<400x1xf32>
      %eq3A_1274 = vector.broadcast %broadcast_in_dim3A_1273 : vector<400x1xf32> to vector<400x4096xf32>
      %eq3A_1275 = arith.cmpf oeq, %select_n3A_1270, %eq3A_1274 : vector<400x4096xf32>
      %broadcast_in_dim3A_1276 = vector.broadcast %cond3A : f32 to vector<400x4096xf32>
      %select_n3A_1277 = arith.select %eq3A_1275, %neg3A_1186, %broadcast_in_dim3A_1276 : vector<400x4096xi1>, vector<400x4096xf32>
      %reduce_max3A_1278 = arith.constant dense<0xFF800000> : vector<400xf32>
      %reduce_max3A_1279 = vector.multi_reduction <maximumf>, %select_n3A_1277, %reduce_max3A_1278 [1] : vector<400x4096xf32> to vector<400xf32>
      %broadcast_in_dim3A_1280 = vector.shape_cast %reduce_max3A_1279 : vector<400xf32> to vector<400x1xf32>
      %eq3A_1281 = vector.broadcast %broadcast_in_dim3A_1280 : vector<400x1xf32> to vector<400x4096xf32>
      %eq3A_1282 = arith.cmpf oeq, %select_n3A_1277, %eq3A_1281 : vector<400x4096xf32>
      %broadcast_in_dim3A_1283 = vector.broadcast %cond3A : f32 to vector<400x4096xf32>
      %select_n3A_1284 = arith.select %eq3A_1282, %broadcast_in_dim3A_1283, %select_n3A_1270 : vector<400x4096xi1>, vector<400x4096xf32>
      %reduce_max3A_1285 = arith.constant dense<0xFF800000> : vector<400xf32>
      %reduce_max3A_1286 = vector.multi_reduction <maximumf>, %select_n3A_1284, %reduce_max3A_1285 [1] : vector<400x4096xf32> to vector<400xf32>
      %broadcast_in_dim3A_1287 = vector.shape_cast %reduce_max3A_1286 : vector<400xf32> to vector<400x1xf32>
      %eq3A_1288 = vector.broadcast %broadcast_in_dim3A_1287 : vector<400x1xf32> to vector<400x4096xf32>
      %eq3A_1289 = arith.cmpf oeq, %select_n3A_1284, %eq3A_1288 : vector<400x4096xf32>
      %broadcast_in_dim3A_1290 = vector.broadcast %cond3A : f32 to vector<400x4096xf32>
      %select_n3A_1291 = arith.select %eq3A_1289, %neg3A_1186, %broadcast_in_dim3A_1290 : vector<400x4096xi1>, vector<400x4096xf32>
      %reduce_max3A_1292 = arith.constant dense<0xFF800000> : vector<400xf32>
      %reduce_max3A_1293 = vector.multi_reduction <maximumf>, %select_n3A_1291, %reduce_max3A_1292 [1] : vector<400x4096xf32> to vector<400xf32>
      %broadcast_in_dim3A_1294 = vector.shape_cast %reduce_max3A_1293 : vector<400xf32> to vector<400x1xf32>
      %eq3A_1295 = vector.broadcast %broadcast_in_dim3A_1294 : vector<400x1xf32> to vector<400x4096xf32>
      %eq3A_1296 = arith.cmpf oeq, %select_n3A_1291, %eq3A_1295 : vector<400x4096xf32>
      %broadcast_in_dim3A_1297 = vector.broadcast %cond3A : f32 to vector<400x4096xf32>
      %select_n3A_1298 = arith.select %eq3A_1296, %broadcast_in_dim3A_1297, %select_n3A_1284 : vector<400x4096xi1>, vector<400x4096xf32>
      %reduce_max3A_1299 = arith.constant dense<0xFF800000> : vector<400xf32>
      %reduce_max3A_1300 = vector.multi_reduction <maximumf>, %select_n3A_1298, %reduce_max3A_1299 [1] : vector<400x4096xf32> to vector<400xf32>
      %broadcast_in_dim3A_1301 = vector.shape_cast %reduce_max3A_1300 : vector<400xf32> to vector<400x1xf32>
      %eq3A_1302 = vector.broadcast %broadcast_in_dim3A_1301 : vector<400x1xf32> to vector<400x4096xf32>
      %eq3A_1303 = arith.cmpf oeq, %select_n3A_1298, %eq3A_1302 : vector<400x4096xf32>
      %broadcast_in_dim3A_1304 = vector.broadcast %cond3A : f32 to vector<400x4096xf32>
      %select_n3A_1305 = arith.select %eq3A_1303, %neg3A_1186, %broadcast_in_dim3A_1304 : vector<400x4096xi1>, vector<400x4096xf32>
      %reduce_max3A_1306 = arith.constant dense<0xFF800000> : vector<400xf32>
      %reduce_max3A_1307 = vector.multi_reduction <maximumf>, %select_n3A_1305, %reduce_max3A_1306 [1] : vector<400x4096xf32> to vector<400xf32>
      %broadcast_in_dim3A_1308 = vector.shape_cast %reduce_max3A_1307 : vector<400xf32> to vector<400x1xf32>
      %eq3A_1309 = vector.broadcast %broadcast_in_dim3A_1308 : vector<400x1xf32> to vector<400x4096xf32>
      %eq3A_1310 = arith.cmpf oeq, %select_n3A_1305, %eq3A_1309 : vector<400x4096xf32>
      %broadcast_in_dim3A_1311 = vector.broadcast %cond3A : f32 to vector<400x4096xf32>
      %select_n3A_1312 = arith.select %eq3A_1310, %broadcast_in_dim3A_1311, %select_n3A_1298 : vector<400x4096xi1>, vector<400x4096xf32>
      %reduce_max3A_1313 = arith.constant dense<0xFF800000> : vector<400xf32>
      %reduce_max3A_1314 = vector.multi_reduction <maximumf>, %select_n3A_1312, %reduce_max3A_1313 [1] : vector<400x4096xf32> to vector<400xf32>
      %broadcast_in_dim3A_1315 = vector.shape_cast %reduce_max3A_1314 : vector<400xf32> to vector<400x1xf32>
      %eq3A_1316 = vector.broadcast %broadcast_in_dim3A_1315 : vector<400x1xf32> to vector<400x4096xf32>
      %eq3A_1317 = arith.cmpf oeq, %select_n3A_1312, %eq3A_1316 : vector<400x4096xf32>
      %broadcast_in_dim3A_1318 = vector.broadcast %cond3A : f32 to vector<400x4096xf32>
      %select_n3A_1319 = arith.select %eq3A_1317, %neg3A_1186, %broadcast_in_dim3A_1318 : vector<400x4096xi1>, vector<400x4096xf32>
      %reduce_max3A_1320 = arith.constant dense<0xFF800000> : vector<400xf32>
      %reduce_max3A_1321 = vector.multi_reduction <maximumf>, %select_n3A_1319, %reduce_max3A_1320 [1] : vector<400x4096xf32> to vector<400xf32>
      %broadcast_in_dim3A_1322 = vector.shape_cast %reduce_max3A_1321 : vector<400xf32> to vector<400x1xf32>
      %concatenate3A_1323 = tpu.concatenate %broadcast_in_dim3A_1196, %broadcast_in_dim3A_1210, %broadcast_in_dim3A_1224, %broadcast_in_dim3A_1238, %broadcast_in_dim3A_1252, %broadcast_in_dim3A_1266, %broadcast_in_dim3A_1280, %broadcast_in_dim3A_1294, %broadcast_in_dim3A_1308, %broadcast_in_dim3A_1322 in 1 : vector<400x1xf32>, vector<400x1xf32>, vector<400x1xf32>, vector<400x1xf32>, vector<400x1xf32>, vector<400x1xf32>, vector<400x1xf32>, vector<400x1xf32>, vector<400x1xf32>, vector<400x1xf32> -> vector<400x10xf32>
      %neg3A_1324 = arith.constant 0.000000e+00 : f32
      %neg3A_1325 = vector.broadcast %neg3A_1324 : f32 to vector<400x10xf32>
      %neg3A_1326 = arith.subf %neg3A_1325, %concatenate3A_1323 : vector<400x10xf32>
      %convert_element_type3A_1327 = arith.fptosi %neg3A_1326 : vector<400x10xf32> to vector<400x10xi32>
      %add3A_1328 = vector.broadcast %mul3A_941 : i32 to vector<400x10xi32>
      %add3A_1329 = arith.addi %convert_element_type3A_1327, %add3A_1328 : vector<400x10xi32>
      %swap3A_1330 = arith.constant 0 : index
      %swap3A_1331 = arith.constant 0 : index
      %swap3A_1332 = arith.constant 0 : index
      %swap3A_1333 = vector.load %arg9[%swap3A_1330, %swap3A_1331, %swap3A_1332] : memref<1x400x10xi32, #tpu.memory_space<vmem>>, vector<1x400x10xi32>
      %swap3A_1334 = vector.shape_cast %swap3A_1333 : vector<1x400x10xi32> to vector<400x10xi32>
      %swap3A_1335 = vector.shape_cast %add3A_1329 : vector<400x10xi32> to vector<1x400x10xi32>
      tpu.vector_store %arg9[%swap3A_1330, %swap3A_1331, %swap3A_1332], %swap3A_1335 {strides = array<i32>} : memref<1x400x10xi32, #tpu.memory_space<vmem>>, vector<1x400x10xi32>,
    } else {
    }
    return
  }
  func.func @transform_0(%arg0: i32, %arg1: i32) -> (i32, i32, i32) {
    %c0_i32 = arith.constant 0 : i32
    %c0_i32_0 = arith.constant 0 : i32
    return %arg0, %arg1, %c0_i32 : i32, i32, i32
  }
  func.func @transform_1(%arg0: i32, %arg1: i32) -> (i32, i32, i32) {
    %c0_i32 = arith.constant 0 : i32
    %c0_i32_0 = arith.constant 0 : i32
    %c0_i32_1 = arith.constant 0 : i32
    return %arg0, %c0_i32, %c0_i32_0 : i32, i32, i32
  }
  func.func @transform_2(%arg0: i32, %arg1: i32) -> (i32, i32) {
    %c0_i32 = arith.constant 0 : i32
    %c0_i32_0 = arith.constant 0 : i32
    %c0_i32_1 = arith.constant 0 : i32
    return %c0_i32, %c0_i32_0 : i32, i32
  }
  func.func @transform_3(%arg0: i32, %arg1: i32) -> (i32, i32) {
    %c0_i32 = arith.constant 0 : i32
    %c0_i32_0 = arith.constant 0 : i32
    %c0_i32_1 = arith.constant 0 : i32
    return %c0_i32, %c0_i32_0 : i32, i32
  }
  func.func @transform_4(%arg0: i32, %arg1: i32) -> (i32, i32) {
    %c0_i32 = arith.constant 0 : i32
    %c0_i32_0 = arith.constant 0 : i32
    %c0_i32_1 = arith.constant 0 : i32
    return %c0_i32, %c0_i32_0 : i32, i32
  }
  func.func @transform_5(%arg0: i32, %arg1: i32) -> (i32, i32, i32) {
    %c0_i32 = arith.constant 0 : i32
    %c0_i32_0 = arith.constant 0 : i32
    return %arg0, %arg1, %c0_i32 : i32, i32, i32
  }
  func.func @transform_6(%arg0: i32, %arg1: i32) -> (i32, i32, i32) {
    %c0_i32 = arith.constant 0 : i32
    %c0_i32_0 = arith.constant 0 : i32
    return %arg0, %arg1, %c0_i32 : i32, i32, i32
  }
  func.func @transform_7(%arg0: i32, %arg1: i32) -> (i32, i32, i32) {
    %c0_i32 = arith.constant 0 : i32
    %c0_i32_0 = arith.constant 0 : i32
    return %arg0, %arg1, %c0_i32 : i32, i32, i32
  }
}

module attributes {stable_mosaic.version = 14 : i64} {
  func.func @_main_body(%arg0: i32, %arg1: i32, %arg2: memref<2x1x400x128xf32, #tpu.memory_space<vmem>>, %arg3: memref<1x10x400x128xf32, #tpu.memory_space<vmem>>, %arg4: memref<1x400x128xf32, #tpu.memory_space<vmem>>, %arg5: memref<1x400x128xf32, #tpu.memory_space<vmem>>, %arg6: memref<128x128xf32, #tpu.memory_space<vmem>>, %arg7: memref<1x128xf32, #tpu.memory_space<vmem>>, %arg8: memref<128x128xf32, #tpu.memory_space<vmem>>, %arg9: memref<128x128xf32, #tpu.memory_space<vmem>>, %arg10: memref<128x128xf32, #tpu.memory_space<vmem>>, %arg11: memref<1x128xf32, #tpu.memory_space<vmem>>, %arg12: memref<128x128xf32, #tpu.memory_space<vmem>>, %arg13: memref<1x128xf32, #tpu.memory_space<vmem>>, %arg14: memref<128x128xf32, #tpu.memory_space<vmem>>, %arg15: memref<1x128xf32, #tpu.memory_space<vmem>>, %arg16: memref<128x128xf32, #tpu.memory_space<vmem>>, %arg17: memref<1x128xf32, #tpu.memory_space<vmem>>, %arg18: memref<1x400x128xf32, #tpu.memory_space<vmem>>) attributes {dimension_semantics = [#tpu.dimension_semantics<parallel>, #tpu.dimension_semantics<arbitrary>], iteration_bounds = array<i64: 2, 10>, scalar_prefetch = 0 : i64, scratch_operands = 0 : i64, tpu.core_type = #tpu.core_type<tc>, window_params = [{transform_indices = @transform_0, window_bounds = array<i64: 2, 1, 400, 128>}, {transform_indices = @transform_1, window_bounds = array<i64: 1, 10, 400, 128>}, {transform_indices = @transform_2, window_bounds = array<i64: 1, 400, 128>}, {transform_indices = @transform_3, window_bounds = array<i64: 1, 400, 128>}, {pipeline_mode = #tpu.pipeline_mode<synchronous>, transform_indices = @transform_4, window_bounds = array<i64: 128, 128>}, {pipeline_mode = #tpu.pipeline_mode<synchronous>, transform_indices = @transform_5, window_bounds = array<i64: 1, 128>}, {pipeline_mode = #tpu.pipeline_mode<synchronous>, transform_indices = @transform_6, window_bounds = array<i64: 128, 128>}, {pipeline_mode = #tpu.pipeline_mode<synchronous>, transform_indices = @transform_7, window_bounds = array<i64: 128, 128>}, {pipeline_mode = #tpu.pipeline_mode<synchronous>, transform_indices = @transform_8, window_bounds = array<i64: 128, 128>}, {pipeline_mode = #tpu.pipeline_mode<synchronous>, transform_indices = @transform_9, window_bounds = array<i64: 1, 128>}, {pipeline_mode = #tpu.pipeline_mode<synchronous>, transform_indices = @transform_10, window_bounds = array<i64: 128, 128>}, {pipeline_mode = #tpu.pipeline_mode<synchronous>, transform_indices = @transform_11, window_bounds = array<i64: 1, 128>}, {pipeline_mode = #tpu.pipeline_mode<synchronous>, transform_indices = @transform_12, window_bounds = array<i64: 128, 128>}, {pipeline_mode = #tpu.pipeline_mode<synchronous>, transform_indices = @transform_13, window_bounds = array<i64: 1, 128>}, {pipeline_mode = #tpu.pipeline_mode<synchronous>, transform_indices = @transform_14, window_bounds = array<i64: 128, 128>}, {pipeline_mode = #tpu.pipeline_mode<synchronous>, transform_indices = @transform_15, window_bounds = array<i64: 1, 128>}, {transform_indices = @transform_16, window_bounds = array<i64: 1, 400, 128>}]} {
    %get3A = arith.constant 0 : index
    %get3A_0 = arith.constant 0 : index
    %get3A_1 = arith.constant 0 : index
    %get3A_2 = vector.load %arg5[%get3A, %get3A_0, %get3A_1] : memref<1x400x128xf32, #tpu.memory_space<vmem>>, vector<1x400x128xf32>
    %get3A_3 = vector.shape_cast %get3A_2 : vector<1x400x128xf32> to vector<400x128xf32>
    %get3A_4 = arith.constant 0 : index
    %get3A_5 = arith.constant 0 : index
    %get3A_6 = vector.load %arg6[%get3A_4, %get3A_5] : memref<128x128xf32, #tpu.memory_space<vmem>>, vector<128x128xf32>
    %get3A_7 = arith.constant 0 : index
    %get3A_8 = arith.constant 0 : index
    %get3A_9 = vector.load %arg7[%get3A_7, %get3A_8] : memref<1x128xf32, #tpu.memory_space<vmem>>, vector<1x128xf32>
    %get3A_10 = arith.constant 0 : index
    %get3A_11 = arith.constant 0 : index
    %get3A_12 = arith.constant 0 : index
    %get3A_13 = arith.constant 0 : index
    %get3A_14 = vector.load %arg2[%get3A_10, %get3A_11, %get3A_12, %get3A_13] : memref<2x1x400x128xf32, #tpu.memory_space<vmem>>, vector<1x1x400x128xf32>
    %get3A_15 = vector.shape_cast %get3A_14 : vector<1x1x400x128xf32> to vector<400x128xf32>
    %convert_element_type3A = arith.truncf %get3A_15 : vector<400x128xf32> to vector<400x128xbf16>
    %convert_element_type3A_16 = arith.truncf %get3A_6 : vector<128x128xf32> to vector<128x128xbf16>
    %dot_general3A = arith.constant dense<0.000000e+00> : vector<400x128xf32>
    %dot_general3A_17 = tpu.matmul %convert_element_type3A, %convert_element_type3A_16, %dot_general3A {dimension_numbers = #tpu.dot_dimension_numbers<[1], [0], [0], [1], [0, 0, 1, 1], [], []>, transpose_lhs_hint = false} : vector<400x128xbf16>, vector<128x128xbf16>, vector<400x128xf32> -> vector<400x128xf32>
    %add3A = vector.broadcast %get3A_9 : vector<1x128xf32> to vector<400x128xf32>
    %add3A_18 = arith.addf %dot_general3A_17, %add3A : vector<400x128xf32>
    %max3A = arith.constant 0.000000e+00 : f32
    %max3A_19 = vector.broadcast %max3A : f32 to vector<400x128xf32>
    %max3A_20 = arith.maximumf %add3A_18, %max3A_19 : vector<400x128xf32>
    %convert_element_type3A_21 = arith.truncf %get3A_3 : vector<400x128xf32> to vector<400x128xbf16>
    %convert_element_type3A_22 = arith.truncf %get3A_6 : vector<128x128xf32> to vector<128x128xbf16>
    %dot_general3A_23 = arith.constant dense<0.000000e+00> : vector<400x128xf32>
    %dot_general3A_24 = tpu.matmul %convert_element_type3A_21, %convert_element_type3A_22, %dot_general3A_23 {dimension_numbers = #tpu.dot_dimension_numbers<[1], [0], [0], [1], [0, 0, 1, 1], [], []>, transpose_lhs_hint = false} : vector<400x128xbf16>, vector<128x128xbf16>, vector<400x128xf32> -> vector<400x128xf32>
    %add3A_25 = vector.broadcast %get3A_9 : vector<1x128xf32> to vector<400x128xf32>
    %add3A_26 = arith.addf %dot_general3A_24, %add3A_25 : vector<400x128xf32>
    %max3A_27 = arith.constant 0.000000e+00 : f32
    %max3A_28 = vector.broadcast %max3A_27 : f32 to vector<400x128xf32>
    %max3A_29 = arith.maximumf %add3A_26, %max3A_28 : vector<400x128xf32>
    %get3A_30 = arith.constant 1 : index
    %get3A_31 = arith.constant 0 : index
    %get3A_32 = arith.constant 0 : index
    %get3A_33 = arith.constant 0 : index
    %get3A_34 = vector.load %arg2[%get3A_30, %get3A_31, %get3A_32, %get3A_33] : memref<2x1x400x128xf32, #tpu.memory_space<vmem>>, vector<1x1x400x128xf32>
    %get3A_35 = vector.shape_cast %get3A_34 : vector<1x1x400x128xf32> to vector<400x128xf32>
    %convert_element_type3A_36 = arith.truncf %get3A_35 : vector<400x128xf32> to vector<400x128xbf16>
    %convert_element_type3A_37 = arith.truncf %get3A_6 : vector<128x128xf32> to vector<128x128xbf16>
    %dot_general3A_38 = arith.constant dense<0.000000e+00> : vector<400x128xf32>
    %dot_general3A_39 = tpu.matmul %convert_element_type3A_36, %convert_element_type3A_37, %dot_general3A_38 {dimension_numbers = #tpu.dot_dimension_numbers<[1], [0], [0], [1], [0, 0, 1, 1], [], []>, transpose_lhs_hint = false} : vector<400x128xbf16>, vector<128x128xbf16>, vector<400x128xf32> -> vector<400x128xf32>
    %add3A_40 = vector.broadcast %get3A_9 : vector<1x128xf32> to vector<400x128xf32>
    %add3A_41 = arith.addf %dot_general3A_39, %add3A_40 : vector<400x128xf32>
    %max3A_42 = arith.constant 0.000000e+00 : f32
    %max3A_43 = vector.broadcast %max3A_42 : f32 to vector<400x128xf32>
    %max3A_44 = arith.maximumf %add3A_41, %max3A_43 : vector<400x128xf32>
    %get3A_45 = arith.constant 0 : index
    %get3A_46 = arith.constant 0 : index
    %get3A_47 = vector.load %arg8[%get3A_45, %get3A_46] : memref<128x128xf32, #tpu.memory_space<vmem>>, vector<128x128xf32>
    %convert_element_type3A_48 = arith.truncf %max3A_20 : vector<400x128xf32> to vector<400x128xbf16>
    %convert_element_type3A_49 = arith.truncf %get3A_47 : vector<128x128xf32> to vector<128x128xbf16>
    %dot_general3A_50 = arith.constant dense<0.000000e+00> : vector<400x128xf32>
    %dot_general3A_51 = tpu.matmul %convert_element_type3A_48, %convert_element_type3A_49, %dot_general3A_50 {dimension_numbers = #tpu.dot_dimension_numbers<[1], [0], [0], [1], [0, 0, 1, 1], [], []>, transpose_lhs_hint = false} : vector<400x128xbf16>, vector<128x128xbf16>, vector<400x128xf32> -> vector<400x128xf32>
    %get3A_52 = arith.constant 0 : index
    %get3A_53 = arith.constant 0 : index
    %get3A_54 = vector.load %arg9[%get3A_52, %get3A_53] : memref<128x128xf32, #tpu.memory_space<vmem>>, vector<128x128xf32>
    %convert_element_type3A_55 = arith.truncf %max3A_29 : vector<400x128xf32> to vector<400x128xbf16>
    %convert_element_type3A_56 = arith.truncf %get3A_54 : vector<128x128xf32> to vector<128x128xbf16>
    %dot_general3A_57 = arith.constant dense<0.000000e+00> : vector<400x128xf32>
    %dot_general3A_58 = tpu.matmul %convert_element_type3A_55, %convert_element_type3A_56, %dot_general3A_57 {dimension_numbers = #tpu.dot_dimension_numbers<[1], [0], [0], [1], [0, 0, 1, 1], [], []>, transpose_lhs_hint = false} : vector<400x128xbf16>, vector<128x128xbf16>, vector<400x128xf32> -> vector<400x128xf32>
    %add3A_59 = arith.addf %dot_general3A_51, %dot_general3A_58 : vector<400x128xf32>
    %get3A_60 = arith.constant 0 : index
    %get3A_61 = arith.constant 0 : index
    %get3A_62 = vector.load %arg10[%get3A_60, %get3A_61] : memref<128x128xf32, #tpu.memory_space<vmem>>, vector<128x128xf32>
    %convert_element_type3A_63 = arith.truncf %max3A_44 : vector<400x128xf32> to vector<400x128xbf16>
    %convert_element_type3A_64 = arith.truncf %get3A_62 : vector<128x128xf32> to vector<128x128xbf16>
    %dot_general3A_65 = arith.constant dense<0.000000e+00> : vector<400x128xf32>
    %dot_general3A_66 = tpu.matmul %convert_element_type3A_63, %convert_element_type3A_64, %dot_general3A_65 {dimension_numbers = #tpu.dot_dimension_numbers<[1], [0], [0], [1], [0, 0, 1, 1], [], []>, transpose_lhs_hint = false} : vector<400x128xbf16>, vector<128x128xbf16>, vector<400x128xf32> -> vector<400x128xf32>
    %add3A_67 = arith.addf %add3A_59, %dot_general3A_66 : vector<400x128xf32>
    %get3A_68 = arith.constant 0 : index
    %get3A_69 = arith.constant 0 : index
    %get3A_70 = vector.load %arg11[%get3A_68, %get3A_69] : memref<1x128xf32, #tpu.memory_space<vmem>>, vector<1x128xf32>
    %add3A_71 = vector.broadcast %get3A_70 : vector<1x128xf32> to vector<400x128xf32>
    %add3A_72 = arith.addf %add3A_67, %add3A_71 : vector<400x128xf32>
    %max3A_73 = arith.constant 0.000000e+00 : f32
    %max3A_74 = vector.broadcast %max3A_73 : f32 to vector<400x128xf32>
    %max3A_75 = arith.maximumf %add3A_72, %max3A_74 : vector<400x128xf32>
    %get3A_76 = arith.constant 0 : index
    %get3A_77 = arith.constant 0 : index
    %get3A_78 = vector.load %arg12[%get3A_76, %get3A_77] : memref<128x128xf32, #tpu.memory_space<vmem>>, vector<128x128xf32>
    %convert_element_type3A_79 = arith.truncf %max3A_75 : vector<400x128xf32> to vector<400x128xbf16>
    %convert_element_type3A_80 = arith.truncf %get3A_78 : vector<128x128xf32> to vector<128x128xbf16>
    %dot_general3A_81 = arith.constant dense<0.000000e+00> : vector<400x128xf32>
    %dot_general3A_82 = tpu.matmul %convert_element_type3A_79, %convert_element_type3A_80, %dot_general3A_81 {dimension_numbers = #tpu.dot_dimension_numbers<[1], [0], [0], [1], [0, 0, 1, 1], [], []>, transpose_lhs_hint = false} : vector<400x128xbf16>, vector<128x128xbf16>, vector<400x128xf32> -> vector<400x128xf32>
    %get3A_83 = arith.constant 0 : index
    %get3A_84 = arith.constant 0 : index
    %get3A_85 = vector.load %arg13[%get3A_83, %get3A_84] : memref<1x128xf32, #tpu.memory_space<vmem>>, vector<1x128xf32>
    %add3A_86 = vector.broadcast %get3A_85 : vector<1x128xf32> to vector<400x128xf32>
    %add3A_87 = arith.addf %dot_general3A_82, %add3A_86 : vector<400x128xf32>
    %add3A_88 = arith.addf %add3A_87, %get3A_3 : vector<400x128xf32>
    %get3A_89 = arith.constant 0 : index
    %get3A_90 = arith.constant 0 : index
    %get3A_91 = arith.constant 0 : index
    %get3A_92 = vector.load %arg4[%get3A_89, %get3A_90, %get3A_91] : memref<1x400x128xf32, #tpu.memory_space<vmem>>, vector<1x400x128xf32>
    %get3A_93 = vector.shape_cast %get3A_92 : vector<1x400x128xf32> to vector<400x128xf32>
    %broadcast_in_dim3A = arith.constant 0xFF800000 : f32
    %broadcast_in_dim3A_94 = vector.broadcast %broadcast_in_dim3A : f32 to vector<400x128xf32>
    %get3A_95 = arith.constant 0 : index
    %get3A_96 = arith.constant 0 : index
    %get3A_97 = arith.constant 0 : index
    %get3A_98 = arith.constant 0 : index
    %get3A_99 = vector.load %arg3[%get3A_95, %get3A_96, %get3A_97, %get3A_98] : memref<1x10x400x128xf32, #tpu.memory_space<vmem>>, vector<1x1x400x128xf32>
    %get3A_100 = vector.shape_cast %get3A_99 : vector<1x1x400x128xf32> to vector<400x128xf32>
    %add3A_101 = arith.addf %get3A_100, %get3A_93 : vector<400x128xf32>
    %max3A_102 = arith.constant 0.000000e+00 : f32
    %max3A_103 = vector.broadcast %max3A_102 : f32 to vector<400x128xf32>
    %max3A_104 = arith.maximumf %add3A_101, %max3A_103 : vector<400x128xf32>
    %get3A_105 = arith.constant 0 : index
    %get3A_106 = arith.constant 0 : index
    %get3A_107 = vector.load %arg14[%get3A_105, %get3A_106] : memref<128x128xf32, #tpu.memory_space<vmem>>, vector<128x128xf32>
    %convert_element_type3A_108 = arith.truncf %max3A_104 : vector<400x128xf32> to vector<400x128xbf16>
    %convert_element_type3A_109 = arith.truncf %get3A_107 : vector<128x128xf32> to vector<128x128xbf16>
    %dot_general3A_110 = arith.constant dense<0.000000e+00> : vector<400x128xf32>
    %dot_general3A_111 = tpu.matmul %convert_element_type3A_108, %convert_element_type3A_109, %dot_general3A_110 {dimension_numbers = #tpu.dot_dimension_numbers<[1], [0], [0], [1], [0, 0, 1, 1], [], []>, transpose_lhs_hint = false} : vector<400x128xbf16>, vector<128x128xbf16>, vector<400x128xf32> -> vector<400x128xf32>
    %get3A_112 = arith.constant 0 : index
    %get3A_113 = arith.constant 0 : index
    %get3A_114 = vector.load %arg15[%get3A_112, %get3A_113] : memref<1x128xf32, #tpu.memory_space<vmem>>, vector<1x128xf32>
    %add3A_115 = vector.broadcast %get3A_114 : vector<1x128xf32> to vector<400x128xf32>
    %add3A_116 = arith.addf %dot_general3A_111, %add3A_115 : vector<400x128xf32>
    %max3A_117 = arith.constant 0.000000e+00 : f32
    %max3A_118 = vector.broadcast %max3A_117 : f32 to vector<400x128xf32>
    %max3A_119 = arith.maximumf %add3A_116, %max3A_118 : vector<400x128xf32>
    %get3A_120 = arith.constant 0 : index
    %get3A_121 = arith.constant 0 : index
    %get3A_122 = vector.load %arg16[%get3A_120, %get3A_121] : memref<128x128xf32, #tpu.memory_space<vmem>>, vector<128x128xf32>
    %convert_element_type3A_123 = arith.truncf %max3A_119 : vector<400x128xf32> to vector<400x128xbf16>
    %convert_element_type3A_124 = arith.truncf %get3A_122 : vector<128x128xf32> to vector<128x128xbf16>
    %dot_general3A_125 = arith.constant dense<0.000000e+00> : vector<400x128xf32>
    %dot_general3A_126 = tpu.matmul %convert_element_type3A_123, %convert_element_type3A_124, %dot_general3A_125 {dimension_numbers = #tpu.dot_dimension_numbers<[1], [0], [0], [1], [0, 0, 1, 1], [], []>, transpose_lhs_hint = false} : vector<400x128xbf16>, vector<128x128xbf16>, vector<400x128xf32> -> vector<400x128xf32>
    %get3A_127 = arith.constant 0 : index
    %get3A_128 = arith.constant 0 : index
    %get3A_129 = vector.load %arg17[%get3A_127, %get3A_128] : memref<1x128xf32, #tpu.memory_space<vmem>>, vector<1x128xf32>
    %add3A_130 = vector.broadcast %get3A_129 : vector<1x128xf32> to vector<400x128xf32>
    %add3A_131 = arith.addf %dot_general3A_126, %add3A_130 : vector<400x128xf32>
    %max3A_132 = arith.maximumf %broadcast_in_dim3A_94, %add3A_131 : vector<400x128xf32>
    %get3A_133 = arith.constant 0 : index
    %get3A_134 = arith.constant 1 : index
    %get3A_135 = arith.constant 0 : index
    %get3A_136 = arith.constant 0 : index
    %get3A_137 = vector.load %arg3[%get3A_133, %get3A_134, %get3A_135, %get3A_136] : memref<1x10x400x128xf32, #tpu.memory_space<vmem>>, vector<1x1x400x128xf32>
    %get3A_138 = vector.shape_cast %get3A_137 : vector<1x1x400x128xf32> to vector<400x128xf32>
    %add3A_139 = arith.addf %get3A_138, %get3A_93 : vector<400x128xf32>
    %max3A_140 = arith.constant 0.000000e+00 : f32
    %max3A_141 = vector.broadcast %max3A_140 : f32 to vector<400x128xf32>
    %max3A_142 = arith.maximumf %add3A_139, %max3A_141 : vector<400x128xf32>
    %get3A_143 = arith.constant 0 : index
    %get3A_144 = arith.constant 0 : index
    %get3A_145 = vector.load %arg14[%get3A_143, %get3A_144] : memref<128x128xf32, #tpu.memory_space<vmem>>, vector<128x128xf32>
    %convert_element_type3A_146 = arith.truncf %max3A_142 : vector<400x128xf32> to vector<400x128xbf16>
    %convert_element_type3A_147 = arith.truncf %get3A_145 : vector<128x128xf32> to vector<128x128xbf16>
    %dot_general3A_148 = arith.constant dense<0.000000e+00> : vector<400x128xf32>
    %dot_general3A_149 = tpu.matmul %convert_element_type3A_146, %convert_element_type3A_147, %dot_general3A_148 {dimension_numbers = #tpu.dot_dimension_numbers<[1], [0], [0], [1], [0, 0, 1, 1], [], []>, transpose_lhs_hint = false} : vector<400x128xbf16>, vector<128x128xbf16>, vector<400x128xf32> -> vector<400x128xf32>
    %get3A_150 = arith.constant 0 : index
    %get3A_151 = arith.constant 0 : index
    %get3A_152 = vector.load %arg15[%get3A_150, %get3A_151] : memref<1x128xf32, #tpu.memory_space<vmem>>, vector<1x128xf32>
    %add3A_153 = vector.broadcast %get3A_152 : vector<1x128xf32> to vector<400x128xf32>
    %add3A_154 = arith.addf %dot_general3A_149, %add3A_153 : vector<400x128xf32>
    %max3A_155 = arith.constant 0.000000e+00 : f32
    %max3A_156 = vector.broadcast %max3A_155 : f32 to vector<400x128xf32>
    %max3A_157 = arith.maximumf %add3A_154, %max3A_156 : vector<400x128xf32>
    %get3A_158 = arith.constant 0 : index
    %get3A_159 = arith.constant 0 : index
    %get3A_160 = vector.load %arg16[%get3A_158, %get3A_159] : memref<128x128xf32, #tpu.memory_space<vmem>>, vector<128x128xf32>
    %convert_element_type3A_161 = arith.truncf %max3A_157 : vector<400x128xf32> to vector<400x128xbf16>
    %convert_element_type3A_162 = arith.truncf %get3A_160 : vector<128x128xf32> to vector<128x128xbf16>
    %dot_general3A_163 = arith.constant dense<0.000000e+00> : vector<400x128xf32>
    %dot_general3A_164 = tpu.matmul %convert_element_type3A_161, %convert_element_type3A_162, %dot_general3A_163 {dimension_numbers = #tpu.dot_dimension_numbers<[1], [0], [0], [1], [0, 0, 1, 1], [], []>, transpose_lhs_hint = false} : vector<400x128xbf16>, vector<128x128xbf16>, vector<400x128xf32> -> vector<400x128xf32>
    %get3A_165 = arith.constant 0 : index
    %get3A_166 = arith.constant 0 : index
    %get3A_167 = vector.load %arg17[%get3A_165, %get3A_166] : memref<1x128xf32, #tpu.memory_space<vmem>>, vector<1x128xf32>
    %add3A_168 = vector.broadcast %get3A_167 : vector<1x128xf32> to vector<400x128xf32>
    %add3A_169 = arith.addf %dot_general3A_164, %add3A_168 : vector<400x128xf32>
    %max3A_170 = arith.maximumf %max3A_132, %add3A_169 : vector<400x128xf32>
    %get3A_171 = arith.constant 0 : index
    %get3A_172 = arith.constant 2 : index
    %get3A_173 = arith.constant 0 : index
    %get3A_174 = arith.constant 0 : index
    %get3A_175 = vector.load %arg3[%get3A_171, %get3A_172, %get3A_173, %get3A_174] : memref<1x10x400x128xf32, #tpu.memory_space<vmem>>, vector<1x1x400x128xf32>
    %get3A_176 = vector.shape_cast %get3A_175 : vector<1x1x400x128xf32> to vector<400x128xf32>
    %add3A_177 = arith.addf %get3A_176, %get3A_93 : vector<400x128xf32>
    %max3A_178 = arith.constant 0.000000e+00 : f32
    %max3A_179 = vector.broadcast %max3A_178 : f32 to vector<400x128xf32>
    %max3A_180 = arith.maximumf %add3A_177, %max3A_179 : vector<400x128xf32>
    %get3A_181 = arith.constant 0 : index
    %get3A_182 = arith.constant 0 : index
    %get3A_183 = vector.load %arg14[%get3A_181, %get3A_182] : memref<128x128xf32, #tpu.memory_space<vmem>>, vector<128x128xf32>
    %convert_element_type3A_184 = arith.truncf %max3A_180 : vector<400x128xf32> to vector<400x128xbf16>
    %convert_element_type3A_185 = arith.truncf %get3A_183 : vector<128x128xf32> to vector<128x128xbf16>
    %dot_general3A_186 = arith.constant dense<0.000000e+00> : vector<400x128xf32>
    %dot_general3A_187 = tpu.matmul %convert_element_type3A_184, %convert_element_type3A_185, %dot_general3A_186 {dimension_numbers = #tpu.dot_dimension_numbers<[1], [0], [0], [1], [0, 0, 1, 1], [], []>, transpose_lhs_hint = false} : vector<400x128xbf16>, vector<128x128xbf16>, vector<400x128xf32> -> vector<400x128xf32>
    %get3A_188 = arith.constant 0 : index
    %get3A_189 = arith.constant 0 : index
    %get3A_190 = vector.load %arg15[%get3A_188, %get3A_189] : memref<1x128xf32, #tpu.memory_space<vmem>>, vector<1x128xf32>
    %add3A_191 = vector.broadcast %get3A_190 : vector<1x128xf32> to vector<400x128xf32>
    %add3A_192 = arith.addf %dot_general3A_187, %add3A_191 : vector<400x128xf32>
    %max3A_193 = arith.constant 0.000000e+00 : f32
    %max3A_194 = vector.broadcast %max3A_193 : f32 to vector<400x128xf32>
    %max3A_195 = arith.maximumf %add3A_192, %max3A_194 : vector<400x128xf32>
    %get3A_196 = arith.constant 0 : index
    %get3A_197 = arith.constant 0 : index
    %get3A_198 = vector.load %arg16[%get3A_196, %get3A_197] : memref<128x128xf32, #tpu.memory_space<vmem>>, vector<128x128xf32>
    %convert_element_type3A_199 = arith.truncf %max3A_195 : vector<400x128xf32> to vector<400x128xbf16>
    %convert_element_type3A_200 = arith.truncf %get3A_198 : vector<128x128xf32> to vector<128x128xbf16>
    %dot_general3A_201 = arith.constant dense<0.000000e+00> : vector<400x128xf32>
    %dot_general3A_202 = tpu.matmul %convert_element_type3A_199, %convert_element_type3A_200, %dot_general3A_201 {dimension_numbers = #tpu.dot_dimension_numbers<[1], [0], [0], [1], [0, 0, 1, 1], [], []>, transpose_lhs_hint = false} : vector<400x128xbf16>, vector<128x128xbf16>, vector<400x128xf32> -> vector<400x128xf32>
    %get3A_203 = arith.constant 0 : index
    %get3A_204 = arith.constant 0 : index
    %get3A_205 = vector.load %arg17[%get3A_203, %get3A_204] : memref<1x128xf32, #tpu.memory_space<vmem>>, vector<1x128xf32>
    %add3A_206 = vector.broadcast %get3A_205 : vector<1x128xf32> to vector<400x128xf32>
    %add3A_207 = arith.addf %dot_general3A_202, %add3A_206 : vector<400x128xf32>
    %max3A_208 = arith.maximumf %max3A_170, %add3A_207 : vector<400x128xf32>
    %get3A_209 = arith.constant 0 : index
    %get3A_210 = arith.constant 3 : index
    %get3A_211 = arith.constant 0 : index
    %get3A_212 = arith.constant 0 : index
    %get3A_213 = vector.load %arg3[%get3A_209, %get3A_210, %get3A_211, %get3A_212] : memref<1x10x400x128xf32, #tpu.memory_space<vmem>>, vector<1x1x400x128xf32>
    %get3A_214 = vector.shape_cast %get3A_213 : vector<1x1x400x128xf32> to vector<400x128xf32>
    %add3A_215 = arith.addf %get3A_214, %get3A_93 : vector<400x128xf32>
    %max3A_216 = arith.constant 0.000000e+00 : f32
    %max3A_217 = vector.broadcast %max3A_216 : f32 to vector<400x128xf32>
    %max3A_218 = arith.maximumf %add3A_215, %max3A_217 : vector<400x128xf32>
    %get3A_219 = arith.constant 0 : index
    %get3A_220 = arith.constant 0 : index
    %get3A_221 = vector.load %arg14[%get3A_219, %get3A_220] : memref<128x128xf32, #tpu.memory_space<vmem>>, vector<128x128xf32>
    %convert_element_type3A_222 = arith.truncf %max3A_218 : vector<400x128xf32> to vector<400x128xbf16>
    %convert_element_type3A_223 = arith.truncf %get3A_221 : vector<128x128xf32> to vector<128x128xbf16>
    %dot_general3A_224 = arith.constant dense<0.000000e+00> : vector<400x128xf32>
    %dot_general3A_225 = tpu.matmul %convert_element_type3A_222, %convert_element_type3A_223, %dot_general3A_224 {dimension_numbers = #tpu.dot_dimension_numbers<[1], [0], [0], [1], [0, 0, 1, 1], [], []>, transpose_lhs_hint = false} : vector<400x128xbf16>, vector<128x128xbf16>, vector<400x128xf32> -> vector<400x128xf32>
    %get3A_226 = arith.constant 0 : index
    %get3A_227 = arith.constant 0 : index
    %get3A_228 = vector.load %arg15[%get3A_226, %get3A_227] : memref<1x128xf32, #tpu.memory_space<vmem>>, vector<1x128xf32>
    %add3A_229 = vector.broadcast %get3A_228 : vector<1x128xf32> to vector<400x128xf32>
    %add3A_230 = arith.addf %dot_general3A_225, %add3A_229 : vector<400x128xf32>
    %max3A_231 = arith.constant 0.000000e+00 : f32
    %max3A_232 = vector.broadcast %max3A_231 : f32 to vector<400x128xf32>
    %max3A_233 = arith.maximumf %add3A_230, %max3A_232 : vector<400x128xf32>
    %get3A_234 = arith.constant 0 : index
    %get3A_235 = arith.constant 0 : index
    %get3A_236 = vector.load %arg16[%get3A_234, %get3A_235] : memref<128x128xf32, #tpu.memory_space<vmem>>, vector<128x128xf32>
    %convert_element_type3A_237 = arith.truncf %max3A_233 : vector<400x128xf32> to vector<400x128xbf16>
    %convert_element_type3A_238 = arith.truncf %get3A_236 : vector<128x128xf32> to vector<128x128xbf16>
    %dot_general3A_239 = arith.constant dense<0.000000e+00> : vector<400x128xf32>
    %dot_general3A_240 = tpu.matmul %convert_element_type3A_237, %convert_element_type3A_238, %dot_general3A_239 {dimension_numbers = #tpu.dot_dimension_numbers<[1], [0], [0], [1], [0, 0, 1, 1], [], []>, transpose_lhs_hint = false} : vector<400x128xbf16>, vector<128x128xbf16>, vector<400x128xf32> -> vector<400x128xf32>
    %get3A_241 = arith.constant 0 : index
    %get3A_242 = arith.constant 0 : index
    %get3A_243 = vector.load %arg17[%get3A_241, %get3A_242] : memref<1x128xf32, #tpu.memory_space<vmem>>, vector<1x128xf32>
    %add3A_244 = vector.broadcast %get3A_243 : vector<1x128xf32> to vector<400x128xf32>
    %add3A_245 = arith.addf %dot_general3A_240, %add3A_244 : vector<400x128xf32>
    %max3A_246 = arith.maximumf %max3A_208, %add3A_245 : vector<400x128xf32>
    %get3A_247 = arith.constant 0 : index
    %get3A_248 = arith.constant 4 : index
    %get3A_249 = arith.constant 0 : index
    %get3A_250 = arith.constant 0 : index
    %get3A_251 = vector.load %arg3[%get3A_247, %get3A_248, %get3A_249, %get3A_250] : memref<1x10x400x128xf32, #tpu.memory_space<vmem>>, vector<1x1x400x128xf32>
    %get3A_252 = vector.shape_cast %get3A_251 : vector<1x1x400x128xf32> to vector<400x128xf32>
    %add3A_253 = arith.addf %get3A_252, %get3A_93 : vector<400x128xf32>
    %max3A_254 = arith.constant 0.000000e+00 : f32
    %max3A_255 = vector.broadcast %max3A_254 : f32 to vector<400x128xf32>
    %max3A_256 = arith.maximumf %add3A_253, %max3A_255 : vector<400x128xf32>
    %get3A_257 = arith.constant 0 : index
    %get3A_258 = arith.constant 0 : index
    %get3A_259 = vector.load %arg14[%get3A_257, %get3A_258] : memref<128x128xf32, #tpu.memory_space<vmem>>, vector<128x128xf32>
    %convert_element_type3A_260 = arith.truncf %max3A_256 : vector<400x128xf32> to vector<400x128xbf16>
    %convert_element_type3A_261 = arith.truncf %get3A_259 : vector<128x128xf32> to vector<128x128xbf16>
    %dot_general3A_262 = arith.constant dense<0.000000e+00> : vector<400x128xf32>
    %dot_general3A_263 = tpu.matmul %convert_element_type3A_260, %convert_element_type3A_261, %dot_general3A_262 {dimension_numbers = #tpu.dot_dimension_numbers<[1], [0], [0], [1], [0, 0, 1, 1], [], []>, transpose_lhs_hint = false} : vector<400x128xbf16>, vector<128x128xbf16>, vector<400x128xf32> -> vector<400x128xf32>
    %get3A_264 = arith.constant 0 : index
    %get3A_265 = arith.constant 0 : index
    %get3A_266 = vector.load %arg15[%get3A_264, %get3A_265] : memref<1x128xf32, #tpu.memory_space<vmem>>, vector<1x128xf32>
    %add3A_267 = vector.broadcast %get3A_266 : vector<1x128xf32> to vector<400x128xf32>
    %add3A_268 = arith.addf %dot_general3A_263, %add3A_267 : vector<400x128xf32>
    %max3A_269 = arith.constant 0.000000e+00 : f32
    %max3A_270 = vector.broadcast %max3A_269 : f32 to vector<400x128xf32>
    %max3A_271 = arith.maximumf %add3A_268, %max3A_270 : vector<400x128xf32>
    %get3A_272 = arith.constant 0 : index
    %get3A_273 = arith.constant 0 : index
    %get3A_274 = vector.load %arg16[%get3A_272, %get3A_273] : memref<128x128xf32, #tpu.memory_space<vmem>>, vector<128x128xf32>
    %convert_element_type3A_275 = arith.truncf %max3A_271 : vector<400x128xf32> to vector<400x128xbf16>
    %convert_element_type3A_276 = arith.truncf %get3A_274 : vector<128x128xf32> to vector<128x128xbf16>
    %dot_general3A_277 = arith.constant dense<0.000000e+00> : vector<400x128xf32>
    %dot_general3A_278 = tpu.matmul %convert_element_type3A_275, %convert_element_type3A_276, %dot_general3A_277 {dimension_numbers = #tpu.dot_dimension_numbers<[1], [0], [0], [1], [0, 0, 1, 1], [], []>, transpose_lhs_hint = false} : vector<400x128xbf16>, vector<128x128xbf16>, vector<400x128xf32> -> vector<400x128xf32>
    %get3A_279 = arith.constant 0 : index
    %get3A_280 = arith.constant 0 : index
    %get3A_281 = vector.load %arg17[%get3A_279, %get3A_280] : memref<1x128xf32, #tpu.memory_space<vmem>>, vector<1x128xf32>
    %add3A_282 = vector.broadcast %get3A_281 : vector<1x128xf32> to vector<400x128xf32>
    %add3A_283 = arith.addf %dot_general3A_278, %add3A_282 : vector<400x128xf32>
    %max3A_284 = arith.maximumf %max3A_246, %add3A_283 : vector<400x128xf32>
    %get3A_285 = arith.constant 0 : index
    %get3A_286 = arith.constant 5 : index
    %get3A_287 = arith.constant 0 : index
    %get3A_288 = arith.constant 0 : index
    %get3A_289 = vector.load %arg3[%get3A_285, %get3A_286, %get3A_287, %get3A_288] : memref<1x10x400x128xf32, #tpu.memory_space<vmem>>, vector<1x1x400x128xf32>
    %get3A_290 = vector.shape_cast %get3A_289 : vector<1x1x400x128xf32> to vector<400x128xf32>
    %add3A_291 = arith.addf %get3A_290, %get3A_93 : vector<400x128xf32>
    %max3A_292 = arith.constant 0.000000e+00 : f32
    %max3A_293 = vector.broadcast %max3A_292 : f32 to vector<400x128xf32>
    %max3A_294 = arith.maximumf %add3A_291, %max3A_293 : vector<400x128xf32>
    %get3A_295 = arith.constant 0 : index
    %get3A_296 = arith.constant 0 : index
    %get3A_297 = vector.load %arg14[%get3A_295, %get3A_296] : memref<128x128xf32, #tpu.memory_space<vmem>>, vector<128x128xf32>
    %convert_element_type3A_298 = arith.truncf %max3A_294 : vector<400x128xf32> to vector<400x128xbf16>
    %convert_element_type3A_299 = arith.truncf %get3A_297 : vector<128x128xf32> to vector<128x128xbf16>
    %dot_general3A_300 = arith.constant dense<0.000000e+00> : vector<400x128xf32>
    %dot_general3A_301 = tpu.matmul %convert_element_type3A_298, %convert_element_type3A_299, %dot_general3A_300 {dimension_numbers = #tpu.dot_dimension_numbers<[1], [0], [0], [1], [0, 0, 1, 1], [], []>, transpose_lhs_hint = false} : vector<400x128xbf16>, vector<128x128xbf16>, vector<400x128xf32> -> vector<400x128xf32>
    %get3A_302 = arith.constant 0 : index
    %get3A_303 = arith.constant 0 : index
    %get3A_304 = vector.load %arg15[%get3A_302, %get3A_303] : memref<1x128xf32, #tpu.memory_space<vmem>>, vector<1x128xf32>
    %add3A_305 = vector.broadcast %get3A_304 : vector<1x128xf32> to vector<400x128xf32>
    %add3A_306 = arith.addf %dot_general3A_301, %add3A_305 : vector<400x128xf32>
    %max3A_307 = arith.constant 0.000000e+00 : f32
    %max3A_308 = vector.broadcast %max3A_307 : f32 to vector<400x128xf32>
    %max3A_309 = arith.maximumf %add3A_306, %max3A_308 : vector<400x128xf32>
    %get3A_310 = arith.constant 0 : index
    %get3A_311 = arith.constant 0 : index
    %get3A_312 = vector.load %arg16[%get3A_310, %get3A_311] : memref<128x128xf32, #tpu.memory_space<vmem>>, vector<128x128xf32>
    %convert_element_type3A_313 = arith.truncf %max3A_309 : vector<400x128xf32> to vector<400x128xbf16>
    %convert_element_type3A_314 = arith.truncf %get3A_312 : vector<128x128xf32> to vector<128x128xbf16>
    %dot_general3A_315 = arith.constant dense<0.000000e+00> : vector<400x128xf32>
    %dot_general3A_316 = tpu.matmul %convert_element_type3A_313, %convert_element_type3A_314, %dot_general3A_315 {dimension_numbers = #tpu.dot_dimension_numbers<[1], [0], [0], [1], [0, 0, 1, 1], [], []>, transpose_lhs_hint = false} : vector<400x128xbf16>, vector<128x128xbf16>, vector<400x128xf32> -> vector<400x128xf32>
    %get3A_317 = arith.constant 0 : index
    %get3A_318 = arith.constant 0 : index
    %get3A_319 = vector.load %arg17[%get3A_317, %get3A_318] : memref<1x128xf32, #tpu.memory_space<vmem>>, vector<1x128xf32>
    %add3A_320 = vector.broadcast %get3A_319 : vector<1x128xf32> to vector<400x128xf32>
    %add3A_321 = arith.addf %dot_general3A_316, %add3A_320 : vector<400x128xf32>
    %max3A_322 = arith.maximumf %max3A_284, %add3A_321 : vector<400x128xf32>
    %get3A_323 = arith.constant 0 : index
    %get3A_324 = arith.constant 6 : index
    %get3A_325 = arith.constant 0 : index
    %get3A_326 = arith.constant 0 : index
    %get3A_327 = vector.load %arg3[%get3A_323, %get3A_324, %get3A_325, %get3A_326] : memref<1x10x400x128xf32, #tpu.memory_space<vmem>>, vector<1x1x400x128xf32>
    %get3A_328 = vector.shape_cast %get3A_327 : vector<1x1x400x128xf32> to vector<400x128xf32>
    %add3A_329 = arith.addf %get3A_328, %get3A_93 : vector<400x128xf32>
    %max3A_330 = arith.constant 0.000000e+00 : f32
    %max3A_331 = vector.broadcast %max3A_330 : f32 to vector<400x128xf32>
    %max3A_332 = arith.maximumf %add3A_329, %max3A_331 : vector<400x128xf32>
    %get3A_333 = arith.constant 0 : index
    %get3A_334 = arith.constant 0 : index
    %get3A_335 = vector.load %arg14[%get3A_333, %get3A_334] : memref<128x128xf32, #tpu.memory_space<vmem>>, vector<128x128xf32>
    %convert_element_type3A_336 = arith.truncf %max3A_332 : vector<400x128xf32> to vector<400x128xbf16>
    %convert_element_type3A_337 = arith.truncf %get3A_335 : vector<128x128xf32> to vector<128x128xbf16>
    %dot_general3A_338 = arith.constant dense<0.000000e+00> : vector<400x128xf32>
    %dot_general3A_339 = tpu.matmul %convert_element_type3A_336, %convert_element_type3A_337, %dot_general3A_338 {dimension_numbers = #tpu.dot_dimension_numbers<[1], [0], [0], [1], [0, 0, 1, 1], [], []>, transpose_lhs_hint = false} : vector<400x128xbf16>, vector<128x128xbf16>, vector<400x128xf32> -> vector<400x128xf32>
    %get3A_340 = arith.constant 0 : index
    %get3A_341 = arith.constant 0 : index
    %get3A_342 = vector.load %arg15[%get3A_340, %get3A_341] : memref<1x128xf32, #tpu.memory_space<vmem>>, vector<1x128xf32>
    %add3A_343 = vector.broadcast %get3A_342 : vector<1x128xf32> to vector<400x128xf32>
    %add3A_344 = arith.addf %dot_general3A_339, %add3A_343 : vector<400x128xf32>
    %max3A_345 = arith.constant 0.000000e+00 : f32
    %max3A_346 = vector.broadcast %max3A_345 : f32 to vector<400x128xf32>
    %max3A_347 = arith.maximumf %add3A_344, %max3A_346 : vector<400x128xf32>
    %get3A_348 = arith.constant 0 : index
    %get3A_349 = arith.constant 0 : index
    %get3A_350 = vector.load %arg16[%get3A_348, %get3A_349] : memref<128x128xf32, #tpu.memory_space<vmem>>, vector<128x128xf32>
    %convert_element_type3A_351 = arith.truncf %max3A_347 : vector<400x128xf32> to vector<400x128xbf16>
    %convert_element_type3A_352 = arith.truncf %get3A_350 : vector<128x128xf32> to vector<128x128xbf16>
    %dot_general3A_353 = arith.constant dense<0.000000e+00> : vector<400x128xf32>
    %dot_general3A_354 = tpu.matmul %convert_element_type3A_351, %convert_element_type3A_352, %dot_general3A_353 {dimension_numbers = #tpu.dot_dimension_numbers<[1], [0], [0], [1], [0, 0, 1, 1], [], []>, transpose_lhs_hint = false} : vector<400x128xbf16>, vector<128x128xbf16>, vector<400x128xf32> -> vector<400x128xf32>
    %get3A_355 = arith.constant 0 : index
    %get3A_356 = arith.constant 0 : index
    %get3A_357 = vector.load %arg17[%get3A_355, %get3A_356] : memref<1x128xf32, #tpu.memory_space<vmem>>, vector<1x128xf32>
    %add3A_358 = vector.broadcast %get3A_357 : vector<1x128xf32> to vector<400x128xf32>
    %add3A_359 = arith.addf %dot_general3A_354, %add3A_358 : vector<400x128xf32>
    %max3A_360 = arith.maximumf %max3A_322, %add3A_359 : vector<400x128xf32>
    %get3A_361 = arith.constant 0 : index
    %get3A_362 = arith.constant 7 : index
    %get3A_363 = arith.constant 0 : index
    %get3A_364 = arith.constant 0 : index
    %get3A_365 = vector.load %arg3[%get3A_361, %get3A_362, %get3A_363, %get3A_364] : memref<1x10x400x128xf32, #tpu.memory_space<vmem>>, vector<1x1x400x128xf32>
    %get3A_366 = vector.shape_cast %get3A_365 : vector<1x1x400x128xf32> to vector<400x128xf32>
    %add3A_367 = arith.addf %get3A_366, %get3A_93 : vector<400x128xf32>
    %max3A_368 = arith.constant 0.000000e+00 : f32
    %max3A_369 = vector.broadcast %max3A_368 : f32 to vector<400x128xf32>
    %max3A_370 = arith.maximumf %add3A_367, %max3A_369 : vector<400x128xf32>
    %get3A_371 = arith.constant 0 : index
    %get3A_372 = arith.constant 0 : index
    %get3A_373 = vector.load %arg14[%get3A_371, %get3A_372] : memref<128x128xf32, #tpu.memory_space<vmem>>, vector<128x128xf32>
    %convert_element_type3A_374 = arith.truncf %max3A_370 : vector<400x128xf32> to vector<400x128xbf16>
    %convert_element_type3A_375 = arith.truncf %get3A_373 : vector<128x128xf32> to vector<128x128xbf16>
    %dot_general3A_376 = arith.constant dense<0.000000e+00> : vector<400x128xf32>
    %dot_general3A_377 = tpu.matmul %convert_element_type3A_374, %convert_element_type3A_375, %dot_general3A_376 {dimension_numbers = #tpu.dot_dimension_numbers<[1], [0], [0], [1], [0, 0, 1, 1], [], []>, transpose_lhs_hint = false} : vector<400x128xbf16>, vector<128x128xbf16>, vector<400x128xf32> -> vector<400x128xf32>
    %get3A_378 = arith.constant 0 : index
    %get3A_379 = arith.constant 0 : index
    %get3A_380 = vector.load %arg15[%get3A_378, %get3A_379] : memref<1x128xf32, #tpu.memory_space<vmem>>, vector<1x128xf32>
    %add3A_381 = vector.broadcast %get3A_380 : vector<1x128xf32> to vector<400x128xf32>
    %add3A_382 = arith.addf %dot_general3A_377, %add3A_381 : vector<400x128xf32>
    %max3A_383 = arith.constant 0.000000e+00 : f32
    %max3A_384 = vector.broadcast %max3A_383 : f32 to vector<400x128xf32>
    %max3A_385 = arith.maximumf %add3A_382, %max3A_384 : vector<400x128xf32>
    %get3A_386 = arith.constant 0 : index
    %get3A_387 = arith.constant 0 : index
    %get3A_388 = vector.load %arg16[%get3A_386, %get3A_387] : memref<128x128xf32, #tpu.memory_space<vmem>>, vector<128x128xf32>
    %convert_element_type3A_389 = arith.truncf %max3A_385 : vector<400x128xf32> to vector<400x128xbf16>
    %convert_element_type3A_390 = arith.truncf %get3A_388 : vector<128x128xf32> to vector<128x128xbf16>
    %dot_general3A_391 = arith.constant dense<0.000000e+00> : vector<400x128xf32>
    %dot_general3A_392 = tpu.matmul %convert_element_type3A_389, %convert_element_type3A_390, %dot_general3A_391 {dimension_numbers = #tpu.dot_dimension_numbers<[1], [0], [0], [1], [0, 0, 1, 1], [], []>, transpose_lhs_hint = false} : vector<400x128xbf16>, vector<128x128xbf16>, vector<400x128xf32> -> vector<400x128xf32>
    %get3A_393 = arith.constant 0 : index
    %get3A_394 = arith.constant 0 : index
    %get3A_395 = vector.load %arg17[%get3A_393, %get3A_394] : memref<1x128xf32, #tpu.memory_space<vmem>>, vector<1x128xf32>
    %add3A_396 = vector.broadcast %get3A_395 : vector<1x128xf32> to vector<400x128xf32>
    %add3A_397 = arith.addf %dot_general3A_392, %add3A_396 : vector<400x128xf32>
    %max3A_398 = arith.maximumf %max3A_360, %add3A_397 : vector<400x128xf32>
    %get3A_399 = arith.constant 0 : index
    %get3A_400 = arith.constant 8 : index
    %get3A_401 = arith.constant 0 : index
    %get3A_402 = arith.constant 0 : index
    %get3A_403 = vector.load %arg3[%get3A_399, %get3A_400, %get3A_401, %get3A_402] : memref<1x10x400x128xf32, #tpu.memory_space<vmem>>, vector<1x1x400x128xf32>
    %get3A_404 = vector.shape_cast %get3A_403 : vector<1x1x400x128xf32> to vector<400x128xf32>
    %add3A_405 = arith.addf %get3A_404, %get3A_93 : vector<400x128xf32>
    %max3A_406 = arith.constant 0.000000e+00 : f32
    %max3A_407 = vector.broadcast %max3A_406 : f32 to vector<400x128xf32>
    %max3A_408 = arith.maximumf %add3A_405, %max3A_407 : vector<400x128xf32>
    %get3A_409 = arith.constant 0 : index
    %get3A_410 = arith.constant 0 : index
    %get3A_411 = vector.load %arg14[%get3A_409, %get3A_410] : memref<128x128xf32, #tpu.memory_space<vmem>>, vector<128x128xf32>
    %convert_element_type3A_412 = arith.truncf %max3A_408 : vector<400x128xf32> to vector<400x128xbf16>
    %convert_element_type3A_413 = arith.truncf %get3A_411 : vector<128x128xf32> to vector<128x128xbf16>
    %dot_general3A_414 = arith.constant dense<0.000000e+00> : vector<400x128xf32>
    %dot_general3A_415 = tpu.matmul %convert_element_type3A_412, %convert_element_type3A_413, %dot_general3A_414 {dimension_numbers = #tpu.dot_dimension_numbers<[1], [0], [0], [1], [0, 0, 1, 1], [], []>, transpose_lhs_hint = false} : vector<400x128xbf16>, vector<128x128xbf16>, vector<400x128xf32> -> vector<400x128xf32>
    %get3A_416 = arith.constant 0 : index
    %get3A_417 = arith.constant 0 : index
    %get3A_418 = vector.load %arg15[%get3A_416, %get3A_417] : memref<1x128xf32, #tpu.memory_space<vmem>>, vector<1x128xf32>
    %add3A_419 = vector.broadcast %get3A_418 : vector<1x128xf32> to vector<400x128xf32>
    %add3A_420 = arith.addf %dot_general3A_415, %add3A_419 : vector<400x128xf32>
    %max3A_421 = arith.constant 0.000000e+00 : f32
    %max3A_422 = vector.broadcast %max3A_421 : f32 to vector<400x128xf32>
    %max3A_423 = arith.maximumf %add3A_420, %max3A_422 : vector<400x128xf32>
    %get3A_424 = arith.constant 0 : index
    %get3A_425 = arith.constant 0 : index
    %get3A_426 = vector.load %arg16[%get3A_424, %get3A_425] : memref<128x128xf32, #tpu.memory_space<vmem>>, vector<128x128xf32>
    %convert_element_type3A_427 = arith.truncf %max3A_423 : vector<400x128xf32> to vector<400x128xbf16>
    %convert_element_type3A_428 = arith.truncf %get3A_426 : vector<128x128xf32> to vector<128x128xbf16>
    %dot_general3A_429 = arith.constant dense<0.000000e+00> : vector<400x128xf32>
    %dot_general3A_430 = tpu.matmul %convert_element_type3A_427, %convert_element_type3A_428, %dot_general3A_429 {dimension_numbers = #tpu.dot_dimension_numbers<[1], [0], [0], [1], [0, 0, 1, 1], [], []>, transpose_lhs_hint = false} : vector<400x128xbf16>, vector<128x128xbf16>, vector<400x128xf32> -> vector<400x128xf32>
    %get3A_431 = arith.constant 0 : index
    %get3A_432 = arith.constant 0 : index
    %get3A_433 = vector.load %arg17[%get3A_431, %get3A_432] : memref<1x128xf32, #tpu.memory_space<vmem>>, vector<1x128xf32>
    %add3A_434 = vector.broadcast %get3A_433 : vector<1x128xf32> to vector<400x128xf32>
    %add3A_435 = arith.addf %dot_general3A_430, %add3A_434 : vector<400x128xf32>
    %max3A_436 = arith.maximumf %max3A_398, %add3A_435 : vector<400x128xf32>
    %get3A_437 = arith.constant 0 : index
    %get3A_438 = arith.constant 9 : index
    %get3A_439 = arith.constant 0 : index
    %get3A_440 = arith.constant 0 : index
    %get3A_441 = vector.load %arg3[%get3A_437, %get3A_438, %get3A_439, %get3A_440] : memref<1x10x400x128xf32, #tpu.memory_space<vmem>>, vector<1x1x400x128xf32>
    %get3A_442 = vector.shape_cast %get3A_441 : vector<1x1x400x128xf32> to vector<400x128xf32>
    %add3A_443 = arith.addf %get3A_442, %get3A_93 : vector<400x128xf32>
    %max3A_444 = arith.constant 0.000000e+00 : f32
    %max3A_445 = vector.broadcast %max3A_444 : f32 to vector<400x128xf32>
    %max3A_446 = arith.maximumf %add3A_443, %max3A_445 : vector<400x128xf32>
    %get3A_447 = arith.constant 0 : index
    %get3A_448 = arith.constant 0 : index
    %get3A_449 = vector.load %arg14[%get3A_447, %get3A_448] : memref<128x128xf32, #tpu.memory_space<vmem>>, vector<128x128xf32>
    %convert_element_type3A_450 = arith.truncf %max3A_446 : vector<400x128xf32> to vector<400x128xbf16>
    %convert_element_type3A_451 = arith.truncf %get3A_449 : vector<128x128xf32> to vector<128x128xbf16>
    %dot_general3A_452 = arith.constant dense<0.000000e+00> : vector<400x128xf32>
    %dot_general3A_453 = tpu.matmul %convert_element_type3A_450, %convert_element_type3A_451, %dot_general3A_452 {dimension_numbers = #tpu.dot_dimension_numbers<[1], [0], [0], [1], [0, 0, 1, 1], [], []>, transpose_lhs_hint = false} : vector<400x128xbf16>, vector<128x128xbf16>, vector<400x128xf32> -> vector<400x128xf32>
    %get3A_454 = arith.constant 0 : index
    %get3A_455 = arith.constant 0 : index
    %get3A_456 = vector.load %arg15[%get3A_454, %get3A_455] : memref<1x128xf32, #tpu.memory_space<vmem>>, vector<1x128xf32>
    %add3A_457 = vector.broadcast %get3A_456 : vector<1x128xf32> to vector<400x128xf32>
    %add3A_458 = arith.addf %dot_general3A_453, %add3A_457 : vector<400x128xf32>
    %max3A_459 = arith.constant 0.000000e+00 : f32
    %max3A_460 = vector.broadcast %max3A_459 : f32 to vector<400x128xf32>
    %max3A_461 = arith.maximumf %add3A_458, %max3A_460 : vector<400x128xf32>
    %get3A_462 = arith.constant 0 : index
    %get3A_463 = arith.constant 0 : index
    %get3A_464 = vector.load %arg16[%get3A_462, %get3A_463] : memref<128x128xf32, #tpu.memory_space<vmem>>, vector<128x128xf32>
    %convert_element_type3A_465 = arith.truncf %max3A_461 : vector<400x128xf32> to vector<400x128xbf16>
    %convert_element_type3A_466 = arith.truncf %get3A_464 : vector<128x128xf32> to vector<128x128xbf16>
    %dot_general3A_467 = arith.constant dense<0.000000e+00> : vector<400x128xf32>
    %dot_general3A_468 = tpu.matmul %convert_element_type3A_465, %convert_element_type3A_466, %dot_general3A_467 {dimension_numbers = #tpu.dot_dimension_numbers<[1], [0], [0], [1], [0, 0, 1, 1], [], []>, transpose_lhs_hint = false} : vector<400x128xbf16>, vector<128x128xbf16>, vector<400x128xf32> -> vector<400x128xf32>
    %get3A_469 = arith.constant 0 : index
    %get3A_470 = arith.constant 0 : index
    %get3A_471 = vector.load %arg17[%get3A_469, %get3A_470] : memref<1x128xf32, #tpu.memory_space<vmem>>, vector<1x128xf32>
    %add3A_472 = vector.broadcast %get3A_471 : vector<1x128xf32> to vector<400x128xf32>
    %add3A_473 = arith.addf %dot_general3A_468, %add3A_472 : vector<400x128xf32>
    %max3A_474 = arith.maximumf %max3A_436, %add3A_473 : vector<400x128xf32>
    %add3A_475 = arith.addf %add3A_88, %max3A_474 : vector<400x128xf32>
    %max3A_476 = arith.constant 0.000000e+00 : f32
    %max3A_477 = vector.broadcast %max3A_476 : f32 to vector<400x128xf32>
    %max3A_478 = arith.maximumf %add3A_475, %max3A_477 : vector<400x128xf32>
    %swap3A = arith.constant 0 : index
    %swap3A_479 = arith.constant 0 : index
    %swap3A_480 = arith.constant 0 : index
    %swap3A_481 = vector.load %arg18[%swap3A, %swap3A_479, %swap3A_480] : memref<1x400x128xf32, #tpu.memory_space<vmem>>, vector<1x400x128xf32>
    %swap3A_482 = vector.shape_cast %swap3A_481 : vector<1x400x128xf32> to vector<400x128xf32>
    %swap3A_483 = vector.shape_cast %max3A_478 : vector<400x128xf32> to vector<1x400x128xf32>
    tpu.vector_store %arg18[%swap3A, %swap3A_479, %swap3A_480], %swap3A_483 {strides = array<i32>} : memref<1x400x128xf32, #tpu.memory_space<vmem>>, vector<1x400x128xf32>,
    return
  }
  func.func @transform_0(%arg0: i32, %arg1: i32) -> (i32, i32, i32, i32) {
    %c0_i32 = arith.constant 0 : i32
    %c0_i32_0 = arith.constant 0 : i32
    %c0_i32_1 = arith.constant 0 : i32
    return %c0_i32, %arg0, %arg1, %c0_i32_0 : i32, i32, i32, i32
  }
  func.func @transform_1(%arg0: i32, %arg1: i32) -> (i32, i32, i32, i32) {
    %c0_i32 = arith.constant 0 : i32
    %c0_i32_0 = arith.constant 0 : i32
    %c0_i32_1 = arith.constant 0 : i32
    return %arg0, %c0_i32, %arg1, %c0_i32_0 : i32, i32, i32, i32
  }
  func.func @transform_2(%arg0: i32, %arg1: i32) -> (i32, i32, i32) {
    %c0_i32 = arith.constant 0 : i32
    %c0_i32_0 = arith.constant 0 : i32
    return %arg0, %arg1, %c0_i32 : i32, i32, i32
  }
  func.func @transform_3(%arg0: i32, %arg1: i32) -> (i32, i32, i32) {
    %c0_i32 = arith.constant 0 : i32
    %c0_i32_0 = arith.constant 0 : i32
    return %arg0, %arg1, %c0_i32 : i32, i32, i32
  }
  func.func @transform_4(%arg0: i32, %arg1: i32) -> (i32, i32) {
    %c0_i32 = arith.constant 0 : i32
    %c0_i32_0 = arith.constant 0 : i32
    %c0_i32_1 = arith.constant 0 : i32
    return %c0_i32, %c0_i32_0 : i32, i32
  }
  func.func @transform_5(%arg0: i32, %arg1: i32) -> (i32, i32) {
    %c0_i32 = arith.constant 0 : i32
    %c0_i32_0 = arith.constant 0 : i32
    %c0_i32_1 = arith.constant 0 : i32
    return %c0_i32, %c0_i32_0 : i32, i32
  }
  func.func @transform_6(%arg0: i32, %arg1: i32) -> (i32, i32) {
    %c0_i32 = arith.constant 0 : i32
    %c0_i32_0 = arith.constant 0 : i32
    %c0_i32_1 = arith.constant 0 : i32
    return %c0_i32, %c0_i32_0 : i32, i32
  }
  func.func @transform_7(%arg0: i32, %arg1: i32) -> (i32, i32) {
    %c0_i32 = arith.constant 0 : i32
    %c0_i32_0 = arith.constant 0 : i32
    %c0_i32_1 = arith.constant 0 : i32
    return %c0_i32, %c0_i32_0 : i32, i32
  }
  func.func @transform_8(%arg0: i32, %arg1: i32) -> (i32, i32) {
    %c0_i32 = arith.constant 0 : i32
    %c0_i32_0 = arith.constant 0 : i32
    %c0_i32_1 = arith.constant 0 : i32
    return %c0_i32, %c0_i32_0 : i32, i32
  }
  func.func @transform_9(%arg0: i32, %arg1: i32) -> (i32, i32) {
    %c0_i32 = arith.constant 0 : i32
    %c0_i32_0 = arith.constant 0 : i32
    %c0_i32_1 = arith.constant 0 : i32
    return %c0_i32, %c0_i32_0 : i32, i32
  }
  func.func @transform_10(%arg0: i32, %arg1: i32) -> (i32, i32) {
    %c0_i32 = arith.constant 0 : i32
    %c0_i32_0 = arith.constant 0 : i32
    %c0_i32_1 = arith.constant 0 : i32
    return %c0_i32, %c0_i32_0 : i32, i32
  }
  func.func @transform_11(%arg0: i32, %arg1: i32) -> (i32, i32) {
    %c0_i32 = arith.constant 0 : i32
    %c0_i32_0 = arith.constant 0 : i32
    %c0_i32_1 = arith.constant 0 : i32
    return %c0_i32, %c0_i32_0 : i32, i32
  }
  func.func @transform_12(%arg0: i32, %arg1: i32) -> (i32, i32) {
    %c0_i32 = arith.constant 0 : i32
    %c0_i32_0 = arith.constant 0 : i32
    %c0_i32_1 = arith.constant 0 : i32
    return %c0_i32, %c0_i32_0 : i32, i32
  }
  func.func @transform_13(%arg0: i32, %arg1: i32) -> (i32, i32) {
    %c0_i32 = arith.constant 0 : i32
    %c0_i32_0 = arith.constant 0 : i32
    %c0_i32_1 = arith.constant 0 : i32
    return %c0_i32, %c0_i32_0 : i32, i32
  }
  func.func @transform_14(%arg0: i32, %arg1: i32) -> (i32, i32) {
    %c0_i32 = arith.constant 0 : i32
    %c0_i32_0 = arith.constant 0 : i32
    %c0_i32_1 = arith.constant 0 : i32
    return %c0_i32, %c0_i32_0 : i32, i32
  }
  func.func @transform_15(%arg0: i32, %arg1: i32) -> (i32, i32) {
    %c0_i32 = arith.constant 0 : i32
    %c0_i32_0 = arith.constant 0 : i32
    %c0_i32_1 = arith.constant 0 : i32
    return %c0_i32, %c0_i32_0 : i32, i32
  }
  func.func @transform_16(%arg0: i32, %arg1: i32) -> (i32, i32, i32) {
    %c0_i32 = arith.constant 0 : i32
    %c0_i32_0 = arith.constant 0 : i32
    return %arg0, %arg1, %c0_i32 : i32, i32, i32
  }
}

</mosaic_0001>

<sc_bundles>
// kernel: kernel.10.cloned.1.call-start
scs
__scs_entry_jumppad:
0x0: {  	(pc) =	sbr.rel $0x88, $3  }
0x1: {  	(tag) =	ssettag $0x0;
	lr =	simm.s32 $0x1  }
0x2: {  	[smem:$0x3F93] =	sst lr;
	_ =	strace $0xD0000000  }
0x3: {  	_ = 	snop  }
0x4: {  	_ = 	snop  }
0x5: {  	_ = 	snop  }
0x6: {  	_ = 	snop  }
0x7: {  	_ = 	snop  }
__scs_overlays_trampoline_lowered:
0x8: {  	[smem:$0x3FA2] =	sst s0  }
0x9: {  	[smem:$0x3FA3] =	sst s1  }
0xa: {  	[smem:$0x3FA4] =	sst s2  }
0xb: {  	[smem:$0x3FA5] =	sst s3  }
0xc: {  	[smem:$0x3FA6] =	sst s4  }
0xd: {  	[smem:$0x3FA7] =	sst s5  }
0xe: {  	[smem:$0x3FA8] =	sst s6  }
0xf: {  	[smem:$0x3FA9] =	sst s7  }
0x10: {  	[smem:$0x3FAA] =	sst s8  }
0x11: {  	[smem:$0x3FAB] =	sst s9;
	s0 =	simm.s32 @!p0 $0x0  }
0x12: {  	s1 =	sld [smem:$0x3F91];
	s0 =	simm.s32 @p0 $0x1  }
0x13: {  	[smem:$0x3FAC] =	sst s0;
	s0 =	simm.s32 @!p1 $0x0  }
0x14: {  	s2 =	sld [smem:$0x3F90];
	s0 =	simm.s32 @p1 $0x1  }
0x15: {  	[smem:$0x3FAD] =	sst s0;
	s0 =	simm.s32 @!p2 $0x0  }
0x16: {  	s3 =	sld [smem:$0x3FDB];
	s0 =	simm.s32 @p2 $0x1  }
0x17: {  	s4 =	simm.s32 $0x1BF5;
	[smem:$0x3FAF] =	sst s0  }
0x18: {  	s0 =	sld [smem:$0x3F92];
	_ =	swait.ge [sflag:s4], $0x0  }
0x19: {  	s7 =	sld [smem:$0x3F93]  }
0x1a: {  	s8 =	sadd.s32 $0xFFFFE003, lr  }
0x1b: {  	s9 =	sadd.s32 $0xFFFFFEF7, lr;
	s5 =	simm.s32 $0xFFFFFFFF;
	p2 =	slt.u32 s8, $0xFFFFF086  }
0x1c: {  	p1 =	slt.u32 s9, $0xF7A;
	s5 =	simm.s32 @!p2 $0x0  }
0x1d: {  	s5 =	simm.s32 @p1 $0x1;
	p0 =	seq.s32 s7, s2  }
0x1e: {  	s7 =	smul.u32 @!p0 $0xF7A, s2;
	p2 =	seq.s32 @!p0 s5, $0x0  }
0x1f: {  	s9 =	smul.u32 $0xF7A, s1;
	s8 =	simm.s32 @!p0 $0x1BF5;
	p2 =	por !p2, p0  }
0x20: {  	[sflag:s8] =	ssyncset.s32 @!p0 $0xFFFFF086;
	s6 =	sadd.s32 @!p0 s3, s7;
	s7 =	simm.s32 @!p0 $0x108  }
0x21: {  	s3 =	sadd.s32 s3, s9;
	s6 =	sadd.s32 @!p0 $0x88, s6;
	s7 =	simm.s32 @p2 $0x1082  }
0x22: {  	[simem:s7], [sflag:s8] =	dma.local @!p0 [hbm:s6], $0xF7A  }
0x23: {  	s9 =	sor.u32 $0xD0000000, s2;
	s6 =	simm.s32 $0x108;
	_ =	swait.ge @!p0 [sflag:s8], $0x0  }
0x24: {  	s3 =	sadd.s32 $0x88, s3;
	s6 =	simm.s32 @!p1 $0x1082;
	[sflag:s4] =	ssyncset.s32 $0xFFFFF086  }
0x25: {  	[simem:s6], [sflag:s4] =	dma.local [hbm:s3], $0xF7A  }
0x26: {  	[smem:$0x3F93] =	sst s1;
	(tag) =	ssettag s2;
	_ =	strace s9  }
0x27: {  	s1 =	sld [smem:$0x3FA3]  }
0x28: {  	s2 =	sld [smem:$0x3FA4]  }
0x29: {  	s4 =	sld [smem:$0x3FA6]  }
0x2a: {  	p0 =	seq.s32 s5, $0x0;
	s5 =	sld [smem:$0x3FA7]  }
0x2b: {  	s6 =	sld [smem:$0x3FA8]  }
0x2c: {  	s7 =	sld [smem:$0x3FA9]  }
0x2d: {  	s3 =	simm.s32 $0x108;
	s8 =	sld [smem:$0x3FAA]  }
0x2e: {  	s3 =	simm.s32 @!p0 $0x1082;
	s9 =	sld [smem:$0x3FAB]  }
0x2f: {  	lr =	sadd.s32 s0, s3;
	s0 =	sld [smem:$0x3FA2]  }
0x30: {  	s3 =	sld [smem:$0x3FA5]  }
0x31: {  	[smem:$0x3FAE] =	sst s10  }
0x32: {  	s10 =	sld [smem:$0x3FAC];
	_ =	sdelay $0x3  }
0x33: {  	p0 =	seq.s32 s10, $0x1;
	s10 =	sld [smem:$0x3FAE];
	_ =	sdelay $0x3  }
0x34: {  	[smem:$0x3FAE] =	sst s10  }
0x35: {  	s10 =	sld [smem:$0x3FAD];
	_ =	sdelay $0x3  }
0x36: {  	p1 =	seq.s32 s10, $0x1;
	s10 =	sld [smem:$0x3FAE];
	_ =	sdelay $0x3  }
0x37: {  	[smem:$0x3FAE] =	sst s10  }
0x38: {  	s10 =	sld [smem:$0x3FAF]  }
0x39: {  	_ = 	snop;
	(pc) =	sbr.ind lr, $3  }
0x3a: {  	_ = 	snop  }
0x3b: {  	_ = 	snop  }
0x3c: {  	p2 =	seq.s32 s10, $0x1;
	s10 =	sld [smem:$0x3FAE]  }
0x3d: {  	_ =	shalt  }
0x3e: {  	_ =	shalt  }
0x3f: {  	_ =	shalt  }
0x40: {  	_ =	shalt  }
0x41: {  	_ =	shalt  }
0x42: {  	_ =	shalt  }
0x43: {  	_ =	shalt  }
0x44: {  	_ =	shalt  }
0x45: {  	_ =	shalt  }
0x46: {  	_ =	shalt  }
0x47: {  	_ =	shalt  }
0x48: {  	_ =	shalt  }
0x49: {  	_ =	shalt  }
0x4a: {  	_ =	shalt  }
0x4b: {  	_ =	shalt  }
0x4c: {  	_ =	shalt  }
0x4d: {  	_ =	shalt  }
0x4e: {  	_ =	shalt  }
0x4f: {  	_ =	shalt  }
0x50: {  	_ =	shalt  }
0x51: {  	_ =	shalt  }
0x52: {  	_ =	shalt  }
0x53: {  	_ =	shalt  }
0x54: {  	_ =	shalt  }
0x55: {  	_ =	shalt  }
0x56: {  	_ =	shalt  }
0x57: {  	_ =	shalt  }
0x58: {  	_ =	shalt  }
0x59: {  	_ =	shalt  }
0x5a: {  	_ =	shalt  }
0x5b: {  	_ =	shalt  }
0x5c: {  	_ =	shalt  }
0x5d: {  	_ =	shalt  }
0x5e: {  	_ =	shalt  }
0x5f: {  	_ =	shalt  }
0x60: {  	_ =	shalt  }
0x61: {  	_ =	shalt  }
0x62: {  	_ =	shalt  }
0x63: {  	_ =	shalt  }
0x64: {  	_ =	shalt  }
0x65: {  	_ =	shalt  }
0x66: {  	_ =	shalt  }
0x67: {  	_ =	shalt  }
0x68: {  	_ =	shalt  }
0x69: {  	_ =	shalt  }
0x6a: {  	_ =	shalt  }
0x6b: {  	_ =	shalt  }
0x6c: {  	_ =	shalt  }
0x6d: {  	_ =	shalt  }
0x6e: {  	_ =	shalt  }
0x6f: {  	_ =	shalt  }
0x70: {  	_ =	shalt  }
0x71: {  	_ =	shalt  }
0x72: {  	_ =	shalt  }
0x73: {  	_ =	shalt  }
0x74: {  	_ =	shalt  }
0x75: {  	_ =	shalt  }
0x76: {  	_ =	shalt  }
0x77: {  	_ =	shalt  }
0x78: {  	_ =	shalt  }
0x79: {  	_ =	shalt  }
0x7a: {  	_ =	shalt  }
0x7b: {  	_ =	shalt  }
0x7c: {  	_ =	shalt  }
0x7d: {  	_ =	shalt  }
0x7e: {  	_ =	shalt  }
0x7f: {  	_ =	shalt  }
0x80: {  	_ =	shalt  }
0x81: {  	_ =	shalt  }
0x82: {  	_ =	shalt  }
0x83: {  	_ =	shalt  }
0x84: {  	_ =	shalt  }
0x85: {  	_ =	shalt  }
0x86: {  	_ =	shalt  }
0x87: {  	_ =	shalt  }
.Lfunc_end0:
.L_simem_size_0:
called_computation_lowered:
.L_overlay_start_0:
0x88: {  	s2 =	sld [smem:$0x3FD9]  }
0x89: {  	s3 =	sld [smem:$0x3FFE];
	_ =	sdelay $0x1  }
0x8a: {  	s1 =	srdreg.scid  }
0x8b: {  	s0 =	sand.u32 $0x1, s1  }
0x8c: {  	s16 =	sshll.u32 s0, $0xA;
	s2 =	sadd.s32 s3, s2  }
0x8d: {  	s2 =	sadd.s32 s2, s16  }
0x8e: {  	[smem:$0x3FBA] =	sst s2  }
0x8f: {  	_ = 	snop  }
0x90: {  	(tm) =	ssettm $0x1  }
0x91: {  	s17 =	sld [smem:$0x3FFB];
	_ =	sdelay $0x3  }
0x92: {  	_ =	strace s17  }
0x93: {  	s2 =	sld [smem:$0x3FFC];
	_ =	sdelay $0x3  }
0x94: {  	_ =	strace s2  }
0x95: {  	s2 =	sld [smem:$0x3FFD];
	_ =	sdelay $0x3  }
0x96: {  	_ =	strace s2  }
0x97: {  	_ =	strace $0x8FFFFFFF  }
0x98: {  	s18 =	sld [smem:$0x3FDB];
	_ =	sdelay $0x1  }
0x99: {  	s19 =	simm.s32 $_scs_section_size  }
0x9a: {  	s4 =	simm.s32 $_size__tile_overlayer_lowered;
	s5 =	simm.s32 $_tile_overlayer_lowered  }
0x9b: {  	s22 =	simm.s32 $0x1BFF;
	s21 =	sshll.u32 s5, $0x1;
	s2 =	sadd.s32 s19, s18  }
0x9c: {  	s6 =	simm.s32 $0x0;
	s20 =	sshll.u32 s4, $0x1;
	s4 =	sadd.s32 s21, s2  }
0x9d: {  	[timem:s6], [sflag:s22] =	dma.local [hbm:s4], s20  }
0x9e: {  	_ =	swait.ge [sflag:s22], s20  }
0x9f: {  	s3 =	ssub.s32 $0x0, s20;
	[sflag:s22] =	ssyncset.done $0x0  }
0xa0: {  	[sflag:s22] =	ssyncadd.s32 s3;
	_ =	sdelay $0x1  }
0xa1: {  	s23 =	simm.s32 $0x1B8B  }
0xa2: {  	_ =	swait.ge [sflag:s23], $0x1  }
0xa3: {  	[sflag:s23] =	ssyncset.done $0x0  }
0xa4: {  	s25 =	simm.s32 $0x1B8E;
	s24 =	sld [smem:$0x3FFE];
	[sflag:s23] =	ssyncadd.s32 $0xFFFFFFFF  }
0xa5: {  	s26 =	simm.s32 $execute0_lowered;
	[smem:$0x3FD2] =	sst s25  }
0xa6: {  	s4 =	sshll.u32 s26, $0x1;
	_ =	strace $0x80000046;
	[dreg:$0x1] =	wrdreg $0xFFFFFFFF  }
0xa7: {  	s28 =	simm.s32 $_size_execute0_lowered;
	s2 =	sadd.s32 s2, s4;
	[dreg:$0x0] =	wrdreg $0x0  }
0xa8: {  	s4 =	sshll.u32 s28, $0x1;
	[dreg:$0x2] =	wrdreg s2  }
0xa9: {  	[dreg:$0x3] =	wrdreg s4  }
0xaa: {  	[dreg:$0x4] =	wrdreg $0xC0  }
0xab: {  	_ =	task [dreg:s6], $0x5FFFF  }
0xac: {  	[dreg:$0x1] =	wrdreg $0xFFFFFFFF  }
0xad: {  	[dreg:$0x0] =	wrdreg $0x60  }
0xae: {  	[dreg:$0x2] =	wrdreg s24  }
0xaf: {  	[dreg:$0x3] =	wrdreg $0x9  }
0xb0: {  	_ =	task.clear_ibuf [dreg:s6], $0x4FFFF;
	_ =	strace $0x90000046  }
0xb1: {  	s29 =	simm.s32 $0x9;
	_ =	strace $0x8000004F  }
0xb2: {  	_ =	swait.ge [sflag:s29], $0x1  }
0xb3: {  	[sflag:s29] =	ssyncadd.s32 $0xFFFFFFFF  }
0xb4: {  	_ =	strace $0x9000004F  }
0xb5: {  	_ =	sfence  }
0xb6: {  	s30 =	sld [smem:$0x0];
	_ =	sdelay $0x2  }
0xb7: {  	s31 =	sshll.u32 s1, $0xD;
	s1 =	sshrl.u32 s1, $0x2  }
0xb8: {  	s3 =	sand.u32 $0x4000, s31;
	s1 =	sadd.s32 s1, s30  }
0xb9: {  	s0 =	sor.u32 s3, s0;
	s1 =	sshll.u32 s1, $0x11  }
0xba: {  	s0 =	sor.u32 s1, s0  }
0xbb: {  	s0 =	sadd.s32 $0x8F2B, s0  }
0xbc: {  	[sflag:s0] =	ssyncadd.remote.s32 $0x1  }
0xbd: {  	_ =	sfence.sel $0xFFFF  }
0xbe: {  	[dreg:$0x0] =	wrdreg $0xFFFFFFFF;
	(pc) =	sbr.abs _section_cstart, $3  }
0xbf: {  	[dreg:$0x1] =	wrdreg $0xFFFFFFFF  }
0xc0: {  	_ =	task.clear_ibuf [dreg:s6], $0x2FFFF;
	_ =	strace $0x9FFFFFFF  }
0xc1: {  	(tm) =	ssettm $0x7FFFFFFF  }
tec
execute0_lowered:
.L_overlay_start_1:
0x0: {  	(tag) =	ssettag $0x1  }
0x1: {  	s4 =	rddreg [dreg:$0x0];
	s1 =	srdreg.scid  }
0x2: {  	s0 =	rddreg [dreg:$0x1];
	s2 =	simm.s32 $0x0;
	s9 =	simm.s32 $0x1  }
0x3: {  	s10 =	simm.s32 $0x80;
	s11 =	simm.s32 $0x0;
	s5 =	sand.u32 $0x1, s1  }
0x4: {  	s1 =	stileid.u32;
	[smem:$0x7FF] =	sst s2;
	s3 =	sshll.u32 s5, $0x4  }
0x5: {  	s6 =	sadd.s32 $0x6000, s4;
	s28 =	sadd.s32 $0x44800, s4;
	s3 =	sor.u32 s1, s3  }
0x6: {  	_ =	strace $0x80000047;
	[dreg:$0x2] =	wrdreg s6;
	s7 =	smul.u32 $0x3, s3  }
0x7: {  	s4 =	sadd.s32 $0x5800, s4;
	[dreg:$0x4] =	wrdreg s28;
	s29 =	ssub.s32 $0x2, s5  }
0x8: {  	p0 =	slt.u32 s3, $0x1D;
	s8 =	sshll.u32 s3, $0x2;
	s3 =	sadd.s32 $0x1D, s7  }
0x9: {  	s5 =	simm.s32 $0x4;
	[dreg:$0x3] =	wrdreg s10;
	s3 =	smov.u32 @p0 s8  }
0xa: {  	s10 =	simm.s32 $0x5;
	s31 =	sshrl.u32 s29, $0x1;
	s30 =	sshll.u32 s3, $0x4  }
0xb: {  	s5 =	simm.s32 @!p0 $0x3;
	s8 =	ssub.s32 s29, s31;
	s7 =	sand.u32 $0x1FFFFFF0, s30  }
0xc: {  	s8 =	smax.u32 s8, $0x1;
	s6 =	sadd.s32 s4, s7;
	s7 =	sadd.s32 $0xFFFFFFFF, s5  }
.LBB2_1:
0xd: {  	_ =	strace $0x80000048;
	p2 =	sne.s32 s5, $0x1  }
.Ltmp0:
0xe: {  	p0 =	seq.s32 s5, $0x1;
	s13 =	simm.s32 $0x1;
	(pc) =	sbr.rel @!p2 .LBB2_2-.Ltmp0, $4  }
0xf: {  	[tilespmem:s2], [sflag:$0x1] =	stream.linear.gather [hbm4b:s6+s2], $0x80, $0x200038;
	[tilespmem:$0x8100] =	vst v63  }
0x10: {  	s12 =	simm.s32 $0x1;
	p1 =	por $0x1, $0x1;
	s13 =	simm.s32 @p0 $0x0  }
0x11: {  	p6 =	sgt.s32 s7, $0x0;
	p4 =	por p1, p1;
	p3 =	sne.s32 s13, $0x0  }
0x12: {  	_ =	strace $0x90000048;
	p5 =	por !p6, !p3;
	p6 =	por $0x0, $0x0  }
0x13: {  	p2 =	por !p5, !p5  }
0x14: {  	s21 =	sand.u32 $0x1, s2;
	s19 =	simm.s32 $0x2;
	s14 =	sadd.s32 @p2 s3, s13  }
0x15: {  	p1 =	por p3, p3;
	s15 =	sand.u32 @p2 $0x1, s9;
	s14 =	sshll.u32 @p2 s14, $0x4  }
0x16: {  	_ =	strace @p2 $0x80000049;
	s17 =	simm.s32 @p2 $0x0;
	s14 =	sand.u32 @p2 $0x1FFFFFF0, s14  }
0x17: {  	s16 =	sshll.u32 @p2 s15, $0x7;
	s15 =	sadd.s32 @p2 $0x1, s15;
	s14 =	sadd.s32 @p2 s4, s14  }
0x18: {  	[tilespmem:s16], [sflag:s15] =	stream.linear.gather @p2 [hbm4b:s14+s17], $0x80, $0x200038;
	[tilespmem:$0x8100] =	vst v63  }
0x19: {  	s30 =	simm.s32 $0x0;
	p6 =	por $0x0, $0x0;
	_ =	strace @p2 $0x90000049  }
0x1a: {  	p0 =	sne.s32 s5, $0x2;
	s29 =	sadd.s32 $0x1, s21;
	_ =	strace $0x8000004A  }
0x1b: {  	s24 =	sadd.s32 $0x0, s3;
	p5 =	sgt.s32 s7, $0x1;
	_ =	swait.ge [sflag:s29], $0x80  }
0x1c: {  	s23 =	simm.s32 $0x1;
	s22 =	sshll.u32 s21, $0xE;
	[sflag:s29] =	ssyncset.done $0x0  }
0x1d: {  	s22 =	sor.u32 $0x100, s22;
	s16 =	sand.u32 @!p4 $0x1, s2;
	[sflag:s29] =	ssyncadd.s32 $0xFFFFFF80  }
0x1e: {  	s15 =	simm.s32 $0x1;
	s17 =	sadd.s32 $0x1, s13;
	_ =	strace $0x9000004A  }
0x1f: {  	s14 =	sand.u32 $0x80, s30;
	s15 =	simm.s32 @!p2 $0x0;
	_ =	strace $0x8000004B  }
0x20: {  	p2 =	por p4, p4;
	p4 =	por p6, p6;
	s20 =	rddreg [dreg:$0x3]  }
0x21: {  	p3 =	seq.s32 s17, s5;
	p6 =	seq.s32 s7, $0x0;
	s31 =	rddreg [dreg:$0x2]  }
0x22: {  	[tilespmem:s22], [sflag:$0x5] =	stream.indirect.gather [hbm4b:s31+s20], $0x80, s14, s20, $0x2000b8;
	[tilespmem:$0x8100] =	vst v63  }
.Ltmp1:
0x23: {  	s18 =	sadd.s32 $0x1, s15;
	s17 =	simm.s32 @p3 $0x0;
	(pc) =	sbr.rel @!p0 .LBB2_4-.Ltmp1, $4  }
0x24: {  	p1 =	por p6, p1;
	p6 =	por $0x0, $0x0;
	_ =	swait.ge [sflag:s10], $0x4000  }
0x25: {  	s15 =	simm.s32 $0x0;
	p3 =	sne.s32 s13, s17;
	[sflag:s10] =	ssyncset.done $0x0  }
0x26: {  	s23 =	simm.s32 @!p6 $0x0;
	p5 =	por !p5, !p3;
	[sflag:s10] =	ssyncadd.s32 $0xFFFFC000  }
0x27: {  	s14 =	simm.s32 $0x0;
	s20 =	simm.s32 $0x0;
	_ =	strace $0x9000004B  }
.LBB2_5:
0x28: {  	_ =	strace @p1 $0x8000004C;
	s14 =	sadd.s32 s23, s14;
	s23 =	smov.u32 s12  }
0x29: {  	s12 =	smov.u32 s19;
	s19 =	sadd.s32 $0x1, s19;
	p0 =	por p3, p3  }
0x2a: {  	s29 =	sshll.u32 @p1 s24, $0xB;
	s21 =	sadd.s32 @p1 $0x3, s21;
	s25 =	simm.s32 @!p0 $0x0  }
0x2b: {  	s26 =	rddreg [dreg:$0x4];
	s29 =	sand.u32 @p1 $0x1FFFF800, s29;
	s25 =	simm.s32 @p0 $0x1  }
0x2c: {  	s26 =	sadd.s32 @p1 s26, s29;
	s29 =	simm.s32 @p1 $0x0;
	p0 =	sne.s32 s5, s19  }
0x2d: {  	[hbm4b:s26+s29] =	stream.linear.scatter @p1 [tilespmem:s22], [sflag:s21], $0x4000, $0x200038;
	[tilespmem:$0x8100] =	vst v63  }
0x2e: {  	s21 =	sadd.s32 @!p2 $0x3, s16;
	s16 =	simm.s32 @!p0 $0x0  }
0x2f: {  	s28 =	simm.s32 $0x1;
	[smem:$0x7FC] =	sst s25;
	s16 =	simm.s32 @p0 $0x1  }
0x30: {  	s28 =	simm.s32 @!p1 $0x0;
	_ =	strace @p1 $0x9000004C;
	[smem:$0x7FD] =	sst s16  }
0x31: {  	s20 =	sadd.s32 s28, s20;
	s25 =	sand.u32 @!p4 $0x1, s14;
	_ =	strace @!p2 $0x8000004D  }
0x32: {  	p1 =	por !p5, !p5;
	s16 =	smov.u32 s25;
	_ =	swait.ge @!p2 [sflag:s21], $0x4000  }
0x33: {  	s22 =	sand.u32 @p1 $0x1, s18;
	s25 =	sadd.s32 @p1 s3, s17;
	[sflag:s21] =	ssyncset.done @!p2 $0x0  }
0x34: {  	s26 =	sshll.u32 @p1 s22, $0x7;
	s25 =	sshll.u32 @p1 s25, $0x4;
	[sflag:s21] =	ssyncadd.s32 @!p2 $0xFFFFC000  }
0x35: {  	s21 =	sadd.s32 @p1 $0x1, s22;
	s22 =	sand.u32 @p1 $0x1FFFFFF0, s25;
	_ =	strace @!p2 $0x9000004D  }
0x36: {  	s25 =	simm.s32 @p1 $0x0;
	s22 =	sadd.s32 @p1 s4, s22;
	_ =	strace @p1 $0x80000049  }
0x37: {  	[tilespmem:s26], [sflag:s21] =	stream.linear.gather @p1 [hbm4b:s22+s25], $0x80, $0x200038;
	[tilespmem:$0x8100] =	vst v63  }
0x38: {  	s15 =	sadd.s32 s28, s15;
	s28 =	sand.u32 $0x1, s20;
	_ =	strace @p1 $0x90000049  }
0x39: {  	s28 =	sadd.s32 $0x1, s28;
	_ =	strace $0x8000004A  }
0x3a: {  	_ =	swait.ge [sflag:s28], $0x80  }
0x3b: {  	[sflag:s28] =	ssyncset.done $0x0  }
0x3c: {  	s21 =	simm.s32 $0x1;
	[sflag:s28] =	ssyncadd.s32 $0xFFFFFF80  }
0x3d: {  	s21 =	simm.s32 @!p1 $0x0;
	_ =	strace $0x9000004A  }
0x3e: {  	s18 =	sadd.s32 s21, s18;
	s21 =	sand.u32 $0x1, s15;
	_ =	strace $0x8000004B  }
0x3f: {  	s31 =	sshll.u32 s20, $0x7;
	s29 =	sshll.u32 s21, $0xE;
	s25 =	rddreg [dreg:$0x3]  }
0x40: {  	s31 =	sand.u32 $0x80, s31;
	s22 =	sor.u32 $0x100, s29;
	s26 =	rddreg [dreg:$0x2]  }
0x41: {  	[tilespmem:s22], [sflag:$0x5] =	stream.indirect.gather [hbm4b:s26+s25], $0x80, s31, s25, $0x2000b8;
	[tilespmem:$0x8100] =	vst v63  }
0x42: {  	_ =	swait.ge [sflag:s10], $0x4000  }
0x43: {  	[sflag:s10] =	ssyncset.done $0x0  }
0x44: {  	[sflag:s10] =	ssyncadd.s32 $0xFFFFC000  }
0x45: {  	s30 =	sadd.s32 $0x1, s17;
	_ =	strace $0x9000004B  }
0x46: {  	s24 =	sadd.s32 s3, s13;
	s13 =	smov.u32 s17;
	s31 =	sld [smem:$0x7FD]  }
0x47: {  	p0 =	sne.s32 s23, $0x0;
	s17 =	smov.u32 s30;
	p1 =	seq.s32 s30, s5  }
0x48: {  	s17 =	simm.s32 @p1 $0x0;
	p1 =	seq.s32 s7, s23;
	s23 =	simm.s32 $0x1  }
0x49: {  	s23 =	simm.s32 @!p0 $0x0;
	p0 =	seq.s32 s31, $0x1  }
.Ltmp2:
0x4a: {  	s30 =	sld [smem:$0x7FC];
	(pc) =	sbr.rel @p0 .LBB2_5-.Ltmp2, $4  }
0x4b: {  	p3 =	seq.s32 s12, $0x0  }
0x4c: {  	p6 =	por p3, p3;
	p5 =	slt.s32 s12, s7  }
0x4d: {  	p2 =	por p4, p4;
	p3 =	sne.s32 s13, s17;
	p4 =	seq.s32 s30, $0x1  }
0x4e: {  	p5 =	por !p5, !p3;
	p1 =	por p1, p4;
	p4 =	por p6, p6  }
0x4f: {  	p6 =	por $0x1, $0x1  }
.LBB2_7:
0x50: {  	p0 =	por !p1, !p6  }
0x51: {  	s25 =	simm.s32 $0x1;
	_ =	strace @!p0 $0x8000004C;
	s24 =	sshll.u32 @!p0 s24, $0xB  }
0x52: {  	p2 =	por p2, !p6;
	s19 =	rddreg [dreg:$0x4];
	s24 =	sand.u32 @!p0 $0x1FFFF800, s24  }
0x53: {  	s21 =	sadd.s32 @!p0 $0x3, s21;
	s19 =	sadd.s32 @!p0 s19, s24;
	s24 =	simm.s32 @!p0 $0x0  }
0x54: {  	[hbm4b:s19+s24] =	stream.linear.scatter @!p0 [tilespmem:s22], [sflag:s21], $0x4000, $0x200038;
	[tilespmem:$0x8100] =	vst v63  }
0x55: {  	p1 =	por !p5, !p5;
	s25 =	simm.s32 @p0 $0x0;
	_ =	strace @!p0 $0x9000004C  }
0x56: {  	s16 =	sadd.s32 @!p2 $0x3, s16;
	s17 =	sadd.s32 @p1 s3, s17;
	_ =	strace @!p2 $0x8000004D  }
0x57: {  	s18 =	sand.u32 @p1 $0x1, s18;
	s17 =	sshll.u32 @p1 s17, $0x4;
	_ =	swait.ge @!p2 [sflag:s16], $0x4000  }
0x58: {  	s17 =	sand.u32 @p1 $0x1FFFFFF0, s17;
	s19 =	sadd.s32 @p6 s25, s20;
	[sflag:s16] =	ssyncset.done @!p2 $0x0  }
0x59: {  	s20 =	simm.s32 $0x0;
	s17 =	sadd.s32 @p1 s4, s17;
	[sflag:s16] =	ssyncadd.s32 @!p2 $0xFFFFC000  }
0x5a: {  	s20 =	smov.u32 @p6 s19;
	s19 =	sshll.u32 @p1 s18, $0x7;
	_ =	strace @!p2 $0x9000004D  }
0x5b: {  	s16 =	sadd.s32 @p1 $0x1, s18;
	s18 =	simm.s32 @p1 $0x0;
	_ =	strace @p1 $0x80000049  }
0x5c: {  	[tilespmem:s19], [sflag:s16] =	stream.linear.gather @p1 [hbm4b:s17+s18], $0x80, $0x200038;
	[tilespmem:$0x8100] =	vst v63  }
0x5d: {  	s26 =	sand.u32 $0x1, s20;
	_ =	strace @p1 $0x90000049  }
0x5e: {  	s16 =	sadd.s32 $0x1, s26;
	_ =	strace $0x8000004A  }
0x5f: {  	_ =	swait.ge [sflag:s16], $0x80  }
0x60: {  	[sflag:s16] =	ssyncset.done $0x0  }
0x61: {  	s15 =	sadd.s32 @p6 s25, s15;
	[sflag:s16] =	ssyncadd.s32 $0xFFFFFF80;
	s16 =	simm.s32 $0x0  }
0x62: {  	_ =	strace $0x9000004A;
	s16 =	smov.u32 @p6 s15  }
0x63: {  	_ =	strace $0x8000004B;
	s16 =	sand.u32 $0x1, s16  }
0x64: {  	s30 =	sshll.u32 s20, $0x7;
	s28 =	rddreg [dreg:$0x3];
	s31 =	sshll.u32 s16, $0xE  }
0x65: {  	s18 =	sand.u32 $0x80, s30;
	s29 =	rddreg [dreg:$0x2];
	s19 =	sor.u32 $0x100, s31  }
0x66: {  	[tilespmem:s19], [sflag:$0x5] =	stream.indirect.gather [hbm4b:s29+s28], $0x80, s18, s28, $0x2000b8;
	[tilespmem:$0x8100] =	vst v63  }
0x67: {  	_ =	swait.ge [sflag:s10], $0x4000  }
0x68: {  	p3 =	por p3, p3;
	[sflag:s10] =	ssyncset.done $0x0  }
0x69: {  	p5 =	seq.s32 s7, s12;
	s13 =	sadd.s32 s3, s13;
	[sflag:s10] =	ssyncadd.s32 $0xFFFFC000  }
0x6a: {  	s14 =	sadd.s32 @p6 s23, s14;
	p1 =	por p5, p3;
	_ =	strace $0x9000004B  }
0x6b: {  	s17 =	simm.s32 $0x0;
	s13 =	sshll.u32 @p1 s13, $0xB;
	_ =	strace @p1 $0x8000004C  }
0x6c: {  	s17 =	smov.u32 @p6 s14;
	s13 =	sand.u32 @p1 $0x1FFFF800, s13;
	s15 =	rddreg [dreg:$0x4]  }
0x6d: {  	s14 =	sadd.s32 @p1 $0x3, s16;
	s13 =	sadd.s32 @p1 s15, s13;
	s15 =	simm.s32 @p1 $0x0  }
0x6e: {  	[hbm4b:s13+s15] =	stream.linear.scatter @p1 [tilespmem:s19], [sflag:s14], $0x4000, $0x200038;
	[tilespmem:$0x8100] =	vst v63  }
0x6f: {  	p0 =	por p4, p4;
	s13 =	sand.u32 @!p4 $0x1, s17;
	_ =	strace @p1 $0x9000004C  }
0x70: {  	s13 =	sadd.s32 @!p0 $0x3, s13;
	_ =	strace @!p0 $0x8000004D  }
0x71: {  	p1 =	sne.s32 s12, $0x0;
	s12 =	simm.s32 $0x1;
	_ =	swait.ge @!p0 [sflag:s13], $0x4000  }
0x72: {  	s12 =	simm.s32 @!p1 $0x0;
	[sflag:s13] =	ssyncset.done @!p0 $0x0  }
0x73: {  	s11 =	sadd.s32 $0x1, s11;
	s12 =	sadd.s32 s12, s17;
	[sflag:s13] =	ssyncadd.s32 @!p0 $0xFFFFC000  }
0x74: {  	s12 =	sand.u32 $0x1, s12;
	_ =	strace @!p0 $0x9000004D;
	p0 =	sne.s32 s11, s8  }
.Ltmp3:
0x75: {  	s12 =	sadd.s32 $0x3, s12;
	_ =	strace $0x8000004E;
	(pc) =	sbr.rel @p0 .LBB2_1-.Ltmp3, $4  }
.Ltmp4:
0x76: {  	_ =	swait.ge [sflag:s12], $0x4000;
	(pc) =	sbr.rel @!p0 .LBB2_8-.Ltmp4, $4  }
0x77: {  	[sflag:s12] =	ssyncset.done $0x0  }
0x78: {  	[sflag:s12] =	ssyncadd.s32 $0xFFFFC000  }
0x79: {  	_ =	strace $0x9000004E  }
0x7a: {  	_ = 	snop  }
.LBB2_2:
.Ltmp5:
0x7b: {  	(pc) =	sbr.rel .LBB2_7-.Ltmp5, $4  }
0x7c: {  	_ = 	snop  }
0x7d: {  	s14 =	simm.s32 $0x0  }
0x7e: {  	s12 =	simm.s32 $0x0;
	s15 =	simm.s32 $0x0;
	s17 =	smov.u32 s13  }
0x7f: {  	s20 =	simm.s32 $0x0;
	s18 =	simm.s32 $0x1;
	s13 =	simm.s32 $0x0  }
.LBB2_4:
.Ltmp6:
0x80: {  	(pc) =	sbr.rel .LBB2_7-.Ltmp6, $3  }
0x81: {  	_ =	sdelay $0x1  }
0x82: {  	s14 =	simm.s32 $0x0  }
0x83: {  	s15 =	simm.s32 $0x0;
	s20 =	simm.s32 $0x0;
	p6 =	por $0x1, $0x1  }
.LBB2_8:
0x84: {  	_ =	sfence.sel $0x180000  }
0x85: {  	[bflag:$0x0] =	sbarrier.arrive $0xFFFF  }
0x86: {  	p0 =	sne.s32 s1, $0x0;
	_ =	strace $0x90000047  }
0x87: {  	s0 =	sadd.s32 @!p0 $0x100000, s0;
	[bflag:$0x2] =	sbarrier.arrive $0xFFFF  }
0x88: {  	[sflag:s0] =	ssyncadd.tile.s32 @!p0 $0x1;
	_ =	shalt  }
.Lfunc_end2:
_tile_overlayer_lowered:
.L_overlay_start_2:
0x89: {  	(tag) =	ssettag $0x2  }
0x8a: {  	s0 =	rddreg [dreg:$0x0];
	s2 =	stileid.u32  }
0x8b: {  	s1 =	rddreg [dreg:$0x1];
	p0 =	sne.s32 s2, $0x0  }
0x8c: {  	s3 =	rddreg [dreg:$0x2];
	[bflag:$0x3] =	sbarrier.arrive $0xFFFF;
	s2 =	simm.s32 @!p0 $0x1C01  }
0x8d: {  	[timem:s3], [sflag:s2] =	dma.local @!p0 [hbm:s0], s1  }
0x8e: {  	s0 =	simm.s32 @!p0 $0x1  }
0x8f: {  	_ =	swait.ge @!p0 [sflag:s0], s1  }
0x90: {  	s1 =	ssub.s32 @!p0 $0x0, s1;
	[sflag:s0] =	ssyncset.done @!p0 $0x0  }
0x91: {  	[sflag:s0] =	ssyncadd.s32 @!p0 s1  }
0x92: {  	[bflag:$0x3] =	sbarrier.arrive $0xFFFF  }
0x93: {  	_ =	shalt  }

// kernel: kernel.13.cloned.1.call-start
scs
__scs_entry_jumppad:
0x0: {  	(pc) =	sbr.rel $0x88, $3  }
0x1: {  	(tag) =	ssettag $0x0;
	lr =	simm.s32 $0x1  }
0x2: {  	[smem:$0x3F93] =	sst lr;
	_ =	strace $0xD0000000  }
0x3: {  	_ = 	snop  }
0x4: {  	_ = 	snop  }
0x5: {  	_ = 	snop  }
0x6: {  	_ = 	snop  }
0x7: {  	_ = 	snop  }
__scs_overlays_trampoline_lowered:
0x8: {  	[smem:$0x3FA2] =	sst s0  }
0x9: {  	[smem:$0x3FA3] =	sst s1  }
0xa: {  	[smem:$0x3FA4] =	sst s2  }
0xb: {  	[smem:$0x3FA5] =	sst s3  }
0xc: {  	[smem:$0x3FA6] =	sst s4  }
0xd: {  	[smem:$0x3FA7] =	sst s5  }
0xe: {  	[smem:$0x3FA8] =	sst s6  }
0xf: {  	[smem:$0x3FA9] =	sst s7  }
0x10: {  	[smem:$0x3FAA] =	sst s8  }
0x11: {  	[smem:$0x3FAB] =	sst s9;
	s0 =	simm.s32 @!p0 $0x0  }
0x12: {  	s1 =	sld [smem:$0x3F91];
	s0 =	simm.s32 @p0 $0x1  }
0x13: {  	[smem:$0x3FAC] =	sst s0;
	s0 =	simm.s32 @!p1 $0x0  }
0x14: {  	s2 =	sld [smem:$0x3F90];
	s0 =	simm.s32 @p1 $0x1  }
0x15: {  	[smem:$0x3FAD] =	sst s0;
	s0 =	simm.s32 @!p2 $0x0  }
0x16: {  	s3 =	sld [smem:$0x3FDB];
	s0 =	simm.s32 @p2 $0x1  }
0x17: {  	s4 =	simm.s32 $0x1BF5;
	[smem:$0x3FAF] =	sst s0  }
0x18: {  	s0 =	sld [smem:$0x3F92];
	_ =	swait.ge [sflag:s4], $0x0  }
0x19: {  	s7 =	sld [smem:$0x3F93]  }
0x1a: {  	s8 =	sadd.s32 $0xFFFFE003, lr  }
0x1b: {  	s9 =	sadd.s32 $0xFFFFFEF7, lr;
	s5 =	simm.s32 $0xFFFFFFFF;
	p2 =	slt.u32 s8, $0xFFFFF086  }
0x1c: {  	p1 =	slt.u32 s9, $0xF7A;
	s5 =	simm.s32 @!p2 $0x0  }
0x1d: {  	s5 =	simm.s32 @p1 $0x1;
	p0 =	seq.s32 s7, s2  }
0x1e: {  	s7 =	smul.u32 @!p0 $0xF7A, s2;
	p2 =	seq.s32 @!p0 s5, $0x0  }
0x1f: {  	s9 =	smul.u32 $0xF7A, s1;
	s8 =	simm.s32 @!p0 $0x1BF5;
	p2 =	por !p2, p0  }
0x20: {  	[sflag:s8] =	ssyncset.s32 @!p0 $0xFFFFF086;
	s6 =	sadd.s32 @!p0 s3, s7;
	s7 =	simm.s32 @!p0 $0x108  }
0x21: {  	s3 =	sadd.s32 s3, s9;
	s6 =	sadd.s32 @!p0 $0x88, s6;
	s7 =	simm.s32 @p2 $0x1082  }
0x22: {  	[simem:s7], [sflag:s8] =	dma.local @!p0 [hbm:s6], $0xF7A  }
0x23: {  	s9 =	sor.u32 $0xD0000000, s2;
	s6 =	simm.s32 $0x108;
	_ =	swait.ge @!p0 [sflag:s8], $0x0  }
0x24: {  	s3 =	sadd.s32 $0x88, s3;
	s6 =	simm.s32 @!p1 $0x1082;
	[sflag:s4] =	ssyncset.s32 $0xFFFFF086  }
0x25: {  	[simem:s6], [sflag:s4] =	dma.local [hbm:s3], $0xF7A  }
0x26: {  	[smem:$0x3F93] =	sst s1;
	(tag) =	ssettag s2;
	_ =	strace s9  }
0x27: {  	s1 =	sld [smem:$0x3FA3]  }
0x28: {  	s2 =	sld [smem:$0x3FA4]  }
0x29: {  	s4 =	sld [smem:$0x3FA6]  }
0x2a: {  	p0 =	seq.s32 s5, $0x0;
	s5 =	sld [smem:$0x3FA7]  }
0x2b: {  	s6 =	sld [smem:$0x3FA8]  }
0x2c: {  	s7 =	sld [smem:$0x3FA9]  }
0x2d: {  	s3 =	simm.s32 $0x108;
	s8 =	sld [smem:$0x3FAA]  }
0x2e: {  	s3 =	simm.s32 @!p0 $0x1082;
	s9 =	sld [smem:$0x3FAB]  }
0x2f: {  	lr =	sadd.s32 s0, s3;
	s0 =	sld [smem:$0x3FA2]  }
0x30: {  	s3 =	sld [smem:$0x3FA5]  }
0x31: {  	[smem:$0x3FAE] =	sst s10  }
0x32: {  	s10 =	sld [smem:$0x3FAC];
	_ =	sdelay $0x3  }
0x33: {  	p0 =	seq.s32 s10, $0x1;
	s10 =	sld [smem:$0x3FAE];
	_ =	sdelay $0x3  }
0x34: {  	[smem:$0x3FAE] =	sst s10  }
0x35: {  	s10 =	sld [smem:$0x3FAD];
	_ =	sdelay $0x3  }
0x36: {  	p1 =	seq.s32 s10, $0x1;
	s10 =	sld [smem:$0x3FAE];
	_ =	sdelay $0x3  }
0x37: {  	[smem:$0x3FAE] =	sst s10  }
0x38: {  	s10 =	sld [smem:$0x3FAF]  }
0x39: {  	_ = 	snop;
	(pc) =	sbr.ind lr, $3  }
0x3a: {  	_ = 	snop  }
0x3b: {  	_ = 	snop  }
0x3c: {  	p2 =	seq.s32 s10, $0x1;
	s10 =	sld [smem:$0x3FAE]  }
0x3d: {  	_ =	shalt  }
0x3e: {  	_ =	shalt  }
0x3f: {  	_ =	shalt  }
0x40: {  	_ =	shalt  }
0x41: {  	_ =	shalt  }
0x42: {  	_ =	shalt  }
0x43: {  	_ =	shalt  }
0x44: {  	_ =	shalt  }
0x45: {  	_ =	shalt  }
0x46: {  	_ =	shalt  }
0x47: {  	_ =	shalt  }
0x48: {  	_ =	shalt  }
0x49: {  	_ =	shalt  }
0x4a: {  	_ =	shalt  }
0x4b: {  	_ =	shalt  }
0x4c: {  	_ =	shalt  }
0x4d: {  	_ =	shalt  }
0x4e: {  	_ =	shalt  }
0x4f: {  	_ =	shalt  }
0x50: {  	_ =	shalt  }
0x51: {  	_ =	shalt  }
0x52: {  	_ =	shalt  }
0x53: {  	_ =	shalt  }
0x54: {  	_ =	shalt  }
0x55: {  	_ =	shalt  }
0x56: {  	_ =	shalt  }
0x57: {  	_ =	shalt  }
0x58: {  	_ =	shalt  }
0x59: {  	_ =	shalt  }
0x5a: {  	_ =	shalt  }
0x5b: {  	_ =	shalt  }
0x5c: {  	_ =	shalt  }
0x5d: {  	_ =	shalt  }
0x5e: {  	_ =	shalt  }
0x5f: {  	_ =	shalt  }
0x60: {  	_ =	shalt  }
0x61: {  	_ =	shalt  }
0x62: {  	_ =	shalt  }
0x63: {  	_ =	shalt  }
0x64: {  	_ =	shalt  }
0x65: {  	_ =	shalt  }
0x66: {  	_ =	shalt  }
0x67: {  	_ =	shalt  }
0x68: {  	_ =	shalt  }
0x69: {  	_ =	shalt  }
0x6a: {  	_ =	shalt  }
0x6b: {  	_ =	shalt  }
0x6c: {  	_ =	shalt  }
0x6d: {  	_ =	shalt  }
0x6e: {  	_ =	shalt  }
0x6f: {  	_ =	shalt  }
0x70: {  	_ =	shalt  }
0x71: {  	_ =	shalt  }
0x72: {  	_ =	shalt  }
0x73: {  	_ =	shalt  }
0x74: {  	_ =	shalt  }
0x75: {  	_ =	shalt  }
0x76: {  	_ =	shalt  }
0x77: {  	_ =	shalt  }
0x78: {  	_ =	shalt  }
0x79: {  	_ =	shalt  }
0x7a: {  	_ =	shalt  }
0x7b: {  	_ =	shalt  }
0x7c: {  	_ =	shalt  }
0x7d: {  	_ =	shalt  }
0x7e: {  	_ =	shalt  }
0x7f: {  	_ =	shalt  }
0x80: {  	_ =	shalt  }
0x81: {  	_ =	shalt  }
0x82: {  	_ =	shalt  }
0x83: {  	_ =	shalt  }
0x84: {  	_ =	shalt  }
0x85: {  	_ =	shalt  }
0x86: {  	_ =	shalt  }
0x87: {  	_ =	shalt  }
.Lfunc_end0:
.L_simem_size_0:
called_computation.1_lowered:
.L_overlay_start_0:
0x88: {  	s2 =	sld [smem:$0x3FD9]  }
0x89: {  	s3 =	sld [smem:$0x3FFE];
	_ =	sdelay $0x1  }
0x8a: {  	s1 =	srdreg.scid  }
0x8b: {  	s0 =	sand.u32 $0x1, s1  }
0x8c: {  	s17 =	sshll.u32 s0, $0xA;
	s2 =	sadd.s32 s3, s2  }
0x8d: {  	s2 =	sadd.s32 s2, s17  }
0x8e: {  	[smem:$0x3FBA] =	sst s2  }
0x8f: {  	_ = 	snop  }
0x90: {  	(tm) =	ssettm $0x1  }
0x91: {  	s18 =	sld [smem:$0x3FFB];
	_ =	sdelay $0x3  }
0x92: {  	_ =	strace s18  }
0x93: {  	s2 =	sld [smem:$0x3FFC];
	_ =	sdelay $0x3  }
0x94: {  	_ =	strace s2  }
0x95: {  	s2 =	sld [smem:$0x3FFD];
	_ =	sdelay $0x3  }
0x96: {  	_ =	strace s2  }
0x97: {  	_ =	strace $0x8FFFFFFF  }
0x98: {  	s19 =	sld [smem:$0x3FDB];
	_ =	sdelay $0x1  }
0x99: {  	s20 =	simm.s32 $_scs_section_size  }
0x9a: {  	s4 =	simm.s32 $_size__tile_overlayer_lowered;
	s5 =	simm.s32 $_tile_overlayer_lowered  }
0x9b: {  	s6 =	simm.s32 $0x1BFF;
	s21 =	sshll.u32 s5, $0x1;
	s3 =	sadd.s32 s20, s19  }
0x9c: {  	s22 =	simm.s32 $0x0;
	s4 =	sshll.u32 s4, $0x1;
	s5 =	sadd.s32 s21, s3  }
0x9d: {  	[timem:s22], [sflag:s6] =	dma.local [hbm:s5], s4  }
0x9e: {  	_ =	swait.ge [sflag:s6], s4  }
0x9f: {  	s4 =	ssub.s32 $0x0, s4;
	[sflag:s6] =	ssyncset.done $0x0  }
0xa0: {  	[sflag:s6] =	ssyncadd.s32 s4;
	_ =	sdelay $0x1  }
0xa1: {  	s23 =	simm.s32 $0x1B8B  }
0xa2: {  	_ =	swait.ge [sflag:s23], $0x1  }
0xa3: {  	[sflag:s23] =	ssyncset.done $0x0  }
0xa4: {  	[sflag:s23] =	ssyncadd.s32 $0xFFFFFFFF  }
0xa5: {  	s4 =	sld [smem:$0x0]  }
0xa6: {  	s5 =	sand.u32 $0xFFFFFFFE, s1  }
0xa7: {  	p0 =	sne.s32 s1, s5  }
0xa8: {  	s5 =	sshll.u32 @p0 s5, $0xE  }
0xa9: {  	s5 =	sadd.s32 @p0 $0x11B8D, s5;
	s6 =	sshll.u32 @p0 s4, $0x11  }
0xaa: {  	s5 =	sor.u32 @p0 s6, s5  }
0xab: {  	[sflag:s5] =	ssyncadd.remote.s32 @p0 $0x1;
	_ =	sdelay $0x1  }
0xac: {  	s5 =	simm.s32 @p0 $0x1B8D  }
0xad: {  	_ =	swait.eq @p0 [sflag:s5], $0x1  }
0xae: {  	[sflag:s5] =	ssyncadd.s32 @p0 $0xFFFFFFFF  }
0xaf: {  	s6 =	sshll.u32 @!p0 s1, $0xE  }
0xb0: {  	s6 =	sor.u32 @!p0 $0x4000, s6;
	s5 =	simm.s32 @!p0 $0x1B8D  }
0xb1: {  	s4 =	sshll.u32 @!p0 s4, $0x11;
	s6 =	sadd.s32 @!p0 $0x11B8D, s6;
	_ =	swait.eq @!p0 [sflag:s5], $0x1  }
0xb2: {  	s4 =	sor.u32 @!p0 s4, s6;
	[sflag:s5] =	ssyncadd.s32 @!p0 $0xFFFFFFFF  }
0xb3: {  	s25 =	simm.s32 $0x1B8E;
	s24 =	sld [smem:$0x3FFE];
	[sflag:s4] =	ssyncadd.remote.s32 @!p0 $0x1  }
0xb4: {  	s26 =	simm.s32 $execute0_lowered;
	[smem:$0x3FD2] =	sst s25  }
0xb5: {  	s5 =	sshll.u32 s26, $0x1;
	_ =	strace $0x80000050;
	[dreg:$0x1] =	wrdreg $0xFFFFFFFF  }
0xb6: {  	s28 =	simm.s32 $_size_execute0_lowered;
	s3 =	sadd.s32 s3, s5;
	[dreg:$0x0] =	wrdreg $0x0  }
0xb7: {  	s5 =	sshll.u32 s28, $0x1;
	[dreg:$0x2] =	wrdreg s3  }
0xb8: {  	[dreg:$0x3] =	wrdreg s5  }
0xb9: {  	[dreg:$0x4] =	wrdreg $0xC0  }
0xba: {  	_ =	task [dreg:s22], $0x5FFFF  }
0xbb: {  	[dreg:$0x1] =	wrdreg $0xFFFFFFFF  }
0xbc: {  	[dreg:$0x0] =	wrdreg $0x60  }
0xbd: {  	[dreg:$0x2] =	wrdreg s24  }
0xbe: {  	[dreg:$0x3] =	wrdreg $0xA  }
0xbf: {  	_ =	task.clear_ibuf [dreg:s22], $0x4FFFF;
	_ =	strace $0x90000050  }
0xc0: {  	s29 =	simm.s32 $0xA;
	_ =	strace $0x80000059  }
0xc1: {  	_ =	swait.ge [sflag:s29], $0x1  }
0xc2: {  	[sflag:s29] =	ssyncadd.s32 $0xFFFFFFFF  }
0xc3: {  	_ =	strace $0x90000059  }
0xc4: {  	_ =	sfence  }
0xc5: {  	s30 =	sld [smem:$0x0];
	_ =	sdelay $0x2  }
0xc6: {  	s31 =	sshll.u32 s1, $0xD;
	s1 =	sshrl.u32 s1, $0x2  }
0xc7: {  	s4 =	sand.u32 $0x4000, s31;
	s1 =	sadd.s32 s1, s30  }
0xc8: {  	s0 =	sor.u32 s4, s0;
	s1 =	sshll.u32 s1, $0x11  }
0xc9: {  	s0 =	sor.u32 s1, s0  }
0xca: {  	s0 =	sadd.s32 $0x8F2B, s0  }
0xcb: {  	[sflag:s0] =	ssyncadd.remote.s32 $0x1  }
0xcc: {  	_ =	sfence.sel $0xFFFF  }
0xcd: {  	[dreg:$0x0] =	wrdreg $0xFFFFFFFF;
	(pc) =	sbr.abs _section_cstart, $3  }
0xce: {  	[dreg:$0x1] =	wrdreg $0xFFFFFFFF  }
0xcf: {  	_ =	task.clear_ibuf [dreg:s22], $0x2FFFF;
	_ =	strace $0x9FFFFFFF  }
0xd0: {  	(tm) =	ssettm $0x7FFFFFFF  }
0xd1: {  	_ =	shalt  }
tec
execute0_lowered:
.L_overlay_start_1:
0x0: {  	(tag) =	ssettag $0x1  }
0x1: {  	s4 =	rddreg [dreg:$0x0];
	s1 =	srdreg.scid  }
0x2: {  	s0 =	rddreg [dreg:$0x1];
	s2 =	simm.s32 $0x0;
	s9 =	simm.s32 $0x1  }
0x3: {  	s10 =	simm.s32 $0x80;
	s11 =	simm.s32 $0x0;
	s5 =	sand.u32 $0x1, s1  }
0x4: {  	s1 =	stileid.u32;
	[smem:$0x7FF] =	sst s2;
	s3 =	sshll.u32 s5, $0x4  }
0x5: {  	s6 =	sadd.s32 $0x83000, s4;
	s8 =	sadd.s32 $0xC4000, s4;
	s3 =	sor.u32 s1, s3  }
0x6: {  	_ =	strace $0x80000051;
	[dreg:$0x2] =	wrdreg s6;
	s7 =	smul.u32 $0x13, s3  }
0x7: {  	s4 =	sadd.s32 $0xC1800, s4;
	[dreg:$0x4] =	wrdreg s8;
	s6 =	smul.u32 $0x14, s3  }
0x8: {  	s29 =	ssub.s32 $0x2, s5;
	p0 =	slt.u32 s3, $0x11;
	s3 =	sadd.s32 $0x11, s7  }
0x9: {  	s5 =	simm.s32 $0x14;
	[dreg:$0x3] =	wrdreg s10;
	s3 =	smov.u32 @p0 s6  }
0xa: {  	s10 =	simm.s32 $0x5;
	s31 =	sshrl.u32 s29, $0x1;
	s30 =	sshll.u32 s3, $0x4  }
0xb: {  	s8 =	ssub.s32 s29, s31;
	s5 =	simm.s32 @!p0 $0x13;
	s7 =	sand.u32 $0x1FFFFFF0, s30  }
0xc: {  	s8 =	smax.u32 s8, $0x1;
	s6 =	sadd.s32 s4, s7;
	s7 =	sadd.s32 $0xFFFFFFFF, s5  }
.LBB2_1:
0xd: {  	_ =	strace $0x80000052;
	p2 =	sne.s32 s5, $0x1  }
.Ltmp0:
0xe: {  	p0 =	seq.s32 s5, $0x1;
	s13 =	simm.s32 $0x1;
	(pc) =	sbr.rel @!p2 .LBB2_2-.Ltmp0, $4  }
0xf: {  	[tilespmem:s2], [sflag:$0x1] =	stream.linear.gather [hbm4b:s6+s2], $0x80, $0x200038;
	[tilespmem:$0x8100] =	vst v63  }
0x10: {  	s12 =	simm.s32 $0x1;
	p1 =	por $0x1, $0x1;
	s13 =	simm.s32 @p0 $0x0  }
0x11: {  	p6 =	sgt.u32 s7, $0x0;
	p4 =	por p1, p1;
	p3 =	sne.s32 s13, $0x0  }
0x12: {  	_ =	strace $0x90000052;
	p5 =	por !p6, !p3;
	p6 =	por $0x0, $0x0  }
0x13: {  	p2 =	por !p5, !p5  }
0x14: {  	s21 =	sand.u32 $0x1, s2;
	s19 =	simm.s32 $0x2;
	s14 =	sadd.s32 @p2 s3, s13  }
0x15: {  	p1 =	por p3, p3;
	s15 =	sand.u32 @p2 $0x1, s9;
	s14 =	sshll.u32 @p2 s14, $0x4  }
0x16: {  	_ =	strace @p2 $0x80000053;
	s17 =	simm.s32 @p2 $0x0;
	s14 =	sand.u32 @p2 $0x1FFFFFF0, s14  }
0x17: {  	s16 =	sshll.u32 @p2 s15, $0x7;
	s15 =	sadd.s32 @p2 $0x1, s15;
	s14 =	sadd.s32 @p2 s4, s14  }
0x18: {  	[tilespmem:s16], [sflag:s15] =	stream.linear.gather @p2 [hbm4b:s14+s17], $0x80, $0x200038;
	[tilespmem:$0x8100] =	vst v63  }
0x19: {  	s30 =	simm.s32 $0x0;
	p6 =	por $0x0, $0x0;
	_ =	strace @p2 $0x90000053  }
0x1a: {  	p0 =	sne.s32 s5, $0x2;
	s29 =	sadd.s32 $0x1, s21;
	_ =	strace $0x80000054  }
0x1b: {  	s24 =	sadd.s32 $0x0, s3;
	p5 =	sgt.u32 s7, $0x1;
	_ =	swait.ge [sflag:s29], $0x80  }
0x1c: {  	s23 =	simm.s32 $0x1;
	s22 =	sshll.u32 s21, $0xE;
	[sflag:s29] =	ssyncset.done $0x0  }
0x1d: {  	s22 =	sor.u32 $0x100, s22;
	s16 =	sand.u32 @!p4 $0x1, s2;
	[sflag:s29] =	ssyncadd.s32 $0xFFFFFF80  }
0x1e: {  	s15 =	simm.s32 $0x1;
	s17 =	sadd.s32 $0x1, s13;
	_ =	strace $0x90000054  }
0x1f: {  	s14 =	sand.u32 $0x80, s30;
	s15 =	simm.s32 @!p2 $0x0;
	_ =	strace $0x80000055  }
0x20: {  	p2 =	por p4, p4;
	p4 =	por p6, p6;
	s20 =	rddreg [dreg:$0x3]  }
0x21: {  	p3 =	seq.s32 s17, s5;
	p6 =	seq.s32 s7, $0x0;
	s31 =	rddreg [dreg:$0x2]  }
0x22: {  	[tilespmem:s22], [sflag:$0x5] =	stream.indirect.gather [hbm4b:s31+s20], $0x80, s14, s20, $0x2000b8;
	[tilespmem:$0x8100] =	vst v63  }
.Ltmp1:
0x23: {  	s18 =	sadd.s32 $0x1, s15;
	s17 =	simm.s32 @p3 $0x0;
	(pc) =	sbr.rel @!p0 .LBB2_4-.Ltmp1, $4  }
0x24: {  	p1 =	por p6, p1;
	p6 =	por $0x0, $0x0;
	_ =	swait.ge [sflag:s10], $0x4000  }
0x25: {  	s15 =	simm.s32 $0x0;
	p3 =	sne.s32 s13, s17;
	[sflag:s10] =	ssyncset.done $0x0  }
0x26: {  	s23 =	simm.s32 @!p6 $0x0;
	p5 =	por !p5, !p3;
	[sflag:s10] =	ssyncadd.s32 $0xFFFFC000  }
0x27: {  	s14 =	simm.s32 $0x0;
	s20 =	simm.s32 $0x0;
	_ =	strace $0x90000055  }
.LBB2_5:
0x28: {  	_ =	strace @p1 $0x80000056;
	s14 =	sadd.s32 s23, s14;
	s23 =	smov.u32 s12  }
0x29: {  	s12 =	smov.u32 s19;
	s19 =	sadd.s32 $0x1, s19;
	p0 =	por p3, p3  }
0x2a: {  	s29 =	sshll.u32 @p1 s24, $0xB;
	s21 =	sadd.s32 @p1 $0x3, s21;
	s25 =	simm.s32 @!p0 $0x0  }
0x2b: {  	s26 =	rddreg [dreg:$0x4];
	s29 =	sand.u32 @p1 $0x1FFFF800, s29;
	s25 =	simm.s32 @p0 $0x1  }
0x2c: {  	s26 =	sadd.s32 @p1 s26, s29;
	s29 =	simm.s32 @p1 $0x0;
	p0 =	sne.s32 s5, s19  }
0x2d: {  	[hbm4b:s26+s29] =	stream.linear.scatter @p1 [tilespmem:s22], [sflag:s21], $0x4000, $0x200038;
	[tilespmem:$0x8100] =	vst v63  }
0x2e: {  	s21 =	sadd.s32 @!p2 $0x3, s16;
	s16 =	simm.s32 @!p0 $0x0  }
0x2f: {  	s28 =	simm.s32 $0x1;
	[smem:$0x7FC] =	sst s25;
	s16 =	simm.s32 @p0 $0x1  }
0x30: {  	s28 =	simm.s32 @!p1 $0x0;
	_ =	strace @p1 $0x90000056;
	[smem:$0x7FD] =	sst s16  }
0x31: {  	s20 =	sadd.s32 s28, s20;
	s25 =	sand.u32 @!p4 $0x1, s14;
	_ =	strace @!p2 $0x80000057  }
0x32: {  	p1 =	por !p5, !p5;
	s16 =	smov.u32 s25;
	_ =	swait.ge @!p2 [sflag:s21], $0x4000  }
0x33: {  	s22 =	sand.u32 @p1 $0x1, s18;
	s25 =	sadd.s32 @p1 s3, s17;
	[sflag:s21] =	ssyncset.done @!p2 $0x0  }
0x34: {  	s26 =	sshll.u32 @p1 s22, $0x7;
	s25 =	sshll.u32 @p1 s25, $0x4;
	[sflag:s21] =	ssyncadd.s32 @!p2 $0xFFFFC000  }
0x35: {  	s21 =	sadd.s32 @p1 $0x1, s22;
	s22 =	sand.u32 @p1 $0x1FFFFFF0, s25;
	_ =	strace @!p2 $0x90000057  }
0x36: {  	s25 =	simm.s32 @p1 $0x0;
	s22 =	sadd.s32 @p1 s4, s22;
	_ =	strace @p1 $0x80000053  }
0x37: {  	[tilespmem:s26], [sflag:s21] =	stream.linear.gather @p1 [hbm4b:s22+s25], $0x80, $0x200038;
	[tilespmem:$0x8100] =	vst v63  }
0x38: {  	s15 =	sadd.s32 s28, s15;
	s28 =	sand.u32 $0x1, s20;
	_ =	strace @p1 $0x90000053  }
0x39: {  	s28 =	sadd.s32 $0x1, s28;
	_ =	strace $0x80000054  }
0x3a: {  	_ =	swait.ge [sflag:s28], $0x80  }
0x3b: {  	[sflag:s28] =	ssyncset.done $0x0  }
0x3c: {  	s21 =	simm.s32 $0x1;
	[sflag:s28] =	ssyncadd.s32 $0xFFFFFF80  }
0x3d: {  	s21 =	simm.s32 @!p1 $0x0;
	_ =	strace $0x90000054  }
0x3e: {  	s18 =	sadd.s32 s21, s18;
	s21 =	sand.u32 $0x1, s15;
	_ =	strace $0x80000055  }
0x3f: {  	s31 =	sshll.u32 s20, $0x7;
	s29 =	sshll.u32 s21, $0xE;
	s25 =	rddreg [dreg:$0x3]  }
0x40: {  	s31 =	sand.u32 $0x80, s31;
	s22 =	sor.u32 $0x100, s29;
	s26 =	rddreg [dreg:$0x2]  }
0x41: {  	[tilespmem:s22], [sflag:$0x5] =	stream.indirect.gather [hbm4b:s26+s25], $0x80, s31, s25, $0x2000b8;
	[tilespmem:$0x8100] =	vst v63  }
0x42: {  	_ =	swait.ge [sflag:s10], $0x4000  }
0x43: {  	[sflag:s10] =	ssyncset.done $0x0  }
0x44: {  	[sflag:s10] =	ssyncadd.s32 $0xFFFFC000  }
0x45: {  	s30 =	sadd.s32 $0x1, s17;
	_ =	strace $0x90000055  }
0x46: {  	s24 =	sadd.s32 s3, s13;
	s13 =	smov.u32 s17;
	s31 =	sld [smem:$0x7FD]  }
0x47: {  	p0 =	sne.s32 s23, $0x0;
	s17 =	smov.u32 s30;
	p1 =	seq.s32 s30, s5  }
0x48: {  	s17 =	simm.s32 @p1 $0x0;
	p1 =	seq.s32 s7, s23;
	s23 =	simm.s32 $0x1  }
0x49: {  	s23 =	simm.s32 @!p0 $0x0;
	p0 =	seq.s32 s31, $0x1  }
.Ltmp2:
0x4a: {  	s30 =	sld [smem:$0x7FC];
	(pc) =	sbr.rel @p0 .LBB2_5-.Ltmp2, $4  }
0x4b: {  	p3 =	seq.s32 s12, $0x0  }
0x4c: {  	p6 =	por p3, p3;
	p5 =	slt.u32 s12, s7  }
0x4d: {  	p2 =	por p4, p4;
	p3 =	sne.s32 s13, s17;
	p4 =	seq.s32 s30, $0x1  }
0x4e: {  	p5 =	por !p5, !p3;
	p1 =	por p1, p4;
	p4 =	por p6, p6  }
0x4f: {  	p6 =	por $0x1, $0x1  }
.LBB2_7:
0x50: {  	p0 =	por !p1, !p6  }
0x51: {  	s25 =	simm.s32 $0x1;
	_ =	strace @!p0 $0x80000056;
	s24 =	sshll.u32 @!p0 s24, $0xB  }
0x52: {  	p2 =	por p2, !p6;
	s19 =	rddreg [dreg:$0x4];
	s24 =	sand.u32 @!p0 $0x1FFFF800, s24  }
0x53: {  	s21 =	sadd.s32 @!p0 $0x3, s21;
	s19 =	sadd.s32 @!p0 s19, s24;
	s24 =	simm.s32 @!p0 $0x0  }
0x54: {  	[hbm4b:s19+s24] =	stream.linear.scatter @!p0 [tilespmem:s22], [sflag:s21], $0x4000, $0x200038;
	[tilespmem:$0x8100] =	vst v63  }
0x55: {  	p1 =	por !p5, !p5;
	s25 =	simm.s32 @p0 $0x0;
	_ =	strace @!p0 $0x90000056  }
0x56: {  	s16 =	sadd.s32 @!p2 $0x3, s16;
	s17 =	sadd.s32 @p1 s3, s17;
	_ =	strace @!p2 $0x80000057  }
0x57: {  	s18 =	sand.u32 @p1 $0x1, s18;
	s17 =	sshll.u32 @p1 s17, $0x4;
	_ =	swait.ge @!p2 [sflag:s16], $0x4000  }
0x58: {  	s17 =	sand.u32 @p1 $0x1FFFFFF0, s17;
	s19 =	sadd.s32 @p6 s25, s20;
	[sflag:s16] =	ssyncset.done @!p2 $0x0  }
0x59: {  	s20 =	simm.s32 $0x0;
	s17 =	sadd.s32 @p1 s4, s17;
	[sflag:s16] =	ssyncadd.s32 @!p2 $0xFFFFC000  }
0x5a: {  	s20 =	smov.u32 @p6 s19;
	s19 =	sshll.u32 @p1 s18, $0x7;
	_ =	strace @!p2 $0x90000057  }
0x5b: {  	s16 =	sadd.s32 @p1 $0x1, s18;
	s18 =	simm.s32 @p1 $0x0;
	_ =	strace @p1 $0x80000053  }
0x5c: {  	[tilespmem:s19], [sflag:s16] =	stream.linear.gather @p1 [hbm4b:s17+s18], $0x80, $0x200038;
	[tilespmem:$0x8100] =	vst v63  }
0x5d: {  	s26 =	sand.u32 $0x1, s20;
	_ =	strace @p1 $0x90000053  }
0x5e: {  	s16 =	sadd.s32 $0x1, s26;
	_ =	strace $0x80000054  }
0x5f: {  	_ =	swait.ge [sflag:s16], $0x80  }
0x60: {  	[sflag:s16] =	ssyncset.done $0x0  }
0x61: {  	s15 =	sadd.s32 @p6 s25, s15;
	[sflag:s16] =	ssyncadd.s32 $0xFFFFFF80;
	s16 =	simm.s32 $0x0  }
0x62: {  	_ =	strace $0x90000054;
	s16 =	smov.u32 @p6 s15  }
0x63: {  	_ =	strace $0x80000055;
	s16 =	sand.u32 $0x1, s16  }
0x64: {  	s30 =	sshll.u32 s20, $0x7;
	s28 =	rddreg [dreg:$0x3];
	s31 =	sshll.u32 s16, $0xE  }
0x65: {  	s18 =	sand.u32 $0x80, s30;
	s29 =	rddreg [dreg:$0x2];
	s19 =	sor.u32 $0x100, s31  }
0x66: {  	[tilespmem:s19], [sflag:$0x5] =	stream.indirect.gather [hbm4b:s29+s28], $0x80, s18, s28, $0x2000b8;
	[tilespmem:$0x8100] =	vst v63  }
0x67: {  	_ =	swait.ge [sflag:s10], $0x4000  }
0x68: {  	p3 =	por p3, p3;
	[sflag:s10] =	ssyncset.done $0x0  }
0x69: {  	p5 =	seq.s32 s7, s12;
	s13 =	sadd.s32 s3, s13;
	[sflag:s10] =	ssyncadd.s32 $0xFFFFC000  }
0x6a: {  	s14 =	sadd.s32 @p6 s23, s14;
	p1 =	por p5, p3;
	_ =	strace $0x90000055  }
0x6b: {  	s17 =	simm.s32 $0x0;
	s13 =	sshll.u32 @p1 s13, $0xB;
	_ =	strace @p1 $0x80000056  }
0x6c: {  	s17 =	smov.u32 @p6 s14;
	s13 =	sand.u32 @p1 $0x1FFFF800, s13;
	s15 =	rddreg [dreg:$0x4]  }
0x6d: {  	s14 =	sadd.s32 @p1 $0x3, s16;
	s13 =	sadd.s32 @p1 s15, s13;
	s15 =	simm.s32 @p1 $0x0  }
0x6e: {  	[hbm4b:s13+s15] =	stream.linear.scatter @p1 [tilespmem:s19], [sflag:s14], $0x4000, $0x200038;
	[tilespmem:$0x8100] =	vst v63  }
0x6f: {  	p0 =	por p4, p4;
	s13 =	sand.u32 @!p4 $0x1, s17;
	_ =	strace @p1 $0x90000056  }
0x70: {  	s13 =	sadd.s32 @!p0 $0x3, s13;
	_ =	strace @!p0 $0x80000057  }
0x71: {  	p1 =	sne.s32 s12, $0x0;
	s12 =	simm.s32 $0x1;
	_ =	swait.ge @!p0 [sflag:s13], $0x4000  }
0x72: {  	s12 =	simm.s32 @!p1 $0x0;
	[sflag:s13] =	ssyncset.done @!p0 $0x0  }
0x73: {  	s11 =	sadd.s32 $0x1, s11;
	s12 =	sadd.s32 s12, s17;
	[sflag:s13] =	ssyncadd.s32 @!p0 $0xFFFFC000  }
0x74: {  	s12 =	sand.u32 $0x1, s12;
	_ =	strace @!p0 $0x90000057;
	p0 =	sne.s32 s11, s8  }
.Ltmp3:
0x75: {  	s12 =	sadd.s32 $0x3, s12;
	_ =	strace $0x80000058;
	(pc) =	sbr.rel @p0 .LBB2_1-.Ltmp3, $4  }
.Ltmp4:
0x76: {  	_ =	swait.ge [sflag:s12], $0x4000;
	(pc) =	sbr.rel @!p0 .LBB2_8-.Ltmp4, $4  }
0x77: {  	[sflag:s12] =	ssyncset.done $0x0  }
0x78: {  	[sflag:s12] =	ssyncadd.s32 $0xFFFFC000  }
0x79: {  	_ =	strace $0x90000058  }
0x7a: {  	_ = 	snop  }
.LBB2_2:
.Ltmp5:
0x7b: {  	(pc) =	sbr.rel .LBB2_7-.Ltmp5, $4  }
0x7c: {  	_ = 	snop  }
0x7d: {  	s14 =	simm.s32 $0x0  }
0x7e: {  	s12 =	simm.s32 $0x0;
	s15 =	simm.s32 $0x0;
	s17 =	smov.u32 s13  }
0x7f: {  	s20 =	simm.s32 $0x0;
	s18 =	simm.s32 $0x1;
	s13 =	simm.s32 $0x0  }
.LBB2_4:
.Ltmp6:
0x80: {  	(pc) =	sbr.rel .LBB2_7-.Ltmp6, $3  }
0x81: {  	_ =	sdelay $0x1  }
0x82: {  	s14 =	simm.s32 $0x0  }
0x83: {  	s15 =	simm.s32 $0x0;
	s20 =	simm.s32 $0x0;
	p6 =	por $0x1, $0x1  }
.LBB2_8:
0x84: {  	_ =	sfence.sel $0x180000  }
0x85: {  	[bflag:$0x0] =	sbarrier.arrive $0xFFFF  }
0x86: {  	p0 =	sne.s32 s1, $0x0;
	_ =	strace $0x90000051  }
0x87: {  	s0 =	sadd.s32 @!p0 $0x100000, s0;
	[bflag:$0x2] =	sbarrier.arrive $0xFFFF  }
0x88: {  	[sflag:s0] =	ssyncadd.tile.s32 @!p0 $0x1;
	_ =	shalt  }
.Lfunc_end2:
_tile_overlayer_lowered:
.L_overlay_start_2:
0x89: {  	(tag) =	ssettag $0x2  }
0x8a: {  	s0 =	rddreg [dreg:$0x0];
	s2 =	stileid.u32  }
0x8b: {  	s1 =	rddreg [dreg:$0x1];
	p0 =	sne.s32 s2, $0x0  }
0x8c: {  	s3 =	rddreg [dreg:$0x2];
	[bflag:$0x3] =	sbarrier.arrive $0xFFFF;
	s2 =	simm.s32 @!p0 $0x1C01  }
0x8d: {  	[timem:s3], [sflag:s2] =	dma.local @!p0 [hbm:s0], s1  }
0x8e: {  	s0 =	simm.s32 @!p0 $0x1  }
0x8f: {  	_ =	swait.ge @!p0 [sflag:s0], s1  }
0x90: {  	s1 =	ssub.s32 @!p0 $0x0, s1;
	[sflag:s0] =	ssyncset.done @!p0 $0x0  }
0x91: {  	[sflag:s0] =	ssyncadd.s32 @!p0 s1  }
0x92: {  	[bflag:$0x3] =	sbarrier.arrive $0xFFFF  }
0x93: {  	_ =	shalt  }

// kernel: kernel.16.cloned.1.call-start
scs
__scs_entry_jumppad:
0x0: {  	(pc) =	sbr.rel $0x88, $3  }
0x1: {  	(tag) =	ssettag $0x0;
	lr =	simm.s32 $0x1  }
0x2: {  	[smem:$0x3F93] =	sst lr;
	_ =	strace $0xD0000000  }
0x3: {  	_ = 	snop  }
0x4: {  	_ = 	snop  }
0x5: {  	_ = 	snop  }
0x6: {  	_ = 	snop  }
0x7: {  	_ = 	snop  }
__scs_overlays_trampoline_lowered:
0x8: {  	[smem:$0x3FA2] =	sst s0  }
0x9: {  	[smem:$0x3FA3] =	sst s1  }
0xa: {  	[smem:$0x3FA4] =	sst s2  }
0xb: {  	[smem:$0x3FA5] =	sst s3  }
0xc: {  	[smem:$0x3FA6] =	sst s4  }
0xd: {  	[smem:$0x3FA7] =	sst s5  }
0xe: {  	[smem:$0x3FA8] =	sst s6  }
0xf: {  	[smem:$0x3FA9] =	sst s7  }
0x10: {  	[smem:$0x3FAA] =	sst s8  }
0x11: {  	[smem:$0x3FAB] =	sst s9;
	s0 =	simm.s32 @!p0 $0x0  }
0x12: {  	s1 =	sld [smem:$0x3F91];
	s0 =	simm.s32 @p0 $0x1  }
0x13: {  	[smem:$0x3FAC] =	sst s0;
	s0 =	simm.s32 @!p1 $0x0  }
0x14: {  	s2 =	sld [smem:$0x3F90];
	s0 =	simm.s32 @p1 $0x1  }
0x15: {  	[smem:$0x3FAD] =	sst s0;
	s0 =	simm.s32 @!p2 $0x0  }
0x16: {  	s3 =	sld [smem:$0x3FDB];
	s0 =	simm.s32 @p2 $0x1  }
0x17: {  	s4 =	simm.s32 $0x1BF5;
	[smem:$0x3FAF] =	sst s0  }
0x18: {  	s0 =	sld [smem:$0x3F92];
	_ =	swait.ge [sflag:s4], $0x0  }
0x19: {  	s7 =	sld [smem:$0x3F93]  }
0x1a: {  	s8 =	sadd.s32 $0xFFFFE003, lr  }
0x1b: {  	s9 =	sadd.s32 $0xFFFFFEF7, lr;
	s5 =	simm.s32 $0xFFFFFFFF;
	p2 =	slt.u32 s8, $0xFFFFF086  }
0x1c: {  	p1 =	slt.u32 s9, $0xF7A;
	s5 =	simm.s32 @!p2 $0x0  }
0x1d: {  	s5 =	simm.s32 @p1 $0x1;
	p0 =	seq.s32 s7, s2  }
0x1e: {  	s7 =	smul.u32 @!p0 $0xF7A, s2;
	p2 =	seq.s32 @!p0 s5, $0x0  }
0x1f: {  	s9 =	smul.u32 $0xF7A, s1;
	s8 =	simm.s32 @!p0 $0x1BF5;
	p2 =	por !p2, p0  }
0x20: {  	[sflag:s8] =	ssyncset.s32 @!p0 $0xFFFFF086;
	s6 =	sadd.s32 @!p0 s3, s7;
	s7 =	simm.s32 @!p0 $0x108  }
0x21: {  	s3 =	sadd.s32 s3, s9;
	s6 =	sadd.s32 @!p0 $0x88, s6;
	s7 =	simm.s32 @p2 $0x1082  }
0x22: {  	[simem:s7], [sflag:s8] =	dma.local @!p0 [hbm:s6], $0xF7A  }
0x23: {  	s9 =	sor.u32 $0xD0000000, s2;
	s6 =	simm.s32 $0x108;
	_ =	swait.ge @!p0 [sflag:s8], $0x0  }
0x24: {  	s3 =	sadd.s32 $0x88, s3;
	s6 =	simm.s32 @!p1 $0x1082;
	[sflag:s4] =	ssyncset.s32 $0xFFFFF086  }
0x25: {  	[simem:s6], [sflag:s4] =	dma.local [hbm:s3], $0xF7A  }
0x26: {  	[smem:$0x3F93] =	sst s1;
	(tag) =	ssettag s2;
	_ =	strace s9  }
0x27: {  	s1 =	sld [smem:$0x3FA3]  }
0x28: {  	s2 =	sld [smem:$0x3FA4]  }
0x29: {  	s4 =	sld [smem:$0x3FA6]  }
0x2a: {  	p0 =	seq.s32 s5, $0x0;
	s5 =	sld [smem:$0x3FA7]  }
0x2b: {  	s6 =	sld [smem:$0x3FA8]  }
0x2c: {  	s7 =	sld [smem:$0x3FA9]  }
0x2d: {  	s3 =	simm.s32 $0x108;
	s8 =	sld [smem:$0x3FAA]  }
0x2e: {  	s3 =	simm.s32 @!p0 $0x1082;
	s9 =	sld [smem:$0x3FAB]  }
0x2f: {  	lr =	sadd.s32 s0, s3;
	s0 =	sld [smem:$0x3FA2]  }
0x30: {  	s3 =	sld [smem:$0x3FA5]  }
0x31: {  	[smem:$0x3FAE] =	sst s10  }
0x32: {  	s10 =	sld [smem:$0x3FAC];
	_ =	sdelay $0x3  }
0x33: {  	p0 =	seq.s32 s10, $0x1;
	s10 =	sld [smem:$0x3FAE];
	_ =	sdelay $0x3  }
0x34: {  	[smem:$0x3FAE] =	sst s10  }
0x35: {  	s10 =	sld [smem:$0x3FAD];
	_ =	sdelay $0x3  }
0x36: {  	p1 =	seq.s32 s10, $0x1;
	s10 =	sld [smem:$0x3FAE];
	_ =	sdelay $0x3  }
0x37: {  	[smem:$0x3FAE] =	sst s10  }
0x38: {  	s10 =	sld [smem:$0x3FAF]  }
0x39: {  	_ = 	snop;
	(pc) =	sbr.ind lr, $3  }
0x3a: {  	_ = 	snop  }
0x3b: {  	_ = 	snop  }
0x3c: {  	p2 =	seq.s32 s10, $0x1;
	s10 =	sld [smem:$0x3FAE]  }
0x3d: {  	_ =	shalt  }
0x3e: {  	_ =	shalt  }
0x3f: {  	_ =	shalt  }
0x40: {  	_ =	shalt  }
0x41: {  	_ =	shalt  }
0x42: {  	_ =	shalt  }
0x43: {  	_ =	shalt  }
0x44: {  	_ =	shalt  }
0x45: {  	_ =	shalt  }
0x46: {  	_ =	shalt  }
0x47: {  	_ =	shalt  }
0x48: {  	_ =	shalt  }
0x49: {  	_ =	shalt  }
0x4a: {  	_ =	shalt  }
0x4b: {  	_ =	shalt  }
0x4c: {  	_ =	shalt  }
0x4d: {  	_ =	shalt  }
0x4e: {  	_ =	shalt  }
0x4f: {  	_ =	shalt  }
0x50: {  	_ =	shalt  }
0x51: {  	_ =	shalt  }
0x52: {  	_ =	shalt  }
0x53: {  	_ =	shalt  }
0x54: {  	_ =	shalt  }
0x55: {  	_ =	shalt  }
0x56: {  	_ =	shalt  }
0x57: {  	_ =	shalt  }
0x58: {  	_ =	shalt  }
0x59: {  	_ =	shalt  }
0x5a: {  	_ =	shalt  }
0x5b: {  	_ =	shalt  }
0x5c: {  	_ =	shalt  }
0x5d: {  	_ =	shalt  }
0x5e: {  	_ =	shalt  }
0x5f: {  	_ =	shalt  }
0x60: {  	_ =	shalt  }
0x61: {  	_ =	shalt  }
0x62: {  	_ =	shalt  }
0x63: {  	_ =	shalt  }
0x64: {  	_ =	shalt  }
0x65: {  	_ =	shalt  }
0x66: {  	_ =	shalt  }
0x67: {  	_ =	shalt  }
0x68: {  	_ =	shalt  }
0x69: {  	_ =	shalt  }
0x6a: {  	_ =	shalt  }
0x6b: {  	_ =	shalt  }
0x6c: {  	_ =	shalt  }
0x6d: {  	_ =	shalt  }
0x6e: {  	_ =	shalt  }
0x6f: {  	_ =	shalt  }
0x70: {  	_ =	shalt  }
0x71: {  	_ =	shalt  }
0x72: {  	_ =	shalt  }
0x73: {  	_ =	shalt  }
0x74: {  	_ =	shalt  }
0x75: {  	_ =	shalt  }
0x76: {  	_ =	shalt  }
0x77: {  	_ =	shalt  }
0x78: {  	_ =	shalt  }
0x79: {  	_ =	shalt  }
0x7a: {  	_ =	shalt  }
0x7b: {  	_ =	shalt  }
0x7c: {  	_ =	shalt  }
0x7d: {  	_ =	shalt  }
0x7e: {  	_ =	shalt  }
0x7f: {  	_ =	shalt  }
0x80: {  	_ =	shalt  }
0x81: {  	_ =	shalt  }
0x82: {  	_ =	shalt  }
0x83: {  	_ =	shalt  }
0x84: {  	_ =	shalt  }
0x85: {  	_ =	shalt  }
0x86: {  	_ =	shalt  }
0x87: {  	_ =	shalt  }
.Lfunc_end0:
.L_simem_size_0:
called_computation.2_lowered:
.L_overlay_start_0:
0x88: {  	s2 =	sld [smem:$0x3FD9]  }
0x89: {  	s3 =	sld [smem:$0x3FFE];
	_ =	sdelay $0x1  }
0x8a: {  	s1 =	srdreg.scid  }
0x8b: {  	s0 =	sand.u32 $0x1, s1  }
0x8c: {  	s17 =	sshll.u32 s0, $0xA;
	s2 =	sadd.s32 s3, s2  }
0x8d: {  	s2 =	sadd.s32 s2, s17  }
0x8e: {  	[smem:$0x3FBA] =	sst s2  }
0x8f: {  	_ = 	snop  }
0x90: {  	s18 =	sld [smem:$0x3FD0];
	(tm) =	ssettm $0x1  }
0x91: {  	s19 =	sld [smem:$0x3FFB];
	_ =	sdelay $0x3  }
0x92: {  	_ =	strace s19  }
0x93: {  	s2 =	sld [smem:$0x3FFC];
	_ =	sdelay $0x3  }
0x94: {  	_ =	strace s2  }
0x95: {  	s2 =	sld [smem:$0x3FFD];
	_ =	sdelay $0x3  }
0x96: {  	_ =	strace s2  }
0x97: {  	_ =	strace $0x8FFFFFFF  }
0x98: {  	s20 =	sld [smem:$0x3FDB];
	_ =	sdelay $0x1  }
0x99: {  	s4 =	simm.s32 $_scs_section_size  }
0x9a: {  	s5 =	simm.s32 $_size__tile_overlayer_lowered;
	s6 =	simm.s32 $_tile_overlayer_lowered  }
0x9b: {  	s7 =	simm.s32 $0x1BFF;
	s21 =	sshll.u32 s6, $0x1;
	s4 =	sadd.s32 s4, s20  }
0x9c: {  	s22 =	simm.s32 $0x0;
	s5 =	sshll.u32 s5, $0x1;
	s6 =	sadd.s32 s21, s4  }
0x9d: {  	[timem:s22], [sflag:s7] =	dma.local [hbm:s6], s5  }
0x9e: {  	_ =	swait.ge [sflag:s7], s5  }
0x9f: {  	s5 =	ssub.s32 $0x0, s5;
	[sflag:s7] =	ssyncset.done $0x0  }
0xa0: {  	[sflag:s7] =	ssyncadd.s32 s5;
	_ =	sdelay $0x1  }
0xa1: {  	s23 =	simm.s32 $0x1B8B  }
0xa2: {  	_ =	swait.ge [sflag:s23], $0x1  }
0xa3: {  	[sflag:s23] =	ssyncset.done $0x0  }
0xa4: {  	[sflag:s23] =	ssyncadd.s32 $0xFFFFFFFF  }
0xa5: {  	s5 =	sld [smem:$0x0]  }
0xa6: {  	s6 =	sand.u32 $0xFFFFFFFE, s1  }
0xa7: {  	p0 =	sne.s32 s1, s6  }
0xa8: {  	s6 =	sshll.u32 @p0 s6, $0xE  }
0xa9: {  	s6 =	sadd.s32 @p0 $0x11B8D, s6;
	s7 =	sshll.u32 @p0 s5, $0x11  }
0xaa: {  	s6 =	sor.u32 @p0 s7, s6  }
0xab: {  	[sflag:s6] =	ssyncadd.remote.s32 @p0 $0x1;
	_ =	sdelay $0x1  }
0xac: {  	s6 =	simm.s32 @p0 $0x1B8D  }
0xad: {  	_ =	swait.eq @p0 [sflag:s6], $0x1  }
0xae: {  	[sflag:s6] =	ssyncadd.s32 @p0 $0xFFFFFFFF  }
0xaf: {  	s7 =	sshll.u32 @!p0 s1, $0xE  }
0xb0: {  	s7 =	sor.u32 @!p0 $0x4000, s7;
	s6 =	simm.s32 @!p0 $0x1B8D  }
0xb1: {  	s5 =	sshll.u32 @!p0 s5, $0x11;
	s7 =	sadd.s32 @!p0 $0x11B8D, s7;
	_ =	swait.eq @!p0 [sflag:s6], $0x1  }
0xb2: {  	s5 =	sor.u32 @!p0 s5, s7;
	[sflag:s6] =	ssyncadd.s32 @!p0 $0xFFFFFFFF  }
0xb3: {  	s25 =	simm.s32 $0x1B8E;
	s24 =	sld [smem:$0x3FFE];
	[sflag:s5] =	ssyncadd.remote.s32 @!p0 $0x1  }
0xb4: {  	s26 =	simm.s32 $execute0_lowered;
	[smem:$0x3FD2] =	sst s25  }
0xb5: {  	s6 =	sshll.u32 s26, $0x1;
	_ =	strace $0x8000005A;
	[dreg:$0x1] =	wrdreg $0xFFFFFFFF  }
0xb6: {  	s28 =	simm.s32 $_size_execute0_lowered;
	s4 =	sadd.s32 s4, s6;
	[dreg:$0x0] =	wrdreg $0x0  }
0xb7: {  	s6 =	sshll.u32 s28, $0x1;
	[dreg:$0x2] =	wrdreg s4  }
0xb8: {  	[dreg:$0x3] =	wrdreg s6  }
0xb9: {  	[dreg:$0x4] =	wrdreg $0xC0  }
0xba: {  	_ =	task [dreg:s22], $0x5FFFF  }
0xbb: {  	[dreg:$0x1] =	wrdreg $0xFFFFFFFF  }
0xbc: {  	[dreg:$0x0] =	wrdreg $0x60  }
0xbd: {  	[dreg:$0x2] =	wrdreg s24  }
0xbe: {  	[dreg:$0x3] =	wrdreg s18  }
0xbf: {  	[dreg:$0x4] =	wrdreg $0xB  }
0xc0: {  	_ =	task.clear_ibuf [dreg:s22], $0x5FFFF;
	_ =	strace $0x9000005A  }
0xc1: {  	s29 =	simm.s32 $0xB;
	_ =	strace $0x80000063  }
0xc2: {  	_ =	swait.ge [sflag:s29], $0x1  }
0xc3: {  	[sflag:s29] =	ssyncadd.s32 $0xFFFFFFFF  }
0xc4: {  	_ =	strace $0x90000063  }
0xc5: {  	_ =	sfence  }
0xc6: {  	s30 =	sld [smem:$0x0];
	_ =	sdelay $0x2  }
0xc7: {  	s31 =	sshll.u32 s1, $0xD;
	s1 =	sshrl.u32 s1, $0x2  }
0xc8: {  	s4 =	sand.u32 $0x4000, s31;
	s1 =	sadd.s32 s1, s30  }
0xc9: {  	s0 =	sor.u32 s4, s0;
	s1 =	sshll.u32 s1, $0x11  }
0xca: {  	s0 =	sor.u32 s1, s0  }
0xcb: {  	s0 =	sadd.s32 $0x8F2B, s0  }
0xcc: {  	[sflag:s0] =	ssyncadd.remote.s32 $0x1  }
0xcd: {  	_ =	sfence.sel $0xFFFF  }
0xce: {  	[dreg:$0x0] =	wrdreg $0xFFFFFFFF;
	(pc) =	sbr.abs _section_cstart, $3  }
0xcf: {  	[dreg:$0x1] =	wrdreg $0xFFFFFFFF  }
0xd0: {  	_ =	task.clear_ibuf [dreg:s22], $0x2FFFF;
	_ =	strace $0x9FFFFFFF  }
0xd1: {  	(tm) =	ssettm $0x7FFFFFFF  }
tec
execute0_lowered:
.L_overlay_start_1:
0x0: {  	(tag) =	ssettag $0x1  }
0x1: {  	s4 =	rddreg [dreg:$0x0];
	s0 =	srdreg.scid  }
0x2: {  	s1 =	rddreg [dreg:$0x1];
	s2 =	simm.s32 $0x0;
	s9 =	simm.s32 $0x1  }
0x3: {  	s10 =	simm.s32 $0x80;
	s5 =	sand.u32 $0x1, s0;
	[dreg:$0x5] =	wrdreg s1  }
0x4: {  	s1 =	stileid.u32;
	s0 =	rddreg [dreg:$0x2];
	s3 =	sshll.u32 s5, $0x4  }
0x5: {  	s11 =	simm.s32 $0x0;
	[smem:$0x7FF] =	sst s2;
	s3 =	sor.u32 s1, s3  }
0x6: {  	s7 =	sadd.s32 $0x25400, s4;
	s4 =	sadd.s32 $0x1FC800, s4;
	s6 =	smul.u32 $0x3, s3  }
0x7: {  	_ =	strace $0x8000005B;
	[dreg:$0x3] =	wrdreg s7;
	s29 =	ssub.s32 $0x2, s5  }
0x8: {  	p0 =	slt.u32 s3, $0x1D;
	s8 =	sshll.u32 s3, $0x2;
	s3 =	sadd.s32 $0x1D, s6  }
0x9: {  	s5 =	simm.s32 $0x4;
	[dreg:$0x4] =	wrdreg s10;
	s3 =	smov.u32 @p0 s8  }
0xa: {  	s10 =	simm.s32 $0x5;
	s31 =	sshrl.u32 s29, $0x1;
	s30 =	sshll.u32 s3, $0x4  }
0xb: {  	s5 =	simm.s32 @!p0 $0x3;
	s8 =	ssub.s32 s29, s31;
	s7 =	sand.u32 $0x1FFFFFF0, s30  }
0xc: {  	s8 =	smax.u32 s8, $0x1;
	s6 =	sadd.s32 s4, s7;
	s7 =	sadd.s32 $0xFFFFFFFF, s5  }
.LBB2_1:
0xd: {  	_ =	strace $0x8000005C;
	p2 =	sne.s32 s5, $0x1  }
.Ltmp0:
0xe: {  	p0 =	seq.s32 s5, $0x1;
	s13 =	simm.s32 $0x1;
	(pc) =	sbr.rel @!p2 .LBB2_2-.Ltmp0, $4  }
0xf: {  	[tilespmem:s2], [sflag:$0x1] =	stream.linear.gather [hbm4b:s6+s2], $0x80, $0x200038;
	[tilespmem:$0x8100] =	vst v63  }
0x10: {  	s12 =	simm.s32 $0x1;
	p1 =	por $0x1, $0x1;
	s13 =	simm.s32 @p0 $0x0  }
0x11: {  	p6 =	sgt.s32 s7, $0x0;
	p4 =	por p1, p1;
	p3 =	sne.s32 s13, $0x0  }
0x12: {  	_ =	strace $0x9000005C;
	p5 =	por !p6, !p3;
	p6 =	por $0x0, $0x0  }
0x13: {  	p2 =	por !p5, !p5  }
0x14: {  	s21 =	sand.u32 $0x1, s2;
	s19 =	simm.s32 $0x2;
	s14 =	sadd.s32 @p2 s3, s13  }
0x15: {  	p1 =	por p3, p3;
	s15 =	sand.u32 @p2 $0x1, s9;
	s14 =	sshll.u32 @p2 s14, $0x4  }
0x16: {  	_ =	strace @p2 $0x8000005D;
	s17 =	simm.s32 @p2 $0x0;
	s14 =	sand.u32 @p2 $0x1FFFFFF0, s14  }
0x17: {  	s16 =	sshll.u32 @p2 s15, $0x7;
	s15 =	sadd.s32 @p2 $0x1, s15;
	s14 =	sadd.s32 @p2 s4, s14  }
0x18: {  	[tilespmem:s16], [sflag:s15] =	stream.linear.gather @p2 [hbm4b:s14+s17], $0x80, $0x200038;
	[tilespmem:$0x8100] =	vst v63  }
0x19: {  	s30 =	simm.s32 $0x0;
	p6 =	por $0x0, $0x0;
	_ =	strace @p2 $0x9000005D  }
0x1a: {  	p0 =	sne.s32 s5, $0x2;
	s29 =	sadd.s32 $0x1, s21;
	_ =	strace $0x8000005E  }
0x1b: {  	s24 =	sadd.s32 $0x0, s3;
	p5 =	sgt.s32 s7, $0x1;
	_ =	swait.ge [sflag:s29], $0x80  }
0x1c: {  	s23 =	simm.s32 $0x1;
	s22 =	sshll.u32 s21, $0xE;
	[sflag:s29] =	ssyncset.done $0x0  }
0x1d: {  	s22 =	sor.u32 $0x100, s22;
	s16 =	sand.u32 @!p4 $0x1, s2;
	[sflag:s29] =	ssyncadd.s32 $0xFFFFFF80  }
0x1e: {  	s15 =	simm.s32 $0x1;
	s17 =	sadd.s32 $0x1, s13;
	_ =	strace $0x9000005E  }
0x1f: {  	s14 =	sand.u32 $0x80, s30;
	s15 =	simm.s32 @!p2 $0x0;
	_ =	strace $0x8000005F  }
0x20: {  	p2 =	por p4, p4;
	p4 =	por p6, p6;
	s20 =	rddreg [dreg:$0x4]  }
0x21: {  	p3 =	seq.s32 s17, s5;
	p6 =	seq.s32 s7, $0x0;
	s31 =	rddreg [dreg:$0x3]  }
0x22: {  	[tilespmem:s22], [sflag:$0x5] =	stream.indirect.gather [hbm4b:s31+s20], $0x80, s14, s20, $0x2000b8;
	[tilespmem:$0x8100] =	vst v63  }
.Ltmp1:
0x23: {  	s18 =	sadd.s32 $0x1, s15;
	s17 =	simm.s32 @p3 $0x0;
	(pc) =	sbr.rel @!p0 .LBB2_4-.Ltmp1, $4  }
0x24: {  	p1 =	por p6, p1;
	p6 =	por $0x0, $0x0;
	_ =	swait.ge [sflag:s10], $0x4000  }
0x25: {  	s15 =	simm.s32 $0x0;
	p3 =	sne.s32 s13, s17;
	[sflag:s10] =	ssyncset.done $0x0  }
0x26: {  	s23 =	simm.s32 @!p6 $0x0;
	p5 =	por !p5, !p3;
	[sflag:s10] =	ssyncadd.s32 $0xFFFFC000  }
0x27: {  	s14 =	simm.s32 $0x0;
	s20 =	simm.s32 $0x0;
	_ =	strace $0x9000005F  }
.LBB2_5:
0x28: {  	_ =	strace @p1 $0x80000060;
	s14 =	sadd.s32 s23, s14;
	s23 =	smov.u32 s12  }
0x29: {  	s12 =	smov.u32 s19;
	s19 =	sadd.s32 $0x1, s19;
	p0 =	por p3, p3  }
0x2a: {  	s29 =	sshll.u32 @p1 s24, $0xB;
	s21 =	sadd.s32 @p1 $0x3, s21;
	s25 =	simm.s32 @!p0 $0x0  }
0x2b: {  	s26 =	rddreg [dreg:$0x5];
	s29 =	sand.u32 @p1 $0x1FFFF800, s29;
	s25 =	simm.s32 @p0 $0x1  }
0x2c: {  	s26 =	sadd.s32 @p1 s26, s29;
	s29 =	simm.s32 @p1 $0x0;
	p0 =	sne.s32 s5, s19  }
0x2d: {  	[hbm4b:s26+s29] =	stream.linear.scatter @p1 [tilespmem:s22], [sflag:s21], $0x4000, $0x200038;
	[tilespmem:$0x8100] =	vst v63  }
0x2e: {  	s21 =	sadd.s32 @!p2 $0x3, s16;
	s16 =	simm.s32 @!p0 $0x0  }
0x2f: {  	s28 =	simm.s32 $0x1;
	[smem:$0x7FC] =	sst s25;
	s16 =	simm.s32 @p0 $0x1  }
0x30: {  	s28 =	simm.s32 @!p1 $0x0;
	_ =	strace @p1 $0x90000060;
	[smem:$0x7FD] =	sst s16  }
0x31: {  	s20 =	sadd.s32 s28, s20;
	s25 =	sand.u32 @!p4 $0x1, s14;
	_ =	strace @!p2 $0x80000061  }
0x32: {  	p1 =	por !p5, !p5;
	s16 =	smov.u32 s25;
	_ =	swait.ge @!p2 [sflag:s21], $0x4000  }
0x33: {  	s22 =	sand.u32 @p1 $0x1, s18;
	s25 =	sadd.s32 @p1 s3, s17;
	[sflag:s21] =	ssyncset.done @!p2 $0x0  }
0x34: {  	s26 =	sshll.u32 @p1 s22, $0x7;
	s25 =	sshll.u32 @p1 s25, $0x4;
	[sflag:s21] =	ssyncadd.s32 @!p2 $0xFFFFC000  }
0x35: {  	s21 =	sadd.s32 @p1 $0x1, s22;
	s22 =	sand.u32 @p1 $0x1FFFFFF0, s25;
	_ =	strace @!p2 $0x90000061  }
0x36: {  	s25 =	simm.s32 @p1 $0x0;
	s22 =	sadd.s32 @p1 s4, s22;
	_ =	strace @p1 $0x8000005D  }
0x37: {  	[tilespmem:s26], [sflag:s21] =	stream.linear.gather @p1 [hbm4b:s22+s25], $0x80, $0x200038;
	[tilespmem:$0x8100] =	vst v63  }
0x38: {  	s15 =	sadd.s32 s28, s15;
	s28 =	sand.u32 $0x1, s20;
	_ =	strace @p1 $0x9000005D  }
0x39: {  	s28 =	sadd.s32 $0x1, s28;
	_ =	strace $0x8000005E  }
0x3a: {  	_ =	swait.ge [sflag:s28], $0x80  }
0x3b: {  	[sflag:s28] =	ssyncset.done $0x0  }
0x3c: {  	s21 =	simm.s32 $0x1;
	[sflag:s28] =	ssyncadd.s32 $0xFFFFFF80  }
0x3d: {  	s21 =	simm.s32 @!p1 $0x0;
	_ =	strace $0x9000005E  }
0x3e: {  	s18 =	sadd.s32 s21, s18;
	s21 =	sand.u32 $0x1, s15;
	_ =	strace $0x8000005F  }
0x3f: {  	s31 =	sshll.u32 s20, $0x7;
	s29 =	sshll.u32 s21, $0xE;
	s25 =	rddreg [dreg:$0x4]  }
0x40: {  	s31 =	sand.u32 $0x80, s31;
	s22 =	sor.u32 $0x100, s29;
	s26 =	rddreg [dreg:$0x3]  }
0x41: {  	[tilespmem:s22], [sflag:$0x5] =	stream.indirect.gather [hbm4b:s26+s25], $0x80, s31, s25, $0x2000b8;
	[tilespmem:$0x8100] =	vst v63  }
0x42: {  	_ =	swait.ge [sflag:s10], $0x4000  }
0x43: {  	[sflag:s10] =	ssyncset.done $0x0  }
0x44: {  	[sflag:s10] =	ssyncadd.s32 $0xFFFFC000  }
0x45: {  	s30 =	sadd.s32 $0x1, s17;
	_ =	strace $0x9000005F  }
0x46: {  	s24 =	sadd.s32 s3, s13;
	s13 =	smov.u32 s17;
	s31 =	sld [smem:$0x7FD]  }
0x47: {  	p0 =	sne.s32 s23, $0x0;
	s17 =	smov.u32 s30;
	p1 =	seq.s32 s30, s5  }
0x48: {  	s17 =	simm.s32 @p1 $0x0;
	p1 =	seq.s32 s7, s23;
	s23 =	simm.s32 $0x1  }
0x49: {  	s23 =	simm.s32 @!p0 $0x0;
	p0 =	seq.s32 s31, $0x1  }
.Ltmp2:
0x4a: {  	s30 =	sld [smem:$0x7FC];
	(pc) =	sbr.rel @p0 .LBB2_5-.Ltmp2, $4  }
0x4b: {  	p3 =	seq.s32 s12, $0x0  }
0x4c: {  	p6 =	por p3, p3;
	p5 =	slt.s32 s12, s7  }
0x4d: {  	p2 =	por p4, p4;
	p3 =	sne.s32 s13, s17;
	p4 =	seq.s32 s30, $0x1  }
0x4e: {  	p5 =	por !p5, !p3;
	p1 =	por p1, p4;
	p4 =	por p6, p6  }
0x4f: {  	p6 =	por $0x1, $0x1  }
.LBB2_7:
0x50: {  	p0 =	por !p1, !p6  }
0x51: {  	s25 =	simm.s32 $0x1;
	_ =	strace @!p0 $0x80000060;
	s24 =	sshll.u32 @!p0 s24, $0xB  }
0x52: {  	p2 =	por p2, !p6;
	s19 =	rddreg [dreg:$0x5];
	s24 =	sand.u32 @!p0 $0x1FFFF800, s24  }
0x53: {  	s21 =	sadd.s32 @!p0 $0x3, s21;
	s19 =	sadd.s32 @!p0 s19, s24;
	s24 =	simm.s32 @!p0 $0x0  }
0x54: {  	[hbm4b:s19+s24] =	stream.linear.scatter @!p0 [tilespmem:s22], [sflag:s21], $0x4000, $0x200038;
	[tilespmem:$0x8100] =	vst v63  }
0x55: {  	p1 =	por !p5, !p5;
	s25 =	simm.s32 @p0 $0x0;
	_ =	strace @!p0 $0x90000060  }
0x56: {  	s16 =	sadd.s32 @!p2 $0x3, s16;
	s17 =	sadd.s32 @p1 s3, s17;
	_ =	strace @!p2 $0x80000061  }
0x57: {  	s18 =	sand.u32 @p1 $0x1, s18;
	s17 =	sshll.u32 @p1 s17, $0x4;
	_ =	swait.ge @!p2 [sflag:s16], $0x4000  }
0x58: {  	s17 =	sand.u32 @p1 $0x1FFFFFF0, s17;
	s19 =	sadd.s32 @p6 s25, s20;
	[sflag:s16] =	ssyncset.done @!p2 $0x0  }
0x59: {  	s20 =	simm.s32 $0x0;
	s17 =	sadd.s32 @p1 s4, s17;
	[sflag:s16] =	ssyncadd.s32 @!p2 $0xFFFFC000  }
0x5a: {  	s20 =	smov.u32 @p6 s19;
	s19 =	sshll.u32 @p1 s18, $0x7;
	_ =	strace @!p2 $0x90000061  }
0x5b: {  	s16 =	sadd.s32 @p1 $0x1, s18;
	s18 =	simm.s32 @p1 $0x0;
	_ =	strace @p1 $0x8000005D  }
0x5c: {  	[tilespmem:s19], [sflag:s16] =	stream.linear.gather @p1 [hbm4b:s17+s18], $0x80, $0x200038;
	[tilespmem:$0x8100] =	vst v63  }
0x5d: {  	s26 =	sand.u32 $0x1, s20;
	_ =	strace @p1 $0x9000005D  }
0x5e: {  	s16 =	sadd.s32 $0x1, s26;
	_ =	strace $0x8000005E  }
0x5f: {  	_ =	swait.ge [sflag:s16], $0x80  }
0x60: {  	[sflag:s16] =	ssyncset.done $0x0  }
0x61: {  	s15 =	sadd.s32 @p6 s25, s15;
	[sflag:s16] =	ssyncadd.s32 $0xFFFFFF80;
	s16 =	simm.s32 $0x0  }
0x62: {  	_ =	strace $0x9000005E;
	s16 =	smov.u32 @p6 s15  }
0x63: {  	_ =	strace $0x8000005F;
	s16 =	sand.u32 $0x1, s16  }
0x64: {  	s30 =	sshll.u32 s20, $0x7;
	s28 =	rddreg [dreg:$0x4];
	s31 =	sshll.u32 s16, $0xE  }
0x65: {  	s18 =	sand.u32 $0x80, s30;
	s29 =	rddreg [dreg:$0x3];
	s19 =	sor.u32 $0x100, s31  }
0x66: {  	[tilespmem:s19], [sflag:$0x5] =	stream.indirect.gather [hbm4b:s29+s28], $0x80, s18, s28, $0x2000b8;
	[tilespmem:$0x8100] =	vst v63  }
0x67: {  	_ =	swait.ge [sflag:s10], $0x4000  }
0x68: {  	p3 =	por p3, p3;
	[sflag:s10] =	ssyncset.done $0x0  }
0x69: {  	p5 =	seq.s32 s7, s12;
	s13 =	sadd.s32 s3, s13;
	[sflag:s10] =	ssyncadd.s32 $0xFFFFC000  }
0x6a: {  	s14 =	sadd.s32 @p6 s23, s14;
	p1 =	por p5, p3;
	_ =	strace $0x9000005F  }
0x6b: {  	s17 =	simm.s32 $0x0;
	s13 =	sshll.u32 @p1 s13, $0xB;
	_ =	strace @p1 $0x80000060  }
0x6c: {  	s17 =	smov.u32 @p6 s14;
	s13 =	sand.u32 @p1 $0x1FFFF800, s13;
	s15 =	rddreg [dreg:$0x5]  }
0x6d: {  	s14 =	sadd.s32 @p1 $0x3, s16;
	s13 =	sadd.s32 @p1 s15, s13;
	s15 =	simm.s32 @p1 $0x0  }
0x6e: {  	[hbm4b:s13+s15] =	stream.linear.scatter @p1 [tilespmem:s19], [sflag:s14], $0x4000, $0x200038;
	[tilespmem:$0x8100] =	vst v63  }
0x6f: {  	p0 =	por p4, p4;
	s13 =	sand.u32 @!p4 $0x1, s17;
	_ =	strace @p1 $0x90000060  }
0x70: {  	s13 =	sadd.s32 @!p0 $0x3, s13;
	_ =	strace @!p0 $0x80000061  }
0x71: {  	p1 =	sne.s32 s12, $0x0;
	s12 =	simm.s32 $0x1;
	_ =	swait.ge @!p0 [sflag:s13], $0x4000  }
0x72: {  	s12 =	simm.s32 @!p1 $0x0;
	[sflag:s13] =	ssyncset.done @!p0 $0x0  }
0x73: {  	s11 =	sadd.s32 $0x1, s11;
	s12 =	sadd.s32 s12, s17;
	[sflag:s13] =	ssyncadd.s32 @!p0 $0xFFFFC000  }
0x74: {  	s12 =	sand.u32 $0x1, s12;
	_ =	strace @!p0 $0x90000061;
	p0 =	sne.s32 s11, s8  }
.Ltmp3:
0x75: {  	s12 =	sadd.s32 $0x3, s12;
	_ =	strace $0x80000062;
	(pc) =	sbr.rel @p0 .LBB2_1-.Ltmp3, $4  }
.Ltmp4:
0x76: {  	_ =	swait.ge [sflag:s12], $0x4000;
	(pc) =	sbr.rel @!p0 .LBB2_8-.Ltmp4, $4  }
0x77: {  	[sflag:s12] =	ssyncset.done $0x0  }
0x78: {  	[sflag:s12] =	ssyncadd.s32 $0xFFFFC000  }
0x79: {  	_ =	strace $0x90000062  }
0x7a: {  	_ = 	snop  }
.LBB2_2:
.Ltmp5:
0x7b: {  	(pc) =	sbr.rel .LBB2_7-.Ltmp5, $4  }
0x7c: {  	_ = 	snop  }
0x7d: {  	s14 =	simm.s32 $0x0  }
0x7e: {  	s12 =	simm.s32 $0x0;
	s15 =	simm.s32 $0x0;
	s17 =	smov.u32 s13  }
0x7f: {  	s20 =	simm.s32 $0x0;
	s18 =	simm.s32 $0x1;
	s13 =	simm.s32 $0x0  }
.LBB2_4:
.Ltmp6:
0x80: {  	(pc) =	sbr.rel .LBB2_7-.Ltmp6, $3  }
0x81: {  	_ =	sdelay $0x1  }
0x82: {  	s14 =	simm.s32 $0x0  }
0x83: {  	s15 =	simm.s32 $0x0;
	s20 =	simm.s32 $0x0;
	p6 =	por $0x1, $0x1  }
.LBB2_8:
0x84: {  	_ =	sfence.sel $0x180000  }
0x85: {  	[bflag:$0x0] =	sbarrier.arrive $0xFFFF  }
0x86: {  	p0 =	sne.s32 s1, $0x0;
	_ =	strace $0x9000005B  }
0x87: {  	s0 =	sadd.s32 @!p0 $0x100000, s0;
	[bflag:$0x2] =	sbarrier.arrive $0xFFFF  }
0x88: {  	[sflag:s0] =	ssyncadd.tile.s32 @!p0 $0x1;
	_ =	shalt  }
.Lfunc_end2:
_tile_overlayer_lowered:
.L_overlay_start_2:
0x89: {  	(tag) =	ssettag $0x2  }
0x8a: {  	s0 =	rddreg [dreg:$0x0];
	s2 =	stileid.u32  }
0x8b: {  	s1 =	rddreg [dreg:$0x1];
	p0 =	sne.s32 s2, $0x0  }
0x8c: {  	s3 =	rddreg [dreg:$0x2];
	[bflag:$0x3] =	sbarrier.arrive $0xFFFF;
	s2 =	simm.s32 @!p0 $0x1C01  }
0x8d: {  	[timem:s3], [sflag:s2] =	dma.local @!p0 [hbm:s0], s1  }
0x8e: {  	s0 =	simm.s32 @!p0 $0x1  }
0x8f: {  	_ =	swait.ge @!p0 [sflag:s0], s1  }
0x90: {  	s1 =	ssub.s32 @!p0 $0x0, s1;
	[sflag:s0] =	ssyncset.done @!p0 $0x0  }
0x91: {  	[sflag:s0] =	ssyncadd.s32 @!p0 s1  }
0x92: {  	[bflag:$0x3] =	sbarrier.arrive $0xFFFF  }
0x93: {  	_ =	shalt  }

// kernel: kernel.19.cloned.1.call-start
scs
__scs_entry_jumppad:
0x0: {  	(pc) =	sbr.rel $0x88, $3  }
0x1: {  	(tag) =	ssettag $0x0;
	lr =	simm.s32 $0x1  }
0x2: {  	[smem:$0x3F93] =	sst lr;
	_ =	strace $0xD0000000  }
0x3: {  	_ = 	snop  }
0x4: {  	_ = 	snop  }
0x5: {  	_ = 	snop  }
0x6: {  	_ = 	snop  }
0x7: {  	_ = 	snop  }
__scs_overlays_trampoline_lowered:
0x8: {  	[smem:$0x3FA2] =	sst s0  }
0x9: {  	[smem:$0x3FA3] =	sst s1  }
0xa: {  	[smem:$0x3FA4] =	sst s2  }
0xb: {  	[smem:$0x3FA5] =	sst s3  }
0xc: {  	[smem:$0x3FA6] =	sst s4  }
0xd: {  	[smem:$0x3FA7] =	sst s5  }
0xe: {  	[smem:$0x3FA8] =	sst s6  }
0xf: {  	[smem:$0x3FA9] =	sst s7  }
0x10: {  	[smem:$0x3FAA] =	sst s8  }
0x11: {  	[smem:$0x3FAB] =	sst s9;
	s0 =	simm.s32 @!p0 $0x0  }
0x12: {  	s1 =	sld [smem:$0x3F91];
	s0 =	simm.s32 @p0 $0x1  }
0x13: {  	[smem:$0x3FAC] =	sst s0;
	s0 =	simm.s32 @!p1 $0x0  }
0x14: {  	s2 =	sld [smem:$0x3F90];
	s0 =	simm.s32 @p1 $0x1  }
0x15: {  	[smem:$0x3FAD] =	sst s0;
	s0 =	simm.s32 @!p2 $0x0  }
0x16: {  	s3 =	sld [smem:$0x3FDB];
	s0 =	simm.s32 @p2 $0x1  }
0x17: {  	s4 =	simm.s32 $0x1BF5;
	[smem:$0x3FAF] =	sst s0  }
0x18: {  	s0 =	sld [smem:$0x3F92];
	_ =	swait.ge [sflag:s4], $0x0  }
0x19: {  	s7 =	sld [smem:$0x3F93]  }
0x1a: {  	s8 =	sadd.s32 $0xFFFFE003, lr  }
0x1b: {  	s9 =	sadd.s32 $0xFFFFFEF7, lr;
	s5 =	simm.s32 $0xFFFFFFFF;
	p2 =	slt.u32 s8, $0xFFFFF086  }
0x1c: {  	p1 =	slt.u32 s9, $0xF7A;
	s5 =	simm.s32 @!p2 $0x0  }
0x1d: {  	s5 =	simm.s32 @p1 $0x1;
	p0 =	seq.s32 s7, s2  }
0x1e: {  	s7 =	smul.u32 @!p0 $0xF7A, s2;
	p2 =	seq.s32 @!p0 s5, $0x0  }
0x1f: {  	s9 =	smul.u32 $0xF7A, s1;
	s8 =	simm.s32 @!p0 $0x1BF5;
	p2 =	por !p2, p0  }
0x20: {  	[sflag:s8] =	ssyncset.s32 @!p0 $0xFFFFF086;
	s6 =	sadd.s32 @!p0 s3, s7;
	s7 =	simm.s32 @!p0 $0x108  }
0x21: {  	s3 =	sadd.s32 s3, s9;
	s6 =	sadd.s32 @!p0 $0x88, s6;
	s7 =	simm.s32 @p2 $0x1082  }
0x22: {  	[simem:s7], [sflag:s8] =	dma.local @!p0 [hbm:s6], $0xF7A  }
0x23: {  	s9 =	sor.u32 $0xD0000000, s2;
	s6 =	simm.s32 $0x108;
	_ =	swait.ge @!p0 [sflag:s8], $0x0  }
0x24: {  	s3 =	sadd.s32 $0x88, s3;
	s6 =	simm.s32 @!p1 $0x1082;
	[sflag:s4] =	ssyncset.s32 $0xFFFFF086  }
0x25: {  	[simem:s6], [sflag:s4] =	dma.local [hbm:s3], $0xF7A  }
0x26: {  	[smem:$0x3F93] =	sst s1;
	(tag) =	ssettag s2;
	_ =	strace s9  }
0x27: {  	s1 =	sld [smem:$0x3FA3]  }
0x28: {  	s2 =	sld [smem:$0x3FA4]  }
0x29: {  	s4 =	sld [smem:$0x3FA6]  }
0x2a: {  	p0 =	seq.s32 s5, $0x0;
	s5 =	sld [smem:$0x3FA7]  }
0x2b: {  	s6 =	sld [smem:$0x3FA8]  }
0x2c: {  	s7 =	sld [smem:$0x3FA9]  }
0x2d: {  	s3 =	simm.s32 $0x108;
	s8 =	sld [smem:$0x3FAA]  }
0x2e: {  	s3 =	simm.s32 @!p0 $0x1082;
	s9 =	sld [smem:$0x3FAB]  }
0x2f: {  	lr =	sadd.s32 s0, s3;
	s0 =	sld [smem:$0x3FA2]  }
0x30: {  	s3 =	sld [smem:$0x3FA5]  }
0x31: {  	[smem:$0x3FAE] =	sst s10  }
0x32: {  	s10 =	sld [smem:$0x3FAC];
	_ =	sdelay $0x3  }
0x33: {  	p0 =	seq.s32 s10, $0x1;
	s10 =	sld [smem:$0x3FAE];
	_ =	sdelay $0x3  }
0x34: {  	[smem:$0x3FAE] =	sst s10  }
0x35: {  	s10 =	sld [smem:$0x3FAD];
	_ =	sdelay $0x3  }
0x36: {  	p1 =	seq.s32 s10, $0x1;
	s10 =	sld [smem:$0x3FAE];
	_ =	sdelay $0x3  }
0x37: {  	[smem:$0x3FAE] =	sst s10  }
0x38: {  	s10 =	sld [smem:$0x3FAF]  }
0x39: {  	_ = 	snop;
	(pc) =	sbr.ind lr, $3  }
0x3a: {  	_ = 	snop  }
0x3b: {  	_ = 	snop  }
0x3c: {  	p2 =	seq.s32 s10, $0x1;
	s10 =	sld [smem:$0x3FAE]  }
0x3d: {  	_ =	shalt  }
0x3e: {  	_ =	shalt  }
0x3f: {  	_ =	shalt  }
0x40: {  	_ =	shalt  }
0x41: {  	_ =	shalt  }
0x42: {  	_ =	shalt  }
0x43: {  	_ =	shalt  }
0x44: {  	_ =	shalt  }
0x45: {  	_ =	shalt  }
0x46: {  	_ =	shalt  }
0x47: {  	_ =	shalt  }
0x48: {  	_ =	shalt  }
0x49: {  	_ =	shalt  }
0x4a: {  	_ =	shalt  }
0x4b: {  	_ =	shalt  }
0x4c: {  	_ =	shalt  }
0x4d: {  	_ =	shalt  }
0x4e: {  	_ =	shalt  }
0x4f: {  	_ =	shalt  }
0x50: {  	_ =	shalt  }
0x51: {  	_ =	shalt  }
0x52: {  	_ =	shalt  }
0x53: {  	_ =	shalt  }
0x54: {  	_ =	shalt  }
0x55: {  	_ =	shalt  }
0x56: {  	_ =	shalt  }
0x57: {  	_ =	shalt  }
0x58: {  	_ =	shalt  }
0x59: {  	_ =	shalt  }
0x5a: {  	_ =	shalt  }
0x5b: {  	_ =	shalt  }
0x5c: {  	_ =	shalt  }
0x5d: {  	_ =	shalt  }
0x5e: {  	_ =	shalt  }
0x5f: {  	_ =	shalt  }
0x60: {  	_ =	shalt  }
0x61: {  	_ =	shalt  }
0x62: {  	_ =	shalt  }
0x63: {  	_ =	shalt  }
0x64: {  	_ =	shalt  }
0x65: {  	_ =	shalt  }
0x66: {  	_ =	shalt  }
0x67: {  	_ =	shalt  }
0x68: {  	_ =	shalt  }
0x69: {  	_ =	shalt  }
0x6a: {  	_ =	shalt  }
0x6b: {  	_ =	shalt  }
0x6c: {  	_ =	shalt  }
0x6d: {  	_ =	shalt  }
0x6e: {  	_ =	shalt  }
0x6f: {  	_ =	shalt  }
0x70: {  	_ =	shalt  }
0x71: {  	_ =	shalt  }
0x72: {  	_ =	shalt  }
0x73: {  	_ =	shalt  }
0x74: {  	_ =	shalt  }
0x75: {  	_ =	shalt  }
0x76: {  	_ =	shalt  }
0x77: {  	_ =	shalt  }
0x78: {  	_ =	shalt  }
0x79: {  	_ =	shalt  }
0x7a: {  	_ =	shalt  }
0x7b: {  	_ =	shalt  }
0x7c: {  	_ =	shalt  }
0x7d: {  	_ =	shalt  }
0x7e: {  	_ =	shalt  }
0x7f: {  	_ =	shalt  }
0x80: {  	_ =	shalt  }
0x81: {  	_ =	shalt  }
0x82: {  	_ =	shalt  }
0x83: {  	_ =	shalt  }
0x84: {  	_ =	shalt  }
0x85: {  	_ =	shalt  }
0x86: {  	_ =	shalt  }
0x87: {  	_ =	shalt  }
.Lfunc_end0:
.L_simem_size_0:
called_computation.3_lowered:
.L_overlay_start_0:
0x88: {  	s2 =	sld [smem:$0x3FD9]  }
0x89: {  	s3 =	sld [smem:$0x3FFE];
	_ =	sdelay $0x1  }
0x8a: {  	s1 =	srdreg.scid  }
0x8b: {  	s0 =	sand.u32 $0x1, s1  }
0x8c: {  	s17 =	sshll.u32 s0, $0xA;
	s2 =	sadd.s32 s3, s2  }
0x8d: {  	s2 =	sadd.s32 s2, s17  }
0x8e: {  	[smem:$0x3FBA] =	sst s2  }
0x8f: {  	_ = 	snop  }
0x90: {  	(tm) =	ssettm $0x1  }
0x91: {  	s18 =	sld [smem:$0x3FFB];
	_ =	sdelay $0x3  }
0x92: {  	_ =	strace s18  }
0x93: {  	s2 =	sld [smem:$0x3FFC];
	_ =	sdelay $0x3  }
0x94: {  	_ =	strace s2  }
0x95: {  	s2 =	sld [smem:$0x3FFD];
	_ =	sdelay $0x3  }
0x96: {  	_ =	strace s2  }
0x97: {  	_ =	strace $0x8FFFFFFF  }
0x98: {  	s19 =	sld [smem:$0x3FDB];
	_ =	sdelay $0x1  }
0x99: {  	s20 =	simm.s32 $_scs_section_size  }
0x9a: {  	s4 =	simm.s32 $_size__tile_overlayer_lowered;
	s5 =	simm.s32 $_tile_overlayer_lowered  }
0x9b: {  	s6 =	simm.s32 $0x1BFF;
	s21 =	sshll.u32 s5, $0x1;
	s3 =	sadd.s32 s20, s19  }
0x9c: {  	s22 =	simm.s32 $0x0;
	s4 =	sshll.u32 s4, $0x1;
	s5 =	sadd.s32 s21, s3  }
0x9d: {  	[timem:s22], [sflag:s6] =	dma.local [hbm:s5], s4  }
0x9e: {  	_ =	swait.ge [sflag:s6], s4  }
0x9f: {  	s4 =	ssub.s32 $0x0, s4;
	[sflag:s6] =	ssyncset.done $0x0  }
0xa0: {  	[sflag:s6] =	ssyncadd.s32 s4;
	_ =	sdelay $0x1  }
0xa1: {  	s23 =	simm.s32 $0x1B8B  }
0xa2: {  	_ =	swait.ge [sflag:s23], $0x1  }
0xa3: {  	[sflag:s23] =	ssyncset.done $0x0  }
0xa4: {  	[sflag:s23] =	ssyncadd.s32 $0xFFFFFFFF  }
0xa5: {  	s4 =	sld [smem:$0x0]  }
0xa6: {  	s5 =	sand.u32 $0xFFFFFFFE, s1  }
0xa7: {  	p0 =	sne.s32 s1, s5  }
0xa8: {  	s5 =	sshll.u32 @p0 s5, $0xE  }
0xa9: {  	s5 =	sadd.s32 @p0 $0x11B8D, s5;
	s6 =	sshll.u32 @p0 s4, $0x11  }
0xaa: {  	s5 =	sor.u32 @p0 s6, s5  }
0xab: {  	[sflag:s5] =	ssyncadd.remote.s32 @p0 $0x1;
	_ =	sdelay $0x1  }
0xac: {  	s5 =	simm.s32 @p0 $0x1B8D  }
0xad: {  	_ =	swait.eq @p0 [sflag:s5], $0x1  }
0xae: {  	[sflag:s5] =	ssyncadd.s32 @p0 $0xFFFFFFFF  }
0xaf: {  	s6 =	sshll.u32 @!p0 s1, $0xE  }
0xb0: {  	s6 =	sor.u32 @!p0 $0x4000, s6;
	s5 =	simm.s32 @!p0 $0x1B8D  }
0xb1: {  	s4 =	sshll.u32 @!p0 s4, $0x11;
	s6 =	sadd.s32 @!p0 $0x11B8D, s6;
	_ =	swait.eq @!p0 [sflag:s5], $0x1  }
0xb2: {  	s4 =	sor.u32 @!p0 s4, s6;
	[sflag:s5] =	ssyncadd.s32 @!p0 $0xFFFFFFFF  }
0xb3: {  	s25 =	simm.s32 $0x1B8E;
	s24 =	sld [smem:$0x3FFE];
	[sflag:s4] =	ssyncadd.remote.s32 @!p0 $0x1  }
0xb4: {  	s26 =	simm.s32 $execute0_lowered;
	[smem:$0x3FD2] =	sst s25  }
0xb5: {  	s5 =	sshll.u32 s26, $0x1;
	_ =	strace $0x80000064;
	[dreg:$0x1] =	wrdreg $0xFFFFFFFF  }
0xb6: {  	s28 =	simm.s32 $_size_execute0_lowered;
	s3 =	sadd.s32 s3, s5;
	[dreg:$0x0] =	wrdreg $0x0  }
0xb7: {  	s5 =	sshll.u32 s28, $0x1;
	[dreg:$0x2] =	wrdreg s3  }
0xb8: {  	[dreg:$0x3] =	wrdreg s5  }
0xb9: {  	[dreg:$0x4] =	wrdreg $0xC0  }
0xba: {  	_ =	task [dreg:s22], $0x5FFFF  }
0xbb: {  	[dreg:$0x1] =	wrdreg $0xFFFFFFFF  }
0xbc: {  	[dreg:$0x0] =	wrdreg $0x60  }
0xbd: {  	[dreg:$0x2] =	wrdreg s24  }
0xbe: {  	[dreg:$0x3] =	wrdreg $0xC  }
0xbf: {  	_ =	task.clear_ibuf [dreg:s22], $0x4FFFF;
	_ =	strace $0x90000064  }
0xc0: {  	s29 =	simm.s32 $0xC;
	_ =	strace $0x8000006D  }
0xc1: {  	_ =	swait.ge [sflag:s29], $0x1  }
0xc2: {  	[sflag:s29] =	ssyncadd.s32 $0xFFFFFFFF  }
0xc3: {  	_ =	strace $0x9000006D  }
0xc4: {  	_ =	sfence  }
0xc5: {  	s30 =	sld [smem:$0x0];
	_ =	sdelay $0x2  }
0xc6: {  	s31 =	sshll.u32 s1, $0xD;
	s1 =	sshrl.u32 s1, $0x2  }
0xc7: {  	s4 =	sand.u32 $0x4000, s31;
	s1 =	sadd.s32 s1, s30  }
0xc8: {  	s0 =	sor.u32 s4, s0;
	s1 =	sshll.u32 s1, $0x11  }
0xc9: {  	s0 =	sor.u32 s1, s0  }
0xca: {  	s0 =	sadd.s32 $0x8F2B, s0  }
0xcb: {  	[sflag:s0] =	ssyncadd.remote.s32 $0x1  }
0xcc: {  	_ =	sfence.sel $0xFFFF  }
0xcd: {  	[dreg:$0x0] =	wrdreg $0xFFFFFFFF;
	(pc) =	sbr.abs _section_cstart, $3  }
0xce: {  	[dreg:$0x1] =	wrdreg $0xFFFFFFFF  }
0xcf: {  	_ =	task.clear_ibuf [dreg:s22], $0x2FFFF;
	_ =	strace $0x9FFFFFFF  }
0xd0: {  	(tm) =	ssettm $0x7FFFFFFF  }
0xd1: {  	_ =	shalt  }
tec
execute0_lowered:
.L_overlay_start_1:
0x0: {  	(tag) =	ssettag $0x1  }
0x1: {  	s4 =	rddreg [dreg:$0x0];
	s1 =	srdreg.scid  }
0x2: {  	s0 =	rddreg [dreg:$0x1];
	s2 =	simm.s32 $0x0;
	s9 =	simm.s32 $0x1  }
0x3: {  	s10 =	simm.s32 $0x80;
	s11 =	simm.s32 $0x0;
	s5 =	sand.u32 $0x1, s1  }
0x4: {  	s1 =	stileid.u32;
	[smem:$0x7FF] =	sst s2;
	s3 =	sshll.u32 s5, $0x4  }
0x5: {  	s6 =	sadd.s32 $0x1FD000, s4;
	s8 =	sadd.s32 $0x23E000, s4;
	s3 =	sor.u32 s1, s3  }
0x6: {  	_ =	strace $0x80000065;
	[dreg:$0x2] =	wrdreg s6;
	s7 =	smul.u32 $0x13, s3  }
0x7: {  	s4 =	sadd.s32 $0x23B800, s4;
	[dreg:$0x4] =	wrdreg s8;
	s6 =	smul.u32 $0x14, s3  }
0x8: {  	s29 =	ssub.s32 $0x2, s5;
	p0 =	slt.u32 s3, $0x11;
	s3 =	sadd.s32 $0x11, s7  }
0x9: {  	s5 =	simm.s32 $0x14;
	[dreg:$0x3] =	wrdreg s10;
	s3 =	smov.u32 @p0 s6  }
0xa: {  	s10 =	simm.s32 $0x5;
	s31 =	sshrl.u32 s29, $0x1;
	s30 =	sshll.u32 s3, $0x4  }
0xb: {  	s8 =	ssub.s32 s29, s31;
	s5 =	simm.s32 @!p0 $0x13;
	s7 =	sand.u32 $0x1FFFFFF0, s30  }
0xc: {  	s8 =	smax.u32 s8, $0x1;
	s6 =	sadd.s32 s4, s7;
	s7 =	sadd.s32 $0xFFFFFFFF, s5  }
.LBB2_1:
0xd: {  	_ =	strace $0x80000066;
	p2 =	sne.s32 s5, $0x1  }
.Ltmp0:
0xe: {  	p0 =	seq.s32 s5, $0x1;
	s13 =	simm.s32 $0x1;
	(pc) =	sbr.rel @!p2 .LBB2_2-.Ltmp0, $4  }
0xf: {  	[tilespmem:s2], [sflag:$0x1] =	stream.linear.gather [hbm4b:s6+s2], $0x80, $0x200038;
	[tilespmem:$0x8100] =	vst v63  }
0x10: {  	s12 =	simm.s32 $0x1;
	p1 =	por $0x1, $0x1;
	s13 =	simm.s32 @p0 $0x0  }
0x11: {  	p6 =	sgt.u32 s7, $0x0;
	p4 =	por p1, p1;
	p3 =	sne.s32 s13, $0x0  }
0x12: {  	_ =	strace $0x90000066;
	p5 =	por !p6, !p3;
	p6 =	por $0x0, $0x0  }
0x13: {  	p2 =	por !p5, !p5  }
0x14: {  	s21 =	sand.u32 $0x1, s2;
	s19 =	simm.s32 $0x2;
	s14 =	sadd.s32 @p2 s3, s13  }
0x15: {  	p1 =	por p3, p3;
	s15 =	sand.u32 @p2 $0x1, s9;
	s14 =	sshll.u32 @p2 s14, $0x4  }
0x16: {  	_ =	strace @p2 $0x80000067;
	s17 =	simm.s32 @p2 $0x0;
	s14 =	sand.u32 @p2 $0x1FFFFFF0, s14  }
0x17: {  	s16 =	sshll.u32 @p2 s15, $0x7;
	s15 =	sadd.s32 @p2 $0x1, s15;
	s14 =	sadd.s32 @p2 s4, s14  }
0x18: {  	[tilespmem:s16], [sflag:s15] =	stream.linear.gather @p2 [hbm4b:s14+s17], $0x80, $0x200038;
	[tilespmem:$0x8100] =	vst v63  }
0x19: {  	s30 =	simm.s32 $0x0;
	p6 =	por $0x0, $0x0;
	_ =	strace @p2 $0x90000067  }
0x1a: {  	p0 =	sne.s32 s5, $0x2;
	s29 =	sadd.s32 $0x1, s21;
	_ =	strace $0x80000068  }
0x1b: {  	s24 =	sadd.s32 $0x0, s3;
	p5 =	sgt.u32 s7, $0x1;
	_ =	swait.ge [sflag:s29], $0x80  }
0x1c: {  	s23 =	simm.s32 $0x1;
	s22 =	sshll.u32 s21, $0xE;
	[sflag:s29] =	ssyncset.done $0x0  }
0x1d: {  	s22 =	sor.u32 $0x100, s22;
	s16 =	sand.u32 @!p4 $0x1, s2;
	[sflag:s29] =	ssyncadd.s32 $0xFFFFFF80  }
0x1e: {  	s15 =	simm.s32 $0x1;
	s17 =	sadd.s32 $0x1, s13;
	_ =	strace $0x90000068  }
0x1f: {  	s14 =	sand.u32 $0x80, s30;
	s15 =	simm.s32 @!p2 $0x0;
	_ =	strace $0x80000069  }
0x20: {  	p2 =	por p4, p4;
	p4 =	por p6, p6;
	s20 =	rddreg [dreg:$0x3]  }
0x21: {  	p3 =	seq.s32 s17, s5;
	p6 =	seq.s32 s7, $0x0;
	s31 =	rddreg [dreg:$0x2]  }
0x22: {  	[tilespmem:s22], [sflag:$0x5] =	stream.indirect.gather [hbm4b:s31+s20], $0x80, s14, s20, $0x2000b8;
	[tilespmem:$0x8100] =	vst v63  }
.Ltmp1:
0x23: {  	s18 =	sadd.s32 $0x1, s15;
	s17 =	simm.s32 @p3 $0x0;
	(pc) =	sbr.rel @!p0 .LBB2_4-.Ltmp1, $4  }
0x24: {  	p1 =	por p6, p1;
	p6 =	por $0x0, $0x0;
	_ =	swait.ge [sflag:s10], $0x4000  }
0x25: {  	s15 =	simm.s32 $0x0;
	p3 =	sne.s32 s13, s17;
	[sflag:s10] =	ssyncset.done $0x0  }
0x26: {  	s23 =	simm.s32 @!p6 $0x0;
	p5 =	por !p5, !p3;
	[sflag:s10] =	ssyncadd.s32 $0xFFFFC000  }
0x27: {  	s14 =	simm.s32 $0x0;
	s20 =	simm.s32 $0x0;
	_ =	strace $0x90000069  }
.LBB2_5:
0x28: {  	_ =	strace @p1 $0x8000006A;
	s14 =	sadd.s32 s23, s14;
	s23 =	smov.u32 s12  }
0x29: {  	s12 =	smov.u32 s19;
	s19 =	sadd.s32 $0x1, s19;
	p0 =	por p3, p3  }
0x2a: {  	s29 =	sshll.u32 @p1 s24, $0xB;
	s21 =	sadd.s32 @p1 $0x3, s21;
	s25 =	simm.s32 @!p0 $0x0  }
0x2b: {  	s26 =	rddreg [dreg:$0x4];
	s29 =	sand.u32 @p1 $0x1FFFF800, s29;
	s25 =	simm.s32 @p0 $0x1  }
0x2c: {  	s26 =	sadd.s32 @p1 s26, s29;
	s29 =	simm.s32 @p1 $0x0;
	p0 =	sne.s32 s5, s19  }
0x2d: {  	[hbm4b:s26+s29] =	stream.linear.scatter @p1 [tilespmem:s22], [sflag:s21], $0x4000, $0x200038;
	[tilespmem:$0x8100] =	vst v63  }
0x2e: {  	s21 =	sadd.s32 @!p2 $0x3, s16;
	s16 =	simm.s32 @!p0 $0x0  }
0x2f: {  	s28 =	simm.s32 $0x1;
	[smem:$0x7FC] =	sst s25;
	s16 =	simm.s32 @p0 $0x1  }
0x30: {  	s28 =	simm.s32 @!p1 $0x0;
	_ =	strace @p1 $0x9000006A;
	[smem:$0x7FD] =	sst s16  }
0x31: {  	s20 =	sadd.s32 s28, s20;
	s25 =	sand.u32 @!p4 $0x1, s14;
	_ =	strace @!p2 $0x8000006B  }
0x32: {  	p1 =	por !p5, !p5;
	s16 =	smov.u32 s25;
	_ =	swait.ge @!p2 [sflag:s21], $0x4000  }
0x33: {  	s22 =	sand.u32 @p1 $0x1, s18;
	s25 =	sadd.s32 @p1 s3, s17;
	[sflag:s21] =	ssyncset.done @!p2 $0x0  }
0x34: {  	s26 =	sshll.u32 @p1 s22, $0x7;
	s25 =	sshll.u32 @p1 s25, $0x4;
	[sflag:s21] =	ssyncadd.s32 @!p2 $0xFFFFC000  }
0x35: {  	s21 =	sadd.s32 @p1 $0x1, s22;
	s22 =	sand.u32 @p1 $0x1FFFFFF0, s25;
	_ =	strace @!p2 $0x9000006B  }
0x36: {  	s25 =	simm.s32 @p1 $0x0;
	s22 =	sadd.s32 @p1 s4, s22;
	_ =	strace @p1 $0x80000067  }
0x37: {  	[tilespmem:s26], [sflag:s21] =	stream.linear.gather @p1 [hbm4b:s22+s25], $0x80, $0x200038;
	[tilespmem:$0x8100] =	vst v63  }
0x38: {  	s15 =	sadd.s32 s28, s15;
	s28 =	sand.u32 $0x1, s20;
	_ =	strace @p1 $0x90000067  }
0x39: {  	s28 =	sadd.s32 $0x1, s28;
	_ =	strace $0x80000068  }
0x3a: {  	_ =	swait.ge [sflag:s28], $0x80  }
0x3b: {  	[sflag:s28] =	ssyncset.done $0x0  }
0x3c: {  	s21 =	simm.s32 $0x1;
	[sflag:s28] =	ssyncadd.s32 $0xFFFFFF80  }
0x3d: {  	s21 =	simm.s32 @!p1 $0x0;
	_ =	strace $0x90000068  }
0x3e: {  	s18 =	sadd.s32 s21, s18;
	s21 =	sand.u32 $0x1, s15;
	_ =	strace $0x80000069  }
0x3f: {  	s31 =	sshll.u32 s20, $0x7;
	s29 =	sshll.u32 s21, $0xE;
	s25 =	rddreg [dreg:$0x3]  }
0x40: {  	s31 =	sand.u32 $0x80, s31;
	s22 =	sor.u32 $0x100, s29;
	s26 =	rddreg [dreg:$0x2]  }
0x41: {  	[tilespmem:s22], [sflag:$0x5] =	stream.indirect.gather [hbm4b:s26+s25], $0x80, s31, s25, $0x2000b8;
	[tilespmem:$0x8100] =	vst v63  }
0x42: {  	_ =	swait.ge [sflag:s10], $0x4000  }
0x43: {  	[sflag:s10] =	ssyncset.done $0x0  }
0x44: {  	[sflag:s10] =	ssyncadd.s32 $0xFFFFC000  }
0x45: {  	s30 =	sadd.s32 $0x1, s17;
	_ =	strace $0x90000069  }
0x46: {  	s24 =	sadd.s32 s3, s13;
	s13 =	smov.u32 s17;
	s31 =	sld [smem:$0x7FD]  }
0x47: {  	p0 =	sne.s32 s23, $0x0;
	s17 =	smov.u32 s30;
	p1 =	seq.s32 s30, s5  }
0x48: {  	s17 =	simm.s32 @p1 $0x0;
	p1 =	seq.s32 s7, s23;
	s23 =	simm.s32 $0x1  }
0x49: {  	s23 =	simm.s32 @!p0 $0x0;
	p0 =	seq.s32 s31, $0x1  }
.Ltmp2:
0x4a: {  	s30 =	sld [smem:$0x7FC];
	(pc) =	sbr.rel @p0 .LBB2_5-.Ltmp2, $4  }
0x4b: {  	p3 =	seq.s32 s12, $0x0  }
0x4c: {  	p6 =	por p3, p3;
	p5 =	slt.u32 s12, s7  }
0x4d: {  	p2 =	por p4, p4;
	p3 =	sne.s32 s13, s17;
	p4 =	seq.s32 s30, $0x1  }
0x4e: {  	p5 =	por !p5, !p3;
	p1 =	por p1, p4;
	p4 =	por p6, p6  }
0x4f: {  	p6 =	por $0x1, $0x1  }
.LBB2_7:
0x50: {  	p0 =	por !p1, !p6  }
0x51: {  	s25 =	simm.s32 $0x1;
	_ =	strace @!p0 $0x8000006A;
	s24 =	sshll.u32 @!p0 s24, $0xB  }
0x52: {  	p2 =	por p2, !p6;
	s19 =	rddreg [dreg:$0x4];
	s24 =	sand.u32 @!p0 $0x1FFFF800, s24  }
0x53: {  	s21 =	sadd.s32 @!p0 $0x3, s21;
	s19 =	sadd.s32 @!p0 s19, s24;
	s24 =	simm.s32 @!p0 $0x0  }
0x54: {  	[hbm4b:s19+s24] =	stream.linear.scatter @!p0 [tilespmem:s22], [sflag:s21], $0x4000, $0x200038;
	[tilespmem:$0x8100] =	vst v63  }
0x55: {  	p1 =	por !p5, !p5;
	s25 =	simm.s32 @p0 $0x0;
	_ =	strace @!p0 $0x9000006A  }
0x56: {  	s16 =	sadd.s32 @!p2 $0x3, s16;
	s17 =	sadd.s32 @p1 s3, s17;
	_ =	strace @!p2 $0x8000006B  }
0x57: {  	s18 =	sand.u32 @p1 $0x1, s18;
	s17 =	sshll.u32 @p1 s17, $0x4;
	_ =	swait.ge @!p2 [sflag:s16], $0x4000  }
0x58: {  	s17 =	sand.u32 @p1 $0x1FFFFFF0, s17;
	s19 =	sadd.s32 @p6 s25, s20;
	[sflag:s16] =	ssyncset.done @!p2 $0x0  }
0x59: {  	s20 =	simm.s32 $0x0;
	s17 =	sadd.s32 @p1 s4, s17;
	[sflag:s16] =	ssyncadd.s32 @!p2 $0xFFFFC000  }
0x5a: {  	s20 =	smov.u32 @p6 s19;
	s19 =	sshll.u32 @p1 s18, $0x7;
	_ =	strace @!p2 $0x9000006B  }
0x5b: {  	s16 =	sadd.s32 @p1 $0x1, s18;
	s18 =	simm.s32 @p1 $0x0;
	_ =	strace @p1 $0x80000067  }
0x5c: {  	[tilespmem:s19], [sflag:s16] =	stream.linear.gather @p1 [hbm4b:s17+s18], $0x80, $0x200038;
	[tilespmem:$0x8100] =	vst v63  }
0x5d: {  	s26 =	sand.u32 $0x1, s20;
	_ =	strace @p1 $0x90000067  }
0x5e: {  	s16 =	sadd.s32 $0x1, s26;
	_ =	strace $0x80000068  }
0x5f: {  	_ =	swait.ge [sflag:s16], $0x80  }
0x60: {  	[sflag:s16] =	ssyncset.done $0x0  }
0x61: {  	s15 =	sadd.s32 @p6 s25, s15;
	[sflag:s16] =	ssyncadd.s32 $0xFFFFFF80;
	s16 =	simm.s32 $0x0  }
0x62: {  	_ =	strace $0x90000068;
	s16 =	smov.u32 @p6 s15  }
0x63: {  	_ =	strace $0x80000069;
	s16 =	sand.u32 $0x1, s16  }
0x64: {  	s30 =	sshll.u32 s20, $0x7;
	s28 =	rddreg [dreg:$0x3];
	s31 =	sshll.u32 s16, $0xE  }
0x65: {  	s18 =	sand.u32 $0x80, s30;
	s29 =	rddreg [dreg:$0x2];
	s19 =	sor.u32 $0x100, s31  }
0x66: {  	[tilespmem:s19], [sflag:$0x5] =	stream.indirect.gather [hbm4b:s29+s28], $0x80, s18, s28, $0x2000b8;
	[tilespmem:$0x8100] =	vst v63  }
0x67: {  	_ =	swait.ge [sflag:s10], $0x4000  }
0x68: {  	p3 =	por p3, p3;
	[sflag:s10] =	ssyncset.done $0x0  }
0x69: {  	p5 =	seq.s32 s7, s12;
	s13 =	sadd.s32 s3, s13;
	[sflag:s10] =	ssyncadd.s32 $0xFFFFC000  }
0x6a: {  	s14 =	sadd.s32 @p6 s23, s14;
	p1 =	por p5, p3;
	_ =	strace $0x90000069  }
0x6b: {  	s17 =	simm.s32 $0x0;
	s13 =	sshll.u32 @p1 s13, $0xB;
	_ =	strace @p1 $0x8000006A  }
0x6c: {  	s17 =	smov.u32 @p6 s14;
	s13 =	sand.u32 @p1 $0x1FFFF800, s13;
	s15 =	rddreg [dreg:$0x4]  }
0x6d: {  	s14 =	sadd.s32 @p1 $0x3, s16;
	s13 =	sadd.s32 @p1 s15, s13;
	s15 =	simm.s32 @p1 $0x0  }
0x6e: {  	[hbm4b:s13+s15] =	stream.linear.scatter @p1 [tilespmem:s19], [sflag:s14], $0x4000, $0x200038;
	[tilespmem:$0x8100] =	vst v63  }
0x6f: {  	p0 =	por p4, p4;
	s13 =	sand.u32 @!p4 $0x1, s17;
	_ =	strace @p1 $0x9000006A  }
0x70: {  	s13 =	sadd.s32 @!p0 $0x3, s13;
	_ =	strace @!p0 $0x8000006B  }
0x71: {  	p1 =	sne.s32 s12, $0x0;
	s12 =	simm.s32 $0x1;
	_ =	swait.ge @!p0 [sflag:s13], $0x4000  }
0x72: {  	s12 =	simm.s32 @!p1 $0x0;
	[sflag:s13] =	ssyncset.done @!p0 $0x0  }
0x73: {  	s11 =	sadd.s32 $0x1, s11;
	s12 =	sadd.s32 s12, s17;
	[sflag:s13] =	ssyncadd.s32 @!p0 $0xFFFFC000  }
0x74: {  	s12 =	sand.u32 $0x1, s12;
	_ =	strace @!p0 $0x9000006B;
	p0 =	sne.s32 s11, s8  }
.Ltmp3:
0x75: {  	s12 =	sadd.s32 $0x3, s12;
	_ =	strace $0x8000006C;
	(pc) =	sbr.rel @p0 .LBB2_1-.Ltmp3, $4  }
.Ltmp4:
0x76: {  	_ =	swait.ge [sflag:s12], $0x4000;
	(pc) =	sbr.rel @!p0 .LBB2_8-.Ltmp4, $4  }
0x77: {  	[sflag:s12] =	ssyncset.done $0x0  }
0x78: {  	[sflag:s12] =	ssyncadd.s32 $0xFFFFC000  }
0x79: {  	_ =	strace $0x9000006C  }
0x7a: {  	_ = 	snop  }
.LBB2_2:
.Ltmp5:
0x7b: {  	(pc) =	sbr.rel .LBB2_7-.Ltmp5, $4  }
0x7c: {  	_ = 	snop  }
0x7d: {  	s14 =	simm.s32 $0x0  }
0x7e: {  	s12 =	simm.s32 $0x0;
	s15 =	simm.s32 $0x0;
	s17 =	smov.u32 s13  }
0x7f: {  	s20 =	simm.s32 $0x0;
	s18 =	simm.s32 $0x1;
	s13 =	simm.s32 $0x0  }
.LBB2_4:
.Ltmp6:
0x80: {  	(pc) =	sbr.rel .LBB2_7-.Ltmp6, $3  }
0x81: {  	_ =	sdelay $0x1  }
0x82: {  	s14 =	simm.s32 $0x0  }
0x83: {  	s15 =	simm.s32 $0x0;
	s20 =	simm.s32 $0x0;
	p6 =	por $0x1, $0x1  }
.LBB2_8:
0x84: {  	_ =	sfence.sel $0x180000  }
0x85: {  	[bflag:$0x0] =	sbarrier.arrive $0xFFFF  }
0x86: {  	p0 =	sne.s32 s1, $0x0;
	_ =	strace $0x90000065  }
0x87: {  	s0 =	sadd.s32 @!p0 $0x100000, s0;
	[bflag:$0x2] =	sbarrier.arrive $0xFFFF  }
0x88: {  	[sflag:s0] =	ssyncadd.tile.s32 @!p0 $0x1;
	_ =	shalt  }
.Lfunc_end2:
_tile_overlayer_lowered:
.L_overlay_start_2:
0x89: {  	(tag) =	ssettag $0x2  }
0x8a: {  	s0 =	rddreg [dreg:$0x0];
	s2 =	stileid.u32  }
0x8b: {  	s1 =	rddreg [dreg:$0x1];
	p0 =	sne.s32 s2, $0x0  }
0x8c: {  	s3 =	rddreg [dreg:$0x2];
	[bflag:$0x3] =	sbarrier.arrive $0xFFFF;
	s2 =	simm.s32 @!p0 $0x1C01  }
0x8d: {  	[timem:s3], [sflag:s2] =	dma.local @!p0 [hbm:s0], s1  }
0x8e: {  	s0 =	simm.s32 @!p0 $0x1  }
0x8f: {  	_ =	swait.ge @!p0 [sflag:s0], s1  }
0x90: {  	s1 =	ssub.s32 @!p0 $0x0, s1;
	[sflag:s0] =	ssyncset.done @!p0 $0x0  }
0x91: {  	[sflag:s0] =	ssyncadd.s32 @!p0 s1  }
0x92: {  	[bflag:$0x3] =	sbarrier.arrive $0xFFFF  }
0x93: {  	_ =	shalt  }

</sc_bundles>
